<compile_context>
chip_gen: v7x
topology: tpu7x:2x2x1
jax: 0.10.2.dev20260603
libtpu: 0.0.44.dev20260713+nightly
codegen_flags: <defaults>
</compile_context>

<pallas_src>
import functools
import jax
import jax.numpy as jnp
from jax import lax
from jax.experimental import pallas as pl
from jax.experimental.pallas import tpu as pltpu
from jax.experimental.pallas import tpu_sc as plsc

def _dyngather(vec16, idx16):
    dnums = lax.GatherDimensionNumbers(
        offset_dims=(), collapsed_slice_dims=(0,), start_index_map=(0,))
    return lax.gather(vec16, idx16[:, None], dnums, (1,),
                      mode=lax.GatherScatterMode.PROMISE_IN_BOUNDS)


N = 10000
NP = 10240
BN = 512
E = 160000
EPAD = 163840
IN_DIM = 256
WIN = 8
TC_CH = 16
HID = 256
HEADS = 8
OUT = 2
EPS = 1e-5
NBLK = 16
NTS = NP // 16


def _ka_body(x_ref, wc_ref, b0_ref, w1_ref, d1_ref, au_ref,
             hb_ref, u_ref, m1_ref, mx_scr):
    i = pl.program_id(0)
    z = jnp.dot(x_ref[...], wc_ref[...], preferred_element_type=jnp.float32)
    r = jnp.maximum(z + b0_ref[...], 0.0)
    h = jnp.dot(r, w1_ref[...], preferred_element_type=jnp.float32) + d1_ref[...]
    for j in range(NBLK):
        hb_ref[j] = h[:, j * 128:(j + 1) * 128]
    u = jnp.dot(h, au_ref[...], preferred_element_type=jnp.float32)
    u_ref[...] = u
    bmax = jnp.max(u, axis=0, keepdims=True)

    @pl.when(i == 0)
    def _():
        mx_scr[...] = bmax

    @pl.when(i > 0)
    def _():
        mx_scr[...] = jnp.maximum(mx_scr[...], bmax)

    @pl.when(i == pl.num_programs(0) - 1)
    def _():
        m = mx_scr[0:1, 0:16] + mx_scr[0:1, 16:32]
        m1_ref[...] = jnp.where(m > 0, m, 0.2 * m)


def _tc_a(xp, Wc, b0r, W1g, d1, AU):
    grid = NP // BN
    return pl.pallas_call(
        _ka_body,
        grid=(grid,),
        in_specs=[
            pl.BlockSpec((BN, IN_DIM), lambda i: (i, 0)),
            pl.BlockSpec((IN_DIM, 128), lambda i: (0, 0)),
            pl.BlockSpec((1, 128), lambda i: (0, 0)),
            pl.BlockSpec((128, 2048), lambda i: (0, 0)),
            pl.BlockSpec((1, 2048), lambda i: (0, 0)),
            pl.BlockSpec((2048, 128), lambda i: (0, 0)),
        ],
        out_specs=[
            pl.BlockSpec((NBLK, BN, 128), lambda i: (0, i, 0)),
            pl.BlockSpec((BN, 128), lambda i: (i, 0)),
            pl.BlockSpec((1, 16), lambda i: (0, 0)),
        ],
        out_shape=[
            jax.ShapeDtypeStruct((NBLK, NP, 128), jnp.float32),
            jax.ShapeDtypeStruct((NP, 128), jnp.float32),
            jax.ShapeDtypeStruct((1, 16), jnp.float32),
        ],
        scratch_shapes=[pltpu.VMEM((1, 128), jnp.float32)],
    )(xp, Wc, b0r, W1g, d1, AU)


def _kd_body(hb_ref, agg_ref, u_ref, s1p_ref, m1_ref, g1_ref,
             c1_ref, w2e_ref, m16_ref, h2_ref, m2_ref, ts_ref, td_ref,
             ws_scr, mx_scr):
    i = pl.program_id(0)
    j = pl.program_id(1)

    @pl.when(j == 0)
    def _():
        asrc = u_ref[:, 0:8]
        adst = u_ref[:, 16:24]
        l = asrc + adst
        l = jnp.where(l > 0, l, 0.2 * l)
        wself = jnp.exp(l - m1_ref[0:1, 0:8])
        s = s1p_ref[0, :, 0:8] + s1p_ref[1, :, 0:8] + wself
        ws_scr[:, 0:8] = wself
        ws_scr[:, 8:16] = 1.0 / s

    head = j // 2
    wsel = jnp.zeros((BN, 1), jnp.float32)
    rsel = jnp.zeros((BN, 1), jnp.float32)
    for hd in range(HEADS):
        pick = (head == hd)
        wsel = jnp.where(pick, ws_scr[:, hd:hd + 1], wsel)
        rsel = jnp.where(pick, ws_scr[:, 8 + hd:9 + hd], rsel)

    out1 = (agg_ref[0] + wsel * hb_ref[0]) * rsel
    t = out1 * g1_ref[0] + c1_ref[0]
    e = jnp.where(t > 0, t, jnp.exp(jnp.minimum(t, 0.0)) - 1.0)
    part = jnp.dot(e, w2e_ref[...], preferred_element_type=jnp.float32)

    @pl.when(j == 0)
    def _():
        h2_ref[...] = part

    @pl.when(j > 0)
    def _():
        h2_ref[...] = h2_ref[...] + part

    @pl.when(j == pl.num_programs(1) - 1)
    def _():
        t = h2_ref[...]
        il = lax.broadcasted_iota(jnp.int32, (1, 128), 1)
        ts_ref[...] = jnp.where(
            il == 0, t[:, 0:1], jnp.where(il == 1, t[:, 1:2], t[:, 2:3]))
        td_ref[...] = jnp.where(il < 2, 0.0, t[:, 3:4])
        bmax = jnp.max(h2_ref[...], axis=0, keepdims=True)

        @pl.when(i == 0)
        def _():
            mx_scr[...] = bmax

        @pl.when(i > 0)
        def _():
            mx_scr[...] = jnp.maximum(mx_scr[...], bmax)

        @pl.when(i == pl.num_programs(0) - 1)
        def _():
            m = jnp.dot(mx_scr[...], m16_ref[...],
                        preferred_element_type=jnp.float32)
            m2_ref[...] = jnp.where(m > 0, m, 0.2 * m)


def _tc_d(hb, aggb, U, s1p, m1t, g1b, c1b, W2ext, M16b):
    grid = (NP // BN, NBLK)
    return pl.pallas_call(
        _kd_body,
        grid=grid,
        in_specs=[
            pl.BlockSpec((1, BN, 128), lambda i, j: (j, i, 0)),
            pl.BlockSpec((1, BN, 128), lambda i, j: (j, i, 0)),
            pl.BlockSpec((BN, 128), lambda i, j: (i, 0)),
            pl.BlockSpec((2, BN, 16), lambda i, j: (0, i, 0)),
            pl.BlockSpec((1, 16), lambda i, j: (0, 0)),
            pl.BlockSpec((1, 1, 128), lambda i, j: (j, 0, 0)),
            pl.BlockSpec((1, 1, 128), lambda i, j: (j, 0, 0)),
            pl.BlockSpec((128, 16), lambda i, j: (j, 0)),
            pl.BlockSpec((16, 16), lambda i, j: (0, 0)),
        ],
        out_specs=[
            pl.BlockSpec((BN, 16), lambda i, j: (i, 0)),
            pl.BlockSpec((1, 16), lambda i, j: (0, 0)),
            pl.BlockSpec((BN, 128), lambda i, j: (i, 0)),
            pl.BlockSpec((BN, 128), lambda i, j: (i, 0)),
        ],
        out_shape=[
            jax.ShapeDtypeStruct((NP, 16), jnp.float32),
            jax.ShapeDtypeStruct((1, 16), jnp.float32),
            jax.ShapeDtypeStruct((NP, 128), jnp.float32),
            jax.ShapeDtypeStruct((NP, 128), jnp.float32),
        ],
        scratch_shapes=[
            pltpu.VMEM((BN, 16), jnp.float32),
            pltpu.VMEM((1, 16), jnp.float32),
        ],
    )(hb, aggb, U, s1p, m1t, g1b, c1b, W2ext, M16b)


_EPT = EPAD // 32
_CHB = 128


def _sc_b(src, dst, U, m1t, zb):
    mesh = plsc.VectorSubcoreMesh(core_axis_name="c", subcore_axis_name="s")

    @functools.partial(
        pl.kernel, mesh=mesh,
        out_type=[jax.ShapeDtypeStruct((EPAD, 16), jnp.float32),
                  jax.ShapeDtypeStruct((2, NP // 8, 128), jnp.float32)],
        scratch_types=[
            pltpu.VMEM((_CHB,), jnp.int32),
            pltpu.VMEM((_CHB,), jnp.int32),
            pltpu.VMEM((_CHB,), jnp.int32),
            pltpu.VMEM((_CHB // 16, 16), jnp.float32),
            pltpu.VMEM((_CHB, 128), jnp.float32),
            pltpu.VMEM((_CHB, 128), jnp.float32),
            pltpu.VMEM((_CHB, 16), jnp.float32),
            pltpu.VMEM((_CHB, 128), jnp.float32),
            pltpu.VMEM((16,), jnp.float32),
            pltpu.VMEM_SHARED((NP // 8, 128), jnp.float32),
            pltpu.SemaphoreType.DMA,
        ],
    )
    def kb(src_h, dst_h, u_h, m1_h, zb_h, w_h, s1_h,
           si_v, di_v, dip_v, off_v, ga_v, gd_v, w_v, stg_v, m1_v,
           s1_sh, sem):
        cid = lax.axis_index("c")
        sid = lax.axis_index("s")
        wid = sid * 2 + cid
        nps = NP // 128
        pltpu.sync_copy(zb_h, s1_sh.at[pl.ds(sid * nps, nps)])
        pltpu.sync_copy(m1_h.at[0], m1_v)
        plsc.subcore_barrier()
        m1 = m1_v[...]
        base = wid * _EPT

        def chunk(ci, _):
            off = base + ci * _CHB
            pltpu.sync_copy(src_h.at[pl.ds(off, _CHB)], si_v)
            pltpu.sync_copy(dst_h.at[pl.ds(off, _CHB)], di_v)
            pltpu.async_copy(u_h.at[si_v], ga_v, sem).wait()
            pltpu.async_copy(u_h.at[di_v], gd_v, sem).wait()

            def pre(g, _):
                dvec = di_v[pl.ds(g * 16, 16)]
                off_v[g, :] = (dvec & 7).astype(jnp.float32)
                dip_v[pl.ds(g * 16, 16)] = lax.shift_right_logical(dvec, 3)
                return 0

            lax.fori_loop(0, _CHB // 16, pre, 0)

            def row(k, _):
                l = ga_v[k, pl.ds(0, 16)] + gd_v[k, pl.ds(16, 16)]
                l = jnp.where(l > 0, l, 0.2 * l)
                w = jnp.exp(l - m1)
                w_v[k, :] = w
                offb = _dyngather(off_v[k >> 4, :],
                                  jnp.full((16,), k & 15, jnp.int32))
                for c in range(8):
                    d = offb - float(c)
                    ind = jnp.maximum(0.0, 1.0 - d * d)
                    stg_v[k, pl.ds(c * 16, 16)] = w * ind
                return 0

            lax.fori_loop(0, _CHB, row, 0, unroll=2)
            pltpu.sync_copy(w_v, w_h.at[pl.ds(off, _CHB)])
            pltpu.sync_copy(stg_v, s1_sh.at[dip_v], add=True)
            return 0

        lax.fori_loop(0, _EPT // _CHB, chunk, 0)
        plsc.subcore_barrier()
        pltpu.sync_copy(s1_sh.at[pl.ds(sid * nps, nps)],
                        s1_h.at[cid, pl.ds(sid * nps, nps)])

    return kb(src, dst, U, m1t, zb)


_CHC = 128


def _sc_c(src, dst, w1e, h2d, zc):
    mesh = plsc.VectorSubcoreMesh(core_axis_name="c", subcore_axis_name="s")

    @functools.partial(
        pl.kernel, mesh=mesh,
        out_type=jax.ShapeDtypeStruct((NBLK, NP, 128), jnp.float32),
        scratch_types=[
            pltpu.VMEM((_CHC,), jnp.int32),
            pltpu.VMEM((_CHC,), jnp.int32),
            pltpu.VMEM((_CHC, 128), jnp.float32),
            pltpu.VMEM((16, 128), jnp.float32),
            pltpu.VMEM_SHARED((NP, 128), jnp.float32),
            pltpu.SemaphoreType.DMA,
        ],
    )
    def kc(src_h, dst_h, w_h, h_h, zc_h, agg_h,
           si_v, di_v, rb_v, w_v, acc_sh, sem):
        cid = lax.axis_index("c")
        sid = lax.axis_index("s")
        ept = EPAD // 16
        base = sid * ept

        def block(bi, _):
            blk = cid * 8 + bi
            head = blk // 2
            boff = blk * NP
            pltpu.sync_copy(zc_h, acc_sh.at[pl.ds(sid * NTS, NTS)])
            plsc.subcore_barrier()

            def chunk(ci, _):
                off = base + ci * _CHC
                pltpu.sync_copy(src_h.at[pl.ds(off, _CHC)], si_v)
                pltpu.sync_copy(dst_h.at[pl.ds(off, _CHC)], di_v)
                rs = pl.multiple_of(lax.shift_right_logical(off, 3), 16)
                pltpu.sync_copy(w_h.at[pl.ds(rs, 16)], w_v)

                def fix(g, _):
                    si_v[pl.ds(g * 16, 16)] = si_v[pl.ds(g * 16, 16)] + boff
                    return 0

                lax.fori_loop(0, _CHC // 16, fix, 0, unroll=4)
                pltpu.async_copy(h_h.at[si_v], rb_v, sem).wait()

                def row(k, _):
                    wrow = w_v[k >> 3, pl.ds((k & 7) * 16, 16)]
                    w = _dyngather(wrow, jnp.full((16,), head, jnp.int32))
                    for c in range(8):
                        rb_v[k, pl.ds(c * 16, 16)] = (
                            rb_v[k, pl.ds(c * 16, 16)] * w)
                    return 0

                lax.fori_loop(0, _CHC, row, 0, unroll=2)
                pltpu.sync_copy(rb_v, acc_sh.at[di_v], add=True)
                return 0

            lax.fori_loop(0, ept // _CHC, chunk, 0)
            plsc.subcore_barrier()
            pltpu.sync_copy(acc_sh.at[pl.ds(sid * NTS, NTS)],
                            agg_h.at[blk, pl.ds(sid * NTS, NTS)])
            plsc.subcore_barrier()
            return 0

        lax.fori_loop(0, NBLK // 2, block, 0)

    return kc(src, dst, w1e, h2d, zc)


def _kf_body(h2c_ref, s2p_ref, m2_ref, b2_ref, outn_ref, s2t_ref):
    t = h2c_ref[...]
    l = t[:, 2:3] + t[:, 3:4]
    l = jnp.where(l > 0, l, 0.2 * l)
    wself = jnp.exp(l - m2_ref[0:1, 0:1])
    agg0 = s2p_ref[0, :, 0:1] + s2p_ref[1, :, 0:1]
    agg1 = s2p_ref[0, :, 1:2] + s2p_ref[1, :, 1:2]
    s2sum = s2p_ref[0, :, 2:3] + s2p_ref[1, :, 2:3]
    s2f = s2sum + wself
    r = 1.0 / s2f
    o0 = (agg0 + wself * t[:, 0:1]) * r + b2_ref[0:1, 0:1]
    o1 = (agg1 + wself * t[:, 1:2]) * r + b2_ref[0:1, 1:2]
    atts = wself * r
    il = lax.broadcasted_iota(jnp.int32, (1, 16), 1)
    outn_ref[...] = jnp.where(
        il == 0, o0, jnp.where(il == 1, o1, jnp.where(il == 2, atts, 0.0)))
    s2t_ref[...] = jnp.broadcast_to(s2f, (BN, 128))


def _tc_f(h2cat, s2p, m2bc, b2t):
    return pl.pallas_call(
        _kf_body,
        grid=(NP // BN,),
        in_specs=[
            pl.BlockSpec((BN, 16), lambda i: (i, 0)),
            pl.BlockSpec((2, BN, 16), lambda i: (0, i, 0)),
            pl.BlockSpec((1, 16), lambda i: (0, 0)),
            pl.BlockSpec((1, 16), lambda i: (0, 0)),
        ],
        out_specs=[
            pl.BlockSpec((BN, 16), lambda i: (i, 0)),
            pl.BlockSpec((BN, 128), lambda i: (i, 0)),
        ],
        out_shape=[
            jax.ShapeDtypeStruct((NP, 16), jnp.float32),
            jax.ShapeDtypeStruct((NP, 128), jnp.float32),
        ],
    )(h2cat, s2p, m2bc, b2t)


def _sc_e1(src, dst, Ts, Td, m2bc, cst, zb):
    mesh = plsc.VectorSubcoreMesh(core_axis_name="c", subcore_axis_name="s")

    @functools.partial(
        pl.kernel, mesh=mesh,
        out_type=[jax.ShapeDtypeStruct((EPAD, 16), jnp.float32),
                  jax.ShapeDtypeStruct((2, NP // 8, 128), jnp.float32)],
        scratch_types=[
            pltpu.VMEM((_CHB,), jnp.int32),
            pltpu.VMEM((_CHB,), jnp.int32),
            pltpu.VMEM((_CHB,), jnp.int32),
            pltpu.VMEM((_CHB // 16, 16), jnp.float32),
            pltpu.VMEM((_CHB, 128), jnp.float32),
            pltpu.VMEM((_CHB, 128), jnp.float32),
            pltpu.VMEM((_CHB, 16), jnp.float32),
            pltpu.VMEM((_CHB, 128), jnp.float32),
            pltpu.VMEM((16,), jnp.float32),
            pltpu.VMEM((32,), jnp.float32),
            pltpu.VMEM_SHARED((NP // 8, 128), jnp.float32),
            pltpu.SemaphoreType.DMA,
        ],
    )
    def ke1(src_h, dst_h, ts_h, td_h, m2_h, cst_h, zb_h, attw_h, s2_h,
            si_v, di_v, dip_v, off_v, gs_v, gd_v, w_v, stg_v, m2_v, c_v,
            acc_sh, sem):
        cid = lax.axis_index("c")
        sid = lax.axis_index("s")
        wid = sid * 2 + cid
        nps = NP // 128
        pltpu.sync_copy(zb_h, acc_sh.at[pl.ds(sid * nps, nps)])
        pltpu.sync_copy(m2_h.at[0], m2_v)
        pltpu.sync_copy(cst_h, c_v)
        plsc.subcore_barrier()
        m2 = m2_v[...]
        mlo = c_v[pl.ds(0, 16)]
        ms2 = c_v[pl.ds(16, 16)]
        c2 = jnp.full((16,), 2, jnp.int32)
        base = wid * _EPT

        def chunk(ci, _):
            off = base + ci * _CHB
            pltpu.sync_copy(src_h.at[pl.ds(off, _CHB)], si_v)
            pltpu.sync_copy(dst_h.at[pl.ds(off, _CHB)], di_v)
            pltpu.async_copy(ts_h.at[si_v], gs_v, sem).wait()
            pltpu.async_copy(td_h.at[di_v], gd_v, sem).wait()

            def pre(g, _):
                dvec = di_v[pl.ds(g * 16, 16)]
                off_v[g, :] = (dvec & 7).astype(jnp.float32)
                dip_v[pl.ds(g * 16, 16)] = lax.shift_right_logical(dvec, 3)
                return 0

            lax.fori_loop(0, _CHB // 16, pre, 0)

            def row(k, _):
                srow = gs_v[k, pl.ds(0, 16)]
                drow = gd_v[k, pl.ds(0, 16)]
                l = srow + drow
                l = jnp.where(l > 0, l, 0.2 * l)
                w_all = jnp.exp(l - m2)
                w2 = _dyngather(w_all, c2)
                contrib = w2 * (srow * mlo + ms2)
                w_v[k, :] = contrib
                offb = _dyngather(off_v[k >> 4, :],
                                  jnp.full((16,), k & 15, jnp.int32))
                for c in range(8):
                    d = offb - float(c)
                    ind = jnp.maximum(0.0, 1.0 - d * d)
                    stg_v[k, pl.ds(c * 16, 16)] = contrib * ind
                return 0

            lax.fori_loop(0, _CHB, row, 0, unroll=2)
            pltpu.sync_copy(w_v, attw_h.at[pl.ds(off, _CHB)])
            pltpu.sync_copy(stg_v, acc_sh.at[dip_v], add=True)
            return 0

        lax.fori_loop(0, _EPT // _CHB, chunk, 0)
        plsc.subcore_barrier()
        pltpu.sync_copy(acc_sh.at[pl.ds(sid * nps, nps)],
                        s2_h.at[cid, pl.ds(sid * nps, nps)])

    return ke1(src, dst, Ts, Td, m2bc, cst, zb)


def _sc_e2(dst, attw, S2T):
    mesh = plsc.VectorSubcoreMesh(core_axis_name="c", subcore_axis_name="s")

    @functools.partial(
        pl.kernel, mesh=mesh,
        out_type=jax.ShapeDtypeStruct((EPAD, 16), jnp.float32),
        scratch_types=[
            pltpu.VMEM((_CHB,), jnp.int32),
            pltpu.VMEM((_CHB, 16), jnp.float32),
            pltpu.VMEM((_CHB, 128), jnp.float32),
            pltpu.SemaphoreType.DMA,
        ],
    )
    def ke2(dst_h, w_h, s2t_h, attf_h, di_v, wv_v, gv_v, sem):
        cid = lax.axis_index("c")
        sid = lax.axis_index("s")
        wid = sid * 2 + cid
        base = wid * _EPT

        def chunk(ci, _):
            off = base + ci * _CHB
            pltpu.sync_copy(dst_h.at[pl.ds(off, _CHB)], di_v)
            pltpu.sync_copy(w_h.at[pl.ds(off, _CHB)], wv_v)
            pltpu.async_copy(s2t_h.at[di_v], gv_v, sem).wait()

            def row(k, _):
                wv_v[k, :] = wv_v[k, :] / gv_v[k, pl.ds(0, 16)]
                return 0

            lax.fori_loop(0, _CHB, row, 0, unroll=4)
            pltpu.sync_copy(wv_v, attf_h.at[pl.ds(off, _CHB)])
            return 0

        lax.fori_loop(0, _EPT // _CHB, chunk, 0)

    return ke2(dst, attw, S2T)


def kernel(x, edge_index, tconv_w, tconv_b, bn0_w, bn0_b, bn0_rm, bn0_rv,
           W1, att_src1, att_dst1, bias1, bn1_w, bn1_b, bn1_rm, bn1_rv,
           W2, att_src2, att_dst2, bias2):
    f32 = jnp.float32
    wi = jnp.arange(WIN)[:, None]
    wo = jnp.arange(WIN)[None, :]
    kk = jnp.arange(3)[:, None, None]
    band = (wi[None] == wo[None] + kk - 1).astype(f32)
    Wc = jnp.einsum('tfk,kio->fito', tconv_w, band).reshape(IN_DIM, TC_CH * WIN)
    b0r = jnp.repeat(tconv_b, WIN)[None, :]
    g0 = bn0_w / jnp.sqrt(bn0_rv + EPS)
    c0 = bn0_b - bn0_rm * g0
    W1g = W1 * g0[:, None]
    d1 = (c0 @ W1)[None, :]
    rows = jnp.arange(HEADS * HID)
    i16 = jnp.arange(16)
    headmask = ((rows // HID)[:, None] == (i16[None, :] % 8)).astype(f32)
    As2 = att_src1.reshape(-1)[:, None] * headmask
    Ad2 = att_dst1.reshape(-1)[:, None] * headmask
    AU = jnp.concatenate(
        [As2, Ad2, jnp.zeros((HEADS * HID, 96), f32)], axis=1)
    g1 = bn1_w / jnp.sqrt(bn1_rv + EPS)
    c1 = (bias1 - bn1_rm) * g1 + bn1_b
    g1b = g1.reshape(NBLK, 1, 128)
    c1b = c1.reshape(NBLK, 1, 128)
    v_s = W2 @ att_src2[0]
    v_d = W2 @ att_dst2[0]
    W2ext = jnp.zeros((HEADS * HID, 16), f32)
    W2ext = W2ext.at[:, 0:2].set(W2)
    W2ext = W2ext.at[:, 2].set(v_s)
    W2ext = W2ext.at[:, 3].set(v_d)
    M16b = jnp.broadcast_to(
        ((i16 == 2) | (i16 == 3))[:, None], (16, 16)).astype(f32)
    b2t = jnp.zeros((1, 16), f32)
    b2t = b2t.at[0, 0].set(bias2[0]).at[0, 1].set(bias2[1])
    zb = jnp.zeros((NP // 128, 128), f32)
    zc = jnp.zeros((NTS, 128), f32)

    xp = jnp.pad(x, ((0, NP - N), (0, 0)))
    padv = (jnp.arange(EPAD - E, dtype=jnp.int32) % (NP - N)) + N
    src = jnp.concatenate([edge_index[0], padv])
    dst = jnp.concatenate([edge_index[1], padv])

    hb, U, m1t = _tc_a(xp, Wc, b0r, W1g, d1, AU)

    w1e, s1p = _sc_b(src, dst, U, m1t, zb)

    h2d = hb.reshape(NBLK * NP, 128)
    w2d = w1e.reshape(EPAD // 8, 128)
    aggb = _sc_c(src, dst, w2d, h2d, zc)

    s1pu = s1p.reshape(2, NP, 16)
    h2cat, m2bc, Ts, Td = _tc_d(hb, aggb, U, s1pu, m1t, g1b, c1b,
                                W2ext, M16b)

    cst = jnp.concatenate([
        (jnp.arange(16) < 2).astype(f32),
        (jnp.arange(16) == 2).astype(f32)])

    attw, s2p = _sc_e1(src, dst, Ts, Td, m2bc, cst, zb)

    outn, S2T = _tc_f(h2cat, s2p.reshape(2, NP, 16), m2bc, b2t)

    attf = _sc_e2(dst, attw, S2T)

    out = outn[:N, 0:2]
    att2 = jnp.concatenate([attf[:E, 2], outn[:N, 2]])[:, None]
    return (out, att2)

# --- scband reference (transcript-rebuilt; emitter-appended) ---
"""Pipeline reference for scband-temporal-gat-15341623181499 (READ-ONLY COPY).

The authoritative reference and input builder live on the scoring server;
editing this copy changes nothing except your own understanding.
"""

import jax, jax.numpy as jnp
import numpy as np

N = 10000
E = 160000
IN_DIM = 256
WIN = 8
NUM_FEATS = IN_DIM // WIN
HID = 256
HEADS = 8
OUT = 2
TC = 16
EPS = 1e-5


def _segment_softmax(logits, seg, num_segments):
    m = jax.ops.segment_max(logits, seg, num_segments=num_segments)
    e = jnp.exp(logits - m[seg])
    s = jax.ops.segment_sum(e, seg, num_segments=num_segments)
    return e / (s[seg] + 1e-16)


def _gat(x, ei, W, a_src, a_dst, b, H, C, concat):
    n = x.shape[0]
    h = (x @ W).reshape(n, H, C)
    src, dst = ei[0], ei[1]
    asrc = jnp.sum(h * a_src[None, :, :], axis=-1)
    adst = jnp.sum(h * a_dst[None, :, :], axis=-1)
    alpha = jax.nn.leaky_relu(asrc[src] + adst[dst], 0.2)
    alpha = _segment_softmax(alpha, dst, n)
    out = jax.ops.segment_sum(h[src] * alpha[:, :, None], dst, num_segments=n)
    out = out.reshape(n, H * C) if concat else out.mean(axis=1)
    return out + b, alpha


def setup_inputs(seed: int = 0):
    key = jax.random.key(seed)
    ks = jax.random.split(key, 16)
    inp = {}
    inp['x'] = jax.random.normal(ks[0], (N, IN_DIM), dtype=jnp.float32)
    inp['edge_index'] = jax.random.randint(ks[1], (2, E), 0, N, dtype=jnp.int32)
    inp['tconv_w'] = jax.random.normal(ks[2], (TC, NUM_FEATS, 3), dtype=jnp.float32) * 0.05
    inp['tconv_b'] = jnp.zeros((TC,), dtype=jnp.float32)
    inp['bn0_w'] = jnp.ones((TC * WIN,), dtype=jnp.float32)
    inp['bn0_b'] = jnp.zeros((TC * WIN,), dtype=jnp.float32)
    inp['bn0_rm'] = jnp.zeros((TC * WIN,), dtype=jnp.float32)
    inp['bn0_rv'] = jnp.ones((TC * WIN,), dtype=jnp.float32)
    inp['W1'] = jax.random.normal(ks[3], (TC * WIN, HEADS * HID), dtype=jnp.float32) * 0.05
    inp['att_src1'] = jax.random.normal(ks[4], (HEADS, HID), dtype=jnp.float32) * 0.05
    inp['att_dst1'] = jax.random.normal(ks[5], (HEADS, HID), dtype=jnp.float32) * 0.05
    inp['bias1'] = jnp.zeros((HEADS * HID,), dtype=jnp.float32)
    inp['bn1_w'] = jnp.ones((HEADS * HID,), dtype=jnp.float32)
    inp['bn1_b'] = jnp.zeros((HEADS * HID,), dtype=jnp.float32)
    inp['bn1_rm'] = jnp.zeros((HEADS * HID,), dtype=jnp.float32)
    inp['bn1_rv'] = jnp.ones((HEADS * HID,), dtype=jnp.float32)
    inp['W2'] = jax.random.normal(ks[6], (HEADS * HID, OUT), dtype=jnp.float32) * 0.05
    inp['att_src2'] = jax.random.normal(ks[7], (1, OUT), dtype=jnp.float32) * 0.05
    inp['att_dst2'] = jax.random.normal(ks[8], (1, OUT), dtype=jnp.float32) * 0.05
    inp['bias2'] = jnp.zeros((OUT,), dtype=jnp.float32)
    return inp


def reference(x, edge_index, tconv_w, tconv_b, bn0_w, bn0_b, bn0_rm, bn0_rv, W1, att_src1, att_dst1, bias1, bn1_w, bn1_b, bn1_rm, bn1_rv, W2, att_src2, att_dst2, bias2):
    n = x.shape[0]
    x3 = x.reshape(n, NUM_FEATS, WIN)
    y = jax.lax.conv_general_dilated(x3, tconv_w, window_strides=(1,), padding=((1, 1),), dimension_numbers=('NCH', 'OIH', 'NCH'))
    y = jax.nn.relu(y + tconv_b[None, :, None])
    h0 = y.reshape(n, -1)
    h0 = (h0 - bn0_rm) / jnp.sqrt(bn0_rv + EPS) * bn0_w + bn0_b
    loops = jnp.arange(n, dtype=edge_index.dtype)
    ei = jnp.concatenate([edge_index, jnp.stack([loops, loops])], axis=1)
    h1, att1 = _gat(h0, ei, W1, att_src1, att_dst1, bias1, HEADS, HID, True)
    h1 = jax.nn.elu((h1 - bn1_rm) / jnp.sqrt(bn1_rv + EPS) * bn1_w + bn1_b)
    out, att2 = _gat(h1, ei, W2, att_src2, att_dst2, bias2, 1, OUT, False)
    return (out, att2)

if __name__ == "__main__":
    import jax
    _d = setup_inputs()
    print(jax.jit(kernel)(*tuple(_d.values())))

</pallas_src>

<mosaic_0001>
#map = affine_map<(d0, d1) -> (0)>
#map1 = affine_map<(d0, d1) -> (0, 0)>
#map2 = affine_map<(d0, d1) -> (0, 0, 0)>
module attributes {stable_mosaic.version = 14 : i64} {
  func.func @ke1(%arg0: i32, %arg1: i32, %arg2: memref<163840xi32, #tpu.memory_space<hbm>>, %arg3: memref<163840xi32, #tpu.memory_space<hbm>>, %arg4: memref<10240x128xf32, #tpu.memory_space<hbm>>, %arg5: memref<10240x128xf32, #tpu.memory_space<hbm>>, %arg6: memref<1x16xf32, #tpu.memory_space<hbm>>, %arg7: memref<32xf32, #tpu.memory_space<hbm>>, %arg8: memref<80x128xf32, #tpu.memory_space<hbm>>, %arg9: memref<163840x16xf32, #tpu.memory_space<hbm>>, %arg10: memref<2x1280x128xf32, #tpu.memory_space<hbm>>, %arg11: memref<128xi32, #tpu.memory_space<vmem>>, %arg12: memref<128xi32, #tpu.memory_space<vmem>>, %arg13: memref<128xi32, #tpu.memory_space<vmem>>, %arg14: memref<8x16xf32, #tpu.memory_space<vmem>>, %arg15: memref<128x128xf32, #tpu.memory_space<vmem>>, %arg16: memref<128x128xf32, #tpu.memory_space<vmem>>, %arg17: memref<128x16xf32, #tpu.memory_space<vmem>>, %arg18: memref<128x128xf32, #tpu.memory_space<vmem>>, %arg19: memref<16xf32, #tpu.memory_space<vmem>>, %arg20: memref<32xf32, #tpu.memory_space<vmem>>, %arg21: memref<1280x128xf32, #tpu.memory_space<vmem_shared>>, %arg22: memref<!tpu.dma_semaphore, #tpu.memory_space<semaphore_mem>>) attributes {dimension_semantics = [#tpu.dimension_semantics<core_parallel>, #tpu.dimension_semantics<subcore_parallel>], iteration_bounds = array<i64: 2, 16>, scalar_prefetch = 0 : i64, scratch_operands = 12 : i64, tpu.core_type = #tpu.core_type<sc_vector_subcore>, window_params = [{transform_indices = #map}, {transform_indices = #map}, {transform_indices = #map1}, {transform_indices = #map1}, {transform_indices = #map1}, {transform_indices = #map}, {transform_indices = #map1}, {transform_indices = #map1}, {transform_indices = #map2}]} {
    %mul3A = arith.constant 2 : i32
    %mul3A_0 = arith.muli %arg1, %mul3A : i32
    %add3A = arith.addi %mul3A_0, %arg0 : i32
    %mul3A_1 = arith.constant 80 : i32
    %mul3A_2 = arith.muli %arg1, %mul3A_1 : i32
    "tpu.region"() ({
      %run_scoped3A_25 = tpu.sem_alloc : memref<!tpu.dma_semaphore, #tpu.memory_space<semaphore_mem>>
      %dma_start3A = arith.constant 0 : i32
      %dma_start3A_26 = tpu.memref_slice %arg21[%mul3A_2, %dma_start3A] : memref<1280x128xf32, #tpu.memory_space<vmem_shared>> -> memref<80x128xf32, #tpu.memory_space<vmem_shared>>
      tpu.enqueue_dma source(%arg8 : memref<80x128xf32, #tpu.memory_space<hbm>>) target(%dma_start3A_26 : memref<80x128xf32, #tpu.memory_space<vmem_shared>>) target_semaphore(%run_scoped3A_25 : memref<!tpu.dma_semaphore, #tpu.memory_space<semaphore_mem>>)
      %dma_wait3A = arith.constant 0 : i32
      %dma_wait3A_27 = tpu.memref_slice %arg21[%mul3A_2, %dma_wait3A] : memref<1280x128xf32, #tpu.memory_space<vmem_shared>> -> memref<80x128xf32, #tpu.memory_space<vmem_shared>>
      tpu.wait_dma2 semaphore(%run_scoped3A_25 : memref<!tpu.dma_semaphore, #tpu.memory_space<semaphore_mem>>) src(%arg8 : memref<80x128xf32, #tpu.memory_space<hbm>>) dst(%dma_wait3A_27 : memref<80x128xf32, #tpu.memory_space<vmem_shared>>)
      tpu.yield
    }) : () -> ()
    %run_scoped3A = arith.constant 0 : i32
    "tpu.region"() ({
      %run_scoped3A_25 = tpu.sem_alloc : memref<!tpu.dma_semaphore, #tpu.memory_space<semaphore_mem>>
      %dma_start3A = arith.constant 0 : i32
      %dma_start3A_26 = tpu.memref_slice %arg6[%run_scoped3A, %dma_start3A] : memref<1x16xf32, #tpu.memory_space<hbm>> -> memref<1x16xf32, #tpu.memory_space<hbm>>
      %dma_start3A_27 = tpu.memref_squeeze %dma_start3A_26 : memref<1x16xf32, #tpu.memory_space<hbm>> -> memref<16xf32, #tpu.memory_space<hbm>>
      %dma_start3A_28 = arith.constant 0 : i32
      %dma_start3A_29 = tpu.memref_slice %arg6[%run_scoped3A, %dma_start3A_28] : memref<1x16xf32, #tpu.memory_space<hbm>> -> memref<1x16xf32, #tpu.memory_space<hbm>>
      %dma_start3A_30 = tpu.memref_squeeze %dma_start3A_29 : memref<1x16xf32, #tpu.memory_space<hbm>> -> memref<16xf32, #tpu.memory_space<hbm>>
      tpu.enqueue_dma source(%dma_start3A_30 : memref<16xf32, #tpu.memory_space<hbm>>) target(%arg19 : memref<16xf32, #tpu.memory_space<vmem>>) target_semaphore(%run_scoped3A_25 : memref<!tpu.dma_semaphore, #tpu.memory_space<semaphore_mem>>)
      %dma_wait3A = arith.constant 0 : i32
      %dma_wait3A_31 = tpu.memref_slice %arg6[%run_scoped3A, %dma_wait3A] : memref<1x16xf32, #tpu.memory_space<hbm>> -> memref<1x16xf32, #tpu.memory_space<hbm>>
      %dma_wait3A_32 = tpu.memref_squeeze %dma_wait3A_31 : memref<1x16xf32, #tpu.memory_space<hbm>> -> memref<16xf32, #tpu.memory_space<hbm>>
      %dma_wait3A_33 = arith.constant 0 : i32
      %dma_wait3A_34 = tpu.memref_slice %arg6[%run_scoped3A, %dma_wait3A_33] : memref<1x16xf32, #tpu.memory_space<hbm>> -> memref<1x16xf32, #tpu.memory_space<hbm>>
      %dma_wait3A_35 = tpu.memref_squeeze %dma_wait3A_34 : memref<1x16xf32, #tpu.memory_space<hbm>> -> memref<16xf32, #tpu.memory_space<hbm>>
      tpu.wait_dma2 semaphore(%run_scoped3A_25 : memref<!tpu.dma_semaphore, #tpu.memory_space<semaphore_mem>>) src(%dma_wait3A_35 : memref<16xf32, #tpu.memory_space<hbm>>) dst(%arg19 : memref<16xf32, #tpu.memory_space<vmem>>)
      tpu.yield
    }) : () -> ()
    "tpu.region"() ({
      %run_scoped3A_25 = tpu.sem_alloc : memref<!tpu.dma_semaphore, #tpu.memory_space<semaphore_mem>>
      tpu.enqueue_dma source(%arg7 : memref<32xf32, #tpu.memory_space<hbm>>) target(%arg20 : memref<32xf32, #tpu.memory_space<vmem>>) target_semaphore(%run_scoped3A_25 : memref<!tpu.dma_semaphore, #tpu.memory_space<semaphore_mem>>)
      tpu.wait_dma2 semaphore(%run_scoped3A_25 : memref<!tpu.dma_semaphore, #tpu.memory_space<semaphore_mem>>) src(%arg7 : memref<32xf32, #tpu.memory_space<hbm>>) dst(%arg20 : memref<32xf32, #tpu.memory_space<vmem>>)
      tpu.yield
    }) : () -> ()
    %barrier3A = arith.constant 0 : index
    tpu.barrier barrier_id(%barrier3A)
    %get3A = arith.constant 0 : index
    %get3A_3 = tpu.vector_load %arg19[%get3A] {strides = array<i32>} : memref<16xf32, #tpu.memory_space<vmem>>, vector<16xf32>,
    %get3A_4 = vector.shape_cast %get3A_3 : vector<16xf32> to vector<16xf32>
    %get3A_5 = arith.constant 0 : index
    %get3A_6 = tpu.vector_load %arg20[%get3A_5] {strides = array<i32>} : memref<32xf32, #tpu.memory_space<vmem>>, vector<16xf32>,
    %get3A_7 = vector.shape_cast %get3A_6 : vector<16xf32> to vector<16xf32>
    %get3A_8 = arith.constant 16 : index
    %get3A_9 = tpu.vector_load %arg20[%get3A_8] {strides = array<i32>} : memref<32xf32, #tpu.memory_space<vmem>>, vector<16xf32>,
    %get3A_10 = vector.shape_cast %get3A_9 : vector<16xf32> to vector<16xf32>
    %broadcast_in_dim3A = arith.constant 2 : i32
    %broadcast_in_dim3A_11 = vector.broadcast %broadcast_in_dim3A : i32 to vector<16xi32>
    %mul3A_12 = arith.constant 5120 : i32
    %mul3A_13 = arith.muli %add3A, %mul3A_12 : i32
    %scan3A = arith.constant 0 : i32
    %scan3A_14 = arith.constant 0 : i32
    %scan3A_15 = arith.constant 40 : i32
    %scan3A_16 = arith.addi %scan3A_14, %scan3A_15 : i32
    %scan3A_17 = arith.constant 1 : i32
    %scan3A_18 = scf.for %scan3A_25 = %scan3A_14 to %scan3A_16 step %scan3A_17 iter_args(%scan3A_26 = %scan3A) -> (i32)  : i32 {
      %mul3A_27 = arith.constant 128 : i32
      %mul3A_28 = arith.muli %scan3A_25, %mul3A_27 : i32
      %add3A_29 = arith.addi %mul3A_13, %mul3A_28 : i32
      "tpu.region"() ({
        %run_scoped3A_55 = tpu.sem_alloc : memref<!tpu.dma_semaphore, #tpu.memory_space<semaphore_mem>>
        %dma_start3A_56 = tpu.memref_slice %arg2[%add3A_29] : memref<163840xi32, #tpu.memory_space<hbm>> -> memref<128xi32, #tpu.memory_space<hbm>>
        %dma_start3A_57 = tpu.memref_slice %arg2[%add3A_29] : memref<163840xi32, #tpu.memory_space<hbm>> -> memref<128xi32, #tpu.memory_space<hbm>>
        tpu.enqueue_dma source(%dma_start3A_57 : memref<128xi32, #tpu.memory_space<hbm>>) target(%arg11 : memref<128xi32, #tpu.memory_space<vmem>>) target_semaphore(%run_scoped3A_55 : memref<!tpu.dma_semaphore, #tpu.memory_space<semaphore_mem>>)
        %dma_wait3A_58 = tpu.memref_slice %arg2[%add3A_29] : memref<163840xi32, #tpu.memory_space<hbm>> -> memref<128xi32, #tpu.memory_space<hbm>>
        %dma_wait3A_59 = tpu.memref_slice %arg2[%add3A_29] : memref<163840xi32, #tpu.memory_space<hbm>> -> memref<128xi32, #tpu.memory_space<hbm>>
        tpu.wait_dma2 semaphore(%run_scoped3A_55 : memref<!tpu.dma_semaphore, #tpu.memory_space<semaphore_mem>>) src(%dma_wait3A_59 : memref<128xi32, #tpu.memory_space<hbm>>) dst(%arg11 : memref<128xi32, #tpu.memory_space<vmem>>)
        tpu.yield
      }) : () -> ()
      "tpu.region"() ({
        %run_scoped3A_55 = tpu.sem_alloc : memref<!tpu.dma_semaphore, #tpu.memory_space<semaphore_mem>>
        %dma_start3A_56 = tpu.memref_slice %arg3[%add3A_29] : memref<163840xi32, #tpu.memory_space<hbm>> -> memref<128xi32, #tpu.memory_space<hbm>>
        %dma_start3A_57 = tpu.memref_slice %arg3[%add3A_29] : memref<163840xi32, #tpu.memory_space<hbm>> -> memref<128xi32, #tpu.memory_space<hbm>>
        tpu.enqueue_dma source(%dma_start3A_57 : memref<128xi32, #tpu.memory_space<hbm>>) target(%arg12 : memref<128xi32, #tpu.memory_space<vmem>>) target_semaphore(%run_scoped3A_55 : memref<!tpu.dma_semaphore, #tpu.memory_space<semaphore_mem>>)
        %dma_wait3A_58 = tpu.memref_slice %arg3[%add3A_29] : memref<163840xi32, #tpu.memory_space<hbm>> -> memref<128xi32, #tpu.memory_space<hbm>>
        %dma_wait3A_59 = tpu.memref_slice %arg3[%add3A_29] : memref<163840xi32, #tpu.memory_space<hbm>> -> memref<128xi32, #tpu.memory_space<hbm>>
        tpu.wait_dma2 semaphore(%run_scoped3A_55 : memref<!tpu.dma_semaphore, #tpu.memory_space<semaphore_mem>>) src(%dma_wait3A_59 : memref<128xi32, #tpu.memory_space<hbm>>) dst(%arg12 : memref<128xi32, #tpu.memory_space<vmem>>)
        tpu.yield
      }) : () -> ()
      %dma_start3A = arith.constant 0 : i32
      %dma_start3A_30 = arith.constant 0 : i32
      %dma_start3A_31 = tpu.memref_slice %arg4[%dma_start3A, %dma_start3A_30] : memref<10240x128xf32, #tpu.memory_space<hbm>> -> memref<10240x128xf32, #tpu.memory_space<hbm>>
      tpu.enqueue_indirect_dma source(%dma_start3A_31 : memref<10240x128xf32, #tpu.memory_space<hbm>>) target(%arg15 : memref<128x128xf32, #tpu.memory_space<vmem>>) offsets(%arg11 : memref<128xi32, #tpu.memory_space<vmem>>) semaphore(%arg22 : memref<!tpu.dma_semaphore, #tpu.memory_space<semaphore_mem>>)
      %dma_wait3A = arith.constant 0 : i32
      %dma_wait3A_32 = arith.constant 0 : i32
      %dma_wait3A_33 = tpu.memref_slice %arg4[%dma_wait3A, %dma_wait3A_32] : memref<10240x128xf32, #tpu.memory_space<hbm>> -> memref<10240x128xf32, #tpu.memory_space<hbm>>
      tpu.wait_indirect_dma semaphore(%arg22 : memref<!tpu.dma_semaphore, #tpu.memory_space<semaphore_mem>>) src(%dma_wait3A_33 : memref<10240x128xf32, #tpu.memory_space<hbm>>) dst(%arg15 : memref<128x128xf32, #tpu.memory_space<vmem>>)
      %dma_start3A_34 = arith.constant 0 : i32
      %dma_start3A_35 = arith.constant 0 : i32
      %dma_start3A_36 = tpu.memref_slice %arg5[%dma_start3A_34, %dma_start3A_35] : memref<10240x128xf32, #tpu.memory_space<hbm>> -> memref<10240x128xf32, #tpu.memory_space<hbm>>
      tpu.enqueue_indirect_dma source(%dma_start3A_36 : memref<10240x128xf32, #tpu.memory_space<hbm>>) target(%arg16 : memref<128x128xf32, #tpu.memory_space<vmem>>) offsets(%arg12 : memref<128xi32, #tpu.memory_space<vmem>>) semaphore(%arg22 : memref<!tpu.dma_semaphore, #tpu.memory_space<semaphore_mem>>)
      %dma_wait3A_37 = arith.constant 0 : i32
      %dma_wait3A_38 = arith.constant 0 : i32
      %dma_wait3A_39 = tpu.memref_slice %arg5[%dma_wait3A_37, %dma_wait3A_38] : memref<10240x128xf32, #tpu.memory_space<hbm>> -> memref<10240x128xf32, #tpu.memory_space<hbm>>
      tpu.wait_indirect_dma semaphore(%arg22 : memref<!tpu.dma_semaphore, #tpu.memory_space<semaphore_mem>>) src(%dma_wait3A_39 : memref<10240x128xf32, #tpu.memory_space<hbm>>) dst(%arg16 : memref<128x128xf32, #tpu.memory_space<vmem>>)
      %scan3A_40 = arith.constant 0 : i32
      %scan3A_41 = arith.constant 0 : i32
      %scan3A_42 = arith.constant 8 : i32
      %scan3A_43 = arith.addi %scan3A_41, %scan3A_42 : i32
      %scan3A_44 = arith.constant 1 : i32
      %scan3A_45 = scf.for %scan3A_55 = %scan3A_41 to %scan3A_43 step %scan3A_44 iter_args(%scan3A_56 = %scan3A_40) -> (i32)  : i32 {
        %mul3A_57 = arith.constant 16 : i32
        %mul3A_58 = arith.muli %scan3A_55, %mul3A_57 : i32
        %get3A_59 = arith.index_cast %mul3A_58 : i32 to index
        %get3A_60 = tpu.vector_load %arg12[%get3A_59] {strides = array<i32>} : memref<128xi32, #tpu.memory_space<vmem>>, vector<16xi32>,
        %get3A_61 = vector.shape_cast %get3A_60 : vector<16xi32> to vector<16xi32>
        %and3A = arith.constant 7 : i32
        %and3A_62 = vector.broadcast %and3A : i32 to vector<16xi32>
        %and3A_63 = arith.andi %get3A_61, %and3A_62 : vector<16xi32>
        %convert_element_type3A = arith.sitofp %and3A_63 : vector<16xi32> to vector<16xf32>
        %swap3A = arith.index_cast %scan3A_55 : i32 to index
        %swap3A_64 = arith.constant 0 : index
        %swap3A_65 = tpu.vector_load %arg14[%swap3A, %swap3A_64] {strides = array<i32>} : memref<8x16xf32, #tpu.memory_space<vmem>>, vector<1x16xf32>,
        %swap3A_66 = vector.shape_cast %swap3A_65 : vector<1x16xf32> to vector<16xf32>
        %swap3A_67 = vector.shape_cast %convert_element_type3A : vector<16xf32> to vector<1x16xf32>
        tpu.vector_store %arg14[%swap3A, %swap3A_64], %swap3A_67 {strides = array<i32>} : memref<8x16xf32, #tpu.memory_space<vmem>>, vector<1x16xf32>,
        %shift_right_logical3A = arith.constant 3 : i32
        %shift_right_logical3A_68 = vector.broadcast %shift_right_logical3A : i32 to vector<16xi32>
        %shift_right_logical3A_69 = arith.shrui %get3A_61, %shift_right_logical3A_68 : vector<16xi32>
        %mul3A_70 = arith.constant 16 : i32
        %mul3A_71 = arith.muli %scan3A_55, %mul3A_70 : i32
        %swap3A_72 = arith.index_cast %mul3A_71 : i32 to index
        %swap3A_73 = tpu.vector_load %arg13[%swap3A_72] {strides = array<i32>} : memref<128xi32, #tpu.memory_space<vmem>>, vector<16xi32>,
        %swap3A_74 = vector.shape_cast %swap3A_73 : vector<16xi32> to vector<16xi32>
        %swap3A_75 = vector.shape_cast %shift_right_logical3A_69 : vector<16xi32> to vector<16xi32>
        tpu.vector_store %arg13[%swap3A_72], %swap3A_75 {strides = array<i32>} : memref<128xi32, #tpu.memory_space<vmem>>, vector<16xi32>,
        %scan3A_76 = arith.constant 0 : i32
        scf.yield %scan3A_76 : i32
      }
      %scan3A_46 = arith.constant 8 : i32
      %scan3A_47 = arith.constant 0 : i32
      %scan3A_48 = arith.constant 0 : i32
      %scan3A_49 = arith.constant 128 : i32
      %scan3A_50 = arith.addi %scan3A_48, %scan3A_49 : i32
      %scan3A_51 = arith.constant 2 : i32
      %scan3A_52 = scf.for %scan3A_55 = %scan3A_48 to %scan3A_50 step %scan3A_51 iter_args(%scan3A_56 = %scan3A_47) -> (i32)  : i32 {
        %get3A_57 = arith.index_cast %scan3A_55 : i32 to index
        %get3A_58 = arith.constant 0 : index
        %get3A_59 = tpu.vector_load %arg15[%get3A_57, %get3A_58] {strides = array<i32>} : memref<128x128xf32, #tpu.memory_space<vmem>>, vector<1x16xf32>,
        %get3A_60 = vector.shape_cast %get3A_59 : vector<1x16xf32> to vector<16xf32>
        %get3A_61 = arith.index_cast %scan3A_55 : i32 to index
        %get3A_62 = arith.constant 0 : index
        %get3A_63 = tpu.vector_load %arg16[%get3A_61, %get3A_62] {strides = array<i32>} : memref<128x128xf32, #tpu.memory_space<vmem>>, vector<1x16xf32>,
        %get3A_64 = vector.shape_cast %get3A_63 : vector<1x16xf32> to vector<16xf32>
        %add3A_65 = arith.addf %get3A_60, %get3A_64 : vector<16xf32>
        %gt3A = arith.constant 0.000000e+00 : f32
        %gt3A_66 = vector.broadcast %gt3A : f32 to vector<16xf32>
        %gt3A_67 = arith.cmpf ogt, %add3A_65, %gt3A_66 : vector<16xf32>
        %mul3A_68 = arith.constant 2.000000e-01 : f32
        %mul3A_69 = vector.broadcast %mul3A_68 : f32 to vector<16xf32>
        %mul3A_70 = arith.mulf %mul3A_69, %add3A_65 : vector<16xf32>
        %select_n3A = arith.select %gt3A_67, %add3A_65, %mul3A_70 : vector<16xi1>, vector<16xf32>
        %sub3A = arith.subf %select_n3A, %get3A_4 : vector<16xf32>
        %exp3A = math.exp %sub3A : vector<16xf32>
        %broadcast_in_dim3A_71 = vector.shape_cast %broadcast_in_dim3A_11 : vector<16xi32> to vector<16x1xi32>
        %gather3A = vector.shape_cast %broadcast_in_dim3A_71 : vector<16x1xi32> to vector<16xi32>
        %gather3A_72 = tpu.dynamic_gather %exp3A[%gather3A] in [0] : vector<16xf32>, vector<16xi32> -> vector<16xf32>
        %mul3A_73 = arith.mulf %get3A_60, %get3A_7 : vector<16xf32>
        %add3A_74 = arith.addf %mul3A_73, %get3A_10 : vector<16xf32>
        %mul3A_75 = arith.mulf %gather3A_72, %add3A_74 : vector<16xf32>
        %swap3A = arith.index_cast %scan3A_55 : i32 to index
        %swap3A_76 = arith.constant 0 : index
        %swap3A_77 = tpu.vector_load %arg17[%swap3A, %swap3A_76] {strides = array<i32>} : memref<128x16xf32, #tpu.memory_space<vmem>>, vector<1x16xf32>,
        %swap3A_78 = vector.shape_cast %swap3A_77 : vector<1x16xf32> to vector<16xf32>
        %swap3A_79 = vector.shape_cast %mul3A_75 : vector<16xf32> to vector<1x16xf32>
        tpu.vector_store %arg17[%swap3A, %swap3A_76], %swap3A_79 {strides = array<i32>} : memref<128x16xf32, #tpu.memory_space<vmem>>, vector<1x16xf32>,
        %shift_right_arithmetic3A = arith.constant 4 : i32
        %shift_right_arithmetic3A_80 = arith.shrsi %scan3A_55, %shift_right_arithmetic3A : i32
        %get3A_81 = arith.index_cast %shift_right_arithmetic3A_80 : i32 to index
        %get3A_82 = arith.constant 0 : index
        %get3A_83 = tpu.vector_load %arg14[%get3A_81, %get3A_82] {strides = array<i32>} : memref<8x16xf32, #tpu.memory_space<vmem>>, vector<1x16xf32>,
        %get3A_84 = vector.shape_cast %get3A_83 : vector<1x16xf32> to vector<16xf32>
        %and3A = arith.constant 15 : i32
        %and3A_85 = arith.andi %scan3A_55, %and3A : i32
        %broadcast_in_dim3A_86 = vector.broadcast %and3A_85 : i32 to vector<16xi32>
        %broadcast_in_dim3A_87 = vector.shape_cast %broadcast_in_dim3A_86 : vector<16xi32> to vector<16x1xi32>
        %gather3A_88 = vector.shape_cast %broadcast_in_dim3A_87 : vector<16x1xi32> to vector<16xi32>
        %gather3A_89 = tpu.dynamic_gather %get3A_84[%gather3A_88] in [0] : vector<16xf32>, vector<16xi32> -> vector<16xf32>
        %sub3A_90 = arith.constant 0.000000e+00 : f32
        %sub3A_91 = vector.broadcast %sub3A_90 : f32 to vector<16xf32>
        %sub3A_92 = arith.subf %gather3A_89, %sub3A_91 : vector<16xf32>
        %mul3A_93 = arith.mulf %sub3A_92, %sub3A_92 : vector<16xf32>
        %sub3A_94 = arith.constant 1.000000e+00 : f32
        %sub3A_95 = vector.broadcast %sub3A_94 : f32 to vector<16xf32>
        %sub3A_96 = arith.subf %sub3A_95, %mul3A_93 : vector<16xf32>
        %max3A = arith.constant 0.000000e+00 : f32
        %max3A_97 = vector.broadcast %max3A : f32 to vector<16xf32>
        %max3A_98 = arith.maximumf %max3A_97, %sub3A_96 : vector<16xf32>
        %mul3A_99 = arith.mulf %mul3A_75, %max3A_98 : vector<16xf32>
        %swap3A_100 = arith.index_cast %scan3A_55 : i32 to index
        %swap3A_101 = arith.constant 0 : index
        %swap3A_102 = tpu.vector_load %arg18[%swap3A_100, %swap3A_101] {strides = array<i32>} : memref<128x128xf32, #tpu.memory_space<vmem>>, vector<1x16xf32>,
        %swap3A_103 = vector.shape_cast %swap3A_102 : vector<1x16xf32> to vector<16xf32>
        %swap3A_104 = vector.shape_cast %mul3A_99 : vector<16xf32> to vector<1x16xf32>
        tpu.vector_store %arg18[%swap3A_100, %swap3A_101], %swap3A_104 {strides = array<i32>} : memref<128x128xf32, #tpu.memory_space<vmem>>, vector<1x16xf32>,
        %sub3A_105 = arith.constant 1.000000e+00 : f32
        %sub3A_106 = vector.broadcast %sub3A_105 : f32 to vector<16xf32>
        %sub3A_107 = arith.subf %gather3A_89, %sub3A_106 : vector<16xf32>
        %mul3A_108 = arith.mulf %sub3A_107, %sub3A_107 : vector<16xf32>
        %sub3A_109 = arith.constant 1.000000e+00 : f32
        %sub3A_110 = vector.broadcast %sub3A_109 : f32 to vector<16xf32>
        %sub3A_111 = arith.subf %sub3A_110, %mul3A_108 : vector<16xf32>
        %max3A_112 = arith.constant 0.000000e+00 : f32
        %max3A_113 = vector.broadcast %max3A_112 : f32 to vector<16xf32>
        %max3A_114 = arith.maximumf %max3A_113, %sub3A_111 : vector<16xf32>
        %mul3A_115 = arith.mulf %mul3A_75, %max3A_114 : vector<16xf32>
        %swap3A_116 = arith.index_cast %scan3A_55 : i32 to index
        %swap3A_117 = arith.constant 16 : index
        %swap3A_118 = tpu.vector_load %arg18[%swap3A_116, %swap3A_117] {strides = array<i32>} : memref<128x128xf32, #tpu.memory_space<vmem>>, vector<1x16xf32>,
        %swap3A_119 = vector.shape_cast %swap3A_118 : vector<1x16xf32> to vector<16xf32>
        %swap3A_120 = vector.shape_cast %mul3A_115 : vector<16xf32> to vector<1x16xf32>
        tpu.vector_store %arg18[%swap3A_116, %swap3A_117], %swap3A_120 {strides = array<i32>} : memref<128x128xf32, #tpu.memory_space<vmem>>, vector<1x16xf32>,
        %sub3A_121 = arith.constant 2.000000e+00 : f32
        %sub3A_122 = vector.broadcast %sub3A_121 : f32 to vector<16xf32>
        %sub3A_123 = arith.subf %gather3A_89, %sub3A_122 : vector<16xf32>
        %mul3A_124 = arith.mulf %sub3A_123, %sub3A_123 : vector<16xf32>
        %sub3A_125 = arith.constant 1.000000e+00 : f32
        %sub3A_126 = vector.broadcast %sub3A_125 : f32 to vector<16xf32>
        %sub3A_127 = arith.subf %sub3A_126, %mul3A_124 : vector<16xf32>
        %max3A_128 = arith.constant 0.000000e+00 : f32
        %max3A_129 = vector.broadcast %max3A_128 : f32 to vector<16xf32>
        %max3A_130 = arith.maximumf %max3A_129, %sub3A_127 : vector<16xf32>
        %mul3A_131 = arith.mulf %mul3A_75, %max3A_130 : vector<16xf32>
        %swap3A_132 = arith.index_cast %scan3A_55 : i32 to index
        %swap3A_133 = arith.constant 32 : index
        %swap3A_134 = tpu.vector_load %arg18[%swap3A_132, %swap3A_133] {strides = array<i32>} : memref<128x128xf32, #tpu.memory_space<vmem>>, vector<1x16xf32>,
        %swap3A_135 = vector.shape_cast %swap3A_134 : vector<1x16xf32> to vector<16xf32>
        %swap3A_136 = vector.shape_cast %mul3A_131 : vector<16xf32> to vector<1x16xf32>
        tpu.vector_store %arg18[%swap3A_132, %swap3A_133], %swap3A_136 {strides = array<i32>} : memref<128x128xf32, #tpu.memory_space<vmem>>, vector<1x16xf32>,
        %sub3A_137 = arith.constant 3.000000e+00 : f32
        %sub3A_138 = vector.broadcast %sub3A_137 : f32 to vector<16xf32>
        %sub3A_139 = arith.subf %gather3A_89, %sub3A_138 : vector<16xf32>
        %mul3A_140 = arith.mulf %sub3A_139, %sub3A_139 : vector<16xf32>
        %sub3A_141 = arith.constant 1.000000e+00 : f32
        %sub3A_142 = vector.broadcast %sub3A_141 : f32 to vector<16xf32>
        %sub3A_143 = arith.subf %sub3A_142, %mul3A_140 : vector<16xf32>
        %max3A_144 = arith.constant 0.000000e+00 : f32
        %max3A_145 = vector.broadcast %max3A_144 : f32 to vector<16xf32>
        %max3A_146 = arith.maximumf %max3A_145, %sub3A_143 : vector<16xf32>
        %mul3A_147 = arith.mulf %mul3A_75, %max3A_146 : vector<16xf32>
        %swap3A_148 = arith.index_cast %scan3A_55 : i32 to index
        %swap3A_149 = arith.constant 48 : index
        %swap3A_150 = tpu.vector_load %arg18[%swap3A_148, %swap3A_149] {strides = array<i32>} : memref<128x128xf32, #tpu.memory_space<vmem>>, vector<1x16xf32>,
        %swap3A_151 = vector.shape_cast %swap3A_150 : vector<1x16xf32> to vector<16xf32>
        %swap3A_152 = vector.shape_cast %mul3A_147 : vector<16xf32> to vector<1x16xf32>
        tpu.vector_store %arg18[%swap3A_148, %swap3A_149], %swap3A_152 {strides = array<i32>} : memref<128x128xf32, #tpu.memory_space<vmem>>, vector<1x16xf32>,
        %sub3A_153 = arith.constant 4.000000e+00 : f32
        %sub3A_154 = vector.broadcast %sub3A_153 : f32 to vector<16xf32>
        %sub3A_155 = arith.subf %gather3A_89, %sub3A_154 : vector<16xf32>
        %mul3A_156 = arith.mulf %sub3A_155, %sub3A_155 : vector<16xf32>
        %sub3A_157 = arith.constant 1.000000e+00 : f32
        %sub3A_158 = vector.broadcast %sub3A_157 : f32 to vector<16xf32>
        %sub3A_159 = arith.subf %sub3A_158, %mul3A_156 : vector<16xf32>
        %max3A_160 = arith.constant 0.000000e+00 : f32
        %max3A_161 = vector.broadcast %max3A_160 : f32 to vector<16xf32>
        %max3A_162 = arith.maximumf %max3A_161, %sub3A_159 : vector<16xf32>
        %mul3A_163 = arith.mulf %mul3A_75, %max3A_162 : vector<16xf32>
        %swap3A_164 = arith.index_cast %scan3A_55 : i32 to index
        %swap3A_165 = arith.constant 64 : index
        %swap3A_166 = tpu.vector_load %arg18[%swap3A_164, %swap3A_165] {strides = array<i32>} : memref<128x128xf32, #tpu.memory_space<vmem>>, vector<1x16xf32>,
        %swap3A_167 = vector.shape_cast %swap3A_166 : vector<1x16xf32> to vector<16xf32>
        %swap3A_168 = vector.shape_cast %mul3A_163 : vector<16xf32> to vector<1x16xf32>
        tpu.vector_store %arg18[%swap3A_164, %swap3A_165], %swap3A_168 {strides = array<i32>} : memref<128x128xf32, #tpu.memory_space<vmem>>, vector<1x16xf32>,
        %sub3A_169 = arith.constant 5.000000e+00 : f32
        %sub3A_170 = vector.broadcast %sub3A_169 : f32 to vector<16xf32>
        %sub3A_171 = arith.subf %gather3A_89, %sub3A_170 : vector<16xf32>
        %mul3A_172 = arith.mulf %sub3A_171, %sub3A_171 : vector<16xf32>
        %sub3A_173 = arith.constant 1.000000e+00 : f32
        %sub3A_174 = vector.broadcast %sub3A_173 : f32 to vector<16xf32>
        %sub3A_175 = arith.subf %sub3A_174, %mul3A_172 : vector<16xf32>
        %max3A_176 = arith.constant 0.000000e+00 : f32
        %max3A_177 = vector.broadcast %max3A_176 : f32 to vector<16xf32>
        %max3A_178 = arith.maximumf %max3A_177, %sub3A_175 : vector<16xf32>
        %mul3A_179 = arith.mulf %mul3A_75, %max3A_178 : vector<16xf32>
        %swap3A_180 = arith.index_cast %scan3A_55 : i32 to index
        %swap3A_181 = arith.constant 80 : index
        %swap3A_182 = tpu.vector_load %arg18[%swap3A_180, %swap3A_181] {strides = array<i32>} : memref<128x128xf32, #tpu.memory_space<vmem>>, vector<1x16xf32>,
        %swap3A_183 = vector.shape_cast %swap3A_182 : vector<1x16xf32> to vector<16xf32>
        %swap3A_184 = vector.shape_cast %mul3A_179 : vector<16xf32> to vector<1x16xf32>
        tpu.vector_store %arg18[%swap3A_180, %swap3A_181], %swap3A_184 {strides = array<i32>} : memref<128x128xf32, #tpu.memory_space<vmem>>, vector<1x16xf32>,
        %sub3A_185 = arith.constant 6.000000e+00 : f32
        %sub3A_186 = vector.broadcast %sub3A_185 : f32 to vector<16xf32>
        %sub3A_187 = arith.subf %gather3A_89, %sub3A_186 : vector<16xf32>
        %mul3A_188 = arith.mulf %sub3A_187, %sub3A_187 : vector<16xf32>
        %sub3A_189 = arith.constant 1.000000e+00 : f32
        %sub3A_190 = vector.broadcast %sub3A_189 : f32 to vector<16xf32>
        %sub3A_191 = arith.subf %sub3A_190, %mul3A_188 : vector<16xf32>
        %max3A_192 = arith.constant 0.000000e+00 : f32
        %max3A_193 = vector.broadcast %max3A_192 : f32 to vector<16xf32>
        %max3A_194 = arith.maximumf %max3A_193, %sub3A_191 : vector<16xf32>
        %mul3A_195 = arith.mulf %mul3A_75, %max3A_194 : vector<16xf32>
        %swap3A_196 = arith.index_cast %scan3A_55 : i32 to index
        %swap3A_197 = arith.constant 96 : index
        %swap3A_198 = tpu.vector_load %arg18[%swap3A_196, %swap3A_197] {strides = array<i32>} : memref<128x128xf32, #tpu.memory_space<vmem>>, vector<1x16xf32>,
        %swap3A_199 = vector.shape_cast %swap3A_198 : vector<1x16xf32> to vector<16xf32>
        %swap3A_200 = vector.shape_cast %mul3A_195 : vector<16xf32> to vector<1x16xf32>
        tpu.vector_store %arg18[%swap3A_196, %swap3A_197], %swap3A_200 {strides = array<i32>} : memref<128x128xf32, #tpu.memory_space<vmem>>, vector<1x16xf32>,
        %sub3A_201 = arith.constant 7.000000e+00 : f32
        %sub3A_202 = vector.broadcast %sub3A_201 : f32 to vector<16xf32>
        %sub3A_203 = arith.subf %gather3A_89, %sub3A_202 : vector<16xf32>
        %mul3A_204 = arith.mulf %sub3A_203, %sub3A_203 : vector<16xf32>
        %sub3A_205 = arith.constant 1.000000e+00 : f32
        %sub3A_206 = vector.broadcast %sub3A_205 : f32 to vector<16xf32>
        %sub3A_207 = arith.subf %sub3A_206, %mul3A_204 : vector<16xf32>
        %max3A_208 = arith.constant 0.000000e+00 : f32
        %max3A_209 = vector.broadcast %max3A_208 : f32 to vector<16xf32>
        %max3A_210 = arith.maximumf %max3A_209, %sub3A_207 : vector<16xf32>
        %mul3A_211 = arith.mulf %mul3A_75, %max3A_210 : vector<16xf32>
        %swap3A_212 = arith.index_cast %scan3A_55 : i32 to index
        %swap3A_213 = arith.constant 112 : index
        %swap3A_214 = tpu.vector_load %arg18[%swap3A_212, %swap3A_213] {strides = array<i32>} : memref<128x128xf32, #tpu.memory_space<vmem>>, vector<1x16xf32>,
        %swap3A_215 = vector.shape_cast %swap3A_214 : vector<1x16xf32> to vector<16xf32>
        %swap3A_216 = vector.shape_cast %mul3A_211 : vector<16xf32> to vector<1x16xf32>
        tpu.vector_store %arg18[%swap3A_212, %swap3A_213], %swap3A_216 {strides = array<i32>} : memref<128x128xf32, #tpu.memory_space<vmem>>, vector<1x16xf32>,
        %scan3A_217 = arith.constant 0 : i32
        %scan3A_218 = arith.constant 1 : i32
        %scan3A_219 = arith.addi %scan3A_55, %scan3A_218 : i32
        %get3A_220 = arith.index_cast %scan3A_219 : i32 to index
        %get3A_221 = arith.constant 0 : index
        %get3A_222 = tpu.vector_load %arg15[%get3A_220, %get3A_221] {strides = array<i32>} : memref<128x128xf32, #tpu.memory_space<vmem>>, vector<1x16xf32>,
        %get3A_223 = vector.shape_cast %get3A_222 : vector<1x16xf32> to vector<16xf32>
        %get3A_224 = arith.index_cast %scan3A_219 : i32 to index
        %get3A_225 = arith.constant 0 : index
        %get3A_226 = tpu.vector_load %arg16[%get3A_224, %get3A_225] {strides = array<i32>} : memref<128x128xf32, #tpu.memory_space<vmem>>, vector<1x16xf32>,
        %get3A_227 = vector.shape_cast %get3A_226 : vector<1x16xf32> to vector<16xf32>
        %add3A_228 = arith.addf %get3A_223, %get3A_227 : vector<16xf32>
        %gt3A_229 = arith.constant 0.000000e+00 : f32
        %gt3A_230 = vector.broadcast %gt3A_229 : f32 to vector<16xf32>
        %gt3A_231 = arith.cmpf ogt, %add3A_228, %gt3A_230 : vector<16xf32>
        %mul3A_232 = arith.constant 2.000000e-01 : f32
        %mul3A_233 = vector.broadcast %mul3A_232 : f32 to vector<16xf32>
        %mul3A_234 = arith.mulf %mul3A_233, %add3A_228 : vector<16xf32>
        %select_n3A_235 = arith.select %gt3A_231, %add3A_228, %mul3A_234 : vector<16xi1>, vector<16xf32>
        %sub3A_236 = arith.subf %select_n3A_235, %get3A_4 : vector<16xf32>
        %exp3A_237 = math.exp %sub3A_236 : vector<16xf32>
        %broadcast_in_dim3A_238 = vector.shape_cast %broadcast_in_dim3A_11 : vector<16xi32> to vector<16x1xi32>
        %gather3A_239 = vector.shape_cast %broadcast_in_dim3A_238 : vector<16x1xi32> to vector<16xi32>
        %gather3A_240 = tpu.dynamic_gather %exp3A_237[%gather3A_239] in [0] : vector<16xf32>, vector<16xi32> -> vector<16xf32>
        %mul3A_241 = arith.mulf %get3A_223, %get3A_7 : vector<16xf32>
        %add3A_242 = arith.addf %mul3A_241, %get3A_10 : vector<16xf32>
        %mul3A_243 = arith.mulf %gather3A_240, %add3A_242 : vector<16xf32>
        %swap3A_244 = arith.index_cast %scan3A_219 : i32 to index
        %swap3A_245 = arith.constant 0 : index
        %swap3A_246 = tpu.vector_load %arg17[%swap3A_244, %swap3A_245] {strides = array<i32>} : memref<128x16xf32, #tpu.memory_space<vmem>>, vector<1x16xf32>,
        %swap3A_247 = vector.shape_cast %swap3A_246 : vector<1x16xf32> to vector<16xf32>
        %swap3A_248 = vector.shape_cast %mul3A_243 : vector<16xf32> to vector<1x16xf32>
        tpu.vector_store %arg17[%swap3A_244, %swap3A_245], %swap3A_248 {strides = array<i32>} : memref<128x16xf32, #tpu.memory_space<vmem>>, vector<1x16xf32>,
        %shift_right_arithmetic3A_249 = arith.constant 4 : i32
        %shift_right_arithmetic3A_250 = arith.shrsi %scan3A_219, %shift_right_arithmetic3A_249 : i32
        %get3A_251 = arith.index_cast %shift_right_arithmetic3A_250 : i32 to index
        %get3A_252 = arith.constant 0 : index
        %get3A_253 = tpu.vector_load %arg14[%get3A_251, %get3A_252] {strides = array<i32>} : memref<8x16xf32, #tpu.memory_space<vmem>>, vector<1x16xf32>,
        %get3A_254 = vector.shape_cast %get3A_253 : vector<1x16xf32> to vector<16xf32>
        %and3A_255 = arith.constant 15 : i32
        %and3A_256 = arith.andi %scan3A_219, %and3A_255 : i32
        %broadcast_in_dim3A_257 = vector.broadcast %and3A_256 : i32 to vector<16xi32>
        %broadcast_in_dim3A_258 = vector.shape_cast %broadcast_in_dim3A_257 : vector<16xi32> to vector<16x1xi32>
        %gather3A_259 = vector.shape_cast %broadcast_in_dim3A_258 : vector<16x1xi32> to vector<16xi32>
        %gather3A_260 = tpu.dynamic_gather %get3A_254[%gather3A_259] in [0] : vector<16xf32>, vector<16xi32> -> vector<16xf32>
        %sub3A_261 = arith.constant 0.000000e+00 : f32
        %sub3A_262 = vector.broadcast %sub3A_261 : f32 to vector<16xf32>
        %sub3A_263 = arith.subf %gather3A_260, %sub3A_262 : vector<16xf32>
        %mul3A_264 = arith.mulf %sub3A_263, %sub3A_263 : vector<16xf32>
        %sub3A_265 = arith.constant 1.000000e+00 : f32
        %sub3A_266 = vector.broadcast %sub3A_265 : f32 to vector<16xf32>
        %sub3A_267 = arith.subf %sub3A_266, %mul3A_264 : vector<16xf32>
        %max3A_268 = arith.constant 0.000000e+00 : f32
        %max3A_269 = vector.broadcast %max3A_268 : f32 to vector<16xf32>
        %max3A_270 = arith.maximumf %max3A_269, %sub3A_267 : vector<16xf32>
        %mul3A_271 = arith.mulf %mul3A_243, %max3A_270 : vector<16xf32>
        %swap3A_272 = arith.index_cast %scan3A_219 : i32 to index
        %swap3A_273 = arith.constant 0 : index
        %swap3A_274 = tpu.vector_load %arg18[%swap3A_272, %swap3A_273] {strides = array<i32>} : memref<128x128xf32, #tpu.memory_space<vmem>>, vector<1x16xf32>,
        %swap3A_275 = vector.shape_cast %swap3A_274 : vector<1x16xf32> to vector<16xf32>
        %swap3A_276 = vector.shape_cast %mul3A_271 : vector<16xf32> to vector<1x16xf32>
        tpu.vector_store %arg18[%swap3A_272, %swap3A_273], %swap3A_276 {strides = array<i32>} : memref<128x128xf32, #tpu.memory_space<vmem>>, vector<1x16xf32>,
        %sub3A_277 = arith.constant 1.000000e+00 : f32
        %sub3A_278 = vector.broadcast %sub3A_277 : f32 to vector<16xf32>
        %sub3A_279 = arith.subf %gather3A_260, %sub3A_278 : vector<16xf32>
        %mul3A_280 = arith.mulf %sub3A_279, %sub3A_279 : vector<16xf32>
        %sub3A_281 = arith.constant 1.000000e+00 : f32
        %sub3A_282 = vector.broadcast %sub3A_281 : f32 to vector<16xf32>
        %sub3A_283 = arith.subf %sub3A_282, %mul3A_280 : vector<16xf32>
        %max3A_284 = arith.constant 0.000000e+00 : f32
        %max3A_285 = vector.broadcast %max3A_284 : f32 to vector<16xf32>
        %max3A_286 = arith.maximumf %max3A_285, %sub3A_283 : vector<16xf32>
        %mul3A_287 = arith.mulf %mul3A_243, %max3A_286 : vector<16xf32>
        %swap3A_288 = arith.index_cast %scan3A_219 : i32 to index
        %swap3A_289 = arith.constant 16 : index
        %swap3A_290 = tpu.vector_load %arg18[%swap3A_288, %swap3A_289] {strides = array<i32>} : memref<128x128xf32, #tpu.memory_space<vmem>>, vector<1x16xf32>,
        %swap3A_291 = vector.shape_cast %swap3A_290 : vector<1x16xf32> to vector<16xf32>
        %swap3A_292 = vector.shape_cast %mul3A_287 : vector<16xf32> to vector<1x16xf32>
        tpu.vector_store %arg18[%swap3A_288, %swap3A_289], %swap3A_292 {strides = array<i32>} : memref<128x128xf32, #tpu.memory_space<vmem>>, vector<1x16xf32>,
        %sub3A_293 = arith.constant 2.000000e+00 : f32
        %sub3A_294 = vector.broadcast %sub3A_293 : f32 to vector<16xf32>
        %sub3A_295 = arith.subf %gather3A_260, %sub3A_294 : vector<16xf32>
        %mul3A_296 = arith.mulf %sub3A_295, %sub3A_295 : vector<16xf32>
        %sub3A_297 = arith.constant 1.000000e+00 : f32
        %sub3A_298 = vector.broadcast %sub3A_297 : f32 to vector<16xf32>
        %sub3A_299 = arith.subf %sub3A_298, %mul3A_296 : vector<16xf32>
        %max3A_300 = arith.constant 0.000000e+00 : f32
        %max3A_301 = vector.broadcast %max3A_300 : f32 to vector<16xf32>
        %max3A_302 = arith.maximumf %max3A_301, %sub3A_299 : vector<16xf32>
        %mul3A_303 = arith.mulf %mul3A_243, %max3A_302 : vector<16xf32>
        %swap3A_304 = arith.index_cast %scan3A_219 : i32 to index
        %swap3A_305 = arith.constant 32 : index
        %swap3A_306 = tpu.vector_load %arg18[%swap3A_304, %swap3A_305] {strides = array<i32>} : memref<128x128xf32, #tpu.memory_space<vmem>>, vector<1x16xf32>,
        %swap3A_307 = vector.shape_cast %swap3A_306 : vector<1x16xf32> to vector<16xf32>
        %swap3A_308 = vector.shape_cast %mul3A_303 : vector<16xf32> to vector<1x16xf32>
        tpu.vector_store %arg18[%swap3A_304, %swap3A_305], %swap3A_308 {strides = array<i32>} : memref<128x128xf32, #tpu.memory_space<vmem>>, vector<1x16xf32>,
        %sub3A_309 = arith.constant 3.000000e+00 : f32
        %sub3A_310 = vector.broadcast %sub3A_309 : f32 to vector<16xf32>
        %sub3A_311 = arith.subf %gather3A_260, %sub3A_310 : vector<16xf32>
        %mul3A_312 = arith.mulf %sub3A_311, %sub3A_311 : vector<16xf32>
        %sub3A_313 = arith.constant 1.000000e+00 : f32
        %sub3A_314 = vector.broadcast %sub3A_313 : f32 to vector<16xf32>
        %sub3A_315 = arith.subf %sub3A_314, %mul3A_312 : vector<16xf32>
        %max3A_316 = arith.constant 0.000000e+00 : f32
        %max3A_317 = vector.broadcast %max3A_316 : f32 to vector<16xf32>
        %max3A_318 = arith.maximumf %max3A_317, %sub3A_315 : vector<16xf32>
        %mul3A_319 = arith.mulf %mul3A_243, %max3A_318 : vector<16xf32>
        %swap3A_320 = arith.index_cast %scan3A_219 : i32 to index
        %swap3A_321 = arith.constant 48 : index
        %swap3A_322 = tpu.vector_load %arg18[%swap3A_320, %swap3A_321] {strides = array<i32>} : memref<128x128xf32, #tpu.memory_space<vmem>>, vector<1x16xf32>,
        %swap3A_323 = vector.shape_cast %swap3A_322 : vector<1x16xf32> to vector<16xf32>
        %swap3A_324 = vector.shape_cast %mul3A_319 : vector<16xf32> to vector<1x16xf32>
        tpu.vector_store %arg18[%swap3A_320, %swap3A_321], %swap3A_324 {strides = array<i32>} : memref<128x128xf32, #tpu.memory_space<vmem>>, vector<1x16xf32>,
        %sub3A_325 = arith.constant 4.000000e+00 : f32
        %sub3A_326 = vector.broadcast %sub3A_325 : f32 to vector<16xf32>
        %sub3A_327 = arith.subf %gather3A_260, %sub3A_326 : vector<16xf32>
        %mul3A_328 = arith.mulf %sub3A_327, %sub3A_327 : vector<16xf32>
        %sub3A_329 = arith.constant 1.000000e+00 : f32
        %sub3A_330 = vector.broadcast %sub3A_329 : f32 to vector<16xf32>
        %sub3A_331 = arith.subf %sub3A_330, %mul3A_328 : vector<16xf32>
        %max3A_332 = arith.constant 0.000000e+00 : f32
        %max3A_333 = vector.broadcast %max3A_332 : f32 to vector<16xf32>
        %max3A_334 = arith.maximumf %max3A_333, %sub3A_331 : vector<16xf32>
        %mul3A_335 = arith.mulf %mul3A_243, %max3A_334 : vector<16xf32>
        %swap3A_336 = arith.index_cast %scan3A_219 : i32 to index
        %swap3A_337 = arith.constant 64 : index
        %swap3A_338 = tpu.vector_load %arg18[%swap3A_336, %swap3A_337] {strides = array<i32>} : memref<128x128xf32, #tpu.memory_space<vmem>>, vector<1x16xf32>,
        %swap3A_339 = vector.shape_cast %swap3A_338 : vector<1x16xf32> to vector<16xf32>
        %swap3A_340 = vector.shape_cast %mul3A_335 : vector<16xf32> to vector<1x16xf32>
        tpu.vector_store %arg18[%swap3A_336, %swap3A_337], %swap3A_340 {strides = array<i32>} : memref<128x128xf32, #tpu.memory_space<vmem>>, vector<1x16xf32>,
        %sub3A_341 = arith.constant 5.000000e+00 : f32
        %sub3A_342 = vector.broadcast %sub3A_341 : f32 to vector<16xf32>
        %sub3A_343 = arith.subf %gather3A_260, %sub3A_342 : vector<16xf32>
        %mul3A_344 = arith.mulf %sub3A_343, %sub3A_343 : vector<16xf32>
        %sub3A_345 = arith.constant 1.000000e+00 : f32
        %sub3A_346 = vector.broadcast %sub3A_345 : f32 to vector<16xf32>
        %sub3A_347 = arith.subf %sub3A_346, %mul3A_344 : vector<16xf32>
        %max3A_348 = arith.constant 0.000000e+00 : f32
        %max3A_349 = vector.broadcast %max3A_348 : f32 to vector<16xf32>
        %max3A_350 = arith.maximumf %max3A_349, %sub3A_347 : vector<16xf32>
        %mul3A_351 = arith.mulf %mul3A_243, %max3A_350 : vector<16xf32>
        %swap3A_352 = arith.index_cast %scan3A_219 : i32 to index
        %swap3A_353 = arith.constant 80 : index
        %swap3A_354 = tpu.vector_load %arg18[%swap3A_352, %swap3A_353] {strides = array<i32>} : memref<128x128xf32, #tpu.memory_space<vmem>>, vector<1x16xf32>,
        %swap3A_355 = vector.shape_cast %swap3A_354 : vector<1x16xf32> to vector<16xf32>
        %swap3A_356 = vector.shape_cast %mul3A_351 : vector<16xf32> to vector<1x16xf32>
        tpu.vector_store %arg18[%swap3A_352, %swap3A_353], %swap3A_356 {strides = array<i32>} : memref<128x128xf32, #tpu.memory_space<vmem>>, vector<1x16xf32>,
        %sub3A_357 = arith.constant 6.000000e+00 : f32
        %sub3A_358 = vector.broadcast %sub3A_357 : f32 to vector<16xf32>
        %sub3A_359 = arith.subf %gather3A_260, %sub3A_358 : vector<16xf32>
        %mul3A_360 = arith.mulf %sub3A_359, %sub3A_359 : vector<16xf32>
        %sub3A_361 = arith.constant 1.000000e+00 : f32
        %sub3A_362 = vector.broadcast %sub3A_361 : f32 to vector<16xf32>
        %sub3A_363 = arith.subf %sub3A_362, %mul3A_360 : vector<16xf32>
        %max3A_364 = arith.constant 0.000000e+00 : f32
        %max3A_365 = vector.broadcast %max3A_364 : f32 to vector<16xf32>
        %max3A_366 = arith.maximumf %max3A_365, %sub3A_363 : vector<16xf32>
        %mul3A_367 = arith.mulf %mul3A_243, %max3A_366 : vector<16xf32>
        %swap3A_368 = arith.index_cast %scan3A_219 : i32 to index
        %swap3A_369 = arith.constant 96 : index
        %swap3A_370 = tpu.vector_load %arg18[%swap3A_368, %swap3A_369] {strides = array<i32>} : memref<128x128xf32, #tpu.memory_space<vmem>>, vector<1x16xf32>,
        %swap3A_371 = vector.shape_cast %swap3A_370 : vector<1x16xf32> to vector<16xf32>
        %swap3A_372 = vector.shape_cast %mul3A_367 : vector<16xf32> to vector<1x16xf32>
        tpu.vector_store %arg18[%swap3A_368, %swap3A_369], %swap3A_372 {strides = array<i32>} : memref<128x128xf32, #tpu.memory_space<vmem>>, vector<1x16xf32>,
        %sub3A_373 = arith.constant 7.000000e+00 : f32
        %sub3A_374 = vector.broadcast %sub3A_373 : f32 to vector<16xf32>
        %sub3A_375 = arith.subf %gather3A_260, %sub3A_374 : vector<16xf32>
        %mul3A_376 = arith.mulf %sub3A_375, %sub3A_375 : vector<16xf32>
        %sub3A_377 = arith.constant 1.000000e+00 : f32
        %sub3A_378 = vector.broadcast %sub3A_377 : f32 to vector<16xf32>
        %sub3A_379 = arith.subf %sub3A_378, %mul3A_376 : vector<16xf32>
        %max3A_380 = arith.constant 0.000000e+00 : f32
        %max3A_381 = vector.broadcast %max3A_380 : f32 to vector<16xf32>
        %max3A_382 = arith.maximumf %max3A_381, %sub3A_379 : vector<16xf32>
        %mul3A_383 = arith.mulf %mul3A_243, %max3A_382 : vector<16xf32>
        %swap3A_384 = arith.index_cast %scan3A_219 : i32 to index
        %swap3A_385 = arith.constant 112 : index
        %swap3A_386 = tpu.vector_load %arg18[%swap3A_384, %swap3A_385] {strides = array<i32>} : memref<128x128xf32, #tpu.memory_space<vmem>>, vector<1x16xf32>,
        %swap3A_387 = vector.shape_cast %swap3A_386 : vector<1x16xf32> to vector<16xf32>
        %swap3A_388 = vector.shape_cast %mul3A_383 : vector<16xf32> to vector<1x16xf32>
        tpu.vector_store %arg18[%swap3A_384, %swap3A_385], %swap3A_388 {strides = array<i32>} : memref<128x128xf32, #tpu.memory_space<vmem>>, vector<1x16xf32>,
        %scan3A_389 = arith.constant 0 : i32
        scf.yield %scan3A_389 : i32
      }
      %scan3A_53 = arith.constant 128 : i32
      "tpu.region"() ({
        %run_scoped3A_55 = tpu.sem_alloc : memref<!tpu.dma_semaphore, #tpu.memory_space<semaphore_mem>>
        %dma_start3A_56 = arith.constant 0 : i32
        %dma_start3A_57 = tpu.memref_slice %arg9[%add3A_29, %dma_start3A_56] : memref<163840x16xf32, #tpu.memory_space<hbm>> -> memref<128x16xf32, #tpu.memory_space<hbm>>
        %dma_start3A_58 = arith.constant 0 : i32
        %dma_start3A_59 = tpu.memref_slice %arg9[%add3A_29, %dma_start3A_58] : memref<163840x16xf32, #tpu.memory_space<hbm>> -> memref<128x16xf32, #tpu.memory_space<hbm>>
        tpu.enqueue_dma source(%arg17 : memref<128x16xf32, #tpu.memory_space<vmem>>) target(%dma_start3A_59 : memref<128x16xf32, #tpu.memory_space<hbm>>) target_semaphore(%run_scoped3A_55 : memref<!tpu.dma_semaphore, #tpu.memory_space<semaphore_mem>>)
        %dma_wait3A_60 = arith.constant 0 : i32
        %dma_wait3A_61 = tpu.memref_slice %arg9[%add3A_29, %dma_wait3A_60] : memref<163840x16xf32, #tpu.memory_space<hbm>> -> memref<128x16xf32, #tpu.memory_space<hbm>>
        %dma_wait3A_62 = arith.constant 0 : i32
        %dma_wait3A_63 = tpu.memref_slice %arg9[%add3A_29, %dma_wait3A_62] : memref<163840x16xf32, #tpu.memory_space<hbm>> -> memref<128x16xf32, #tpu.memory_space<hbm>>
        tpu.wait_dma2 semaphore(%run_scoped3A_55 : memref<!tpu.dma_semaphore, #tpu.memory_space<semaphore_mem>>) src(%arg17 : memref<128x16xf32, #tpu.memory_space<vmem>>) dst(%dma_wait3A_63 : memref<128x16xf32, #tpu.memory_space<hbm>>)
        tpu.yield
      }) : () -> ()
      "tpu.region"() ({
        %run_scoped3A_55 = tpu.sem_alloc : memref<!tpu.dma_semaphore, #tpu.memory_space<semaphore_mem>>
        %dma_start3A_56 = arith.constant 0 : i32
        %dma_start3A_57 = arith.constant 0 : i32
        %dma_start3A_58 = tpu.memref_slice %arg21[%dma_start3A_56, %dma_start3A_57] : memref<1280x128xf32, #tpu.memory_space<vmem_shared>> -> memref<1280x128xf32, #tpu.memory_space<vmem_shared>>
        tpu.enqueue_indirect_dma source(%arg18 : memref<128x128xf32, #tpu.memory_space<vmem>>) target(%dma_start3A_58 : memref<1280x128xf32, #tpu.memory_space<vmem_shared>>) offsets(%arg13 : memref<128xi32, #tpu.memory_space<vmem>>) semaphore(%run_scoped3A_55 : memref<!tpu.dma_semaphore, #tpu.memory_space<semaphore_mem>>) {add = true}
        %dma_wait3A_59 = arith.constant 0 : i32
        %dma_wait3A_60 = arith.constant 0 : i32
        %dma_wait3A_61 = tpu.memref_slice %arg21[%dma_wait3A_59, %dma_wait3A_60] : memref<1280x128xf32, #tpu.memory_space<vmem_shared>> -> memref<1280x128xf32, #tpu.memory_space<vmem_shared>>
        tpu.wait_indirect_dma semaphore(%run_scoped3A_55 : memref<!tpu.dma_semaphore, #tpu.memory_space<semaphore_mem>>) src(%arg18 : memref<128x128xf32, #tpu.memory_space<vmem>>) dst(%dma_wait3A_61 : memref<1280x128xf32, #tpu.memory_space<vmem_shared>>)
        tpu.yield
      }) : () -> ()
      %scan3A_54 = arith.constant 0 : i32
      scf.yield %scan3A_54 : i32
    }
    %scan3A_19 = arith.constant 40 : i32
    %barrier3A_20 = arith.constant 0 : index
    tpu.barrier barrier_id(%barrier3A_20)
    %mul3A_21 = arith.constant 80 : i32
    %mul3A_22 = arith.muli %arg1, %mul3A_21 : i32
    %mul3A_23 = arith.constant 80 : i32
    %mul3A_24 = arith.muli %arg1, %mul3A_23 : i32
    "tpu.region"() ({
      %run_scoped3A_25 = tpu.sem_alloc : memref<!tpu.dma_semaphore, #tpu.memory_space<semaphore_mem>>
      %dma_start3A = arith.constant 0 : i32
      %dma_start3A_26 = tpu.memref_slice %arg10[%arg0, %mul3A_24, %dma_start3A] : memref<2x1280x128xf32, #tpu.memory_space<hbm>> -> memref<1x80x128xf32, #tpu.memory_space<hbm>>
      %dma_start3A_27 = tpu.memref_squeeze %dma_start3A_26 : memref<1x80x128xf32, #tpu.memory_space<hbm>> -> memref<80x128xf32, #tpu.memory_space<hbm>>
      %dma_start3A_28 = arith.constant 0 : i32
      %dma_start3A_29 = tpu.memref_slice %arg21[%mul3A_22, %dma_start3A_28] : memref<1280x128xf32, #tpu.memory_space<vmem_shared>> -> memref<80x128xf32, #tpu.memory_space<vmem_shared>>
      tpu.enqueue_dma source(%dma_start3A_29 : memref<80x128xf32, #tpu.memory_space<vmem_shared>>) target(%dma_start3A_27 : memref<80x128xf32, #tpu.memory_space<hbm>>) target_semaphore(%run_scoped3A_25 : memref<!tpu.dma_semaphore, #tpu.memory_space<semaphore_mem>>)
      %dma_wait3A = arith.constant 0 : i32
      %dma_wait3A_30 = tpu.memref_slice %arg10[%arg0, %mul3A_24, %dma_wait3A] : memref<2x1280x128xf32, #tpu.memory_space<hbm>> -> memref<1x80x128xf32, #tpu.memory_space<hbm>>
      %dma_wait3A_31 = tpu.memref_squeeze %dma_wait3A_30 : memref<1x80x128xf32, #tpu.memory_space<hbm>> -> memref<80x128xf32, #tpu.memory_space<hbm>>
      %dma_wait3A_32 = arith.constant 0 : i32
      %dma_wait3A_33 = tpu.memref_slice %arg21[%mul3A_22, %dma_wait3A_32] : memref<1280x128xf32, #tpu.memory_space<vmem_shared>> -> memref<80x128xf32, #tpu.memory_space<vmem_shared>>
      tpu.wait_dma2 semaphore(%run_scoped3A_25 : memref<!tpu.dma_semaphore, #tpu.memory_space<semaphore_mem>>) src(%dma_wait3A_33 : memref<80x128xf32, #tpu.memory_space<vmem_shared>>) dst(%dma_wait3A_31 : memref<80x128xf32, #tpu.memory_space<hbm>>)
      tpu.yield
    }) : () -> ()
    return
  }
}

#map = affine_map<(d0, d1) -> (0)>
#map1 = affine_map<(d0, d1) -> (0, 0)>
#map2 = affine_map<(d0, d1) -> (0, 0, 0)>
module attributes {stable_mosaic.version = 14 : i64} {
  func.func @kc(%arg0: i32, %arg1: i32, %arg2: memref<163840xi32, #tpu.memory_space<hbm>>, %arg3: memref<163840xi32, #tpu.memory_space<hbm>>, %arg4: memref<20480x128xf32, #tpu.memory_space<hbm>>, %arg5: memref<163840x128xf32, #tpu.memory_space<hbm>>, %arg6: memref<640x128xf32, #tpu.memory_space<hbm>>, %arg7: memref<16x10240x128xf32, #tpu.memory_space<hbm>>, %arg8: memref<128xi32, #tpu.memory_space<vmem>>, %arg9: memref<128xi32, #tpu.memory_space<vmem>>, %arg10: memref<128x128xf32, #tpu.memory_space<vmem>>, %arg11: memref<16x128xf32, #tpu.memory_space<vmem>>, %arg12: memref<10240x128xf32, #tpu.memory_space<vmem_shared>>, %arg13: memref<!tpu.dma_semaphore, #tpu.memory_space<semaphore_mem>>) attributes {dimension_semantics = [#tpu.dimension_semantics<core_parallel>, #tpu.dimension_semantics<subcore_parallel>], iteration_bounds = array<i64: 2, 16>, scalar_prefetch = 0 : i64, scratch_operands = 6 : i64, tpu.core_type = #tpu.core_type<sc_vector_subcore>, window_params = [{transform_indices = #map}, {transform_indices = #map}, {transform_indices = #map1}, {transform_indices = #map1}, {transform_indices = #map1}, {transform_indices = #map2}]} {
    %mul3A = arith.constant 10240 : i32
    %mul3A_0 = arith.muli %arg1, %mul3A : i32
    %scan3A = arith.constant 0 : i32
    %scan3A_1 = arith.constant 0 : i32
    %scan3A_2 = arith.constant 8 : i32
    %scan3A_3 = arith.addi %scan3A_1, %scan3A_2 : i32
    %scan3A_4 = arith.constant 1 : i32
    %scan3A_5 = scf.for %scan3A_7 = %scan3A_1 to %scan3A_3 step %scan3A_4 iter_args(%scan3A_8 = %scan3A) -> (i32)  : i32 {
      %mul3A_9 = arith.constant 8 : i32
      %mul3A_10 = arith.muli %arg0, %mul3A_9 : i32
      %add3A = arith.addi %mul3A_10, %scan3A_7 : i32
      %jit3A = arith.constant 2 : i32
      %div3A = arith.divsi %add3A, %jit3A : i32
      %sign3A = arith.constant 0 : i32
      %sign3A_11 = arith.cmpi sgt, %add3A, %sign3A : i32
      %sign3A_12 = arith.extui %sign3A_11 : i1 to i32
      %sign3A_13 = arith.constant 0 : i32
      %sign3A_14 = arith.cmpi slt, %add3A, %sign3A_13 : i32
      %sign3A_15 = arith.extui %sign3A_14 : i1 to i32
      %sign3A_16 = arith.subi %sign3A_12, %sign3A_15 : i32
      %sign3A_17 = arith.constant 0 : i32
      %sign3A_18 = arith.cmpi sgt, %jit3A, %sign3A_17 : i32
      %sign3A_19 = arith.extui %sign3A_18 : i1 to i32
      %sign3A_20 = arith.constant 0 : i32
      %sign3A_21 = arith.cmpi slt, %jit3A, %sign3A_20 : i32
      %sign3A_22 = arith.extui %sign3A_21 : i1 to i32
      %sign3A_23 = arith.subi %sign3A_19, %sign3A_22 : i32
      %ne3A = arith.cmpi ne, %sign3A_16, %sign3A_23 : i32
      %rem3A = arith.remsi %add3A, %jit3A : i32
      %ne3A_24 = arith.constant 0 : i32
      %ne3A_25 = arith.cmpi ne, %rem3A, %ne3A_24 : i32
      %and3A = arith.andi %ne3A, %ne3A_25 : i1
      %sub3A = arith.constant 1 : i32
      %sub3A_26 = arith.subi %div3A, %sub3A : i32
      %select_n3A = arith.select %and3A, %sub3A_26, %div3A : i32
      %mul3A_27 = arith.constant 10240 : i32
      %mul3A_28 = arith.muli %add3A, %mul3A_27 : i32
      %mul3A_29 = arith.constant 640 : i32
      %mul3A_30 = arith.muli %arg1, %mul3A_29 : i32
      "tpu.region"() ({
        %run_scoped3A = tpu.sem_alloc : memref<!tpu.dma_semaphore, #tpu.memory_space<semaphore_mem>>
        %dma_start3A = arith.constant 0 : i32
        %dma_start3A_45 = tpu.memref_slice %arg12[%mul3A_30, %dma_start3A] : memref<10240x128xf32, #tpu.memory_space<vmem_shared>> -> memref<640x128xf32, #tpu.memory_space<vmem_shared>>
        tpu.enqueue_dma source(%arg6 : memref<640x128xf32, #tpu.memory_space<hbm>>) target(%dma_start3A_45 : memref<640x128xf32, #tpu.memory_space<vmem_shared>>) target_semaphore(%run_scoped3A : memref<!tpu.dma_semaphore, #tpu.memory_space<semaphore_mem>>)
        %dma_wait3A = arith.constant 0 : i32
        %dma_wait3A_46 = tpu.memref_slice %arg12[%mul3A_30, %dma_wait3A] : memref<10240x128xf32, #tpu.memory_space<vmem_shared>> -> memref<640x128xf32, #tpu.memory_space<vmem_shared>>
        tpu.wait_dma2 semaphore(%run_scoped3A : memref<!tpu.dma_semaphore, #tpu.memory_space<semaphore_mem>>) src(%arg6 : memref<640x128xf32, #tpu.memory_space<hbm>>) dst(%dma_wait3A_46 : memref<640x128xf32, #tpu.memory_space<vmem_shared>>)
        tpu.yield
      }) : () -> ()
      %barrier3A = arith.constant 0 : index
      tpu.barrier barrier_id(%barrier3A)
      %scan3A_31 = arith.constant 0 : i32
      %scan3A_32 = arith.constant 0 : i32
      %scan3A_33 = arith.constant 80 : i32
      %scan3A_34 = arith.addi %scan3A_32, %scan3A_33 : i32
      %scan3A_35 = arith.constant 1 : i32
      %scan3A_36 = scf.for %scan3A_45 = %scan3A_32 to %scan3A_34 step %scan3A_35 iter_args(%scan3A_46 = %scan3A_31) -> (i32)  : i32 {
        %mul3A_47 = arith.constant 128 : i32
        %mul3A_48 = arith.muli %scan3A_45, %mul3A_47 : i32
        %add3A_49 = arith.addi %mul3A_0, %mul3A_48 : i32
        "tpu.region"() ({
          %run_scoped3A = tpu.sem_alloc : memref<!tpu.dma_semaphore, #tpu.memory_space<semaphore_mem>>
          %dma_start3A_70 = tpu.memref_slice %arg2[%add3A_49] : memref<163840xi32, #tpu.memory_space<hbm>> -> memref<128xi32, #tpu.memory_space<hbm>>
          %dma_start3A_71 = tpu.memref_slice %arg2[%add3A_49] : memref<163840xi32, #tpu.memory_space<hbm>> -> memref<128xi32, #tpu.memory_space<hbm>>
          tpu.enqueue_dma source(%dma_start3A_71 : memref<128xi32, #tpu.memory_space<hbm>>) target(%arg8 : memref<128xi32, #tpu.memory_space<vmem>>) target_semaphore(%run_scoped3A : memref<!tpu.dma_semaphore, #tpu.memory_space<semaphore_mem>>)
          %dma_wait3A_72 = tpu.memref_slice %arg2[%add3A_49] : memref<163840xi32, #tpu.memory_space<hbm>> -> memref<128xi32, #tpu.memory_space<hbm>>
          %dma_wait3A_73 = tpu.memref_slice %arg2[%add3A_49] : memref<163840xi32, #tpu.memory_space<hbm>> -> memref<128xi32, #tpu.memory_space<hbm>>
          tpu.wait_dma2 semaphore(%run_scoped3A : memref<!tpu.dma_semaphore, #tpu.memory_space<semaphore_mem>>) src(%dma_wait3A_73 : memref<128xi32, #tpu.memory_space<hbm>>) dst(%arg8 : memref<128xi32, #tpu.memory_space<vmem>>)
          tpu.yield
        }) : () -> ()
        "tpu.region"() ({
          %run_scoped3A = tpu.sem_alloc : memref<!tpu.dma_semaphore, #tpu.memory_space<semaphore_mem>>
          %dma_start3A_70 = tpu.memref_slice %arg3[%add3A_49] : memref<163840xi32, #tpu.memory_space<hbm>> -> memref<128xi32, #tpu.memory_space<hbm>>
          %dma_start3A_71 = tpu.memref_slice %arg3[%add3A_49] : memref<163840xi32, #tpu.memory_space<hbm>> -> memref<128xi32, #tpu.memory_space<hbm>>
          tpu.enqueue_dma source(%dma_start3A_71 : memref<128xi32, #tpu.memory_space<hbm>>) target(%arg9 : memref<128xi32, #tpu.memory_space<vmem>>) target_semaphore(%run_scoped3A : memref<!tpu.dma_semaphore, #tpu.memory_space<semaphore_mem>>)
          %dma_wait3A_72 = tpu.memref_slice %arg3[%add3A_49] : memref<163840xi32, #tpu.memory_space<hbm>> -> memref<128xi32, #tpu.memory_space<hbm>>
          %dma_wait3A_73 = tpu.memref_slice %arg3[%add3A_49] : memref<163840xi32, #tpu.memory_space<hbm>> -> memref<128xi32, #tpu.memory_space<hbm>>
          tpu.wait_dma2 semaphore(%run_scoped3A : memref<!tpu.dma_semaphore, #tpu.memory_space<semaphore_mem>>) src(%dma_wait3A_73 : memref<128xi32, #tpu.memory_space<hbm>>) dst(%arg9 : memref<128xi32, #tpu.memory_space<vmem>>)
          tpu.yield
        }) : () -> ()
        %shift_right_logical3A = arith.constant 3 : i32
        %shift_right_logical3A_50 = arith.shrui %add3A_49, %shift_right_logical3A : i32
        %multiple_of3A = tpu.assume_multiple %shift_right_logical3A_50, 16 : i32
        "tpu.region"() ({
          %run_scoped3A = tpu.sem_alloc : memref<!tpu.dma_semaphore, #tpu.memory_space<semaphore_mem>>
          %dma_start3A_70 = arith.constant 0 : i32
          %dma_start3A_71 = tpu.memref_slice %arg4[%multiple_of3A, %dma_start3A_70] : memref<20480x128xf32, #tpu.memory_space<hbm>> -> memref<16x128xf32, #tpu.memory_space<hbm>>
          %dma_start3A_72 = arith.constant 0 : i32
          %dma_start3A_73 = tpu.memref_slice %arg4[%multiple_of3A, %dma_start3A_72] : memref<20480x128xf32, #tpu.memory_space<hbm>> -> memref<16x128xf32, #tpu.memory_space<hbm>>
          tpu.enqueue_dma source(%dma_start3A_73 : memref<16x128xf32, #tpu.memory_space<hbm>>) target(%arg11 : memref<16x128xf32, #tpu.memory_space<vmem>>) target_semaphore(%run_scoped3A : memref<!tpu.dma_semaphore, #tpu.memory_space<semaphore_mem>>)
          %dma_wait3A_74 = arith.constant 0 : i32
          %dma_wait3A_75 = tpu.memref_slice %arg4[%multiple_of3A, %dma_wait3A_74] : memref<20480x128xf32, #tpu.memory_space<hbm>> -> memref<16x128xf32, #tpu.memory_space<hbm>>
          %dma_wait3A_76 = arith.constant 0 : i32
          %dma_wait3A_77 = tpu.memref_slice %arg4[%multiple_of3A, %dma_wait3A_76] : memref<20480x128xf32, #tpu.memory_space<hbm>> -> memref<16x128xf32, #tpu.memory_space<hbm>>
          tpu.wait_dma2 semaphore(%run_scoped3A : memref<!tpu.dma_semaphore, #tpu.memory_space<semaphore_mem>>) src(%dma_wait3A_77 : memref<16x128xf32, #tpu.memory_space<hbm>>) dst(%arg11 : memref<16x128xf32, #tpu.memory_space<vmem>>)
          tpu.yield
        }) : () -> ()
        %scan3A_51 = arith.constant 0 : i32
        %scan3A_52 = arith.constant 0 : i32
        %scan3A_53 = arith.constant 8 : i32
        %scan3A_54 = arith.addi %scan3A_52, %scan3A_53 : i32
        %scan3A_55 = arith.constant 4 : i32
        %scan3A_56 = scf.for %scan3A_70 = %scan3A_52 to %scan3A_54 step %scan3A_55 iter_args(%scan3A_71 = %scan3A_51) -> (i32)  : i32 {
          %mul3A_72 = arith.constant 16 : i32
          %mul3A_73 = arith.muli %scan3A_70, %mul3A_72 : i32
          %get3A = arith.index_cast %mul3A_73 : i32 to index
          %get3A_74 = tpu.vector_load %arg8[%get3A] {strides = array<i32>} : memref<128xi32, #tpu.memory_space<vmem>>, vector<16xi32>,
          %get3A_75 = vector.shape_cast %get3A_74 : vector<16xi32> to vector<16xi32>
          %add3A_76 = vector.broadcast %mul3A_28 : i32 to vector<16xi32>
          %add3A_77 = arith.addi %get3A_75, %add3A_76 : vector<16xi32>
          %mul3A_78 = arith.constant 16 : i32
          %mul3A_79 = arith.muli %scan3A_70, %mul3A_78 : i32
          %swap3A = arith.index_cast %mul3A_79 : i32 to index
          %swap3A_80 = tpu.vector_load %arg8[%swap3A] {strides = array<i32>} : memref<128xi32, #tpu.memory_space<vmem>>, vector<16xi32>,
          %swap3A_81 = vector.shape_cast %swap3A_80 : vector<16xi32> to vector<16xi32>
          %swap3A_82 = vector.shape_cast %add3A_77 : vector<16xi32> to vector<16xi32>
          tpu.vector_store %arg8[%swap3A], %swap3A_82 {strides = array<i32>} : memref<128xi32, #tpu.memory_space<vmem>>, vector<16xi32>,
          %scan3A_83 = arith.constant 0 : i32
          %scan3A_84 = arith.constant 1 : i32
          %scan3A_85 = arith.addi %scan3A_70, %scan3A_84 : i32
          %mul3A_86 = arith.constant 16 : i32
          %mul3A_87 = arith.muli %scan3A_85, %mul3A_86 : i32
          %get3A_88 = arith.index_cast %mul3A_87 : i32 to index
          %get3A_89 = tpu.vector_load %arg8[%get3A_88] {strides = array<i32>} : memref<128xi32, #tpu.memory_space<vmem>>, vector<16xi32>,
          %get3A_90 = vector.shape_cast %get3A_89 : vector<16xi32> to vector<16xi32>
          %add3A_91 = vector.broadcast %mul3A_28 : i32 to vector<16xi32>
          %add3A_92 = arith.addi %get3A_90, %add3A_91 : vector<16xi32>
          %mul3A_93 = arith.constant 16 : i32
          %mul3A_94 = arith.muli %scan3A_85, %mul3A_93 : i32
          %swap3A_95 = arith.index_cast %mul3A_94 : i32 to index
          %swap3A_96 = tpu.vector_load %arg8[%swap3A_95] {strides = array<i32>} : memref<128xi32, #tpu.memory_space<vmem>>, vector<16xi32>,
          %swap3A_97 = vector.shape_cast %swap3A_96 : vector<16xi32> to vector<16xi32>
          %swap3A_98 = vector.shape_cast %add3A_92 : vector<16xi32> to vector<16xi32>
          tpu.vector_store %arg8[%swap3A_95], %swap3A_98 {strides = array<i32>} : memref<128xi32, #tpu.memory_space<vmem>>, vector<16xi32>,
          %scan3A_99 = arith.constant 0 : i32
          %scan3A_100 = arith.constant 2 : i32
          %scan3A_101 = arith.addi %scan3A_70, %scan3A_100 : i32
          %mul3A_102 = arith.constant 16 : i32
          %mul3A_103 = arith.muli %scan3A_101, %mul3A_102 : i32
          %get3A_104 = arith.index_cast %mul3A_103 : i32 to index
          %get3A_105 = tpu.vector_load %arg8[%get3A_104] {strides = array<i32>} : memref<128xi32, #tpu.memory_space<vmem>>, vector<16xi32>,
          %get3A_106 = vector.shape_cast %get3A_105 : vector<16xi32> to vector<16xi32>
          %add3A_107 = vector.broadcast %mul3A_28 : i32 to vector<16xi32>
          %add3A_108 = arith.addi %get3A_106, %add3A_107 : vector<16xi32>
          %mul3A_109 = arith.constant 16 : i32
          %mul3A_110 = arith.muli %scan3A_101, %mul3A_109 : i32
          %swap3A_111 = arith.index_cast %mul3A_110 : i32 to index
          %swap3A_112 = tpu.vector_load %arg8[%swap3A_111] {strides = array<i32>} : memref<128xi32, #tpu.memory_space<vmem>>, vector<16xi32>,
          %swap3A_113 = vector.shape_cast %swap3A_112 : vector<16xi32> to vector<16xi32>
          %swap3A_114 = vector.shape_cast %add3A_108 : vector<16xi32> to vector<16xi32>
          tpu.vector_store %arg8[%swap3A_111], %swap3A_114 {strides = array<i32>} : memref<128xi32, #tpu.memory_space<vmem>>, vector<16xi32>,
          %scan3A_115 = arith.constant 0 : i32
          %scan3A_116 = arith.constant 3 : i32
          %scan3A_117 = arith.addi %scan3A_70, %scan3A_116 : i32
          %mul3A_118 = arith.constant 16 : i32
          %mul3A_119 = arith.muli %scan3A_117, %mul3A_118 : i32
          %get3A_120 = arith.index_cast %mul3A_119 : i32 to index
          %get3A_121 = tpu.vector_load %arg8[%get3A_120] {strides = array<i32>} : memref<128xi32, #tpu.memory_space<vmem>>, vector<16xi32>,
          %get3A_122 = vector.shape_cast %get3A_121 : vector<16xi32> to vector<16xi32>
          %add3A_123 = vector.broadcast %mul3A_28 : i32 to vector<16xi32>
          %add3A_124 = arith.addi %get3A_122, %add3A_123 : vector<16xi32>
          %mul3A_125 = arith.constant 16 : i32
          %mul3A_126 = arith.muli %scan3A_117, %mul3A_125 : i32
          %swap3A_127 = arith.index_cast %mul3A_126 : i32 to index
          %swap3A_128 = tpu.vector_load %arg8[%swap3A_127] {strides = array<i32>} : memref<128xi32, #tpu.memory_space<vmem>>, vector<16xi32>,
          %swap3A_129 = vector.shape_cast %swap3A_128 : vector<16xi32> to vector<16xi32>
          %swap3A_130 = vector.shape_cast %add3A_124 : vector<16xi32> to vector<16xi32>
          tpu.vector_store %arg8[%swap3A_127], %swap3A_130 {strides = array<i32>} : memref<128xi32, #tpu.memory_space<vmem>>, vector<16xi32>,
          %scan3A_131 = arith.constant 0 : i32
          scf.yield %scan3A_131 : i32
        }
        %scan3A_57 = arith.constant 8 : i32
        %dma_start3A = arith.constant 0 : i32
        %dma_start3A_58 = arith.constant 0 : i32
        %dma_start3A_59 = tpu.memref_slice %arg5[%dma_start3A, %dma_start3A_58] : memref<163840x128xf32, #tpu.memory_space<hbm>> -> memref<163840x128xf32, #tpu.memory_space<hbm>>
        tpu.enqueue_indirect_dma source(%dma_start3A_59 : memref<163840x128xf32, #tpu.memory_space<hbm>>) target(%arg10 : memref<128x128xf32, #tpu.memory_space<vmem>>) offsets(%arg8 : memref<128xi32, #tpu.memory_space<vmem>>) semaphore(%arg13 : memref<!tpu.dma_semaphore, #tpu.memory_space<semaphore_mem>>)
        %dma_wait3A = arith.constant 0 : i32
        %dma_wait3A_60 = arith.constant 0 : i32
        %dma_wait3A_61 = tpu.memref_slice %arg5[%dma_wait3A, %dma_wait3A_60] : memref<163840x128xf32, #tpu.memory_space<hbm>> -> memref<163840x128xf32, #tpu.memory_space<hbm>>
        tpu.wait_indirect_dma semaphore(%arg13 : memref<!tpu.dma_semaphore, #tpu.memory_space<semaphore_mem>>) src(%dma_wait3A_61 : memref<163840x128xf32, #tpu.memory_space<hbm>>) dst(%arg10 : memref<128x128xf32, #tpu.memory_space<vmem>>)
        %scan3A_62 = arith.constant 0 : i32
        %scan3A_63 = arith.constant 0 : i32
        %scan3A_64 = arith.constant 128 : i32
        %scan3A_65 = arith.addi %scan3A_63, %scan3A_64 : i32
        %scan3A_66 = arith.constant 2 : i32
        %scan3A_67 = scf.for %scan3A_70 = %scan3A_63 to %scan3A_65 step %scan3A_66 iter_args(%scan3A_71 = %scan3A_62) -> (i32)  : i32 {
          %shift_right_arithmetic3A = arith.constant 3 : i32
          %shift_right_arithmetic3A_72 = arith.shrsi %scan3A_70, %shift_right_arithmetic3A : i32
          %and3A_73 = arith.constant 7 : i32
          %and3A_74 = arith.andi %scan3A_70, %and3A_73 : i32
          %mul3A_75 = arith.constant 16 : i32
          %mul3A_76 = arith.muli %and3A_74, %mul3A_75 : i32
          %get3A = arith.index_cast %shift_right_arithmetic3A_72 : i32 to index
          %get3A_77 = arith.index_cast %mul3A_76 : i32 to index
          %get3A_78 = tpu.vector_load %arg11[%get3A, %get3A_77] {strides = array<i32>} : memref<16x128xf32, #tpu.memory_space<vmem>>, vector<1x16xf32>,
          %get3A_79 = vector.shape_cast %get3A_78 : vector<1x16xf32> to vector<16xf32>
          %broadcast_in_dim3A = vector.broadcast %select_n3A : i32 to vector<16xi32>
          %broadcast_in_dim3A_80 = vector.shape_cast %broadcast_in_dim3A : vector<16xi32> to vector<16x1xi32>
          %gather3A = vector.shape_cast %broadcast_in_dim3A_80 : vector<16x1xi32> to vector<16xi32>
          %gather3A_81 = tpu.dynamic_gather %get3A_79[%gather3A] in [0] : vector<16xf32>, vector<16xi32> -> vector<16xf32>
          %get3A_82 = arith.index_cast %scan3A_70 : i32 to index
          %get3A_83 = arith.constant 0 : index
          %get3A_84 = tpu.vector_load %arg10[%get3A_82, %get3A_83] {strides = array<i32>} : memref<128x128xf32, #tpu.memory_space<vmem>>, vector<1x16xf32>,
          %get3A_85 = vector.shape_cast %get3A_84 : vector<1x16xf32> to vector<16xf32>
          %mul3A_86 = arith.mulf %get3A_85, %gather3A_81 : vector<16xf32>
          %swap3A = arith.index_cast %scan3A_70 : i32 to index
          %swap3A_87 = arith.constant 0 : index
          %swap3A_88 = tpu.vector_load %arg10[%swap3A, %swap3A_87] {strides = array<i32>} : memref<128x128xf32, #tpu.memory_space<vmem>>, vector<1x16xf32>,
          %swap3A_89 = vector.shape_cast %swap3A_88 : vector<1x16xf32> to vector<16xf32>
          %swap3A_90 = vector.shape_cast %mul3A_86 : vector<16xf32> to vector<1x16xf32>
          tpu.vector_store %arg10[%swap3A, %swap3A_87], %swap3A_90 {strides = array<i32>} : memref<128x128xf32, #tpu.memory_space<vmem>>, vector<1x16xf32>,
          %get3A_91 = arith.index_cast %scan3A_70 : i32 to index
          %get3A_92 = arith.constant 16 : index
          %get3A_93 = tpu.vector_load %arg10[%get3A_91, %get3A_92] {strides = array<i32>} : memref<128x128xf32, #tpu.memory_space<vmem>>, vector<1x16xf32>,
          %get3A_94 = vector.shape_cast %get3A_93 : vector<1x16xf32> to vector<16xf32>
          %mul3A_95 = arith.mulf %get3A_94, %gather3A_81 : vector<16xf32>
          %swap3A_96 = arith.index_cast %scan3A_70 : i32 to index
          %swap3A_97 = arith.constant 16 : index
          %swap3A_98 = tpu.vector_load %arg10[%swap3A_96, %swap3A_97] {strides = array<i32>} : memref<128x128xf32, #tpu.memory_space<vmem>>, vector<1x16xf32>,
          %swap3A_99 = vector.shape_cast %swap3A_98 : vector<1x16xf32> to vector<16xf32>
          %swap3A_100 = vector.shape_cast %mul3A_95 : vector<16xf32> to vector<1x16xf32>
          tpu.vector_store %arg10[%swap3A_96, %swap3A_97], %swap3A_100 {strides = array<i32>} : memref<128x128xf32, #tpu.memory_space<vmem>>, vector<1x16xf32>,
          %get3A_101 = arith.index_cast %scan3A_70 : i32 to index
          %get3A_102 = arith.constant 32 : index
          %get3A_103 = tpu.vector_load %arg10[%get3A_101, %get3A_102] {strides = array<i32>} : memref<128x128xf32, #tpu.memory_space<vmem>>, vector<1x16xf32>,
          %get3A_104 = vector.shape_cast %get3A_103 : vector<1x16xf32> to vector<16xf32>
          %mul3A_105 = arith.mulf %get3A_104, %gather3A_81 : vector<16xf32>
          %swap3A_106 = arith.index_cast %scan3A_70 : i32 to index
          %swap3A_107 = arith.constant 32 : index
          %swap3A_108 = tpu.vector_load %arg10[%swap3A_106, %swap3A_107] {strides = array<i32>} : memref<128x128xf32, #tpu.memory_space<vmem>>, vector<1x16xf32>,
          %swap3A_109 = vector.shape_cast %swap3A_108 : vector<1x16xf32> to vector<16xf32>
          %swap3A_110 = vector.shape_cast %mul3A_105 : vector<16xf32> to vector<1x16xf32>
          tpu.vector_store %arg10[%swap3A_106, %swap3A_107], %swap3A_110 {strides = array<i32>} : memref<128x128xf32, #tpu.memory_space<vmem>>, vector<1x16xf32>,
          %get3A_111 = arith.index_cast %scan3A_70 : i32 to index
          %get3A_112 = arith.constant 48 : index
          %get3A_113 = tpu.vector_load %arg10[%get3A_111, %get3A_112] {strides = array<i32>} : memref<128x128xf32, #tpu.memory_space<vmem>>, vector<1x16xf32>,
          %get3A_114 = vector.shape_cast %get3A_113 : vector<1x16xf32> to vector<16xf32>
          %mul3A_115 = arith.mulf %get3A_114, %gather3A_81 : vector<16xf32>
          %swap3A_116 = arith.index_cast %scan3A_70 : i32 to index
          %swap3A_117 = arith.constant 48 : index
          %swap3A_118 = tpu.vector_load %arg10[%swap3A_116, %swap3A_117] {strides = array<i32>} : memref<128x128xf32, #tpu.memory_space<vmem>>, vector<1x16xf32>,
          %swap3A_119 = vector.shape_cast %swap3A_118 : vector<1x16xf32> to vector<16xf32>
          %swap3A_120 = vector.shape_cast %mul3A_115 : vector<16xf32> to vector<1x16xf32>
          tpu.vector_store %arg10[%swap3A_116, %swap3A_117], %swap3A_120 {strides = array<i32>} : memref<128x128xf32, #tpu.memory_space<vmem>>, vector<1x16xf32>,
          %get3A_121 = arith.index_cast %scan3A_70 : i32 to index
          %get3A_122 = arith.constant 64 : index
          %get3A_123 = tpu.vector_load %arg10[%get3A_121, %get3A_122] {strides = array<i32>} : memref<128x128xf32, #tpu.memory_space<vmem>>, vector<1x16xf32>,
          %get3A_124 = vector.shape_cast %get3A_123 : vector<1x16xf32> to vector<16xf32>
          %mul3A_125 = arith.mulf %get3A_124, %gather3A_81 : vector<16xf32>
          %swap3A_126 = arith.index_cast %scan3A_70 : i32 to index
          %swap3A_127 = arith.constant 64 : index
          %swap3A_128 = tpu.vector_load %arg10[%swap3A_126, %swap3A_127] {strides = array<i32>} : memref<128x128xf32, #tpu.memory_space<vmem>>, vector<1x16xf32>,
          %swap3A_129 = vector.shape_cast %swap3A_128 : vector<1x16xf32> to vector<16xf32>
          %swap3A_130 = vector.shape_cast %mul3A_125 : vector<16xf32> to vector<1x16xf32>
          tpu.vector_store %arg10[%swap3A_126, %swap3A_127], %swap3A_130 {strides = array<i32>} : memref<128x128xf32, #tpu.memory_space<vmem>>, vector<1x16xf32>,
          %get3A_131 = arith.index_cast %scan3A_70 : i32 to index
          %get3A_132 = arith.constant 80 : index
          %get3A_133 = tpu.vector_load %arg10[%get3A_131, %get3A_132] {strides = array<i32>} : memref<128x128xf32, #tpu.memory_space<vmem>>, vector<1x16xf32>,
          %get3A_134 = vector.shape_cast %get3A_133 : vector<1x16xf32> to vector<16xf32>
          %mul3A_135 = arith.mulf %get3A_134, %gather3A_81 : vector<16xf32>
          %swap3A_136 = arith.index_cast %scan3A_70 : i32 to index
          %swap3A_137 = arith.constant 80 : index
          %swap3A_138 = tpu.vector_load %arg10[%swap3A_136, %swap3A_137] {strides = array<i32>} : memref<128x128xf32, #tpu.memory_space<vmem>>, vector<1x16xf32>,
          %swap3A_139 = vector.shape_cast %swap3A_138 : vector<1x16xf32> to vector<16xf32>
          %swap3A_140 = vector.shape_cast %mul3A_135 : vector<16xf32> to vector<1x16xf32>
          tpu.vector_store %arg10[%swap3A_136, %swap3A_137], %swap3A_140 {strides = array<i32>} : memref<128x128xf32, #tpu.memory_space<vmem>>, vector<1x16xf32>,
          %get3A_141 = arith.index_cast %scan3A_70 : i32 to index
          %get3A_142 = arith.constant 96 : index
          %get3A_143 = tpu.vector_load %arg10[%get3A_141, %get3A_142] {strides = array<i32>} : memref<128x128xf32, #tpu.memory_space<vmem>>, vector<1x16xf32>,
          %get3A_144 = vector.shape_cast %get3A_143 : vector<1x16xf32> to vector<16xf32>
          %mul3A_145 = arith.mulf %get3A_144, %gather3A_81 : vector<16xf32>
          %swap3A_146 = arith.index_cast %scan3A_70 : i32 to index
          %swap3A_147 = arith.constant 96 : index
          %swap3A_148 = tpu.vector_load %arg10[%swap3A_146, %swap3A_147] {strides = array<i32>} : memref<128x128xf32, #tpu.memory_space<vmem>>, vector<1x16xf32>,
          %swap3A_149 = vector.shape_cast %swap3A_148 : vector<1x16xf32> to vector<16xf32>
          %swap3A_150 = vector.shape_cast %mul3A_145 : vector<16xf32> to vector<1x16xf32>
          tpu.vector_store %arg10[%swap3A_146, %swap3A_147], %swap3A_150 {strides = array<i32>} : memref<128x128xf32, #tpu.memory_space<vmem>>, vector<1x16xf32>,
          %get3A_151 = arith.index_cast %scan3A_70 : i32 to index
          %get3A_152 = arith.constant 112 : index
          %get3A_153 = tpu.vector_load %arg10[%get3A_151, %get3A_152] {strides = array<i32>} : memref<128x128xf32, #tpu.memory_space<vmem>>, vector<1x16xf32>,
          %get3A_154 = vector.shape_cast %get3A_153 : vector<1x16xf32> to vector<16xf32>
          %mul3A_155 = arith.mulf %get3A_154, %gather3A_81 : vector<16xf32>
          %swap3A_156 = arith.index_cast %scan3A_70 : i32 to index
          %swap3A_157 = arith.constant 112 : index
          %swap3A_158 = tpu.vector_load %arg10[%swap3A_156, %swap3A_157] {strides = array<i32>} : memref<128x128xf32, #tpu.memory_space<vmem>>, vector<1x16xf32>,
          %swap3A_159 = vector.shape_cast %swap3A_158 : vector<1x16xf32> to vector<16xf32>
          %swap3A_160 = vector.shape_cast %mul3A_155 : vector<16xf32> to vector<1x16xf32>
          tpu.vector_store %arg10[%swap3A_156, %swap3A_157], %swap3A_160 {strides = array<i32>} : memref<128x128xf32, #tpu.memory_space<vmem>>, vector<1x16xf32>,
          %scan3A_161 = arith.constant 0 : i32
          %scan3A_162 = arith.constant 1 : i32
          %scan3A_163 = arith.addi %scan3A_70, %scan3A_162 : i32
          %shift_right_arithmetic3A_164 = arith.constant 3 : i32
          %shift_right_arithmetic3A_165 = arith.shrsi %scan3A_163, %shift_right_arithmetic3A_164 : i32
          %and3A_166 = arith.constant 7 : i32
          %and3A_167 = arith.andi %scan3A_163, %and3A_166 : i32
          %mul3A_168 = arith.constant 16 : i32
          %mul3A_169 = arith.muli %and3A_167, %mul3A_168 : i32
          %get3A_170 = arith.index_cast %shift_right_arithmetic3A_165 : i32 to index
          %get3A_171 = arith.index_cast %mul3A_169 : i32 to index
          %get3A_172 = tpu.vector_load %arg11[%get3A_170, %get3A_171] {strides = array<i32>} : memref<16x128xf32, #tpu.memory_space<vmem>>, vector<1x16xf32>,
          %get3A_173 = vector.shape_cast %get3A_172 : vector<1x16xf32> to vector<16xf32>
          %broadcast_in_dim3A_174 = vector.broadcast %select_n3A : i32 to vector<16xi32>
          %broadcast_in_dim3A_175 = vector.shape_cast %broadcast_in_dim3A_174 : vector<16xi32> to vector<16x1xi32>
          %gather3A_176 = vector.shape_cast %broadcast_in_dim3A_175 : vector<16x1xi32> to vector<16xi32>
          %gather3A_177 = tpu.dynamic_gather %get3A_173[%gather3A_176] in [0] : vector<16xf32>, vector<16xi32> -> vector<16xf32>
          %get3A_178 = arith.index_cast %scan3A_163 : i32 to index
          %get3A_179 = arith.constant 0 : index
          %get3A_180 = tpu.vector_load %arg10[%get3A_178, %get3A_179] {strides = array<i32>} : memref<128x128xf32, #tpu.memory_space<vmem>>, vector<1x16xf32>,
          %get3A_181 = vector.shape_cast %get3A_180 : vector<1x16xf32> to vector<16xf32>
          %mul3A_182 = arith.mulf %get3A_181, %gather3A_177 : vector<16xf32>
          %swap3A_183 = arith.index_cast %scan3A_163 : i32 to index
          %swap3A_184 = arith.constant 0 : index
          %swap3A_185 = tpu.vector_load %arg10[%swap3A_183, %swap3A_184] {strides = array<i32>} : memref<128x128xf32, #tpu.memory_space<vmem>>, vector<1x16xf32>,
          %swap3A_186 = vector.shape_cast %swap3A_185 : vector<1x16xf32> to vector<16xf32>
          %swap3A_187 = vector.shape_cast %mul3A_182 : vector<16xf32> to vector<1x16xf32>
          tpu.vector_store %arg10[%swap3A_183, %swap3A_184], %swap3A_187 {strides = array<i32>} : memref<128x128xf32, #tpu.memory_space<vmem>>, vector<1x16xf32>,
          %get3A_188 = arith.index_cast %scan3A_163 : i32 to index
          %get3A_189 = arith.constant 16 : index
          %get3A_190 = tpu.vector_load %arg10[%get3A_188, %get3A_189] {strides = array<i32>} : memref<128x128xf32, #tpu.memory_space<vmem>>, vector<1x16xf32>,
          %get3A_191 = vector.shape_cast %get3A_190 : vector<1x16xf32> to vector<16xf32>
          %mul3A_192 = arith.mulf %get3A_191, %gather3A_177 : vector<16xf32>
          %swap3A_193 = arith.index_cast %scan3A_163 : i32 to index
          %swap3A_194 = arith.constant 16 : index
          %swap3A_195 = tpu.vector_load %arg10[%swap3A_193, %swap3A_194] {strides = array<i32>} : memref<128x128xf32, #tpu.memory_space<vmem>>, vector<1x16xf32>,
          %swap3A_196 = vector.shape_cast %swap3A_195 : vector<1x16xf32> to vector<16xf32>
          %swap3A_197 = vector.shape_cast %mul3A_192 : vector<16xf32> to vector<1x16xf32>
          tpu.vector_store %arg10[%swap3A_193, %swap3A_194], %swap3A_197 {strides = array<i32>} : memref<128x128xf32, #tpu.memory_space<vmem>>, vector<1x16xf32>,
          %get3A_198 = arith.index_cast %scan3A_163 : i32 to index
          %get3A_199 = arith.constant 32 : index
          %get3A_200 = tpu.vector_load %arg10[%get3A_198, %get3A_199] {strides = array<i32>} : memref<128x128xf32, #tpu.memory_space<vmem>>, vector<1x16xf32>,
          %get3A_201 = vector.shape_cast %get3A_200 : vector<1x16xf32> to vector<16xf32>
          %mul3A_202 = arith.mulf %get3A_201, %gather3A_177 : vector<16xf32>
          %swap3A_203 = arith.index_cast %scan3A_163 : i32 to index
          %swap3A_204 = arith.constant 32 : index
          %swap3A_205 = tpu.vector_load %arg10[%swap3A_203, %swap3A_204] {strides = array<i32>} : memref<128x128xf32, #tpu.memory_space<vmem>>, vector<1x16xf32>,
          %swap3A_206 = vector.shape_cast %swap3A_205 : vector<1x16xf32> to vector<16xf32>
          %swap3A_207 = vector.shape_cast %mul3A_202 : vector<16xf32> to vector<1x16xf32>
          tpu.vector_store %arg10[%swap3A_203, %swap3A_204], %swap3A_207 {strides = array<i32>} : memref<128x128xf32, #tpu.memory_space<vmem>>, vector<1x16xf32>,
          %get3A_208 = arith.index_cast %scan3A_163 : i32 to index
          %get3A_209 = arith.constant 48 : index
          %get3A_210 = tpu.vector_load %arg10[%get3A_208, %get3A_209] {strides = array<i32>} : memref<128x128xf32, #tpu.memory_space<vmem>>, vector<1x16xf32>,
          %get3A_211 = vector.shape_cast %get3A_210 : vector<1x16xf32> to vector<16xf32>
          %mul3A_212 = arith.mulf %get3A_211, %gather3A_177 : vector<16xf32>
          %swap3A_213 = arith.index_cast %scan3A_163 : i32 to index
          %swap3A_214 = arith.constant 48 : index
          %swap3A_215 = tpu.vector_load %arg10[%swap3A_213, %swap3A_214] {strides = array<i32>} : memref<128x128xf32, #tpu.memory_space<vmem>>, vector<1x16xf32>,
          %swap3A_216 = vector.shape_cast %swap3A_215 : vector<1x16xf32> to vector<16xf32>
          %swap3A_217 = vector.shape_cast %mul3A_212 : vector<16xf32> to vector<1x16xf32>
          tpu.vector_store %arg10[%swap3A_213, %swap3A_214], %swap3A_217 {strides = array<i32>} : memref<128x128xf32, #tpu.memory_space<vmem>>, vector<1x16xf32>,
          %get3A_218 = arith.index_cast %scan3A_163 : i32 to index
          %get3A_219 = arith.constant 64 : index
          %get3A_220 = tpu.vector_load %arg10[%get3A_218, %get3A_219] {strides = array<i32>} : memref<128x128xf32, #tpu.memory_space<vmem>>, vector<1x16xf32>,
          %get3A_221 = vector.shape_cast %get3A_220 : vector<1x16xf32> to vector<16xf32>
          %mul3A_222 = arith.mulf %get3A_221, %gather3A_177 : vector<16xf32>
          %swap3A_223 = arith.index_cast %scan3A_163 : i32 to index
          %swap3A_224 = arith.constant 64 : index
          %swap3A_225 = tpu.vector_load %arg10[%swap3A_223, %swap3A_224] {strides = array<i32>} : memref<128x128xf32, #tpu.memory_space<vmem>>, vector<1x16xf32>,
          %swap3A_226 = vector.shape_cast %swap3A_225 : vector<1x16xf32> to vector<16xf32>
          %swap3A_227 = vector.shape_cast %mul3A_222 : vector<16xf32> to vector<1x16xf32>
          tpu.vector_store %arg10[%swap3A_223, %swap3A_224], %swap3A_227 {strides = array<i32>} : memref<128x128xf32, #tpu.memory_space<vmem>>, vector<1x16xf32>,
          %get3A_228 = arith.index_cast %scan3A_163 : i32 to index
          %get3A_229 = arith.constant 80 : index
          %get3A_230 = tpu.vector_load %arg10[%get3A_228, %get3A_229] {strides = array<i32>} : memref<128x128xf32, #tpu.memory_space<vmem>>, vector<1x16xf32>,
          %get3A_231 = vector.shape_cast %get3A_230 : vector<1x16xf32> to vector<16xf32>
          %mul3A_232 = arith.mulf %get3A_231, %gather3A_177 : vector<16xf32>
          %swap3A_233 = arith.index_cast %scan3A_163 : i32 to index
          %swap3A_234 = arith.constant 80 : index
          %swap3A_235 = tpu.vector_load %arg10[%swap3A_233, %swap3A_234] {strides = array<i32>} : memref<128x128xf32, #tpu.memory_space<vmem>>, vector<1x16xf32>,
          %swap3A_236 = vector.shape_cast %swap3A_235 : vector<1x16xf32> to vector<16xf32>
          %swap3A_237 = vector.shape_cast %mul3A_232 : vector<16xf32> to vector<1x16xf32>
          tpu.vector_store %arg10[%swap3A_233, %swap3A_234], %swap3A_237 {strides = array<i32>} : memref<128x128xf32, #tpu.memory_space<vmem>>, vector<1x16xf32>,
          %get3A_238 = arith.index_cast %scan3A_163 : i32 to index
          %get3A_239 = arith.constant 96 : index
          %get3A_240 = tpu.vector_load %arg10[%get3A_238, %get3A_239] {strides = array<i32>} : memref<128x128xf32, #tpu.memory_space<vmem>>, vector<1x16xf32>,
          %get3A_241 = vector.shape_cast %get3A_240 : vector<1x16xf32> to vector<16xf32>
          %mul3A_242 = arith.mulf %get3A_241, %gather3A_177 : vector<16xf32>
          %swap3A_243 = arith.index_cast %scan3A_163 : i32 to index
          %swap3A_244 = arith.constant 96 : index
          %swap3A_245 = tpu.vector_load %arg10[%swap3A_243, %swap3A_244] {strides = array<i32>} : memref<128x128xf32, #tpu.memory_space<vmem>>, vector<1x16xf32>,
          %swap3A_246 = vector.shape_cast %swap3A_245 : vector<1x16xf32> to vector<16xf32>
          %swap3A_247 = vector.shape_cast %mul3A_242 : vector<16xf32> to vector<1x16xf32>
          tpu.vector_store %arg10[%swap3A_243, %swap3A_244], %swap3A_247 {strides = array<i32>} : memref<128x128xf32, #tpu.memory_space<vmem>>, vector<1x16xf32>,
          %get3A_248 = arith.index_cast %scan3A_163 : i32 to index
          %get3A_249 = arith.constant 112 : index
          %get3A_250 = tpu.vector_load %arg10[%get3A_248, %get3A_249] {strides = array<i32>} : memref<128x128xf32, #tpu.memory_space<vmem>>, vector<1x16xf32>,
          %get3A_251 = vector.shape_cast %get3A_250 : vector<1x16xf32> to vector<16xf32>
          %mul3A_252 = arith.mulf %get3A_251, %gather3A_177 : vector<16xf32>
          %swap3A_253 = arith.index_cast %scan3A_163 : i32 to index
          %swap3A_254 = arith.constant 112 : index
          %swap3A_255 = tpu.vector_load %arg10[%swap3A_253, %swap3A_254] {strides = array<i32>} : memref<128x128xf32, #tpu.memory_space<vmem>>, vector<1x16xf32>,
          %swap3A_256 = vector.shape_cast %swap3A_255 : vector<1x16xf32> to vector<16xf32>
          %swap3A_257 = vector.shape_cast %mul3A_252 : vector<16xf32> to vector<1x16xf32>
          tpu.vector_store %arg10[%swap3A_253, %swap3A_254], %swap3A_257 {strides = array<i32>} : memref<128x128xf32, #tpu.memory_space<vmem>>, vector<1x16xf32>,
          %scan3A_258 = arith.constant 0 : i32
          scf.yield %scan3A_258 : i32
        }
        %scan3A_68 = arith.constant 128 : i32
        "tpu.region"() ({
          %run_scoped3A = tpu.sem_alloc : memref<!tpu.dma_semaphore, #tpu.memory_space<semaphore_mem>>
          %dma_start3A_70 = arith.constant 0 : i32
          %dma_start3A_71 = arith.constant 0 : i32
          %dma_start3A_72 = tpu.memref_slice %arg12[%dma_start3A_70, %dma_start3A_71] : memref<10240x128xf32, #tpu.memory_space<vmem_shared>> -> memref<10240x128xf32, #tpu.memory_space<vmem_shared>>
          tpu.enqueue_indirect_dma source(%arg10 : memref<128x128xf32, #tpu.memory_space<vmem>>) target(%dma_start3A_72 : memref<10240x128xf32, #tpu.memory_space<vmem_shared>>) offsets(%arg9 : memref<128xi32, #tpu.memory_space<vmem>>) semaphore(%run_scoped3A : memref<!tpu.dma_semaphore, #tpu.memory_space<semaphore_mem>>) {add = true}
          %dma_wait3A_73 = arith.constant 0 : i32
          %dma_wait3A_74 = arith.constant 0 : i32
          %dma_wait3A_75 = tpu.memref_slice %arg12[%dma_wait3A_73, %dma_wait3A_74] : memref<10240x128xf32, #tpu.memory_space<vmem_shared>> -> memref<10240x128xf32, #tpu.memory_space<vmem_shared>>
          tpu.wait_indirect_dma semaphore(%run_scoped3A : memref<!tpu.dma_semaphore, #tpu.memory_space<semaphore_mem>>) src(%arg10 : memref<128x128xf32, #tpu.memory_space<vmem>>) dst(%dma_wait3A_75 : memref<10240x128xf32, #tpu.memory_space<vmem_shared>>)
          tpu.yield
        }) : () -> ()
        %scan3A_69 = arith.constant 0 : i32
        scf.yield %scan3A_69 : i32
      }
      %scan3A_37 = arith.constant 80 : i32
      %barrier3A_38 = arith.constant 0 : index
      tpu.barrier barrier_id(%barrier3A_38)
      %mul3A_39 = arith.constant 640 : i32
      %mul3A_40 = arith.muli %arg1, %mul3A_39 : i32
      %mul3A_41 = arith.constant 640 : i32
      %mul3A_42 = arith.muli %arg1, %mul3A_41 : i32
      "tpu.region"() ({
        %run_scoped3A = tpu.sem_alloc : memref<!tpu.dma_semaphore, #tpu.memory_space<semaphore_mem>>
        %dma_start3A = arith.constant 0 : i32
        %dma_start3A_45 = tpu.memref_slice %arg7[%add3A, %mul3A_42, %dma_start3A] : memref<16x10240x128xf32, #tpu.memory_space<hbm>> -> memref<1x640x128xf32, #tpu.memory_space<hbm>>
        %dma_start3A_46 = tpu.memref_squeeze %dma_start3A_45 : memref<1x640x128xf32, #tpu.memory_space<hbm>> -> memref<640x128xf32, #tpu.memory_space<hbm>>
        %dma_start3A_47 = arith.constant 0 : i32
        %dma_start3A_48 = tpu.memref_slice %arg12[%mul3A_40, %dma_start3A_47] : memref<10240x128xf32, #tpu.memory_space<vmem_shared>> -> memref<640x128xf32, #tpu.memory_space<vmem_shared>>
        tpu.enqueue_dma source(%dma_start3A_48 : memref<640x128xf32, #tpu.memory_space<vmem_shared>>) target(%dma_start3A_46 : memref<640x128xf32, #tpu.memory_space<hbm>>) target_semaphore(%run_scoped3A : memref<!tpu.dma_semaphore, #tpu.memory_space<semaphore_mem>>)
        %dma_wait3A = arith.constant 0 : i32
        %dma_wait3A_49 = tpu.memref_slice %arg7[%add3A, %mul3A_42, %dma_wait3A] : memref<16x10240x128xf32, #tpu.memory_space<hbm>> -> memref<1x640x128xf32, #tpu.memory_space<hbm>>
        %dma_wait3A_50 = tpu.memref_squeeze %dma_wait3A_49 : memref<1x640x128xf32, #tpu.memory_space<hbm>> -> memref<640x128xf32, #tpu.memory_space<hbm>>
        %dma_wait3A_51 = arith.constant 0 : i32
        %dma_wait3A_52 = tpu.memref_slice %arg12[%mul3A_40, %dma_wait3A_51] : memref<10240x128xf32, #tpu.memory_space<vmem_shared>> -> memref<640x128xf32, #tpu.memory_space<vmem_shared>>
        tpu.wait_dma2 semaphore(%run_scoped3A : memref<!tpu.dma_semaphore, #tpu.memory_space<semaphore_mem>>) src(%dma_wait3A_52 : memref<640x128xf32, #tpu.memory_space<vmem_shared>>) dst(%dma_wait3A_50 : memref<640x128xf32, #tpu.memory_space<hbm>>)
        tpu.yield
      }) : () -> ()
      %barrier3A_43 = arith.constant 0 : index
      tpu.barrier barrier_id(%barrier3A_43)
      %scan3A_44 = arith.constant 0 : i32
      scf.yield %scan3A_44 : i32
    }
    %scan3A_6 = arith.constant 8 : i32
    return
  }
}

#map = affine_map<(d0, d1) -> (0)>
#map1 = affine_map<(d0, d1) -> (0, 0)>
module attributes {stable_mosaic.version = 14 : i64} {
  func.func @ke2(%arg0: i32, %arg1: i32, %arg2: memref<163840xi32, #tpu.memory_space<hbm>>, %arg3: memref<163840x16xf32, #tpu.memory_space<hbm>>, %arg4: memref<10240x128xf32, #tpu.memory_space<hbm>>, %arg5: memref<163840x16xf32, #tpu.memory_space<hbm>>, %arg6: memref<128xi32, #tpu.memory_space<vmem>>, %arg7: memref<128x16xf32, #tpu.memory_space<vmem>>, %arg8: memref<128x128xf32, #tpu.memory_space<vmem>>, %arg9: memref<!tpu.dma_semaphore, #tpu.memory_space<semaphore_mem>>) attributes {dimension_semantics = [#tpu.dimension_semantics<core_parallel>, #tpu.dimension_semantics<subcore_parallel>], iteration_bounds = array<i64: 2, 16>, scalar_prefetch = 0 : i64, scratch_operands = 4 : i64, tpu.core_type = #tpu.core_type<sc_vector_subcore>, window_params = [{transform_indices = #map}, {transform_indices = #map1}, {transform_indices = #map1}, {transform_indices = #map1}]} {
    %mul3A = arith.constant 2 : i32
    %mul3A_0 = arith.muli %arg1, %mul3A : i32
    %add3A = arith.addi %mul3A_0, %arg0 : i32
    %mul3A_1 = arith.constant 5120 : i32
    %mul3A_2 = arith.muli %add3A, %mul3A_1 : i32
    %scan3A = arith.constant 0 : i32
    %scan3A_3 = arith.constant 0 : i32
    %scan3A_4 = arith.constant 40 : i32
    %scan3A_5 = arith.addi %scan3A_3, %scan3A_4 : i32
    %scan3A_6 = arith.constant 1 : i32
    %scan3A_7 = scf.for %scan3A_9 = %scan3A_3 to %scan3A_5 step %scan3A_6 iter_args(%scan3A_10 = %scan3A) -> (i32)  : i32 {
      %mul3A_11 = arith.constant 128 : i32
      %mul3A_12 = arith.muli %scan3A_9, %mul3A_11 : i32
      %add3A_13 = arith.addi %mul3A_2, %mul3A_12 : i32
      "tpu.region"() ({
        %run_scoped3A = tpu.sem_alloc : memref<!tpu.dma_semaphore, #tpu.memory_space<semaphore_mem>>
        %dma_start3A_26 = tpu.memref_slice %arg2[%add3A_13] : memref<163840xi32, #tpu.memory_space<hbm>> -> memref<128xi32, #tpu.memory_space<hbm>>
        %dma_start3A_27 = tpu.memref_slice %arg2[%add3A_13] : memref<163840xi32, #tpu.memory_space<hbm>> -> memref<128xi32, #tpu.memory_space<hbm>>
        tpu.enqueue_dma source(%dma_start3A_27 : memref<128xi32, #tpu.memory_space<hbm>>) target(%arg6 : memref<128xi32, #tpu.memory_space<vmem>>) target_semaphore(%run_scoped3A : memref<!tpu.dma_semaphore, #tpu.memory_space<semaphore_mem>>)
        %dma_wait3A_28 = tpu.memref_slice %arg2[%add3A_13] : memref<163840xi32, #tpu.memory_space<hbm>> -> memref<128xi32, #tpu.memory_space<hbm>>
        %dma_wait3A_29 = tpu.memref_slice %arg2[%add3A_13] : memref<163840xi32, #tpu.memory_space<hbm>> -> memref<128xi32, #tpu.memory_space<hbm>>
        tpu.wait_dma2 semaphore(%run_scoped3A : memref<!tpu.dma_semaphore, #tpu.memory_space<semaphore_mem>>) src(%dma_wait3A_29 : memref<128xi32, #tpu.memory_space<hbm>>) dst(%arg6 : memref<128xi32, #tpu.memory_space<vmem>>)
        tpu.yield
      }) : () -> ()
      "tpu.region"() ({
        %run_scoped3A = tpu.sem_alloc : memref<!tpu.dma_semaphore, #tpu.memory_space<semaphore_mem>>
        %dma_start3A_26 = arith.constant 0 : i32
        %dma_start3A_27 = tpu.memref_slice %arg3[%add3A_13, %dma_start3A_26] : memref<163840x16xf32, #tpu.memory_space<hbm>> -> memref<128x16xf32, #tpu.memory_space<hbm>>
        %dma_start3A_28 = arith.constant 0 : i32
        %dma_start3A_29 = tpu.memref_slice %arg3[%add3A_13, %dma_start3A_28] : memref<163840x16xf32, #tpu.memory_space<hbm>> -> memref<128x16xf32, #tpu.memory_space<hbm>>
        tpu.enqueue_dma source(%dma_start3A_29 : memref<128x16xf32, #tpu.memory_space<hbm>>) target(%arg7 : memref<128x16xf32, #tpu.memory_space<vmem>>) target_semaphore(%run_scoped3A : memref<!tpu.dma_semaphore, #tpu.memory_space<semaphore_mem>>)
        %dma_wait3A_30 = arith.constant 0 : i32
        %dma_wait3A_31 = tpu.memref_slice %arg3[%add3A_13, %dma_wait3A_30] : memref<163840x16xf32, #tpu.memory_space<hbm>> -> memref<128x16xf32, #tpu.memory_space<hbm>>
        %dma_wait3A_32 = arith.constant 0 : i32
        %dma_wait3A_33 = tpu.memref_slice %arg3[%add3A_13, %dma_wait3A_32] : memref<163840x16xf32, #tpu.memory_space<hbm>> -> memref<128x16xf32, #tpu.memory_space<hbm>>
        tpu.wait_dma2 semaphore(%run_scoped3A : memref<!tpu.dma_semaphore, #tpu.memory_space<semaphore_mem>>) src(%dma_wait3A_33 : memref<128x16xf32, #tpu.memory_space<hbm>>) dst(%arg7 : memref<128x16xf32, #tpu.memory_space<vmem>>)
        tpu.yield
      }) : () -> ()
      %dma_start3A = arith.constant 0 : i32
      %dma_start3A_14 = arith.constant 0 : i32
      %dma_start3A_15 = tpu.memref_slice %arg4[%dma_start3A, %dma_start3A_14] : memref<10240x128xf32, #tpu.memory_space<hbm>> -> memref<10240x128xf32, #tpu.memory_space<hbm>>
      tpu.enqueue_indirect_dma source(%dma_start3A_15 : memref<10240x128xf32, #tpu.memory_space<hbm>>) target(%arg8 : memref<128x128xf32, #tpu.memory_space<vmem>>) offsets(%arg6 : memref<128xi32, #tpu.memory_space<vmem>>) semaphore(%arg9 : memref<!tpu.dma_semaphore, #tpu.memory_space<semaphore_mem>>)
      %dma_wait3A = arith.constant 0 : i32
      %dma_wait3A_16 = arith.constant 0 : i32
      %dma_wait3A_17 = tpu.memref_slice %arg4[%dma_wait3A, %dma_wait3A_16] : memref<10240x128xf32, #tpu.memory_space<hbm>> -> memref<10240x128xf32, #tpu.memory_space<hbm>>
      tpu.wait_indirect_dma semaphore(%arg9 : memref<!tpu.dma_semaphore, #tpu.memory_space<semaphore_mem>>) src(%dma_wait3A_17 : memref<10240x128xf32, #tpu.memory_space<hbm>>) dst(%arg8 : memref<128x128xf32, #tpu.memory_space<vmem>>)
      %scan3A_18 = arith.constant 0 : i32
      %scan3A_19 = arith.constant 0 : i32
      %scan3A_20 = arith.constant 128 : i32
      %scan3A_21 = arith.addi %scan3A_19, %scan3A_20 : i32
      %scan3A_22 = arith.constant 4 : i32
      %scan3A_23 = scf.for %scan3A_26 = %scan3A_19 to %scan3A_21 step %scan3A_22 iter_args(%scan3A_27 = %scan3A_18) -> (i32)  : i32 {
        %get3A = arith.index_cast %scan3A_26 : i32 to index
        %get3A_28 = arith.constant 0 : index
        %get3A_29 = tpu.vector_load %arg7[%get3A, %get3A_28] {strides = array<i32>} : memref<128x16xf32, #tpu.memory_space<vmem>>, vector<1x16xf32>,
        %get3A_30 = vector.shape_cast %get3A_29 : vector<1x16xf32> to vector<16xf32>
        %get3A_31 = arith.index_cast %scan3A_26 : i32 to index
        %get3A_32 = arith.constant 0 : index
        %get3A_33 = tpu.vector_load %arg8[%get3A_31, %get3A_32] {strides = array<i32>} : memref<128x128xf32, #tpu.memory_space<vmem>>, vector<1x16xf32>,
        %get3A_34 = vector.shape_cast %get3A_33 : vector<1x16xf32> to vector<16xf32>
        %div3A = arith.divf %get3A_30, %get3A_34 : vector<16xf32>
        %swap3A = arith.index_cast %scan3A_26 : i32 to index
        %swap3A_35 = arith.constant 0 : index
        %swap3A_36 = tpu.vector_load %arg7[%swap3A, %swap3A_35] {strides = array<i32>} : memref<128x16xf32, #tpu.memory_space<vmem>>, vector<1x16xf32>,
        %swap3A_37 = vector.shape_cast %swap3A_36 : vector<1x16xf32> to vector<16xf32>
        %swap3A_38 = vector.shape_cast %div3A : vector<16xf32> to vector<1x16xf32>
        tpu.vector_store %arg7[%swap3A, %swap3A_35], %swap3A_38 {strides = array<i32>} : memref<128x16xf32, #tpu.memory_space<vmem>>, vector<1x16xf32>,
        %scan3A_39 = arith.constant 0 : i32
        %scan3A_40 = arith.constant 1 : i32
        %scan3A_41 = arith.addi %scan3A_26, %scan3A_40 : i32
        %get3A_42 = arith.index_cast %scan3A_41 : i32 to index
        %get3A_43 = arith.constant 0 : index
        %get3A_44 = tpu.vector_load %arg7[%get3A_42, %get3A_43] {strides = array<i32>} : memref<128x16xf32, #tpu.memory_space<vmem>>, vector<1x16xf32>,
        %get3A_45 = vector.shape_cast %get3A_44 : vector<1x16xf32> to vector<16xf32>
        %get3A_46 = arith.index_cast %scan3A_41 : i32 to index
        %get3A_47 = arith.constant 0 : index
        %get3A_48 = tpu.vector_load %arg8[%get3A_46, %get3A_47] {strides = array<i32>} : memref<128x128xf32, #tpu.memory_space<vmem>>, vector<1x16xf32>,
        %get3A_49 = vector.shape_cast %get3A_48 : vector<1x16xf32> to vector<16xf32>
        %div3A_50 = arith.divf %get3A_45, %get3A_49 : vector<16xf32>
        %swap3A_51 = arith.index_cast %scan3A_41 : i32 to index
        %swap3A_52 = arith.constant 0 : index
        %swap3A_53 = tpu.vector_load %arg7[%swap3A_51, %swap3A_52] {strides = array<i32>} : memref<128x16xf32, #tpu.memory_space<vmem>>, vector<1x16xf32>,
        %swap3A_54 = vector.shape_cast %swap3A_53 : vector<1x16xf32> to vector<16xf32>
        %swap3A_55 = vector.shape_cast %div3A_50 : vector<16xf32> to vector<1x16xf32>
        tpu.vector_store %arg7[%swap3A_51, %swap3A_52], %swap3A_55 {strides = array<i32>} : memref<128x16xf32, #tpu.memory_space<vmem>>, vector<1x16xf32>,
        %scan3A_56 = arith.constant 0 : i32
        %scan3A_57 = arith.constant 2 : i32
        %scan3A_58 = arith.addi %scan3A_26, %scan3A_57 : i32
        %get3A_59 = arith.index_cast %scan3A_58 : i32 to index
        %get3A_60 = arith.constant 0 : index
        %get3A_61 = tpu.vector_load %arg7[%get3A_59, %get3A_60] {strides = array<i32>} : memref<128x16xf32, #tpu.memory_space<vmem>>, vector<1x16xf32>,
        %get3A_62 = vector.shape_cast %get3A_61 : vector<1x16xf32> to vector<16xf32>
        %get3A_63 = arith.index_cast %scan3A_58 : i32 to index
        %get3A_64 = arith.constant 0 : index
        %get3A_65 = tpu.vector_load %arg8[%get3A_63, %get3A_64] {strides = array<i32>} : memref<128x128xf32, #tpu.memory_space<vmem>>, vector<1x16xf32>,
        %get3A_66 = vector.shape_cast %get3A_65 : vector<1x16xf32> to vector<16xf32>
        %div3A_67 = arith.divf %get3A_62, %get3A_66 : vector<16xf32>
        %swap3A_68 = arith.index_cast %scan3A_58 : i32 to index
        %swap3A_69 = arith.constant 0 : index
        %swap3A_70 = tpu.vector_load %arg7[%swap3A_68, %swap3A_69] {strides = array<i32>} : memref<128x16xf32, #tpu.memory_space<vmem>>, vector<1x16xf32>,
        %swap3A_71 = vector.shape_cast %swap3A_70 : vector<1x16xf32> to vector<16xf32>
        %swap3A_72 = vector.shape_cast %div3A_67 : vector<16xf32> to vector<1x16xf32>
        tpu.vector_store %arg7[%swap3A_68, %swap3A_69], %swap3A_72 {strides = array<i32>} : memref<128x16xf32, #tpu.memory_space<vmem>>, vector<1x16xf32>,
        %scan3A_73 = arith.constant 0 : i32
        %scan3A_74 = arith.constant 3 : i32
        %scan3A_75 = arith.addi %scan3A_26, %scan3A_74 : i32
        %get3A_76 = arith.index_cast %scan3A_75 : i32 to index
        %get3A_77 = arith.constant 0 : index
        %get3A_78 = tpu.vector_load %arg7[%get3A_76, %get3A_77] {strides = array<i32>} : memref<128x16xf32, #tpu.memory_space<vmem>>, vector<1x16xf32>,
        %get3A_79 = vector.shape_cast %get3A_78 : vector<1x16xf32> to vector<16xf32>
        %get3A_80 = arith.index_cast %scan3A_75 : i32 to index
        %get3A_81 = arith.constant 0 : index
        %get3A_82 = tpu.vector_load %arg8[%get3A_80, %get3A_81] {strides = array<i32>} : memref<128x128xf32, #tpu.memory_space<vmem>>, vector<1x16xf32>,
        %get3A_83 = vector.shape_cast %get3A_82 : vector<1x16xf32> to vector<16xf32>
        %div3A_84 = arith.divf %get3A_79, %get3A_83 : vector<16xf32>
        %swap3A_85 = arith.index_cast %scan3A_75 : i32 to index
        %swap3A_86 = arith.constant 0 : index
        %swap3A_87 = tpu.vector_load %arg7[%swap3A_85, %swap3A_86] {strides = array<i32>} : memref<128x16xf32, #tpu.memory_space<vmem>>, vector<1x16xf32>,
        %swap3A_88 = vector.shape_cast %swap3A_87 : vector<1x16xf32> to vector<16xf32>
        %swap3A_89 = vector.shape_cast %div3A_84 : vector<16xf32> to vector<1x16xf32>
        tpu.vector_store %arg7[%swap3A_85, %swap3A_86], %swap3A_89 {strides = array<i32>} : memref<128x16xf32, #tpu.memory_space<vmem>>, vector<1x16xf32>,
        %scan3A_90 = arith.constant 0 : i32
        scf.yield %scan3A_90 : i32
      }
      %scan3A_24 = arith.constant 128 : i32
      "tpu.region"() ({
        %run_scoped3A = tpu.sem_alloc : memref<!tpu.dma_semaphore, #tpu.memory_space<semaphore_mem>>
        %dma_start3A_26 = arith.constant 0 : i32
        %dma_start3A_27 = tpu.memref_slice %arg5[%add3A_13, %dma_start3A_26] : memref<163840x16xf32, #tpu.memory_space<hbm>> -> memref<128x16xf32, #tpu.memory_space<hbm>>
        %dma_start3A_28 = arith.constant 0 : i32
        %dma_start3A_29 = tpu.memref_slice %arg5[%add3A_13, %dma_start3A_28] : memref<163840x16xf32, #tpu.memory_space<hbm>> -> memref<128x16xf32, #tpu.memory_space<hbm>>
        tpu.enqueue_dma source(%arg7 : memref<128x16xf32, #tpu.memory_space<vmem>>) target(%dma_start3A_29 : memref<128x16xf32, #tpu.memory_space<hbm>>) target_semaphore(%run_scoped3A : memref<!tpu.dma_semaphore, #tpu.memory_space<semaphore_mem>>)
        %dma_wait3A_30 = arith.constant 0 : i32
        %dma_wait3A_31 = tpu.memref_slice %arg5[%add3A_13, %dma_wait3A_30] : memref<163840x16xf32, #tpu.memory_space<hbm>> -> memref<128x16xf32, #tpu.memory_space<hbm>>
        %dma_wait3A_32 = arith.constant 0 : i32
        %dma_wait3A_33 = tpu.memref_slice %arg5[%add3A_13, %dma_wait3A_32] : memref<163840x16xf32, #tpu.memory_space<hbm>> -> memref<128x16xf32, #tpu.memory_space<hbm>>
        tpu.wait_dma2 semaphore(%run_scoped3A : memref<!tpu.dma_semaphore, #tpu.memory_space<semaphore_mem>>) src(%arg7 : memref<128x16xf32, #tpu.memory_space<vmem>>) dst(%dma_wait3A_33 : memref<128x16xf32, #tpu.memory_space<hbm>>)
        tpu.yield
      }) : () -> ()
      %scan3A_25 = arith.constant 0 : i32
      scf.yield %scan3A_25 : i32
    }
    %scan3A_8 = arith.constant 40 : i32
    return
  }
}

#map = affine_map<(d0, d1) -> (0)>
#map1 = affine_map<(d0, d1) -> (0, 0)>
#map2 = affine_map<(d0, d1) -> (0, 0, 0)>
module attributes {stable_mosaic.version = 14 : i64} {
  func.func @kb(%arg0: i32, %arg1: i32, %arg2: memref<163840xi32, #tpu.memory_space<hbm>>, %arg3: memref<163840xi32, #tpu.memory_space<hbm>>, %arg4: memref<10240x128xf32, #tpu.memory_space<hbm>>, %arg5: memref<1x16xf32, #tpu.memory_space<hbm>>, %arg6: memref<80x128xf32, #tpu.memory_space<hbm>>, %arg7: memref<163840x16xf32, #tpu.memory_space<hbm>>, %arg8: memref<2x1280x128xf32, #tpu.memory_space<hbm>>, %arg9: memref<128xi32, #tpu.memory_space<vmem>>, %arg10: memref<128xi32, #tpu.memory_space<vmem>>, %arg11: memref<128xi32, #tpu.memory_space<vmem>>, %arg12: memref<8x16xf32, #tpu.memory_space<vmem>>, %arg13: memref<128x128xf32, #tpu.memory_space<vmem>>, %arg14: memref<128x128xf32, #tpu.memory_space<vmem>>, %arg15: memref<128x16xf32, #tpu.memory_space<vmem>>, %arg16: memref<128x128xf32, #tpu.memory_space<vmem>>, %arg17: memref<16xf32, #tpu.memory_space<vmem>>, %arg18: memref<1280x128xf32, #tpu.memory_space<vmem_shared>>, %arg19: memref<!tpu.dma_semaphore, #tpu.memory_space<semaphore_mem>>) attributes {dimension_semantics = [#tpu.dimension_semantics<core_parallel>, #tpu.dimension_semantics<subcore_parallel>], iteration_bounds = array<i64: 2, 16>, scalar_prefetch = 0 : i64, scratch_operands = 11 : i64, tpu.core_type = #tpu.core_type<sc_vector_subcore>, window_params = [{transform_indices = #map}, {transform_indices = #map}, {transform_indices = #map1}, {transform_indices = #map1}, {transform_indices = #map1}, {transform_indices = #map1}, {transform_indices = #map2}]} {
    %mul3A = arith.constant 2 : i32
    %mul3A_0 = arith.muli %arg1, %mul3A : i32
    %add3A = arith.addi %mul3A_0, %arg0 : i32
    %mul3A_1 = arith.constant 80 : i32
    %mul3A_2 = arith.muli %arg1, %mul3A_1 : i32
    "tpu.region"() ({
      %run_scoped3A_18 = tpu.sem_alloc : memref<!tpu.dma_semaphore, #tpu.memory_space<semaphore_mem>>
      %dma_start3A = arith.constant 0 : i32
      %dma_start3A_19 = tpu.memref_slice %arg18[%mul3A_2, %dma_start3A] : memref<1280x128xf32, #tpu.memory_space<vmem_shared>> -> memref<80x128xf32, #tpu.memory_space<vmem_shared>>
      tpu.enqueue_dma source(%arg6 : memref<80x128xf32, #tpu.memory_space<hbm>>) target(%dma_start3A_19 : memref<80x128xf32, #tpu.memory_space<vmem_shared>>) target_semaphore(%run_scoped3A_18 : memref<!tpu.dma_semaphore, #tpu.memory_space<semaphore_mem>>)
      %dma_wait3A = arith.constant 0 : i32
      %dma_wait3A_20 = tpu.memref_slice %arg18[%mul3A_2, %dma_wait3A] : memref<1280x128xf32, #tpu.memory_space<vmem_shared>> -> memref<80x128xf32, #tpu.memory_space<vmem_shared>>
      tpu.wait_dma2 semaphore(%run_scoped3A_18 : memref<!tpu.dma_semaphore, #tpu.memory_space<semaphore_mem>>) src(%arg6 : memref<80x128xf32, #tpu.memory_space<hbm>>) dst(%dma_wait3A_20 : memref<80x128xf32, #tpu.memory_space<vmem_shared>>)
      tpu.yield
    }) : () -> ()
    %run_scoped3A = arith.constant 0 : i32
    "tpu.region"() ({
      %run_scoped3A_18 = tpu.sem_alloc : memref<!tpu.dma_semaphore, #tpu.memory_space<semaphore_mem>>
      %dma_start3A = arith.constant 0 : i32
      %dma_start3A_19 = tpu.memref_slice %arg5[%run_scoped3A, %dma_start3A] : memref<1x16xf32, #tpu.memory_space<hbm>> -> memref<1x16xf32, #tpu.memory_space<hbm>>
      %dma_start3A_20 = tpu.memref_squeeze %dma_start3A_19 : memref<1x16xf32, #tpu.memory_space<hbm>> -> memref<16xf32, #tpu.memory_space<hbm>>
      %dma_start3A_21 = arith.constant 0 : i32
      %dma_start3A_22 = tpu.memref_slice %arg5[%run_scoped3A, %dma_start3A_21] : memref<1x16xf32, #tpu.memory_space<hbm>> -> memref<1x16xf32, #tpu.memory_space<hbm>>
      %dma_start3A_23 = tpu.memref_squeeze %dma_start3A_22 : memref<1x16xf32, #tpu.memory_space<hbm>> -> memref<16xf32, #tpu.memory_space<hbm>>
      tpu.enqueue_dma source(%dma_start3A_23 : memref<16xf32, #tpu.memory_space<hbm>>) target(%arg17 : memref<16xf32, #tpu.memory_space<vmem>>) target_semaphore(%run_scoped3A_18 : memref<!tpu.dma_semaphore, #tpu.memory_space<semaphore_mem>>)
      %dma_wait3A = arith.constant 0 : i32
      %dma_wait3A_24 = tpu.memref_slice %arg5[%run_scoped3A, %dma_wait3A] : memref<1x16xf32, #tpu.memory_space<hbm>> -> memref<1x16xf32, #tpu.memory_space<hbm>>
      %dma_wait3A_25 = tpu.memref_squeeze %dma_wait3A_24 : memref<1x16xf32, #tpu.memory_space<hbm>> -> memref<16xf32, #tpu.memory_space<hbm>>
      %dma_wait3A_26 = arith.constant 0 : i32
      %dma_wait3A_27 = tpu.memref_slice %arg5[%run_scoped3A, %dma_wait3A_26] : memref<1x16xf32, #tpu.memory_space<hbm>> -> memref<1x16xf32, #tpu.memory_space<hbm>>
      %dma_wait3A_28 = tpu.memref_squeeze %dma_wait3A_27 : memref<1x16xf32, #tpu.memory_space<hbm>> -> memref<16xf32, #tpu.memory_space<hbm>>
      tpu.wait_dma2 semaphore(%run_scoped3A_18 : memref<!tpu.dma_semaphore, #tpu.memory_space<semaphore_mem>>) src(%dma_wait3A_28 : memref<16xf32, #tpu.memory_space<hbm>>) dst(%arg17 : memref<16xf32, #tpu.memory_space<vmem>>)
      tpu.yield
    }) : () -> ()
    %barrier3A = arith.constant 0 : index
    tpu.barrier barrier_id(%barrier3A)
    %get3A = arith.constant 0 : index
    %get3A_3 = tpu.vector_load %arg17[%get3A] {strides = array<i32>} : memref<16xf32, #tpu.memory_space<vmem>>, vector<16xf32>,
    %get3A_4 = vector.shape_cast %get3A_3 : vector<16xf32> to vector<16xf32>
    %mul3A_5 = arith.constant 5120 : i32
    %mul3A_6 = arith.muli %add3A, %mul3A_5 : i32
    %scan3A = arith.constant 0 : i32
    %scan3A_7 = arith.constant 0 : i32
    %scan3A_8 = arith.constant 40 : i32
    %scan3A_9 = arith.addi %scan3A_7, %scan3A_8 : i32
    %scan3A_10 = arith.constant 1 : i32
    %scan3A_11 = scf.for %scan3A_18 = %scan3A_7 to %scan3A_9 step %scan3A_10 iter_args(%scan3A_19 = %scan3A) -> (i32)  : i32 {
      %mul3A_20 = arith.constant 128 : i32
      %mul3A_21 = arith.muli %scan3A_18, %mul3A_20 : i32
      %add3A_22 = arith.addi %mul3A_6, %mul3A_21 : i32
      "tpu.region"() ({
        %run_scoped3A_48 = tpu.sem_alloc : memref<!tpu.dma_semaphore, #tpu.memory_space<semaphore_mem>>
        %dma_start3A_49 = tpu.memref_slice %arg2[%add3A_22] : memref<163840xi32, #tpu.memory_space<hbm>> -> memref<128xi32, #tpu.memory_space<hbm>>
        %dma_start3A_50 = tpu.memref_slice %arg2[%add3A_22] : memref<163840xi32, #tpu.memory_space<hbm>> -> memref<128xi32, #tpu.memory_space<hbm>>
        tpu.enqueue_dma source(%dma_start3A_50 : memref<128xi32, #tpu.memory_space<hbm>>) target(%arg9 : memref<128xi32, #tpu.memory_space<vmem>>) target_semaphore(%run_scoped3A_48 : memref<!tpu.dma_semaphore, #tpu.memory_space<semaphore_mem>>)
        %dma_wait3A_51 = tpu.memref_slice %arg2[%add3A_22] : memref<163840xi32, #tpu.memory_space<hbm>> -> memref<128xi32, #tpu.memory_space<hbm>>
        %dma_wait3A_52 = tpu.memref_slice %arg2[%add3A_22] : memref<163840xi32, #tpu.memory_space<hbm>> -> memref<128xi32, #tpu.memory_space<hbm>>
        tpu.wait_dma2 semaphore(%run_scoped3A_48 : memref<!tpu.dma_semaphore, #tpu.memory_space<semaphore_mem>>) src(%dma_wait3A_52 : memref<128xi32, #tpu.memory_space<hbm>>) dst(%arg9 : memref<128xi32, #tpu.memory_space<vmem>>)
        tpu.yield
      }) : () -> ()
      "tpu.region"() ({
        %run_scoped3A_48 = tpu.sem_alloc : memref<!tpu.dma_semaphore, #tpu.memory_space<semaphore_mem>>
        %dma_start3A_49 = tpu.memref_slice %arg3[%add3A_22] : memref<163840xi32, #tpu.memory_space<hbm>> -> memref<128xi32, #tpu.memory_space<hbm>>
        %dma_start3A_50 = tpu.memref_slice %arg3[%add3A_22] : memref<163840xi32, #tpu.memory_space<hbm>> -> memref<128xi32, #tpu.memory_space<hbm>>
        tpu.enqueue_dma source(%dma_start3A_50 : memref<128xi32, #tpu.memory_space<hbm>>) target(%arg10 : memref<128xi32, #tpu.memory_space<vmem>>) target_semaphore(%run_scoped3A_48 : memref<!tpu.dma_semaphore, #tpu.memory_space<semaphore_mem>>)
        %dma_wait3A_51 = tpu.memref_slice %arg3[%add3A_22] : memref<163840xi32, #tpu.memory_space<hbm>> -> memref<128xi32, #tpu.memory_space<hbm>>
        %dma_wait3A_52 = tpu.memref_slice %arg3[%add3A_22] : memref<163840xi32, #tpu.memory_space<hbm>> -> memref<128xi32, #tpu.memory_space<hbm>>
        tpu.wait_dma2 semaphore(%run_scoped3A_48 : memref<!tpu.dma_semaphore, #tpu.memory_space<semaphore_mem>>) src(%dma_wait3A_52 : memref<128xi32, #tpu.memory_space<hbm>>) dst(%arg10 : memref<128xi32, #tpu.memory_space<vmem>>)
        tpu.yield
      }) : () -> ()
      %dma_start3A = arith.constant 0 : i32
      %dma_start3A_23 = arith.constant 0 : i32
      %dma_start3A_24 = tpu.memref_slice %arg4[%dma_start3A, %dma_start3A_23] : memref<10240x128xf32, #tpu.memory_space<hbm>> -> memref<10240x128xf32, #tpu.memory_space<hbm>>
      tpu.enqueue_indirect_dma source(%dma_start3A_24 : memref<10240x128xf32, #tpu.memory_space<hbm>>) target(%arg13 : memref<128x128xf32, #tpu.memory_space<vmem>>) offsets(%arg9 : memref<128xi32, #tpu.memory_space<vmem>>) semaphore(%arg19 : memref<!tpu.dma_semaphore, #tpu.memory_space<semaphore_mem>>)
      %dma_wait3A = arith.constant 0 : i32
      %dma_wait3A_25 = arith.constant 0 : i32
      %dma_wait3A_26 = tpu.memref_slice %arg4[%dma_wait3A, %dma_wait3A_25] : memref<10240x128xf32, #tpu.memory_space<hbm>> -> memref<10240x128xf32, #tpu.memory_space<hbm>>
      tpu.wait_indirect_dma semaphore(%arg19 : memref<!tpu.dma_semaphore, #tpu.memory_space<semaphore_mem>>) src(%dma_wait3A_26 : memref<10240x128xf32, #tpu.memory_space<hbm>>) dst(%arg13 : memref<128x128xf32, #tpu.memory_space<vmem>>)
      %dma_start3A_27 = arith.constant 0 : i32
      %dma_start3A_28 = arith.constant 0 : i32
      %dma_start3A_29 = tpu.memref_slice %arg4[%dma_start3A_27, %dma_start3A_28] : memref<10240x128xf32, #tpu.memory_space<hbm>> -> memref<10240x128xf32, #tpu.memory_space<hbm>>
      tpu.enqueue_indirect_dma source(%dma_start3A_29 : memref<10240x128xf32, #tpu.memory_space<hbm>>) target(%arg14 : memref<128x128xf32, #tpu.memory_space<vmem>>) offsets(%arg10 : memref<128xi32, #tpu.memory_space<vmem>>) semaphore(%arg19 : memref<!tpu.dma_semaphore, #tpu.memory_space<semaphore_mem>>)
      %dma_wait3A_30 = arith.constant 0 : i32
      %dma_wait3A_31 = arith.constant 0 : i32
      %dma_wait3A_32 = tpu.memref_slice %arg4[%dma_wait3A_30, %dma_wait3A_31] : memref<10240x128xf32, #tpu.memory_space<hbm>> -> memref<10240x128xf32, #tpu.memory_space<hbm>>
      tpu.wait_indirect_dma semaphore(%arg19 : memref<!tpu.dma_semaphore, #tpu.memory_space<semaphore_mem>>) src(%dma_wait3A_32 : memref<10240x128xf32, #tpu.memory_space<hbm>>) dst(%arg14 : memref<128x128xf32, #tpu.memory_space<vmem>>)
      %scan3A_33 = arith.constant 0 : i32
      %scan3A_34 = arith.constant 0 : i32
      %scan3A_35 = arith.constant 8 : i32
      %scan3A_36 = arith.addi %scan3A_34, %scan3A_35 : i32
      %scan3A_37 = arith.constant 1 : i32
      %scan3A_38 = scf.for %scan3A_48 = %scan3A_34 to %scan3A_36 step %scan3A_37 iter_args(%scan3A_49 = %scan3A_33) -> (i32)  : i32 {
        %mul3A_50 = arith.constant 16 : i32
        %mul3A_51 = arith.muli %scan3A_48, %mul3A_50 : i32
        %get3A_52 = arith.index_cast %mul3A_51 : i32 to index
        %get3A_53 = tpu.vector_load %arg10[%get3A_52] {strides = array<i32>} : memref<128xi32, #tpu.memory_space<vmem>>, vector<16xi32>,
        %get3A_54 = vector.shape_cast %get3A_53 : vector<16xi32> to vector<16xi32>
        %and3A = arith.constant 7 : i32
        %and3A_55 = vector.broadcast %and3A : i32 to vector<16xi32>
        %and3A_56 = arith.andi %get3A_54, %and3A_55 : vector<16xi32>
        %convert_element_type3A = arith.sitofp %and3A_56 : vector<16xi32> to vector<16xf32>
        %swap3A = arith.index_cast %scan3A_48 : i32 to index
        %swap3A_57 = arith.constant 0 : index
        %swap3A_58 = tpu.vector_load %arg12[%swap3A, %swap3A_57] {strides = array<i32>} : memref<8x16xf32, #tpu.memory_space<vmem>>, vector<1x16xf32>,
        %swap3A_59 = vector.shape_cast %swap3A_58 : vector<1x16xf32> to vector<16xf32>
        %swap3A_60 = vector.shape_cast %convert_element_type3A : vector<16xf32> to vector<1x16xf32>
        tpu.vector_store %arg12[%swap3A, %swap3A_57], %swap3A_60 {strides = array<i32>} : memref<8x16xf32, #tpu.memory_space<vmem>>, vector<1x16xf32>,
        %shift_right_logical3A = arith.constant 3 : i32
        %shift_right_logical3A_61 = vector.broadcast %shift_right_logical3A : i32 to vector<16xi32>
        %shift_right_logical3A_62 = arith.shrui %get3A_54, %shift_right_logical3A_61 : vector<16xi32>
        %mul3A_63 = arith.constant 16 : i32
        %mul3A_64 = arith.muli %scan3A_48, %mul3A_63 : i32
        %swap3A_65 = arith.index_cast %mul3A_64 : i32 to index
        %swap3A_66 = tpu.vector_load %arg11[%swap3A_65] {strides = array<i32>} : memref<128xi32, #tpu.memory_space<vmem>>, vector<16xi32>,
        %swap3A_67 = vector.shape_cast %swap3A_66 : vector<16xi32> to vector<16xi32>
        %swap3A_68 = vector.shape_cast %shift_right_logical3A_62 : vector<16xi32> to vector<16xi32>
        tpu.vector_store %arg11[%swap3A_65], %swap3A_68 {strides = array<i32>} : memref<128xi32, #tpu.memory_space<vmem>>, vector<16xi32>,
        %scan3A_69 = arith.constant 0 : i32
        scf.yield %scan3A_69 : i32
      }
      %scan3A_39 = arith.constant 8 : i32
      %scan3A_40 = arith.constant 0 : i32
      %scan3A_41 = arith.constant 0 : i32
      %scan3A_42 = arith.constant 128 : i32
      %scan3A_43 = arith.addi %scan3A_41, %scan3A_42 : i32
      %scan3A_44 = arith.constant 2 : i32
      %scan3A_45 = scf.for %scan3A_48 = %scan3A_41 to %scan3A_43 step %scan3A_44 iter_args(%scan3A_49 = %scan3A_40) -> (i32)  : i32 {
        %get3A_50 = arith.index_cast %scan3A_48 : i32 to index
        %get3A_51 = arith.constant 0 : index
        %get3A_52 = tpu.vector_load %arg13[%get3A_50, %get3A_51] {strides = array<i32>} : memref<128x128xf32, #tpu.memory_space<vmem>>, vector<1x16xf32>,
        %get3A_53 = vector.shape_cast %get3A_52 : vector<1x16xf32> to vector<16xf32>
        %get3A_54 = arith.index_cast %scan3A_48 : i32 to index
        %get3A_55 = arith.constant 16 : index
        %get3A_56 = tpu.vector_load %arg14[%get3A_54, %get3A_55] {strides = array<i32>} : memref<128x128xf32, #tpu.memory_space<vmem>>, vector<1x16xf32>,
        %get3A_57 = vector.shape_cast %get3A_56 : vector<1x16xf32> to vector<16xf32>
        %add3A_58 = arith.addf %get3A_53, %get3A_57 : vector<16xf32>
        %gt3A = arith.constant 0.000000e+00 : f32
        %gt3A_59 = vector.broadcast %gt3A : f32 to vector<16xf32>
        %gt3A_60 = arith.cmpf ogt, %add3A_58, %gt3A_59 : vector<16xf32>
        %mul3A_61 = arith.constant 2.000000e-01 : f32
        %mul3A_62 = vector.broadcast %mul3A_61 : f32 to vector<16xf32>
        %mul3A_63 = arith.mulf %mul3A_62, %add3A_58 : vector<16xf32>
        %select_n3A = arith.select %gt3A_60, %add3A_58, %mul3A_63 : vector<16xi1>, vector<16xf32>
        %sub3A = arith.subf %select_n3A, %get3A_4 : vector<16xf32>
        %exp3A = math.exp %sub3A : vector<16xf32>
        %swap3A = arith.index_cast %scan3A_48 : i32 to index
        %swap3A_64 = arith.constant 0 : index
        %swap3A_65 = tpu.vector_load %arg15[%swap3A, %swap3A_64] {strides = array<i32>} : memref<128x16xf32, #tpu.memory_space<vmem>>, vector<1x16xf32>,
        %swap3A_66 = vector.shape_cast %swap3A_65 : vector<1x16xf32> to vector<16xf32>
        %swap3A_67 = vector.shape_cast %exp3A : vector<16xf32> to vector<1x16xf32>
        tpu.vector_store %arg15[%swap3A, %swap3A_64], %swap3A_67 {strides = array<i32>} : memref<128x16xf32, #tpu.memory_space<vmem>>, vector<1x16xf32>,
        %shift_right_arithmetic3A = arith.constant 4 : i32
        %shift_right_arithmetic3A_68 = arith.shrsi %scan3A_48, %shift_right_arithmetic3A : i32
        %get3A_69 = arith.index_cast %shift_right_arithmetic3A_68 : i32 to index
        %get3A_70 = arith.constant 0 : index
        %get3A_71 = tpu.vector_load %arg12[%get3A_69, %get3A_70] {strides = array<i32>} : memref<8x16xf32, #tpu.memory_space<vmem>>, vector<1x16xf32>,
        %get3A_72 = vector.shape_cast %get3A_71 : vector<1x16xf32> to vector<16xf32>
        %and3A = arith.constant 15 : i32
        %and3A_73 = arith.andi %scan3A_48, %and3A : i32
        %broadcast_in_dim3A = vector.broadcast %and3A_73 : i32 to vector<16xi32>
        %broadcast_in_dim3A_74 = vector.shape_cast %broadcast_in_dim3A : vector<16xi32> to vector<16x1xi32>
        %gather3A = vector.shape_cast %broadcast_in_dim3A_74 : vector<16x1xi32> to vector<16xi32>
        %gather3A_75 = tpu.dynamic_gather %get3A_72[%gather3A] in [0] : vector<16xf32>, vector<16xi32> -> vector<16xf32>
        %sub3A_76 = arith.constant 0.000000e+00 : f32
        %sub3A_77 = vector.broadcast %sub3A_76 : f32 to vector<16xf32>
        %sub3A_78 = arith.subf %gather3A_75, %sub3A_77 : vector<16xf32>
        %mul3A_79 = arith.mulf %sub3A_78, %sub3A_78 : vector<16xf32>
        %sub3A_80 = arith.constant 1.000000e+00 : f32
        %sub3A_81 = vector.broadcast %sub3A_80 : f32 to vector<16xf32>
        %sub3A_82 = arith.subf %sub3A_81, %mul3A_79 : vector<16xf32>
        %max3A = arith.constant 0.000000e+00 : f32
        %max3A_83 = vector.broadcast %max3A : f32 to vector<16xf32>
        %max3A_84 = arith.maximumf %max3A_83, %sub3A_82 : vector<16xf32>
        %mul3A_85 = arith.mulf %exp3A, %max3A_84 : vector<16xf32>
        %swap3A_86 = arith.index_cast %scan3A_48 : i32 to index
        %swap3A_87 = arith.constant 0 : index
        %swap3A_88 = tpu.vector_load %arg16[%swap3A_86, %swap3A_87] {strides = array<i32>} : memref<128x128xf32, #tpu.memory_space<vmem>>, vector<1x16xf32>,
        %swap3A_89 = vector.shape_cast %swap3A_88 : vector<1x16xf32> to vector<16xf32>
        %swap3A_90 = vector.shape_cast %mul3A_85 : vector<16xf32> to vector<1x16xf32>
        tpu.vector_store %arg16[%swap3A_86, %swap3A_87], %swap3A_90 {strides = array<i32>} : memref<128x128xf32, #tpu.memory_space<vmem>>, vector<1x16xf32>,
        %sub3A_91 = arith.constant 1.000000e+00 : f32
        %sub3A_92 = vector.broadcast %sub3A_91 : f32 to vector<16xf32>
        %sub3A_93 = arith.subf %gather3A_75, %sub3A_92 : vector<16xf32>
        %mul3A_94 = arith.mulf %sub3A_93, %sub3A_93 : vector<16xf32>
        %sub3A_95 = arith.constant 1.000000e+00 : f32
        %sub3A_96 = vector.broadcast %sub3A_95 : f32 to vector<16xf32>
        %sub3A_97 = arith.subf %sub3A_96, %mul3A_94 : vector<16xf32>
        %max3A_98 = arith.constant 0.000000e+00 : f32
        %max3A_99 = vector.broadcast %max3A_98 : f32 to vector<16xf32>
        %max3A_100 = arith.maximumf %max3A_99, %sub3A_97 : vector<16xf32>
        %mul3A_101 = arith.mulf %exp3A, %max3A_100 : vector<16xf32>
        %swap3A_102 = arith.index_cast %scan3A_48 : i32 to index
        %swap3A_103 = arith.constant 16 : index
        %swap3A_104 = tpu.vector_load %arg16[%swap3A_102, %swap3A_103] {strides = array<i32>} : memref<128x128xf32, #tpu.memory_space<vmem>>, vector<1x16xf32>,
        %swap3A_105 = vector.shape_cast %swap3A_104 : vector<1x16xf32> to vector<16xf32>
        %swap3A_106 = vector.shape_cast %mul3A_101 : vector<16xf32> to vector<1x16xf32>
        tpu.vector_store %arg16[%swap3A_102, %swap3A_103], %swap3A_106 {strides = array<i32>} : memref<128x128xf32, #tpu.memory_space<vmem>>, vector<1x16xf32>,
        %sub3A_107 = arith.constant 2.000000e+00 : f32
        %sub3A_108 = vector.broadcast %sub3A_107 : f32 to vector<16xf32>
        %sub3A_109 = arith.subf %gather3A_75, %sub3A_108 : vector<16xf32>
        %mul3A_110 = arith.mulf %sub3A_109, %sub3A_109 : vector<16xf32>
        %sub3A_111 = arith.constant 1.000000e+00 : f32
        %sub3A_112 = vector.broadcast %sub3A_111 : f32 to vector<16xf32>
        %sub3A_113 = arith.subf %sub3A_112, %mul3A_110 : vector<16xf32>
        %max3A_114 = arith.constant 0.000000e+00 : f32
        %max3A_115 = vector.broadcast %max3A_114 : f32 to vector<16xf32>
        %max3A_116 = arith.maximumf %max3A_115, %sub3A_113 : vector<16xf32>
        %mul3A_117 = arith.mulf %exp3A, %max3A_116 : vector<16xf32>
        %swap3A_118 = arith.index_cast %scan3A_48 : i32 to index
        %swap3A_119 = arith.constant 32 : index
        %swap3A_120 = tpu.vector_load %arg16[%swap3A_118, %swap3A_119] {strides = array<i32>} : memref<128x128xf32, #tpu.memory_space<vmem>>, vector<1x16xf32>,
        %swap3A_121 = vector.shape_cast %swap3A_120 : vector<1x16xf32> to vector<16xf32>
        %swap3A_122 = vector.shape_cast %mul3A_117 : vector<16xf32> to vector<1x16xf32>
        tpu.vector_store %arg16[%swap3A_118, %swap3A_119], %swap3A_122 {strides = array<i32>} : memref<128x128xf32, #tpu.memory_space<vmem>>, vector<1x16xf32>,
        %sub3A_123 = arith.constant 3.000000e+00 : f32
        %sub3A_124 = vector.broadcast %sub3A_123 : f32 to vector<16xf32>
        %sub3A_125 = arith.subf %gather3A_75, %sub3A_124 : vector<16xf32>
        %mul3A_126 = arith.mulf %sub3A_125, %sub3A_125 : vector<16xf32>
        %sub3A_127 = arith.constant 1.000000e+00 : f32
        %sub3A_128 = vector.broadcast %sub3A_127 : f32 to vector<16xf32>
        %sub3A_129 = arith.subf %sub3A_128, %mul3A_126 : vector<16xf32>
        %max3A_130 = arith.constant 0.000000e+00 : f32
        %max3A_131 = vector.broadcast %max3A_130 : f32 to vector<16xf32>
        %max3A_132 = arith.maximumf %max3A_131, %sub3A_129 : vector<16xf32>
        %mul3A_133 = arith.mulf %exp3A, %max3A_132 : vector<16xf32>
        %swap3A_134 = arith.index_cast %scan3A_48 : i32 to index
        %swap3A_135 = arith.constant 48 : index
        %swap3A_136 = tpu.vector_load %arg16[%swap3A_134, %swap3A_135] {strides = array<i32>} : memref<128x128xf32, #tpu.memory_space<vmem>>, vector<1x16xf32>,
        %swap3A_137 = vector.shape_cast %swap3A_136 : vector<1x16xf32> to vector<16xf32>
        %swap3A_138 = vector.shape_cast %mul3A_133 : vector<16xf32> to vector<1x16xf32>
        tpu.vector_store %arg16[%swap3A_134, %swap3A_135], %swap3A_138 {strides = array<i32>} : memref<128x128xf32, #tpu.memory_space<vmem>>, vector<1x16xf32>,
        %sub3A_139 = arith.constant 4.000000e+00 : f32
        %sub3A_140 = vector.broadcast %sub3A_139 : f32 to vector<16xf32>
        %sub3A_141 = arith.subf %gather3A_75, %sub3A_140 : vector<16xf32>
        %mul3A_142 = arith.mulf %sub3A_141, %sub3A_141 : vector<16xf32>
        %sub3A_143 = arith.constant 1.000000e+00 : f32
        %sub3A_144 = vector.broadcast %sub3A_143 : f32 to vector<16xf32>
        %sub3A_145 = arith.subf %sub3A_144, %mul3A_142 : vector<16xf32>
        %max3A_146 = arith.constant 0.000000e+00 : f32
        %max3A_147 = vector.broadcast %max3A_146 : f32 to vector<16xf32>
        %max3A_148 = arith.maximumf %max3A_147, %sub3A_145 : vector<16xf32>
        %mul3A_149 = arith.mulf %exp3A, %max3A_148 : vector<16xf32>
        %swap3A_150 = arith.index_cast %scan3A_48 : i32 to index
        %swap3A_151 = arith.constant 64 : index
        %swap3A_152 = tpu.vector_load %arg16[%swap3A_150, %swap3A_151] {strides = array<i32>} : memref<128x128xf32, #tpu.memory_space<vmem>>, vector<1x16xf32>,
        %swap3A_153 = vector.shape_cast %swap3A_152 : vector<1x16xf32> to vector<16xf32>
        %swap3A_154 = vector.shape_cast %mul3A_149 : vector<16xf32> to vector<1x16xf32>
        tpu.vector_store %arg16[%swap3A_150, %swap3A_151], %swap3A_154 {strides = array<i32>} : memref<128x128xf32, #tpu.memory_space<vmem>>, vector<1x16xf32>,
        %sub3A_155 = arith.constant 5.000000e+00 : f32
        %sub3A_156 = vector.broadcast %sub3A_155 : f32 to vector<16xf32>
        %sub3A_157 = arith.subf %gather3A_75, %sub3A_156 : vector<16xf32>
        %mul3A_158 = arith.mulf %sub3A_157, %sub3A_157 : vector<16xf32>
        %sub3A_159 = arith.constant 1.000000e+00 : f32
        %sub3A_160 = vector.broadcast %sub3A_159 : f32 to vector<16xf32>
        %sub3A_161 = arith.subf %sub3A_160, %mul3A_158 : vector<16xf32>
        %max3A_162 = arith.constant 0.000000e+00 : f32
        %max3A_163 = vector.broadcast %max3A_162 : f32 to vector<16xf32>
        %max3A_164 = arith.maximumf %max3A_163, %sub3A_161 : vector<16xf32>
        %mul3A_165 = arith.mulf %exp3A, %max3A_164 : vector<16xf32>
        %swap3A_166 = arith.index_cast %scan3A_48 : i32 to index
        %swap3A_167 = arith.constant 80 : index
        %swap3A_168 = tpu.vector_load %arg16[%swap3A_166, %swap3A_167] {strides = array<i32>} : memref<128x128xf32, #tpu.memory_space<vmem>>, vector<1x16xf32>,
        %swap3A_169 = vector.shape_cast %swap3A_168 : vector<1x16xf32> to vector<16xf32>
        %swap3A_170 = vector.shape_cast %mul3A_165 : vector<16xf32> to vector<1x16xf32>
        tpu.vector_store %arg16[%swap3A_166, %swap3A_167], %swap3A_170 {strides = array<i32>} : memref<128x128xf32, #tpu.memory_space<vmem>>, vector<1x16xf32>,
        %sub3A_171 = arith.constant 6.000000e+00 : f32
        %sub3A_172 = vector.broadcast %sub3A_171 : f32 to vector<16xf32>
        %sub3A_173 = arith.subf %gather3A_75, %sub3A_172 : vector<16xf32>
        %mul3A_174 = arith.mulf %sub3A_173, %sub3A_173 : vector<16xf32>
        %sub3A_175 = arith.constant 1.000000e+00 : f32
        %sub3A_176 = vector.broadcast %sub3A_175 : f32 to vector<16xf32>
        %sub3A_177 = arith.subf %sub3A_176, %mul3A_174 : vector<16xf32>
        %max3A_178 = arith.constant 0.000000e+00 : f32
        %max3A_179 = vector.broadcast %max3A_178 : f32 to vector<16xf32>
        %max3A_180 = arith.maximumf %max3A_179, %sub3A_177 : vector<16xf32>
        %mul3A_181 = arith.mulf %exp3A, %max3A_180 : vector<16xf32>
        %swap3A_182 = arith.index_cast %scan3A_48 : i32 to index
        %swap3A_183 = arith.constant 96 : index
        %swap3A_184 = tpu.vector_load %arg16[%swap3A_182, %swap3A_183] {strides = array<i32>} : memref<128x128xf32, #tpu.memory_space<vmem>>, vector<1x16xf32>,
        %swap3A_185 = vector.shape_cast %swap3A_184 : vector<1x16xf32> to vector<16xf32>
        %swap3A_186 = vector.shape_cast %mul3A_181 : vector<16xf32> to vector<1x16xf32>
        tpu.vector_store %arg16[%swap3A_182, %swap3A_183], %swap3A_186 {strides = array<i32>} : memref<128x128xf32, #tpu.memory_space<vmem>>, vector<1x16xf32>,
        %sub3A_187 = arith.constant 7.000000e+00 : f32
        %sub3A_188 = vector.broadcast %sub3A_187 : f32 to vector<16xf32>
        %sub3A_189 = arith.subf %gather3A_75, %sub3A_188 : vector<16xf32>
        %mul3A_190 = arith.mulf %sub3A_189, %sub3A_189 : vector<16xf32>
        %sub3A_191 = arith.constant 1.000000e+00 : f32
        %sub3A_192 = vector.broadcast %sub3A_191 : f32 to vector<16xf32>
        %sub3A_193 = arith.subf %sub3A_192, %mul3A_190 : vector<16xf32>
        %max3A_194 = arith.constant 0.000000e+00 : f32
        %max3A_195 = vector.broadcast %max3A_194 : f32 to vector<16xf32>
        %max3A_196 = arith.maximumf %max3A_195, %sub3A_193 : vector<16xf32>
        %mul3A_197 = arith.mulf %exp3A, %max3A_196 : vector<16xf32>
        %swap3A_198 = arith.index_cast %scan3A_48 : i32 to index
        %swap3A_199 = arith.constant 112 : index
        %swap3A_200 = tpu.vector_load %arg16[%swap3A_198, %swap3A_199] {strides = array<i32>} : memref<128x128xf32, #tpu.memory_space<vmem>>, vector<1x16xf32>,
        %swap3A_201 = vector.shape_cast %swap3A_200 : vector<1x16xf32> to vector<16xf32>
        %swap3A_202 = vector.shape_cast %mul3A_197 : vector<16xf32> to vector<1x16xf32>
        tpu.vector_store %arg16[%swap3A_198, %swap3A_199], %swap3A_202 {strides = array<i32>} : memref<128x128xf32, #tpu.memory_space<vmem>>, vector<1x16xf32>,
        %scan3A_203 = arith.constant 0 : i32
        %scan3A_204 = arith.constant 1 : i32
        %scan3A_205 = arith.addi %scan3A_48, %scan3A_204 : i32
        %get3A_206 = arith.index_cast %scan3A_205 : i32 to index
        %get3A_207 = arith.constant 0 : index
        %get3A_208 = tpu.vector_load %arg13[%get3A_206, %get3A_207] {strides = array<i32>} : memref<128x128xf32, #tpu.memory_space<vmem>>, vector<1x16xf32>,
        %get3A_209 = vector.shape_cast %get3A_208 : vector<1x16xf32> to vector<16xf32>
        %get3A_210 = arith.index_cast %scan3A_205 : i32 to index
        %get3A_211 = arith.constant 16 : index
        %get3A_212 = tpu.vector_load %arg14[%get3A_210, %get3A_211] {strides = array<i32>} : memref<128x128xf32, #tpu.memory_space<vmem>>, vector<1x16xf32>,
        %get3A_213 = vector.shape_cast %get3A_212 : vector<1x16xf32> to vector<16xf32>
        %add3A_214 = arith.addf %get3A_209, %get3A_213 : vector<16xf32>
        %gt3A_215 = arith.constant 0.000000e+00 : f32
        %gt3A_216 = vector.broadcast %gt3A_215 : f32 to vector<16xf32>
        %gt3A_217 = arith.cmpf ogt, %add3A_214, %gt3A_216 : vector<16xf32>
        %mul3A_218 = arith.constant 2.000000e-01 : f32
        %mul3A_219 = vector.broadcast %mul3A_218 : f32 to vector<16xf32>
        %mul3A_220 = arith.mulf %mul3A_219, %add3A_214 : vector<16xf32>
        %select_n3A_221 = arith.select %gt3A_217, %add3A_214, %mul3A_220 : vector<16xi1>, vector<16xf32>
        %sub3A_222 = arith.subf %select_n3A_221, %get3A_4 : vector<16xf32>
        %exp3A_223 = math.exp %sub3A_222 : vector<16xf32>
        %swap3A_224 = arith.index_cast %scan3A_205 : i32 to index
        %swap3A_225 = arith.constant 0 : index
        %swap3A_226 = tpu.vector_load %arg15[%swap3A_224, %swap3A_225] {strides = array<i32>} : memref<128x16xf32, #tpu.memory_space<vmem>>, vector<1x16xf32>,
        %swap3A_227 = vector.shape_cast %swap3A_226 : vector<1x16xf32> to vector<16xf32>
        %swap3A_228 = vector.shape_cast %exp3A_223 : vector<16xf32> to vector<1x16xf32>
        tpu.vector_store %arg15[%swap3A_224, %swap3A_225], %swap3A_228 {strides = array<i32>} : memref<128x16xf32, #tpu.memory_space<vmem>>, vector<1x16xf32>,
        %shift_right_arithmetic3A_229 = arith.constant 4 : i32
        %shift_right_arithmetic3A_230 = arith.shrsi %scan3A_205, %shift_right_arithmetic3A_229 : i32
        %get3A_231 = arith.index_cast %shift_right_arithmetic3A_230 : i32 to index
        %get3A_232 = arith.constant 0 : index
        %get3A_233 = tpu.vector_load %arg12[%get3A_231, %get3A_232] {strides = array<i32>} : memref<8x16xf32, #tpu.memory_space<vmem>>, vector<1x16xf32>,
        %get3A_234 = vector.shape_cast %get3A_233 : vector<1x16xf32> to vector<16xf32>
        %and3A_235 = arith.constant 15 : i32
        %and3A_236 = arith.andi %scan3A_205, %and3A_235 : i32
        %broadcast_in_dim3A_237 = vector.broadcast %and3A_236 : i32 to vector<16xi32>
        %broadcast_in_dim3A_238 = vector.shape_cast %broadcast_in_dim3A_237 : vector<16xi32> to vector<16x1xi32>
        %gather3A_239 = vector.shape_cast %broadcast_in_dim3A_238 : vector<16x1xi32> to vector<16xi32>
        %gather3A_240 = tpu.dynamic_gather %get3A_234[%gather3A_239] in [0] : vector<16xf32>, vector<16xi32> -> vector<16xf32>
        %sub3A_241 = arith.constant 0.000000e+00 : f32
        %sub3A_242 = vector.broadcast %sub3A_241 : f32 to vector<16xf32>
        %sub3A_243 = arith.subf %gather3A_240, %sub3A_242 : vector<16xf32>
        %mul3A_244 = arith.mulf %sub3A_243, %sub3A_243 : vector<16xf32>
        %sub3A_245 = arith.constant 1.000000e+00 : f32
        %sub3A_246 = vector.broadcast %sub3A_245 : f32 to vector<16xf32>
        %sub3A_247 = arith.subf %sub3A_246, %mul3A_244 : vector<16xf32>
        %max3A_248 = arith.constant 0.000000e+00 : f32
        %max3A_249 = vector.broadcast %max3A_248 : f32 to vector<16xf32>
        %max3A_250 = arith.maximumf %max3A_249, %sub3A_247 : vector<16xf32>
        %mul3A_251 = arith.mulf %exp3A_223, %max3A_250 : vector<16xf32>
        %swap3A_252 = arith.index_cast %scan3A_205 : i32 to index
        %swap3A_253 = arith.constant 0 : index
        %swap3A_254 = tpu.vector_load %arg16[%swap3A_252, %swap3A_253] {strides = array<i32>} : memref<128x128xf32, #tpu.memory_space<vmem>>, vector<1x16xf32>,
        %swap3A_255 = vector.shape_cast %swap3A_254 : vector<1x16xf32> to vector<16xf32>
        %swap3A_256 = vector.shape_cast %mul3A_251 : vector<16xf32> to vector<1x16xf32>
        tpu.vector_store %arg16[%swap3A_252, %swap3A_253], %swap3A_256 {strides = array<i32>} : memref<128x128xf32, #tpu.memory_space<vmem>>, vector<1x16xf32>,
        %sub3A_257 = arith.constant 1.000000e+00 : f32
        %sub3A_258 = vector.broadcast %sub3A_257 : f32 to vector<16xf32>
        %sub3A_259 = arith.subf %gather3A_240, %sub3A_258 : vector<16xf32>
        %mul3A_260 = arith.mulf %sub3A_259, %sub3A_259 : vector<16xf32>
        %sub3A_261 = arith.constant 1.000000e+00 : f32
        %sub3A_262 = vector.broadcast %sub3A_261 : f32 to vector<16xf32>
        %sub3A_263 = arith.subf %sub3A_262, %mul3A_260 : vector<16xf32>
        %max3A_264 = arith.constant 0.000000e+00 : f32
        %max3A_265 = vector.broadcast %max3A_264 : f32 to vector<16xf32>
        %max3A_266 = arith.maximumf %max3A_265, %sub3A_263 : vector<16xf32>
        %mul3A_267 = arith.mulf %exp3A_223, %max3A_266 : vector<16xf32>
        %swap3A_268 = arith.index_cast %scan3A_205 : i32 to index
        %swap3A_269 = arith.constant 16 : index
        %swap3A_270 = tpu.vector_load %arg16[%swap3A_268, %swap3A_269] {strides = array<i32>} : memref<128x128xf32, #tpu.memory_space<vmem>>, vector<1x16xf32>,
        %swap3A_271 = vector.shape_cast %swap3A_270 : vector<1x16xf32> to vector<16xf32>
        %swap3A_272 = vector.shape_cast %mul3A_267 : vector<16xf32> to vector<1x16xf32>
        tpu.vector_store %arg16[%swap3A_268, %swap3A_269], %swap3A_272 {strides = array<i32>} : memref<128x128xf32, #tpu.memory_space<vmem>>, vector<1x16xf32>,
        %sub3A_273 = arith.constant 2.000000e+00 : f32
        %sub3A_274 = vector.broadcast %sub3A_273 : f32 to vector<16xf32>
        %sub3A_275 = arith.subf %gather3A_240, %sub3A_274 : vector<16xf32>
        %mul3A_276 = arith.mulf %sub3A_275, %sub3A_275 : vector<16xf32>
        %sub3A_277 = arith.constant 1.000000e+00 : f32
        %sub3A_278 = vector.broadcast %sub3A_277 : f32 to vector<16xf32>
        %sub3A_279 = arith.subf %sub3A_278, %mul3A_276 : vector<16xf32>
        %max3A_280 = arith.constant 0.000000e+00 : f32
        %max3A_281 = vector.broadcast %max3A_280 : f32 to vector<16xf32>
        %max3A_282 = arith.maximumf %max3A_281, %sub3A_279 : vector<16xf32>
        %mul3A_283 = arith.mulf %exp3A_223, %max3A_282 : vector<16xf32>
        %swap3A_284 = arith.index_cast %scan3A_205 : i32 to index
        %swap3A_285 = arith.constant 32 : index
        %swap3A_286 = tpu.vector_load %arg16[%swap3A_284, %swap3A_285] {strides = array<i32>} : memref<128x128xf32, #tpu.memory_space<vmem>>, vector<1x16xf32>,
        %swap3A_287 = vector.shape_cast %swap3A_286 : vector<1x16xf32> to vector<16xf32>
        %swap3A_288 = vector.shape_cast %mul3A_283 : vector<16xf32> to vector<1x16xf32>
        tpu.vector_store %arg16[%swap3A_284, %swap3A_285], %swap3A_288 {strides = array<i32>} : memref<128x128xf32, #tpu.memory_space<vmem>>, vector<1x16xf32>,
        %sub3A_289 = arith.constant 3.000000e+00 : f32
        %sub3A_290 = vector.broadcast %sub3A_289 : f32 to vector<16xf32>
        %sub3A_291 = arith.subf %gather3A_240, %sub3A_290 : vector<16xf32>
        %mul3A_292 = arith.mulf %sub3A_291, %sub3A_291 : vector<16xf32>
        %sub3A_293 = arith.constant 1.000000e+00 : f32
        %sub3A_294 = vector.broadcast %sub3A_293 : f32 to vector<16xf32>
        %sub3A_295 = arith.subf %sub3A_294, %mul3A_292 : vector<16xf32>
        %max3A_296 = arith.constant 0.000000e+00 : f32
        %max3A_297 = vector.broadcast %max3A_296 : f32 to vector<16xf32>
        %max3A_298 = arith.maximumf %max3A_297, %sub3A_295 : vector<16xf32>
        %mul3A_299 = arith.mulf %exp3A_223, %max3A_298 : vector<16xf32>
        %swap3A_300 = arith.index_cast %scan3A_205 : i32 to index
        %swap3A_301 = arith.constant 48 : index
        %swap3A_302 = tpu.vector_load %arg16[%swap3A_300, %swap3A_301] {strides = array<i32>} : memref<128x128xf32, #tpu.memory_space<vmem>>, vector<1x16xf32>,
        %swap3A_303 = vector.shape_cast %swap3A_302 : vector<1x16xf32> to vector<16xf32>
        %swap3A_304 = vector.shape_cast %mul3A_299 : vector<16xf32> to vector<1x16xf32>
        tpu.vector_store %arg16[%swap3A_300, %swap3A_301], %swap3A_304 {strides = array<i32>} : memref<128x128xf32, #tpu.memory_space<vmem>>, vector<1x16xf32>,
        %sub3A_305 = arith.constant 4.000000e+00 : f32
        %sub3A_306 = vector.broadcast %sub3A_305 : f32 to vector<16xf32>
        %sub3A_307 = arith.subf %gather3A_240, %sub3A_306 : vector<16xf32>
        %mul3A_308 = arith.mulf %sub3A_307, %sub3A_307 : vector<16xf32>
        %sub3A_309 = arith.constant 1.000000e+00 : f32
        %sub3A_310 = vector.broadcast %sub3A_309 : f32 to vector<16xf32>
        %sub3A_311 = arith.subf %sub3A_310, %mul3A_308 : vector<16xf32>
        %max3A_312 = arith.constant 0.000000e+00 : f32
        %max3A_313 = vector.broadcast %max3A_312 : f32 to vector<16xf32>
        %max3A_314 = arith.maximumf %max3A_313, %sub3A_311 : vector<16xf32>
        %mul3A_315 = arith.mulf %exp3A_223, %max3A_314 : vector<16xf32>
        %swap3A_316 = arith.index_cast %scan3A_205 : i32 to index
        %swap3A_317 = arith.constant 64 : index
        %swap3A_318 = tpu.vector_load %arg16[%swap3A_316, %swap3A_317] {strides = array<i32>} : memref<128x128xf32, #tpu.memory_space<vmem>>, vector<1x16xf32>,
        %swap3A_319 = vector.shape_cast %swap3A_318 : vector<1x16xf32> to vector<16xf32>
        %swap3A_320 = vector.shape_cast %mul3A_315 : vector<16xf32> to vector<1x16xf32>
        tpu.vector_store %arg16[%swap3A_316, %swap3A_317], %swap3A_320 {strides = array<i32>} : memref<128x128xf32, #tpu.memory_space<vmem>>, vector<1x16xf32>,
        %sub3A_321 = arith.constant 5.000000e+00 : f32
        %sub3A_322 = vector.broadcast %sub3A_321 : f32 to vector<16xf32>
        %sub3A_323 = arith.subf %gather3A_240, %sub3A_322 : vector<16xf32>
        %mul3A_324 = arith.mulf %sub3A_323, %sub3A_323 : vector<16xf32>
        %sub3A_325 = arith.constant 1.000000e+00 : f32
        %sub3A_326 = vector.broadcast %sub3A_325 : f32 to vector<16xf32>
        %sub3A_327 = arith.subf %sub3A_326, %mul3A_324 : vector<16xf32>
        %max3A_328 = arith.constant 0.000000e+00 : f32
        %max3A_329 = vector.broadcast %max3A_328 : f32 to vector<16xf32>
        %max3A_330 = arith.maximumf %max3A_329, %sub3A_327 : vector<16xf32>
        %mul3A_331 = arith.mulf %exp3A_223, %max3A_330 : vector<16xf32>
        %swap3A_332 = arith.index_cast %scan3A_205 : i32 to index
        %swap3A_333 = arith.constant 80 : index
        %swap3A_334 = tpu.vector_load %arg16[%swap3A_332, %swap3A_333] {strides = array<i32>} : memref<128x128xf32, #tpu.memory_space<vmem>>, vector<1x16xf32>,
        %swap3A_335 = vector.shape_cast %swap3A_334 : vector<1x16xf32> to vector<16xf32>
        %swap3A_336 = vector.shape_cast %mul3A_331 : vector<16xf32> to vector<1x16xf32>
        tpu.vector_store %arg16[%swap3A_332, %swap3A_333], %swap3A_336 {strides = array<i32>} : memref<128x128xf32, #tpu.memory_space<vmem>>, vector<1x16xf32>,
        %sub3A_337 = arith.constant 6.000000e+00 : f32
        %sub3A_338 = vector.broadcast %sub3A_337 : f32 to vector<16xf32>
        %sub3A_339 = arith.subf %gather3A_240, %sub3A_338 : vector<16xf32>
        %mul3A_340 = arith.mulf %sub3A_339, %sub3A_339 : vector<16xf32>
        %sub3A_341 = arith.constant 1.000000e+00 : f32
        %sub3A_342 = vector.broadcast %sub3A_341 : f32 to vector<16xf32>
        %sub3A_343 = arith.subf %sub3A_342, %mul3A_340 : vector<16xf32>
        %max3A_344 = arith.constant 0.000000e+00 : f32
        %max3A_345 = vector.broadcast %max3A_344 : f32 to vector<16xf32>
        %max3A_346 = arith.maximumf %max3A_345, %sub3A_343 : vector<16xf32>
        %mul3A_347 = arith.mulf %exp3A_223, %max3A_346 : vector<16xf32>
        %swap3A_348 = arith.index_cast %scan3A_205 : i32 to index
        %swap3A_349 = arith.constant 96 : index
        %swap3A_350 = tpu.vector_load %arg16[%swap3A_348, %swap3A_349] {strides = array<i32>} : memref<128x128xf32, #tpu.memory_space<vmem>>, vector<1x16xf32>,
        %swap3A_351 = vector.shape_cast %swap3A_350 : vector<1x16xf32> to vector<16xf32>
        %swap3A_352 = vector.shape_cast %mul3A_347 : vector<16xf32> to vector<1x16xf32>
        tpu.vector_store %arg16[%swap3A_348, %swap3A_349], %swap3A_352 {strides = array<i32>} : memref<128x128xf32, #tpu.memory_space<vmem>>, vector<1x16xf32>,
        %sub3A_353 = arith.constant 7.000000e+00 : f32
        %sub3A_354 = vector.broadcast %sub3A_353 : f32 to vector<16xf32>
        %sub3A_355 = arith.subf %gather3A_240, %sub3A_354 : vector<16xf32>
        %mul3A_356 = arith.mulf %sub3A_355, %sub3A_355 : vector<16xf32>
        %sub3A_357 = arith.constant 1.000000e+00 : f32
        %sub3A_358 = vector.broadcast %sub3A_357 : f32 to vector<16xf32>
        %sub3A_359 = arith.subf %sub3A_358, %mul3A_356 : vector<16xf32>
        %max3A_360 = arith.constant 0.000000e+00 : f32
        %max3A_361 = vector.broadcast %max3A_360 : f32 to vector<16xf32>
        %max3A_362 = arith.maximumf %max3A_361, %sub3A_359 : vector<16xf32>
        %mul3A_363 = arith.mulf %exp3A_223, %max3A_362 : vector<16xf32>
        %swap3A_364 = arith.index_cast %scan3A_205 : i32 to index
        %swap3A_365 = arith.constant 112 : index
        %swap3A_366 = tpu.vector_load %arg16[%swap3A_364, %swap3A_365] {strides = array<i32>} : memref<128x128xf32, #tpu.memory_space<vmem>>, vector<1x16xf32>,
        %swap3A_367 = vector.shape_cast %swap3A_366 : vector<1x16xf32> to vector<16xf32>
        %swap3A_368 = vector.shape_cast %mul3A_363 : vector<16xf32> to vector<1x16xf32>
        tpu.vector_store %arg16[%swap3A_364, %swap3A_365], %swap3A_368 {strides = array<i32>} : memref<128x128xf32, #tpu.memory_space<vmem>>, vector<1x16xf32>,
        %scan3A_369 = arith.constant 0 : i32
        scf.yield %scan3A_369 : i32
      }
      %scan3A_46 = arith.constant 128 : i32
      "tpu.region"() ({
        %run_scoped3A_48 = tpu.sem_alloc : memref<!tpu.dma_semaphore, #tpu.memory_space<semaphore_mem>>
        %dma_start3A_49 = arith.constant 0 : i32
        %dma_start3A_50 = tpu.memref_slice %arg7[%add3A_22, %dma_start3A_49] : memref<163840x16xf32, #tpu.memory_space<hbm>> -> memref<128x16xf32, #tpu.memory_space<hbm>>
        %dma_start3A_51 = arith.constant 0 : i32
        %dma_start3A_52 = tpu.memref_slice %arg7[%add3A_22, %dma_start3A_51] : memref<163840x16xf32, #tpu.memory_space<hbm>> -> memref<128x16xf32, #tpu.memory_space<hbm>>
        tpu.enqueue_dma source(%arg15 : memref<128x16xf32, #tpu.memory_space<vmem>>) target(%dma_start3A_52 : memref<128x16xf32, #tpu.memory_space<hbm>>) target_semaphore(%run_scoped3A_48 : memref<!tpu.dma_semaphore, #tpu.memory_space<semaphore_mem>>)
        %dma_wait3A_53 = arith.constant 0 : i32
        %dma_wait3A_54 = tpu.memref_slice %arg7[%add3A_22, %dma_wait3A_53] : memref<163840x16xf32, #tpu.memory_space<hbm>> -> memref<128x16xf32, #tpu.memory_space<hbm>>
        %dma_wait3A_55 = arith.constant 0 : i32
        %dma_wait3A_56 = tpu.memref_slice %arg7[%add3A_22, %dma_wait3A_55] : memref<163840x16xf32, #tpu.memory_space<hbm>> -> memref<128x16xf32, #tpu.memory_space<hbm>>
        tpu.wait_dma2 semaphore(%run_scoped3A_48 : memref<!tpu.dma_semaphore, #tpu.memory_space<semaphore_mem>>) src(%arg15 : memref<128x16xf32, #tpu.memory_space<vmem>>) dst(%dma_wait3A_56 : memref<128x16xf32, #tpu.memory_space<hbm>>)
        tpu.yield
      }) : () -> ()
      "tpu.region"() ({
        %run_scoped3A_48 = tpu.sem_alloc : memref<!tpu.dma_semaphore, #tpu.memory_space<semaphore_mem>>
        %dma_start3A_49 = arith.constant 0 : i32
        %dma_start3A_50 = arith.constant 0 : i32
        %dma_start3A_51 = tpu.memref_slice %arg18[%dma_start3A_49, %dma_start3A_50] : memref<1280x128xf32, #tpu.memory_space<vmem_shared>> -> memref<1280x128xf32, #tpu.memory_space<vmem_shared>>
        tpu.enqueue_indirect_dma source(%arg16 : memref<128x128xf32, #tpu.memory_space<vmem>>) target(%dma_start3A_51 : memref<1280x128xf32, #tpu.memory_space<vmem_shared>>) offsets(%arg11 : memref<128xi32, #tpu.memory_space<vmem>>) semaphore(%run_scoped3A_48 : memref<!tpu.dma_semaphore, #tpu.memory_space<semaphore_mem>>) {add = true}
        %dma_wait3A_52 = arith.constant 0 : i32
        %dma_wait3A_53 = arith.constant 0 : i32
        %dma_wait3A_54 = tpu.memref_slice %arg18[%dma_wait3A_52, %dma_wait3A_53] : memref<1280x128xf32, #tpu.memory_space<vmem_shared>> -> memref<1280x128xf32, #tpu.memory_space<vmem_shared>>
        tpu.wait_indirect_dma semaphore(%run_scoped3A_48 : memref<!tpu.dma_semaphore, #tpu.memory_space<semaphore_mem>>) src(%arg16 : memref<128x128xf32, #tpu.memory_space<vmem>>) dst(%dma_wait3A_54 : memref<1280x128xf32, #tpu.memory_space<vmem_shared>>)
        tpu.yield
      }) : () -> ()
      %scan3A_47 = arith.constant 0 : i32
      scf.yield %scan3A_47 : i32
    }
    %scan3A_12 = arith.constant 40 : i32
    %barrier3A_13 = arith.constant 0 : index
    tpu.barrier barrier_id(%barrier3A_13)
    %mul3A_14 = arith.constant 80 : i32
    %mul3A_15 = arith.muli %arg1, %mul3A_14 : i32
    %mul3A_16 = arith.constant 80 : i32
    %mul3A_17 = arith.muli %arg1, %mul3A_16 : i32
    "tpu.region"() ({
      %run_scoped3A_18 = tpu.sem_alloc : memref<!tpu.dma_semaphore, #tpu.memory_space<semaphore_mem>>
      %dma_start3A = arith.constant 0 : i32
      %dma_start3A_19 = tpu.memref_slice %arg8[%arg0, %mul3A_17, %dma_start3A] : memref<2x1280x128xf32, #tpu.memory_space<hbm>> -> memref<1x80x128xf32, #tpu.memory_space<hbm>>
      %dma_start3A_20 = tpu.memref_squeeze %dma_start3A_19 : memref<1x80x128xf32, #tpu.memory_space<hbm>> -> memref<80x128xf32, #tpu.memory_space<hbm>>
      %dma_start3A_21 = arith.constant 0 : i32
      %dma_start3A_22 = tpu.memref_slice %arg18[%mul3A_15, %dma_start3A_21] : memref<1280x128xf32, #tpu.memory_space<vmem_shared>> -> memref<80x128xf32, #tpu.memory_space<vmem_shared>>
      tpu.enqueue_dma source(%dma_start3A_22 : memref<80x128xf32, #tpu.memory_space<vmem_shared>>) target(%dma_start3A_20 : memref<80x128xf32, #tpu.memory_space<hbm>>) target_semaphore(%run_scoped3A_18 : memref<!tpu.dma_semaphore, #tpu.memory_space<semaphore_mem>>)
      %dma_wait3A = arith.constant 0 : i32
      %dma_wait3A_23 = tpu.memref_slice %arg8[%arg0, %mul3A_17, %dma_wait3A] : memref<2x1280x128xf32, #tpu.memory_space<hbm>> -> memref<1x80x128xf32, #tpu.memory_space<hbm>>
      %dma_wait3A_24 = tpu.memref_squeeze %dma_wait3A_23 : memref<1x80x128xf32, #tpu.memory_space<hbm>> -> memref<80x128xf32, #tpu.memory_space<hbm>>
      %dma_wait3A_25 = arith.constant 0 : i32
      %dma_wait3A_26 = tpu.memref_slice %arg18[%mul3A_15, %dma_wait3A_25] : memref<1280x128xf32, #tpu.memory_space<vmem_shared>> -> memref<80x128xf32, #tpu.memory_space<vmem_shared>>
      tpu.wait_dma2 semaphore(%run_scoped3A_18 : memref<!tpu.dma_semaphore, #tpu.memory_space<semaphore_mem>>) src(%dma_wait3A_26 : memref<80x128xf32, #tpu.memory_space<vmem_shared>>) dst(%dma_wait3A_24 : memref<80x128xf32, #tpu.memory_space<hbm>>)
      tpu.yield
    }) : () -> ()
    return
  }
}

module attributes {stable_mosaic.version = 14 : i64} {
  func.func @_ka_body(%arg0: i32, %arg1: memref<512x256xf32, #tpu.memory_space<vmem>>, %arg2: memref<256x128xf32, #tpu.memory_space<vmem>>, %arg3: memref<1x128xf32, #tpu.memory_space<vmem>>, %arg4: memref<128x2048xf32, #tpu.memory_space<vmem>>, %arg5: memref<1x2048xf32, #tpu.memory_space<vmem>>, %arg6: memref<2048x128xf32, #tpu.memory_space<vmem>>, %arg7: memref<16x512x128xf32, #tpu.memory_space<vmem>>, %arg8: memref<512x128xf32, #tpu.memory_space<vmem>>, %arg9: memref<1x16xf32, #tpu.memory_space<vmem>>, %arg10: memref<1x128xf32, #tpu.memory_space<vmem>>) attributes {dimension_semantics = [#tpu.dimension_semantics<arbitrary>], iteration_bounds = array<i64: 20>, scalar_prefetch = 0 : i64, scratch_operands = 1 : i64, tpu.core_type = #tpu.core_type<tc>, window_params = [{transform_indices = @transform_0, window_bounds = array<i64: 512, 256>}, {pipeline_mode = #tpu.pipeline_mode<synchronous>, transform_indices = @transform_1, window_bounds = array<i64: 256, 128>}, {pipeline_mode = #tpu.pipeline_mode<synchronous>, transform_indices = @transform_2, window_bounds = array<i64: 1, 128>}, {pipeline_mode = #tpu.pipeline_mode<synchronous>, transform_indices = @transform_3, window_bounds = array<i64: 128, 2048>}, {pipeline_mode = #tpu.pipeline_mode<synchronous>, transform_indices = @transform_4, window_bounds = array<i64: 1, 2048>}, {pipeline_mode = #tpu.pipeline_mode<synchronous>, transform_indices = @transform_5, window_bounds = array<i64: 2048, 128>}, {transform_indices = @transform_6, window_bounds = array<i64: 16, 512, 128>}, {transform_indices = @transform_7, window_bounds = array<i64: 512, 128>}, {pipeline_mode = #tpu.pipeline_mode<synchronous>, transform_indices = @transform_8, window_bounds = array<i64: 1, 16>}]} {
    %get3A = arith.constant 0 : index
    %get3A_0 = arith.constant 0 : index
    %get3A_1 = vector.load %arg1[%get3A, %get3A_0] : memref<512x256xf32, #tpu.memory_space<vmem>>, vector<512x256xf32>
    %get3A_2 = arith.constant 0 : index
    %get3A_3 = arith.constant 0 : index
    %get3A_4 = vector.load %arg2[%get3A_2, %get3A_3] : memref<256x128xf32, #tpu.memory_space<vmem>>, vector<256x128xf32>
    %dot_general3A = arith.constant dense<0.000000e+00> : vector<512x128xf32>
    %dot_general3A_5 = tpu.matmul %get3A_1, %get3A_4, %dot_general3A {dimension_numbers = #tpu.dot_dimension_numbers<[1], [0], [0], [1], [0, 0, 1, 1], [], []>, transpose_lhs_hint = false} : vector<512x256xf32>, vector<256x128xf32>, vector<512x128xf32> -> vector<512x128xf32>
    %get3A_6 = arith.constant 0 : index
    %get3A_7 = arith.constant 0 : index
    %get3A_8 = vector.load %arg3[%get3A_6, %get3A_7] : memref<1x128xf32, #tpu.memory_space<vmem>>, vector<1x128xf32>
    %add3A = vector.broadcast %get3A_8 : vector<1x128xf32> to vector<512x128xf32>
    %add3A_9 = arith.addf %dot_general3A_5, %add3A : vector<512x128xf32>
    %max3A = arith.constant 0.000000e+00 : f32
    %max3A_10 = vector.broadcast %max3A : f32 to vector<512x128xf32>
    %max3A_11 = arith.maximumf %add3A_9, %max3A_10 : vector<512x128xf32>
    %get3A_12 = arith.constant 0 : index
    %get3A_13 = arith.constant 0 : index
    %get3A_14 = vector.load %arg4[%get3A_12, %get3A_13] : memref<128x2048xf32, #tpu.memory_space<vmem>>, vector<128x2048xf32>
    %dot_general3A_15 = arith.constant dense<0.000000e+00> : vector<512x2048xf32>
    %dot_general3A_16 = tpu.matmul %max3A_11, %get3A_14, %dot_general3A_15 {dimension_numbers = #tpu.dot_dimension_numbers<[1], [0], [0], [1], [0, 0, 1, 1], [], []>, transpose_lhs_hint = false} : vector<512x128xf32>, vector<128x2048xf32>, vector<512x2048xf32> -> vector<512x2048xf32>
    %get3A_17 = arith.constant 0 : index
    %get3A_18 = arith.constant 0 : index
    %get3A_19 = vector.load %arg5[%get3A_17, %get3A_18] : memref<1x2048xf32, #tpu.memory_space<vmem>>, vector<1x2048xf32>
    %add3A_20 = vector.broadcast %get3A_19 : vector<1x2048xf32> to vector<512x2048xf32>
    %add3A_21 = arith.addf %dot_general3A_16, %add3A_20 : vector<512x2048xf32>
    %slice3A = vector.extract_strided_slice %add3A_21 {offsets = [0, 0], sizes = [512, 128], strides = [1, 1]} : vector<512x2048xf32> to vector<512x128xf32>
    %swap3A = arith.constant 0 : index
    %swap3A_22 = arith.constant 0 : index
    %swap3A_23 = arith.constant 0 : index
    %swap3A_24 = vector.load %arg7[%swap3A, %swap3A_22, %swap3A_23] : memref<16x512x128xf32, #tpu.memory_space<vmem>>, vector<1x512x128xf32>
    %swap3A_25 = vector.shape_cast %swap3A_24 : vector<1x512x128xf32> to vector<512x128xf32>
    %swap3A_26 = vector.shape_cast %slice3A : vector<512x128xf32> to vector<1x512x128xf32>
    tpu.vector_store %arg7[%swap3A, %swap3A_22, %swap3A_23], %swap3A_26 {strides = array<i32>} : memref<16x512x128xf32, #tpu.memory_space<vmem>>, vector<1x512x128xf32>,
    %slice3A_27 = vector.extract_strided_slice %add3A_21 {offsets = [0, 128], sizes = [512, 128], strides = [1, 1]} : vector<512x2048xf32> to vector<512x128xf32>
    %swap3A_28 = arith.constant 1 : index
    %swap3A_29 = arith.constant 0 : index
    %swap3A_30 = arith.constant 0 : index
    %swap3A_31 = vector.load %arg7[%swap3A_28, %swap3A_29, %swap3A_30] : memref<16x512x128xf32, #tpu.memory_space<vmem>>, vector<1x512x128xf32>
    %swap3A_32 = vector.shape_cast %swap3A_31 : vector<1x512x128xf32> to vector<512x128xf32>
    %swap3A_33 = vector.shape_cast %slice3A_27 : vector<512x128xf32> to vector<1x512x128xf32>
    tpu.vector_store %arg7[%swap3A_28, %swap3A_29, %swap3A_30], %swap3A_33 {strides = array<i32>} : memref<16x512x128xf32, #tpu.memory_space<vmem>>, vector<1x512x128xf32>,
    %slice3A_34 = vector.extract_strided_slice %add3A_21 {offsets = [0, 256], sizes = [512, 128], strides = [1, 1]} : vector<512x2048xf32> to vector<512x128xf32>
    %swap3A_35 = arith.constant 2 : index
    %swap3A_36 = arith.constant 0 : index
    %swap3A_37 = arith.constant 0 : index
    %swap3A_38 = vector.load %arg7[%swap3A_35, %swap3A_36, %swap3A_37] : memref<16x512x128xf32, #tpu.memory_space<vmem>>, vector<1x512x128xf32>
    %swap3A_39 = vector.shape_cast %swap3A_38 : vector<1x512x128xf32> to vector<512x128xf32>
    %swap3A_40 = vector.shape_cast %slice3A_34 : vector<512x128xf32> to vector<1x512x128xf32>
    tpu.vector_store %arg7[%swap3A_35, %swap3A_36, %swap3A_37], %swap3A_40 {strides = array<i32>} : memref<16x512x128xf32, #tpu.memory_space<vmem>>, vector<1x512x128xf32>,
    %slice3A_41 = vector.extract_strided_slice %add3A_21 {offsets = [0, 384], sizes = [512, 128], strides = [1, 1]} : vector<512x2048xf32> to vector<512x128xf32>
    %swap3A_42 = arith.constant 3 : index
    %swap3A_43 = arith.constant 0 : index
    %swap3A_44 = arith.constant 0 : index
    %swap3A_45 = vector.load %arg7[%swap3A_42, %swap3A_43, %swap3A_44] : memref<16x512x128xf32, #tpu.memory_space<vmem>>, vector<1x512x128xf32>
    %swap3A_46 = vector.shape_cast %swap3A_45 : vector<1x512x128xf32> to vector<512x128xf32>
    %swap3A_47 = vector.shape_cast %slice3A_41 : vector<512x128xf32> to vector<1x512x128xf32>
    tpu.vector_store %arg7[%swap3A_42, %swap3A_43, %swap3A_44], %swap3A_47 {strides = array<i32>} : memref<16x512x128xf32, #tpu.memory_space<vmem>>, vector<1x512x128xf32>,
    %slice3A_48 = vector.extract_strided_slice %add3A_21 {offsets = [0, 512], sizes = [512, 128], strides = [1, 1]} : vector<512x2048xf32> to vector<512x128xf32>
    %swap3A_49 = arith.constant 4 : index
    %swap3A_50 = arith.constant 0 : index
    %swap3A_51 = arith.constant 0 : index
    %swap3A_52 = vector.load %arg7[%swap3A_49, %swap3A_50, %swap3A_51] : memref<16x512x128xf32, #tpu.memory_space<vmem>>, vector<1x512x128xf32>
    %swap3A_53 = vector.shape_cast %swap3A_52 : vector<1x512x128xf32> to vector<512x128xf32>
    %swap3A_54 = vector.shape_cast %slice3A_48 : vector<512x128xf32> to vector<1x512x128xf32>
    tpu.vector_store %arg7[%swap3A_49, %swap3A_50, %swap3A_51], %swap3A_54 {strides = array<i32>} : memref<16x512x128xf32, #tpu.memory_space<vmem>>, vector<1x512x128xf32>,
    %slice3A_55 = vector.extract_strided_slice %add3A_21 {offsets = [0, 640], sizes = [512, 128], strides = [1, 1]} : vector<512x2048xf32> to vector<512x128xf32>
    %swap3A_56 = arith.constant 5 : index
    %swap3A_57 = arith.constant 0 : index
    %swap3A_58 = arith.constant 0 : index
    %swap3A_59 = vector.load %arg7[%swap3A_56, %swap3A_57, %swap3A_58] : memref<16x512x128xf32, #tpu.memory_space<vmem>>, vector<1x512x128xf32>
    %swap3A_60 = vector.shape_cast %swap3A_59 : vector<1x512x128xf32> to vector<512x128xf32>
    %swap3A_61 = vector.shape_cast %slice3A_55 : vector<512x128xf32> to vector<1x512x128xf32>
    tpu.vector_store %arg7[%swap3A_56, %swap3A_57, %swap3A_58], %swap3A_61 {strides = array<i32>} : memref<16x512x128xf32, #tpu.memory_space<vmem>>, vector<1x512x128xf32>,
    %slice3A_62 = vector.extract_strided_slice %add3A_21 {offsets = [0, 768], sizes = [512, 128], strides = [1, 1]} : vector<512x2048xf32> to vector<512x128xf32>
    %swap3A_63 = arith.constant 6 : index
    %swap3A_64 = arith.constant 0 : index
    %swap3A_65 = arith.constant 0 : index
    %swap3A_66 = vector.load %arg7[%swap3A_63, %swap3A_64, %swap3A_65] : memref<16x512x128xf32, #tpu.memory_space<vmem>>, vector<1x512x128xf32>
    %swap3A_67 = vector.shape_cast %swap3A_66 : vector<1x512x128xf32> to vector<512x128xf32>
    %swap3A_68 = vector.shape_cast %slice3A_62 : vector<512x128xf32> to vector<1x512x128xf32>
    tpu.vector_store %arg7[%swap3A_63, %swap3A_64, %swap3A_65], %swap3A_68 {strides = array<i32>} : memref<16x512x128xf32, #tpu.memory_space<vmem>>, vector<1x512x128xf32>,
    %slice3A_69 = vector.extract_strided_slice %add3A_21 {offsets = [0, 896], sizes = [512, 128], strides = [1, 1]} : vector<512x2048xf32> to vector<512x128xf32>
    %swap3A_70 = arith.constant 7 : index
    %swap3A_71 = arith.constant 0 : index
    %swap3A_72 = arith.constant 0 : index
    %swap3A_73 = vector.load %arg7[%swap3A_70, %swap3A_71, %swap3A_72] : memref<16x512x128xf32, #tpu.memory_space<vmem>>, vector<1x512x128xf32>
    %swap3A_74 = vector.shape_cast %swap3A_73 : vector<1x512x128xf32> to vector<512x128xf32>
    %swap3A_75 = vector.shape_cast %slice3A_69 : vector<512x128xf32> to vector<1x512x128xf32>
    tpu.vector_store %arg7[%swap3A_70, %swap3A_71, %swap3A_72], %swap3A_75 {strides = array<i32>} : memref<16x512x128xf32, #tpu.memory_space<vmem>>, vector<1x512x128xf32>,
    %slice3A_76 = vector.extract_strided_slice %add3A_21 {offsets = [0, 1024], sizes = [512, 128], strides = [1, 1]} : vector<512x2048xf32> to vector<512x128xf32>
    %swap3A_77 = arith.constant 8 : index
    %swap3A_78 = arith.constant 0 : index
    %swap3A_79 = arith.constant 0 : index
    %swap3A_80 = vector.load %arg7[%swap3A_77, %swap3A_78, %swap3A_79] : memref<16x512x128xf32, #tpu.memory_space<vmem>>, vector<1x512x128xf32>
    %swap3A_81 = vector.shape_cast %swap3A_80 : vector<1x512x128xf32> to vector<512x128xf32>
    %swap3A_82 = vector.shape_cast %slice3A_76 : vector<512x128xf32> to vector<1x512x128xf32>
    tpu.vector_store %arg7[%swap3A_77, %swap3A_78, %swap3A_79], %swap3A_82 {strides = array<i32>} : memref<16x512x128xf32, #tpu.memory_space<vmem>>, vector<1x512x128xf32>,
    %slice3A_83 = vector.extract_strided_slice %add3A_21 {offsets = [0, 1152], sizes = [512, 128], strides = [1, 1]} : vector<512x2048xf32> to vector<512x128xf32>
    %swap3A_84 = arith.constant 9 : index
    %swap3A_85 = arith.constant 0 : index
    %swap3A_86 = arith.constant 0 : index
    %swap3A_87 = vector.load %arg7[%swap3A_84, %swap3A_85, %swap3A_86] : memref<16x512x128xf32, #tpu.memory_space<vmem>>, vector<1x512x128xf32>
    %swap3A_88 = vector.shape_cast %swap3A_87 : vector<1x512x128xf32> to vector<512x128xf32>
    %swap3A_89 = vector.shape_cast %slice3A_83 : vector<512x128xf32> to vector<1x512x128xf32>
    tpu.vector_store %arg7[%swap3A_84, %swap3A_85, %swap3A_86], %swap3A_89 {strides = array<i32>} : memref<16x512x128xf32, #tpu.memory_space<vmem>>, vector<1x512x128xf32>,
    %slice3A_90 = vector.extract_strided_slice %add3A_21 {offsets = [0, 1280], sizes = [512, 128], strides = [1, 1]} : vector<512x2048xf32> to vector<512x128xf32>
    %swap3A_91 = arith.constant 10 : index
    %swap3A_92 = arith.constant 0 : index
    %swap3A_93 = arith.constant 0 : index
    %swap3A_94 = vector.load %arg7[%swap3A_91, %swap3A_92, %swap3A_93] : memref<16x512x128xf32, #tpu.memory_space<vmem>>, vector<1x512x128xf32>
    %swap3A_95 = vector.shape_cast %swap3A_94 : vector<1x512x128xf32> to vector<512x128xf32>
    %swap3A_96 = vector.shape_cast %slice3A_90 : vector<512x128xf32> to vector<1x512x128xf32>
    tpu.vector_store %arg7[%swap3A_91, %swap3A_92, %swap3A_93], %swap3A_96 {strides = array<i32>} : memref<16x512x128xf32, #tpu.memory_space<vmem>>, vector<1x512x128xf32>,
    %slice3A_97 = vector.extract_strided_slice %add3A_21 {offsets = [0, 1408], sizes = [512, 128], strides = [1, 1]} : vector<512x2048xf32> to vector<512x128xf32>
    %swap3A_98 = arith.constant 11 : index
    %swap3A_99 = arith.constant 0 : index
    %swap3A_100 = arith.constant 0 : index
    %swap3A_101 = vector.load %arg7[%swap3A_98, %swap3A_99, %swap3A_100] : memref<16x512x128xf32, #tpu.memory_space<vmem>>, vector<1x512x128xf32>
    %swap3A_102 = vector.shape_cast %swap3A_101 : vector<1x512x128xf32> to vector<512x128xf32>
    %swap3A_103 = vector.shape_cast %slice3A_97 : vector<512x128xf32> to vector<1x512x128xf32>
    tpu.vector_store %arg7[%swap3A_98, %swap3A_99, %swap3A_100], %swap3A_103 {strides = array<i32>} : memref<16x512x128xf32, #tpu.memory_space<vmem>>, vector<1x512x128xf32>,
    %slice3A_104 = vector.extract_strided_slice %add3A_21 {offsets = [0, 1536], sizes = [512, 128], strides = [1, 1]} : vector<512x2048xf32> to vector<512x128xf32>
    %swap3A_105 = arith.constant 12 : index
    %swap3A_106 = arith.constant 0 : index
    %swap3A_107 = arith.constant 0 : index
    %swap3A_108 = vector.load %arg7[%swap3A_105, %swap3A_106, %swap3A_107] : memref<16x512x128xf32, #tpu.memory_space<vmem>>, vector<1x512x128xf32>
    %swap3A_109 = vector.shape_cast %swap3A_108 : vector<1x512x128xf32> to vector<512x128xf32>
    %swap3A_110 = vector.shape_cast %slice3A_104 : vector<512x128xf32> to vector<1x512x128xf32>
    tpu.vector_store %arg7[%swap3A_105, %swap3A_106, %swap3A_107], %swap3A_110 {strides = array<i32>} : memref<16x512x128xf32, #tpu.memory_space<vmem>>, vector<1x512x128xf32>,
    %slice3A_111 = vector.extract_strided_slice %add3A_21 {offsets = [0, 1664], sizes = [512, 128], strides = [1, 1]} : vector<512x2048xf32> to vector<512x128xf32>
    %swap3A_112 = arith.constant 13 : index
    %swap3A_113 = arith.constant 0 : index
    %swap3A_114 = arith.constant 0 : index
    %swap3A_115 = vector.load %arg7[%swap3A_112, %swap3A_113, %swap3A_114] : memref<16x512x128xf32, #tpu.memory_space<vmem>>, vector<1x512x128xf32>
    %swap3A_116 = vector.shape_cast %swap3A_115 : vector<1x512x128xf32> to vector<512x128xf32>
    %swap3A_117 = vector.shape_cast %slice3A_111 : vector<512x128xf32> to vector<1x512x128xf32>
    tpu.vector_store %arg7[%swap3A_112, %swap3A_113, %swap3A_114], %swap3A_117 {strides = array<i32>} : memref<16x512x128xf32, #tpu.memory_space<vmem>>, vector<1x512x128xf32>,
    %slice3A_118 = vector.extract_strided_slice %add3A_21 {offsets = [0, 1792], sizes = [512, 128], strides = [1, 1]} : vector<512x2048xf32> to vector<512x128xf32>
    %swap3A_119 = arith.constant 14 : index
    %swap3A_120 = arith.constant 0 : index
    %swap3A_121 = arith.constant 0 : index
    %swap3A_122 = vector.load %arg7[%swap3A_119, %swap3A_120, %swap3A_121] : memref<16x512x128xf32, #tpu.memory_space<vmem>>, vector<1x512x128xf32>
    %swap3A_123 = vector.shape_cast %swap3A_122 : vector<1x512x128xf32> to vector<512x128xf32>
    %swap3A_124 = vector.shape_cast %slice3A_118 : vector<512x128xf32> to vector<1x512x128xf32>
    tpu.vector_store %arg7[%swap3A_119, %swap3A_120, %swap3A_121], %swap3A_124 {strides = array<i32>} : memref<16x512x128xf32, #tpu.memory_space<vmem>>, vector<1x512x128xf32>,
    %slice3A_125 = vector.extract_strided_slice %add3A_21 {offsets = [0, 1920], sizes = [512, 128], strides = [1, 1]} : vector<512x2048xf32> to vector<512x128xf32>
    %swap3A_126 = arith.constant 15 : index
    %swap3A_127 = arith.constant 0 : index
    %swap3A_128 = arith.constant 0 : index
    %swap3A_129 = vector.load %arg7[%swap3A_126, %swap3A_127, %swap3A_128] : memref<16x512x128xf32, #tpu.memory_space<vmem>>, vector<1x512x128xf32>
    %swap3A_130 = vector.shape_cast %swap3A_129 : vector<1x512x128xf32> to vector<512x128xf32>
    %swap3A_131 = vector.shape_cast %slice3A_125 : vector<512x128xf32> to vector<1x512x128xf32>
    tpu.vector_store %arg7[%swap3A_126, %swap3A_127, %swap3A_128], %swap3A_131 {strides = array<i32>} : memref<16x512x128xf32, #tpu.memory_space<vmem>>, vector<1x512x128xf32>,
    %get3A_132 = arith.constant 0 : index
    %get3A_133 = arith.constant 0 : index
    %get3A_134 = vector.load %arg6[%get3A_132, %get3A_133] : memref<2048x128xf32, #tpu.memory_space<vmem>>, vector<2048x128xf32>
    %dot_general3A_135 = arith.constant dense<0.000000e+00> : vector<512x128xf32>
    %dot_general3A_136 = tpu.matmul %add3A_21, %get3A_134, %dot_general3A_135 {dimension_numbers = #tpu.dot_dimension_numbers<[1], [0], [0], [1], [0, 0, 1, 1], [], []>, transpose_lhs_hint = false} : vector<512x2048xf32>, vector<2048x128xf32>, vector<512x128xf32> -> vector<512x128xf32>
    %swap3A_137 = arith.constant 0 : index
    %swap3A_138 = arith.constant 0 : index
    %swap3A_139 = vector.load %arg8[%swap3A_137, %swap3A_138] : memref<512x128xf32, #tpu.memory_space<vmem>>, vector<512x128xf32>
    tpu.vector_store %arg8[%swap3A_137, %swap3A_138], %dot_general3A_136 {strides = array<i32>} : memref<512x128xf32, #tpu.memory_space<vmem>>, vector<512x128xf32>,
    %reduce_max3A = arith.constant dense<0xFF800000> : vector<128xf32>
    %reduce_max3A_140 = vector.multi_reduction <maximumf>, %dot_general3A_136, %reduce_max3A [0] : vector<512x128xf32> to vector<128xf32>
    %broadcast_in_dim3A = vector.shape_cast %reduce_max3A_140 : vector<128xf32> to vector<1x128xf32>
    %eq3A = arith.constant 0 : i32
    %eq3A_141 = arith.cmpi eq, %arg0, %eq3A : i32
    %convert_element_type3A = arith.extui %eq3A_141 : i1 to i32
    %cond3A = arith.constant 0 : i32
    %cond3A_142 = arith.cmpi ne, %convert_element_type3A, %cond3A : i32
    scf.if %cond3A_142 {
      %swap3A_152 = arith.constant 0 : index
      %swap3A_153 = arith.constant 0 : index
      %swap3A_154 = vector.load %arg10[%swap3A_152, %swap3A_153] : memref<1x128xf32, #tpu.memory_space<vmem>>, vector<1x128xf32>
      tpu.vector_store %arg10[%swap3A_152, %swap3A_153], %broadcast_in_dim3A {strides = array<i32>} : memref<1x128xf32, #tpu.memory_space<vmem>>, vector<1x128xf32>,
    } else {
    }
    %gt3A = arith.constant 0 : i32
    %gt3A_143 = arith.cmpi sgt, %arg0, %gt3A : i32
    %convert_element_type3A_144 = arith.extui %gt3A_143 : i1 to i32
    %cond3A_145 = arith.constant 0 : i32
    %cond3A_146 = arith.cmpi ne, %convert_element_type3A_144, %cond3A_145 : i32
    scf.if %cond3A_146 {
      %get3A_152 = arith.constant 0 : index
      %get3A_153 = arith.constant 0 : index
      %get3A_154 = vector.load %arg10[%get3A_152, %get3A_153] : memref<1x128xf32, #tpu.memory_space<vmem>>, vector<1x128xf32>
      %max3A_155 = arith.maximumf %get3A_154, %broadcast_in_dim3A : vector<1x128xf32>
      %swap3A_156 = arith.constant 0 : index
      %swap3A_157 = arith.constant 0 : index
      %swap3A_158 = vector.load %arg10[%swap3A_156, %swap3A_157] : memref<1x128xf32, #tpu.memory_space<vmem>>, vector<1x128xf32>
      tpu.vector_store %arg10[%swap3A_156, %swap3A_157], %max3A_155 {strides = array<i32>} : memref<1x128xf32, #tpu.memory_space<vmem>>, vector<1x128xf32>,
    } else {
    }
    %eq3A_147 = arith.constant 19 : i32
    %eq3A_148 = arith.cmpi eq, %arg0, %eq3A_147 : i32
    %convert_element_type3A_149 = arith.extui %eq3A_148 : i1 to i32
    %cond3A_150 = arith.constant 0 : i32
    %cond3A_151 = arith.cmpi ne, %convert_element_type3A_149, %cond3A_150 : i32
    scf.if %cond3A_151 {
      %get3A_152 = arith.constant 0 : index
      %get3A_153 = arith.constant 0 : index
      %get3A_154 = vector.load %arg10[%get3A_152, %get3A_153] : memref<1x128xf32, #tpu.memory_space<vmem>>, vector<1x16xf32>
      %get3A_155 = arith.constant 0 : index
      %get3A_156 = arith.constant 16 : index
      %get3A_157 = vector.load %arg10[%get3A_155, %get3A_156] : memref<1x128xf32, #tpu.memory_space<vmem>>, vector<1x16xf32>
      %add3A_158 = arith.addf %get3A_154, %get3A_157 : vector<1x16xf32>
      %gt3A_159 = arith.constant 0.000000e+00 : f32
      %gt3A_160 = vector.broadcast %gt3A_159 : f32 to vector<1x16xf32>
      %gt3A_161 = arith.cmpf ogt, %add3A_158, %gt3A_160 : vector<1x16xf32>
      %mul3A = arith.constant 2.000000e-01 : f32
      %mul3A_162 = vector.broadcast %mul3A : f32 to vector<1x16xf32>
      %mul3A_163 = arith.mulf %mul3A_162, %add3A_158 : vector<1x16xf32>
      %select_n3A = arith.select %gt3A_161, %add3A_158, %mul3A_163 : vector<1x16xi1>, vector<1x16xf32>
      %swap3A_164 = arith.constant 0 : index
      %swap3A_165 = arith.constant 0 : index
      %swap3A_166 = vector.load %arg9[%swap3A_164, %swap3A_165] : memref<1x16xf32, #tpu.memory_space<vmem>>, vector<1x16xf32>
      tpu.vector_store %arg9[%swap3A_164, %swap3A_165], %select_n3A {strides = array<i32>} : memref<1x16xf32, #tpu.memory_space<vmem>>, vector<1x16xf32>,
    } else {
    }
    return
  }
  func.func @transform_0(%arg0: i32) -> (i32, i32) {
    %c0_i32 = arith.constant 0 : i32
    %c0_i32_0 = arith.constant 0 : i32
    return %arg0, %c0_i32 : i32, i32
  }
  func.func @transform_1(%arg0: i32) -> (i32, i32) {
    %c0_i32 = arith.constant 0 : i32
    %c0_i32_0 = arith.constant 0 : i32
    %c0_i32_1 = arith.constant 0 : i32
    return %c0_i32, %c0_i32_0 : i32, i32
  }
  func.func @transform_2(%arg0: i32) -> (i32, i32) {
    %c0_i32 = arith.constant 0 : i32
    %c0_i32_0 = arith.constant 0 : i32
    %c0_i32_1 = arith.constant 0 : i32
    return %c0_i32, %c0_i32_0 : i32, i32
  }
  func.func @transform_3(%arg0: i32) -> (i32, i32) {
    %c0_i32 = arith.constant 0 : i32
    %c0_i32_0 = arith.constant 0 : i32
    %c0_i32_1 = arith.constant 0 : i32
    return %c0_i32, %c0_i32_0 : i32, i32
  }
  func.func @transform_4(%arg0: i32) -> (i32, i32) {
    %c0_i32 = arith.constant 0 : i32
    %c0_i32_0 = arith.constant 0 : i32
    %c0_i32_1 = arith.constant 0 : i32
    return %c0_i32, %c0_i32_0 : i32, i32
  }
  func.func @transform_5(%arg0: i32) -> (i32, i32) {
    %c0_i32 = arith.constant 0 : i32
    %c0_i32_0 = arith.constant 0 : i32
    %c0_i32_1 = arith.constant 0 : i32
    return %c0_i32, %c0_i32_0 : i32, i32
  }
  func.func @transform_6(%arg0: i32) -> (i32, i32, i32) {
    %c0_i32 = arith.constant 0 : i32
    %c0_i32_0 = arith.constant 0 : i32
    %c0_i32_1 = arith.constant 0 : i32
    return %c0_i32, %arg0, %c0_i32_0 : i32, i32, i32
  }
  func.func @transform_7(%arg0: i32) -> (i32, i32) {
    %c0_i32 = arith.constant 0 : i32
    %c0_i32_0 = arith.constant 0 : i32
    return %arg0, %c0_i32 : i32, i32
  }
  func.func @transform_8(%arg0: i32) -> (i32, i32) {
    %c0_i32 = arith.constant 0 : i32
    %c0_i32_0 = arith.constant 0 : i32
    %c0_i32_1 = arith.constant 0 : i32
    return %c0_i32, %c0_i32_0 : i32, i32
  }
}

module attributes {stable_mosaic.version = 14 : i64} {
  func.func @_kd_body(%arg0: i32, %arg1: i32, %arg2: memref<1x512x128xf32, #tpu.memory_space<vmem>>, %arg3: memref<1x512x128xf32, #tpu.memory_space<vmem>>, %arg4: memref<512x128xf32, #tpu.memory_space<vmem>>, %arg5: memref<2x512x16xf32, #tpu.memory_space<vmem>>, %arg6: memref<1x16xf32, #tpu.memory_space<vmem>>, %arg7: memref<1x1x128xf32, #tpu.memory_space<vmem>>, %arg8: memref<1x1x128xf32, #tpu.memory_space<vmem>>, %arg9: memref<128x16xf32, #tpu.memory_space<vmem>>, %arg10: memref<16x16xf32, #tpu.memory_space<vmem>>, %arg11: memref<512x16xf32, #tpu.memory_space<vmem>>, %arg12: memref<1x16xf32, #tpu.memory_space<vmem>>, %arg13: memref<512x128xf32, #tpu.memory_space<vmem>>, %arg14: memref<512x128xf32, #tpu.memory_space<vmem>>, %arg15: memref<512x16xf32, #tpu.memory_space<vmem>>, %arg16: memref<1x16xf32, #tpu.memory_space<vmem>>) attributes {dimension_semantics = [#tpu.dimension_semantics<arbitrary>, #tpu.dimension_semantics<arbitrary>], iteration_bounds = array<i64: 20, 16>, scalar_prefetch = 0 : i64, scratch_operands = 2 : i64, tpu.core_type = #tpu.core_type<tc>, window_params = [{transform_indices = @transform_0, window_bounds = array<i64: 1, 512, 128>}, {transform_indices = @transform_1, window_bounds = array<i64: 1, 512, 128>}, {transform_indices = @transform_2, window_bounds = array<i64: 512, 128>}, {transform_indices = @transform_3, window_bounds = array<i64: 2, 512, 16>}, {pipeline_mode = #tpu.pipeline_mode<synchronous>, transform_indices = @transform_4, window_bounds = array<i64: 1, 16>}, {transform_indices = @transform_5, window_bounds = array<i64: 1, 1, 128>}, {transform_indices = @transform_6, window_bounds = array<i64: 1, 1, 128>}, {transform_indices = @transform_7, window_bounds = array<i64: 128, 16>}, {pipeline_mode = #tpu.pipeline_mode<synchronous>, transform_indices = @transform_8, window_bounds = array<i64: 16, 16>}, {transform_indices = @transform_9, window_bounds = array<i64: 512, 16>}, {pipeline_mode = #tpu.pipeline_mode<synchronous>, transform_indices = @transform_10, window_bounds = array<i64: 1, 16>}, {transform_indices = @transform_11, window_bounds = array<i64: 512, 128>}, {transform_indices = @transform_12, window_bounds = array<i64: 512, 128>}]} {
    %eq3A = arith.constant 0 : i32
    %eq3A_0 = arith.cmpi eq, %arg1, %eq3A : i32
    %convert_element_type3A = arith.extui %eq3A_0 : i1 to i32
    %cond3A = arith.constant 0 : i32
    %cond3A_1 = arith.cmpi ne, %convert_element_type3A, %cond3A : i32
    scf.if %cond3A_1 {
      %get3A_154 = arith.constant 0 : index
      %get3A_155 = arith.constant 0 : index
      %get3A_156 = vector.load %arg4[%get3A_154, %get3A_155] : memref<512x128xf32, #tpu.memory_space<vmem>>, vector<512x8xf32>
      %get3A_157 = arith.constant 0 : index
      %get3A_158 = arith.constant 16 : index
      %get3A_159 = vector.load %arg4[%get3A_157, %get3A_158] : memref<512x128xf32, #tpu.memory_space<vmem>>, vector<512x8xf32>
      %add3A_160 = arith.addf %get3A_156, %get3A_159 : vector<512x8xf32>
      %gt3A_161 = arith.constant 0.000000e+00 : f32
      %gt3A_162 = vector.broadcast %gt3A_161 : f32 to vector<512x8xf32>
      %gt3A_163 = arith.cmpf ogt, %add3A_160, %gt3A_162 : vector<512x8xf32>
      %mul3A_164 = arith.constant 2.000000e-01 : f32
      %mul3A_165 = vector.broadcast %mul3A_164 : f32 to vector<512x8xf32>
      %mul3A_166 = arith.mulf %mul3A_165, %add3A_160 : vector<512x8xf32>
      %select_n3A_167 = arith.select %gt3A_163, %add3A_160, %mul3A_166 : vector<512x8xi1>, vector<512x8xf32>
      %get3A_168 = arith.constant 0 : index
      %get3A_169 = arith.constant 0 : index
      %get3A_170 = vector.load %arg6[%get3A_168, %get3A_169] : memref<1x16xf32, #tpu.memory_space<vmem>>, vector<1x8xf32>
      %sub3A_171 = vector.broadcast %get3A_170 : vector<1x8xf32> to vector<512x8xf32>
      %sub3A_172 = arith.subf %select_n3A_167, %sub3A_171 : vector<512x8xf32>
      %exp3A_173 = math.exp %sub3A_172 : vector<512x8xf32>
      %get3A_174 = arith.constant 0 : index
      %get3A_175 = arith.constant 0 : index
      %get3A_176 = arith.constant 0 : index
      %get3A_177 = vector.load %arg5[%get3A_174, %get3A_175, %get3A_176] : memref<2x512x16xf32, #tpu.memory_space<vmem>>, vector<1x512x8xf32>
      %get3A_178 = vector.shape_cast %get3A_177 : vector<1x512x8xf32> to vector<512x8xf32>
      %get3A_179 = arith.constant 1 : index
      %get3A_180 = arith.constant 0 : index
      %get3A_181 = arith.constant 0 : index
      %get3A_182 = vector.load %arg5[%get3A_179, %get3A_180, %get3A_181] : memref<2x512x16xf32, #tpu.memory_space<vmem>>, vector<1x512x8xf32>
      %get3A_183 = vector.shape_cast %get3A_182 : vector<1x512x8xf32> to vector<512x8xf32>
      %add3A_184 = arith.addf %get3A_178, %get3A_183 : vector<512x8xf32>
      %add3A_185 = arith.addf %add3A_184, %exp3A_173 : vector<512x8xf32>
      %swap3A = arith.constant 0 : index
      %swap3A_186 = arith.constant 0 : index
      %swap3A_187 = vector.load %arg15[%swap3A, %swap3A_186] : memref<512x16xf32, #tpu.memory_space<vmem>>, vector<512x8xf32>
      tpu.vector_store %arg15[%swap3A, %swap3A_186], %exp3A_173 {strides = array<i32>} : memref<512x16xf32, #tpu.memory_space<vmem>>, vector<512x8xf32>,
      %div3A_188 = arith.constant 1.000000e+00 : f32
      %div3A_189 = vector.broadcast %div3A_188 : f32 to vector<512x8xf32>
      %div3A_190 = arith.divf %div3A_189, %add3A_185 : vector<512x8xf32>
      %swap3A_191 = arith.constant 0 : index
      %swap3A_192 = arith.constant 8 : index
      %swap3A_193 = vector.load %arg15[%swap3A_191, %swap3A_192] : memref<512x16xf32, #tpu.memory_space<vmem>>, vector<512x8xf32>
      tpu.vector_store %arg15[%swap3A_191, %swap3A_192], %div3A_190 {strides = array<i32>} : memref<512x16xf32, #tpu.memory_space<vmem>>, vector<512x8xf32>,
    } else {
    }
    %jit3A = arith.constant 2 : i32
    %div3A = arith.divsi %arg1, %jit3A : i32
    %sign3A = arith.constant 0 : i32
    %sign3A_2 = arith.cmpi sgt, %arg1, %sign3A : i32
    %sign3A_3 = arith.extui %sign3A_2 : i1 to i32
    %sign3A_4 = arith.constant 0 : i32
    %sign3A_5 = arith.cmpi slt, %arg1, %sign3A_4 : i32
    %sign3A_6 = arith.extui %sign3A_5 : i1 to i32
    %sign3A_7 = arith.subi %sign3A_3, %sign3A_6 : i32
    %sign3A_8 = arith.constant 0 : i32
    %sign3A_9 = arith.cmpi sgt, %jit3A, %sign3A_8 : i32
    %sign3A_10 = arith.extui %sign3A_9 : i1 to i32
    %sign3A_11 = arith.constant 0 : i32
    %sign3A_12 = arith.cmpi slt, %jit3A, %sign3A_11 : i32
    %sign3A_13 = arith.extui %sign3A_12 : i1 to i32
    %sign3A_14 = arith.subi %sign3A_10, %sign3A_13 : i32
    %ne3A = arith.cmpi ne, %sign3A_7, %sign3A_14 : i32
    %rem3A = arith.remsi %arg1, %jit3A : i32
    %ne3A_15 = arith.constant 0 : i32
    %ne3A_16 = arith.cmpi ne, %rem3A, %ne3A_15 : i32
    %and3A = arith.andi %ne3A, %ne3A_16 : i1
    %sub3A = arith.constant 1 : i32
    %sub3A_17 = arith.subi %div3A, %sub3A : i32
    %select_n3A = arith.select %and3A, %sub3A_17, %div3A : i32
    %broadcast_in_dim3A = arith.constant 0.000000e+00 : f32
    %broadcast_in_dim3A_18 = vector.broadcast %broadcast_in_dim3A : f32 to vector<512x1xf32>
    %broadcast_in_dim3A_19 = arith.constant 0.000000e+00 : f32
    %broadcast_in_dim3A_20 = vector.broadcast %broadcast_in_dim3A_19 : f32 to vector<512x1xf32>
    %eq3A_21 = arith.constant 0 : i32
    %eq3A_22 = arith.cmpi eq, %select_n3A, %eq3A_21 : i32
    %get3A = arith.constant 0 : index
    %get3A_23 = arith.constant 0 : index
    %get3A_24 = vector.load %arg15[%get3A, %get3A_23] : memref<512x16xf32, #tpu.memory_space<vmem>>, vector<512x1xf32>
    %select_n3A_25 = arith.select %eq3A_22, %get3A_24, %broadcast_in_dim3A_18 : vector<512x1xf32>
    %get3A_26 = arith.constant 0 : index
    %get3A_27 = arith.constant 8 : index
    %get3A_28 = vector.load %arg15[%get3A_26, %get3A_27] : memref<512x16xf32, #tpu.memory_space<vmem>>, vector<512x1xf32>
    %select_n3A_29 = arith.select %eq3A_22, %get3A_28, %broadcast_in_dim3A_20 : vector<512x1xf32>
    %eq3A_30 = arith.constant 1 : i32
    %eq3A_31 = arith.cmpi eq, %select_n3A, %eq3A_30 : i32
    %get3A_32 = arith.constant 0 : index
    %get3A_33 = arith.constant 1 : index
    %get3A_34 = vector.load %arg15[%get3A_32, %get3A_33] : memref<512x16xf32, #tpu.memory_space<vmem>>, vector<512x1xf32>
    %select_n3A_35 = arith.select %eq3A_31, %get3A_34, %select_n3A_25 : vector<512x1xf32>
    %get3A_36 = arith.constant 0 : index
    %get3A_37 = arith.constant 9 : index
    %get3A_38 = vector.load %arg15[%get3A_36, %get3A_37] : memref<512x16xf32, #tpu.memory_space<vmem>>, vector<512x1xf32>
    %select_n3A_39 = arith.select %eq3A_31, %get3A_38, %select_n3A_29 : vector<512x1xf32>
    %eq3A_40 = arith.constant 2 : i32
    %eq3A_41 = arith.cmpi eq, %select_n3A, %eq3A_40 : i32
    %get3A_42 = arith.constant 0 : index
    %get3A_43 = arith.constant 2 : index
    %get3A_44 = vector.load %arg15[%get3A_42, %get3A_43] : memref<512x16xf32, #tpu.memory_space<vmem>>, vector<512x1xf32>
    %select_n3A_45 = arith.select %eq3A_41, %get3A_44, %select_n3A_35 : vector<512x1xf32>
    %get3A_46 = arith.constant 0 : index
    %get3A_47 = arith.constant 10 : index
    %get3A_48 = vector.load %arg15[%get3A_46, %get3A_47] : memref<512x16xf32, #tpu.memory_space<vmem>>, vector<512x1xf32>
    %select_n3A_49 = arith.select %eq3A_41, %get3A_48, %select_n3A_39 : vector<512x1xf32>
    %eq3A_50 = arith.constant 3 : i32
    %eq3A_51 = arith.cmpi eq, %select_n3A, %eq3A_50 : i32
    %get3A_52 = arith.constant 0 : index
    %get3A_53 = arith.constant 3 : index
    %get3A_54 = vector.load %arg15[%get3A_52, %get3A_53] : memref<512x16xf32, #tpu.memory_space<vmem>>, vector<512x1xf32>
    %select_n3A_55 = arith.select %eq3A_51, %get3A_54, %select_n3A_45 : vector<512x1xf32>
    %get3A_56 = arith.constant 0 : index
    %get3A_57 = arith.constant 11 : index
    %get3A_58 = vector.load %arg15[%get3A_56, %get3A_57] : memref<512x16xf32, #tpu.memory_space<vmem>>, vector<512x1xf32>
    %select_n3A_59 = arith.select %eq3A_51, %get3A_58, %select_n3A_49 : vector<512x1xf32>
    %eq3A_60 = arith.constant 4 : i32
    %eq3A_61 = arith.cmpi eq, %select_n3A, %eq3A_60 : i32
    %get3A_62 = arith.constant 0 : index
    %get3A_63 = arith.constant 4 : index
    %get3A_64 = vector.load %arg15[%get3A_62, %get3A_63] : memref<512x16xf32, #tpu.memory_space<vmem>>, vector<512x1xf32>
    %select_n3A_65 = arith.select %eq3A_61, %get3A_64, %select_n3A_55 : vector<512x1xf32>
    %get3A_66 = arith.constant 0 : index
    %get3A_67 = arith.constant 12 : index
    %get3A_68 = vector.load %arg15[%get3A_66, %get3A_67] : memref<512x16xf32, #tpu.memory_space<vmem>>, vector<512x1xf32>
    %select_n3A_69 = arith.select %eq3A_61, %get3A_68, %select_n3A_59 : vector<512x1xf32>
    %eq3A_70 = arith.constant 5 : i32
    %eq3A_71 = arith.cmpi eq, %select_n3A, %eq3A_70 : i32
    %get3A_72 = arith.constant 0 : index
    %get3A_73 = arith.constant 5 : index
    %get3A_74 = vector.load %arg15[%get3A_72, %get3A_73] : memref<512x16xf32, #tpu.memory_space<vmem>>, vector<512x1xf32>
    %select_n3A_75 = arith.select %eq3A_71, %get3A_74, %select_n3A_65 : vector<512x1xf32>
    %get3A_76 = arith.constant 0 : index
    %get3A_77 = arith.constant 13 : index
    %get3A_78 = vector.load %arg15[%get3A_76, %get3A_77] : memref<512x16xf32, #tpu.memory_space<vmem>>, vector<512x1xf32>
    %select_n3A_79 = arith.select %eq3A_71, %get3A_78, %select_n3A_69 : vector<512x1xf32>
    %eq3A_80 = arith.constant 6 : i32
    %eq3A_81 = arith.cmpi eq, %select_n3A, %eq3A_80 : i32
    %get3A_82 = arith.constant 0 : index
    %get3A_83 = arith.constant 6 : index
    %get3A_84 = vector.load %arg15[%get3A_82, %get3A_83] : memref<512x16xf32, #tpu.memory_space<vmem>>, vector<512x1xf32>
    %select_n3A_85 = arith.select %eq3A_81, %get3A_84, %select_n3A_75 : vector<512x1xf32>
    %get3A_86 = arith.constant 0 : index
    %get3A_87 = arith.constant 14 : index
    %get3A_88 = vector.load %arg15[%get3A_86, %get3A_87] : memref<512x16xf32, #tpu.memory_space<vmem>>, vector<512x1xf32>
    %select_n3A_89 = arith.select %eq3A_81, %get3A_88, %select_n3A_79 : vector<512x1xf32>
    %eq3A_90 = arith.constant 7 : i32
    %eq3A_91 = arith.cmpi eq, %select_n3A, %eq3A_90 : i32
    %get3A_92 = arith.constant 0 : index
    %get3A_93 = arith.constant 7 : index
    %get3A_94 = vector.load %arg15[%get3A_92, %get3A_93] : memref<512x16xf32, #tpu.memory_space<vmem>>, vector<512x1xf32>
    %select_n3A_95 = arith.select %eq3A_91, %get3A_94, %select_n3A_85 : vector<512x1xf32>
    %get3A_96 = arith.constant 0 : index
    %get3A_97 = arith.constant 15 : index
    %get3A_98 = vector.load %arg15[%get3A_96, %get3A_97] : memref<512x16xf32, #tpu.memory_space<vmem>>, vector<512x1xf32>
    %select_n3A_99 = arith.select %eq3A_91, %get3A_98, %select_n3A_89 : vector<512x1xf32>
    %get3A_100 = arith.constant 0 : index
    %get3A_101 = arith.constant 0 : index
    %get3A_102 = arith.constant 0 : index
    %get3A_103 = vector.load %arg3[%get3A_100, %get3A_101, %get3A_102] : memref<1x512x128xf32, #tpu.memory_space<vmem>>, vector<1x512x128xf32>
    %get3A_104 = vector.shape_cast %get3A_103 : vector<1x512x128xf32> to vector<512x128xf32>
    %get3A_105 = arith.constant 0 : index
    %get3A_106 = arith.constant 0 : index
    %get3A_107 = arith.constant 0 : index
    %get3A_108 = vector.load %arg2[%get3A_105, %get3A_106, %get3A_107] : memref<1x512x128xf32, #tpu.memory_space<vmem>>, vector<1x512x128xf32>
    %get3A_109 = vector.shape_cast %get3A_108 : vector<1x512x128xf32> to vector<512x128xf32>
    %mul3A = vector.broadcast %select_n3A_95 : vector<512x1xf32> to vector<512x128xf32>
    %mul3A_110 = arith.mulf %mul3A, %get3A_109 : vector<512x128xf32>
    %add3A = arith.addf %get3A_104, %mul3A_110 : vector<512x128xf32>
    %mul3A_111 = vector.broadcast %select_n3A_99 : vector<512x1xf32> to vector<512x128xf32>
    %mul3A_112 = arith.mulf %add3A, %mul3A_111 : vector<512x128xf32>
    %get3A_113 = arith.constant 0 : index
    %get3A_114 = arith.constant 0 : index
    %get3A_115 = arith.constant 0 : index
    %get3A_116 = vector.load %arg7[%get3A_113, %get3A_114, %get3A_115] : memref<1x1x128xf32, #tpu.memory_space<vmem>>, vector<1x1x128xf32>
    %get3A_117 = vector.shape_cast %get3A_116 : vector<1x1x128xf32> to vector<1x128xf32>
    %mul3A_118 = vector.broadcast %get3A_117 : vector<1x128xf32> to vector<512x128xf32>
    %mul3A_119 = arith.mulf %mul3A_112, %mul3A_118 : vector<512x128xf32>
    %get3A_120 = arith.constant 0 : index
    %get3A_121 = arith.constant 0 : index
    %get3A_122 = arith.constant 0 : index
    %get3A_123 = vector.load %arg8[%get3A_120, %get3A_121, %get3A_122] : memref<1x1x128xf32, #tpu.memory_space<vmem>>, vector<1x1x128xf32>
    %get3A_124 = vector.shape_cast %get3A_123 : vector<1x1x128xf32> to vector<1x128xf32>
    %add3A_125 = vector.broadcast %get3A_124 : vector<1x128xf32> to vector<512x128xf32>
    %add3A_126 = arith.addf %mul3A_119, %add3A_125 : vector<512x128xf32>
    %gt3A = arith.constant 0.000000e+00 : f32
    %gt3A_127 = vector.broadcast %gt3A : f32 to vector<512x128xf32>
    %gt3A_128 = arith.cmpf ogt, %add3A_126, %gt3A_127 : vector<512x128xf32>
    %min3A = arith.constant 0.000000e+00 : f32
    %min3A_129 = vector.broadcast %min3A : f32 to vector<512x128xf32>
    %min3A_130 = arith.minimumf %add3A_126, %min3A_129 : vector<512x128xf32>
    %exp3A = math.exp %min3A_130 : vector<512x128xf32>
    %sub3A_131 = arith.constant 1.000000e+00 : f32
    %sub3A_132 = vector.broadcast %sub3A_131 : f32 to vector<512x128xf32>
    %sub3A_133 = arith.subf %exp3A, %sub3A_132 : vector<512x128xf32>
    %select_n3A_134 = arith.select %gt3A_128, %add3A_126, %sub3A_133 : vector<512x128xi1>, vector<512x128xf32>
    %get3A_135 = arith.constant 0 : index
    %get3A_136 = arith.constant 0 : index
    %get3A_137 = vector.load %arg9[%get3A_135, %get3A_136] : memref<128x16xf32, #tpu.memory_space<vmem>>, vector<128x16xf32>
    %dot_general3A = arith.constant dense<0.000000e+00> : vector<512x16xf32>
    %dot_general3A_138 = tpu.matmul %select_n3A_134, %get3A_137, %dot_general3A {dimension_numbers = #tpu.dot_dimension_numbers<[1], [0], [0], [1], [0, 0, 1, 1], [], []>, transpose_lhs_hint = false} : vector<512x128xf32>, vector<128x16xf32>, vector<512x16xf32> -> vector<512x16xf32>
    %eq3A_139 = arith.constant 0 : i32
    %eq3A_140 = arith.cmpi eq, %arg1, %eq3A_139 : i32
    %convert_element_type3A_141 = arith.extui %eq3A_140 : i1 to i32
    %cond3A_142 = arith.constant 0 : i32
    %cond3A_143 = arith.cmpi ne, %convert_element_type3A_141, %cond3A_142 : i32
    scf.if %cond3A_143 {
      %swap3A = arith.constant 0 : index
      %swap3A_154 = arith.constant 0 : index
      %swap3A_155 = vector.load %arg11[%swap3A, %swap3A_154] : memref<512x16xf32, #tpu.memory_space<vmem>>, vector<512x16xf32>
      tpu.vector_store %arg11[%swap3A, %swap3A_154], %dot_general3A_138 {strides = array<i32>} : memref<512x16xf32, #tpu.memory_space<vmem>>, vector<512x16xf32>,
    } else {
    }
    %gt3A_144 = arith.constant 0 : i32
    %gt3A_145 = arith.cmpi sgt, %arg1, %gt3A_144 : i32
    %convert_element_type3A_146 = arith.extui %gt3A_145 : i1 to i32
    %cond3A_147 = arith.constant 0 : i32
    %cond3A_148 = arith.cmpi ne, %convert_element_type3A_146, %cond3A_147 : i32
    scf.if %cond3A_148 {
      %get3A_154 = arith.constant 0 : index
      %get3A_155 = arith.constant 0 : index
      %get3A_156 = vector.load %arg11[%get3A_154, %get3A_155] : memref<512x16xf32, #tpu.memory_space<vmem>>, vector<512x16xf32>
      %add3A_157 = arith.addf %get3A_156, %dot_general3A_138 : vector<512x16xf32>
      %swap3A = arith.constant 0 : index
      %swap3A_158 = arith.constant 0 : index
      %swap3A_159 = vector.load %arg11[%swap3A, %swap3A_158] : memref<512x16xf32, #tpu.memory_space<vmem>>, vector<512x16xf32>
      tpu.vector_store %arg11[%swap3A, %swap3A_158], %add3A_157 {strides = array<i32>} : memref<512x16xf32, #tpu.memory_space<vmem>>, vector<512x16xf32>,
    } else {
    }
    %eq3A_149 = arith.constant 15 : i32
    %eq3A_150 = arith.cmpi eq, %arg1, %eq3A_149 : i32
    %convert_element_type3A_151 = arith.extui %eq3A_150 : i1 to i32
    %cond3A_152 = arith.constant 0 : i32
    %cond3A_153 = arith.cmpi ne, %convert_element_type3A_151, %cond3A_152 : i32
    scf.if %cond3A_153 {
      %get3A_154 = arith.constant 0 : index
      %get3A_155 = arith.constant 0 : index
      %get3A_156 = vector.load %arg11[%get3A_154, %get3A_155] : memref<512x16xf32, #tpu.memory_space<vmem>>, vector<512x16xf32>
      %iota3A = tpu.iota {dimensions = array<i32: 1>} : vector<1x128xi32>
      %eq3A_157 = arith.constant 0 : i32
      %eq3A_158 = vector.broadcast %eq3A_157 : i32 to vector<1x128xi32>
      %eq3A_159 = arith.cmpi eq, %iota3A, %eq3A_158 : vector<1x128xi32>
      %slice3A = vector.extract_strided_slice %get3A_156 {offsets = [0, 0], sizes = [512, 1], strides = [1, 1]} : vector<512x16xf32> to vector<512x1xf32>
      %eq3A_160 = arith.constant 1 : i32
      %eq3A_161 = vector.broadcast %eq3A_160 : i32 to vector<1x128xi32>
      %eq3A_162 = arith.cmpi eq, %iota3A, %eq3A_161 : vector<1x128xi32>
      %slice3A_163 = vector.extract_strided_slice %get3A_156 {offsets = [0, 1], sizes = [512, 1], strides = [1, 1]} : vector<512x16xf32> to vector<512x1xf32>
      %slice3A_164 = vector.extract_strided_slice %get3A_156 {offsets = [0, 2], sizes = [512, 1], strides = [1, 1]} : vector<512x16xf32> to vector<512x1xf32>
      %broadcast_in_dim3A_165 = vector.shape_cast %eq3A_162 : vector<1x128xi1> to vector<1x128xi1>
      %broadcast_in_dim3A_166 = vector.broadcast %broadcast_in_dim3A_165 : vector<1x128xi1> to vector<512x128xi1>
      %broadcast_in_dim3A_167 = vector.shape_cast %slice3A_163 : vector<512x1xf32> to vector<512x1xf32>
      %broadcast_in_dim3A_168 = vector.broadcast %broadcast_in_dim3A_167 : vector<512x1xf32> to vector<512x128xf32>
      %broadcast_in_dim3A_169 = vector.shape_cast %slice3A_164 : vector<512x1xf32> to vector<512x1xf32>
      %broadcast_in_dim3A_170 = vector.broadcast %broadcast_in_dim3A_169 : vector<512x1xf32> to vector<512x128xf32>
      %select_n3A_171 = arith.select %broadcast_in_dim3A_166, %broadcast_in_dim3A_168, %broadcast_in_dim3A_170 : vector<512x128xi1>, vector<512x128xf32>
      %broadcast_in_dim3A_172 = vector.shape_cast %eq3A_159 : vector<1x128xi1> to vector<1x128xi1>
      %broadcast_in_dim3A_173 = vector.broadcast %broadcast_in_dim3A_172 : vector<1x128xi1> to vector<512x128xi1>
      %broadcast_in_dim3A_174 = vector.shape_cast %slice3A : vector<512x1xf32> to vector<512x1xf32>
      %broadcast_in_dim3A_175 = vector.broadcast %broadcast_in_dim3A_174 : vector<512x1xf32> to vector<512x128xf32>
      %select_n3A_176 = arith.select %broadcast_in_dim3A_173, %broadcast_in_dim3A_175, %select_n3A_171 : vector<512x128xi1>, vector<512x128xf32>
      %swap3A = arith.constant 0 : index
      %swap3A_177 = arith.constant 0 : index
      %swap3A_178 = vector.load %arg13[%swap3A, %swap3A_177] : memref<512x128xf32, #tpu.memory_space<vmem>>, vector<512x128xf32>
      tpu.vector_store %arg13[%swap3A, %swap3A_177], %select_n3A_176 {strides = array<i32>} : memref<512x128xf32, #tpu.memory_space<vmem>>, vector<512x128xf32>,
      %lt3A = arith.constant 2 : i32
      %lt3A_179 = vector.broadcast %lt3A : i32 to vector<1x128xi32>
      %lt3A_180 = arith.cmpi slt, %iota3A, %lt3A_179 : vector<1x128xi32>
      %slice3A_181 = vector.extract_strided_slice %get3A_156 {offsets = [0, 3], sizes = [512, 1], strides = [1, 1]} : vector<512x16xf32> to vector<512x1xf32>
      %jit3A_182 = arith.constant 0.000000e+00 : f32
      %broadcast_in_dim3A_183 = vector.shape_cast %lt3A_180 : vector<1x128xi1> to vector<1x128xi1>
      %broadcast_in_dim3A_184 = vector.broadcast %broadcast_in_dim3A_183 : vector<1x128xi1> to vector<512x128xi1>
      %broadcast_in_dim3A_185 = vector.broadcast %jit3A_182 : f32 to vector<512x128xf32>
      %broadcast_in_dim3A_186 = vector.shape_cast %slice3A_181 : vector<512x1xf32> to vector<512x1xf32>
      %broadcast_in_dim3A_187 = vector.broadcast %broadcast_in_dim3A_186 : vector<512x1xf32> to vector<512x128xf32>
      %select_n3A_188 = arith.select %broadcast_in_dim3A_184, %broadcast_in_dim3A_185, %broadcast_in_dim3A_187 : vector<512x128xi1>, vector<512x128xf32>
      %swap3A_189 = arith.constant 0 : index
      %swap3A_190 = arith.constant 0 : index
      %swap3A_191 = vector.load %arg14[%swap3A_189, %swap3A_190] : memref<512x128xf32, #tpu.memory_space<vmem>>, vector<512x128xf32>
      tpu.vector_store %arg14[%swap3A_189, %swap3A_190], %select_n3A_188 {strides = array<i32>} : memref<512x128xf32, #tpu.memory_space<vmem>>, vector<512x128xf32>,
      %get3A_192 = arith.constant 0 : index
      %get3A_193 = arith.constant 0 : index
      %get3A_194 = vector.load %arg11[%get3A_192, %get3A_193] : memref<512x16xf32, #tpu.memory_space<vmem>>, vector<512x16xf32>
      %reduce_max3A = arith.constant dense<0xFF800000> : vector<16xf32>
      %reduce_max3A_195 = vector.multi_reduction <maximumf>, %get3A_194, %reduce_max3A [0] : vector<512x16xf32> to vector<16xf32>
      %broadcast_in_dim3A_196 = vector.shape_cast %reduce_max3A_195 : vector<16xf32> to vector<1x16xf32>
      %eq3A_197 = arith.constant 0 : i32
      %eq3A_198 = arith.cmpi eq, %arg0, %eq3A_197 : i32
      %convert_element_type3A_199 = arith.extui %eq3A_198 : i1 to i32
      %cond3A_200 = arith.constant 0 : i32
      %cond3A_201 = arith.cmpi ne, %convert_element_type3A_199, %cond3A_200 : i32
      scf.if %cond3A_201 {
        %swap3A_212 = arith.constant 0 : index
        %swap3A_213 = arith.constant 0 : index
        %swap3A_214 = vector.load %arg16[%swap3A_212, %swap3A_213] : memref<1x16xf32, #tpu.memory_space<vmem>>, vector<1x16xf32>
        tpu.vector_store %arg16[%swap3A_212, %swap3A_213], %broadcast_in_dim3A_196 {strides = array<i32>} : memref<1x16xf32, #tpu.memory_space<vmem>>, vector<1x16xf32>,
      } else {
      }
      %gt3A_202 = arith.constant 0 : i32
      %gt3A_203 = arith.cmpi sgt, %arg0, %gt3A_202 : i32
      %convert_element_type3A_204 = arith.extui %gt3A_203 : i1 to i32
      %cond3A_205 = arith.constant 0 : i32
      %cond3A_206 = arith.cmpi ne, %convert_element_type3A_204, %cond3A_205 : i32
      scf.if %cond3A_206 {
        %get3A_212 = arith.constant 0 : index
        %get3A_213 = arith.constant 0 : index
        %get3A_214 = vector.load %arg16[%get3A_212, %get3A_213] : memref<1x16xf32, #tpu.memory_space<vmem>>, vector<1x16xf32>
        %max3A = arith.maximumf %get3A_214, %broadcast_in_dim3A_196 : vector<1x16xf32>
        %swap3A_215 = arith.constant 0 : index
        %swap3A_216 = arith.constant 0 : index
        %swap3A_217 = vector.load %arg16[%swap3A_215, %swap3A_216] : memref<1x16xf32, #tpu.memory_space<vmem>>, vector<1x16xf32>
        tpu.vector_store %arg16[%swap3A_215, %swap3A_216], %max3A {strides = array<i32>} : memref<1x16xf32, #tpu.memory_space<vmem>>, vector<1x16xf32>,
      } else {
      }
      %eq3A_207 = arith.constant 19 : i32
      %eq3A_208 = arith.cmpi eq, %arg0, %eq3A_207 : i32
      %convert_element_type3A_209 = arith.extui %eq3A_208 : i1 to i32
      %cond3A_210 = arith.constant 0 : i32
      %cond3A_211 = arith.cmpi ne, %convert_element_type3A_209, %cond3A_210 : i32
      scf.if %cond3A_211 {
        %get3A_212 = arith.constant 0 : index
        %get3A_213 = arith.constant 0 : index
        %get3A_214 = vector.load %arg16[%get3A_212, %get3A_213] : memref<1x16xf32, #tpu.memory_space<vmem>>, vector<1x16xf32>
        %get3A_215 = arith.constant 0 : index
        %get3A_216 = arith.constant 0 : index
        %get3A_217 = vector.load %arg10[%get3A_215, %get3A_216] : memref<16x16xf32, #tpu.memory_space<vmem>>, vector<16x16xf32>
        %dot_general3A_218 = arith.constant dense<0.000000e+00> : vector<1x16xf32>
        %dot_general3A_219 = tpu.matmul %get3A_214, %get3A_217, %dot_general3A_218 {dimension_numbers = #tpu.dot_dimension_numbers<[1], [0], [0], [1], [0, 0, 1, 1], [], []>, transpose_lhs_hint = false} : vector<1x16xf32>, vector<16x16xf32>, vector<1x16xf32> -> vector<1x16xf32>
        %gt3A_220 = arith.constant 0.000000e+00 : f32
        %gt3A_221 = vector.broadcast %gt3A_220 : f32 to vector<1x16xf32>
        %gt3A_222 = arith.cmpf ogt, %dot_general3A_219, %gt3A_221 : vector<1x16xf32>
        %mul3A_223 = arith.constant 2.000000e-01 : f32
        %mul3A_224 = vector.broadcast %mul3A_223 : f32 to vector<1x16xf32>
        %mul3A_225 = arith.mulf %mul3A_224, %dot_general3A_219 : vector<1x16xf32>
        %select_n3A_226 = arith.select %gt3A_222, %dot_general3A_219, %mul3A_225 : vector<1x16xi1>, vector<1x16xf32>
        %swap3A_227 = arith.constant 0 : index
        %swap3A_228 = arith.constant 0 : index
        %swap3A_229 = vector.load %arg12[%swap3A_227, %swap3A_228] : memref<1x16xf32, #tpu.memory_space<vmem>>, vector<1x16xf32>
        tpu.vector_store %arg12[%swap3A_227, %swap3A_228], %select_n3A_226 {strides = array<i32>} : memref<1x16xf32, #tpu.memory_space<vmem>>, vector<1x16xf32>,
      } else {
      }
    } else {
    }
    return
  }
  func.func @transform_0(%arg0: i32, %arg1: i32) -> (i32, i32, i32) {
    %c0_i32 = arith.constant 0 : i32
    %c0_i32_0 = arith.constant 0 : i32
    return %arg1, %arg0, %c0_i32 : i32, i32, i32
  }
  func.func @transform_1(%arg0: i32, %arg1: i32) -> (i32, i32, i32) {
    %c0_i32 = arith.constant 0 : i32
    %c0_i32_0 = arith.constant 0 : i32
    return %arg1, %arg0, %c0_i32 : i32, i32, i32
  }
  func.func @transform_2(%arg0: i32, %arg1: i32) -> (i32, i32) {
    %c0_i32 = arith.constant 0 : i32
    %c0_i32_0 = arith.constant 0 : i32
    return %arg0, %c0_i32 : i32, i32
  }
  func.func @transform_3(%arg0: i32, %arg1: i32) -> (i32, i32, i32) {
    %c0_i32 = arith.constant 0 : i32
    %c0_i32_0 = arith.constant 0 : i32
    %c0_i32_1 = arith.constant 0 : i32
    return %c0_i32, %arg0, %c0_i32_0 : i32, i32, i32
  }
  func.func @transform_4(%arg0: i32, %arg1: i32) -> (i32, i32) {
    %c0_i32 = arith.constant 0 : i32
    %c0_i32_0 = arith.constant 0 : i32
    %c0_i32_1 = arith.constant 0 : i32
    return %c0_i32, %c0_i32_0 : i32, i32
  }
  func.func @transform_5(%arg0: i32, %arg1: i32) -> (i32, i32, i32) {
    %c0_i32 = arith.constant 0 : i32
    %c0_i32_0 = arith.constant 0 : i32
    %c0_i32_1 = arith.constant 0 : i32
    return %arg1, %c0_i32, %c0_i32_0 : i32, i32, i32
  }
  func.func @transform_6(%arg0: i32, %arg1: i32) -> (i32, i32, i32) {
    %c0_i32 = arith.constant 0 : i32
    %c0_i32_0 = arith.constant 0 : i32
    %c0_i32_1 = arith.constant 0 : i32
    return %arg1, %c0_i32, %c0_i32_0 : i32, i32, i32
  }
  func.func @transform_7(%arg0: i32, %arg1: i32) -> (i32, i32) {
    %c0_i32 = arith.constant 0 : i32
    %c0_i32_0 = arith.constant 0 : i32
    return %arg1, %c0_i32 : i32, i32
  }
  func.func @transform_8(%arg0: i32, %arg1: i32) -> (i32, i32) {
    %c0_i32 = arith.constant 0 : i32
    %c0_i32_0 = arith.constant 0 : i32
    %c0_i32_1 = arith.constant 0 : i32
    return %c0_i32, %c0_i32_0 : i32, i32
  }
  func.func @transform_9(%arg0: i32, %arg1: i32) -> (i32, i32) {
    %c0_i32 = arith.constant 0 : i32
    %c0_i32_0 = arith.constant 0 : i32
    return %arg0, %c0_i32 : i32, i32
  }
  func.func @transform_10(%arg0: i32, %arg1: i32) -> (i32, i32) {
    %c0_i32 = arith.constant 0 : i32
    %c0_i32_0 = arith.constant 0 : i32
    %c0_i32_1 = arith.constant 0 : i32
    return %c0_i32, %c0_i32_0 : i32, i32
  }
  func.func @transform_11(%arg0: i32, %arg1: i32) -> (i32, i32) {
    %c0_i32 = arith.constant 0 : i32
    %c0_i32_0 = arith.constant 0 : i32
    return %arg0, %c0_i32 : i32, i32
  }
  func.func @transform_12(%arg0: i32, %arg1: i32) -> (i32, i32) {
    %c0_i32 = arith.constant 0 : i32
    %c0_i32_0 = arith.constant 0 : i32
    return %arg0, %c0_i32 : i32, i32
  }
}

module attributes {stable_mosaic.version = 14 : i64} {
  func.func @_kf_body(%arg0: i32, %arg1: memref<512x16xf32, #tpu.memory_space<vmem>>, %arg2: memref<2x512x16xf32, #tpu.memory_space<vmem>>, %arg3: memref<1x16xf32, #tpu.memory_space<vmem>>, %arg4: memref<1x16xf32, #tpu.memory_space<vmem>>, %arg5: memref<512x16xf32, #tpu.memory_space<vmem>>, %arg6: memref<512x128xf32, #tpu.memory_space<vmem>>) attributes {dimension_semantics = [#tpu.dimension_semantics<arbitrary>], iteration_bounds = array<i64: 20>, scalar_prefetch = 0 : i64, scratch_operands = 0 : i64, tpu.core_type = #tpu.core_type<tc>, window_params = [{transform_indices = @transform_0, window_bounds = array<i64: 512, 16>}, {transform_indices = @transform_1, window_bounds = array<i64: 2, 512, 16>}, {pipeline_mode = #tpu.pipeline_mode<synchronous>, transform_indices = @transform_2, window_bounds = array<i64: 1, 16>}, {pipeline_mode = #tpu.pipeline_mode<synchronous>, transform_indices = @transform_3, window_bounds = array<i64: 1, 16>}, {transform_indices = @transform_4, window_bounds = array<i64: 512, 16>}, {transform_indices = @transform_5, window_bounds = array<i64: 512, 128>}]} {
    %get3A = arith.constant 0 : index
    %get3A_0 = arith.constant 0 : index
    %get3A_1 = vector.load %arg1[%get3A, %get3A_0] : memref<512x16xf32, #tpu.memory_space<vmem>>, vector<512x16xf32>
    %slice3A = vector.extract_strided_slice %get3A_1 {offsets = [0, 2], sizes = [512, 1], strides = [1, 1]} : vector<512x16xf32> to vector<512x1xf32>
    %slice3A_2 = vector.extract_strided_slice %get3A_1 {offsets = [0, 3], sizes = [512, 1], strides = [1, 1]} : vector<512x16xf32> to vector<512x1xf32>
    %add3A = arith.addf %slice3A, %slice3A_2 : vector<512x1xf32>
    %gt3A = arith.constant 0.000000e+00 : f32
    %gt3A_3 = vector.broadcast %gt3A : f32 to vector<512x1xf32>
    %gt3A_4 = arith.cmpf ogt, %add3A, %gt3A_3 : vector<512x1xf32>
    %mul3A = arith.constant 2.000000e-01 : f32
    %mul3A_5 = vector.broadcast %mul3A : f32 to vector<512x1xf32>
    %mul3A_6 = arith.mulf %mul3A_5, %add3A : vector<512x1xf32>
    %select_n3A = arith.select %gt3A_4, %add3A, %mul3A_6 : vector<512x1xi1>, vector<512x1xf32>
    %get3A_7 = arith.constant 0 : index
    %get3A_8 = arith.constant 0 : index
    %get3A_9 = vector.load %arg3[%get3A_7, %get3A_8] : memref<1x16xf32, #tpu.memory_space<vmem>>, vector<1x1xf32>
    %sub3A = vector.broadcast %get3A_9 : vector<1x1xf32> to vector<512x1xf32>
    %sub3A_10 = arith.subf %select_n3A, %sub3A : vector<512x1xf32>
    %exp3A = math.exp %sub3A_10 : vector<512x1xf32>
    %get3A_11 = arith.constant 0 : index
    %get3A_12 = arith.constant 0 : index
    %get3A_13 = arith.constant 0 : index
    %get3A_14 = vector.load %arg2[%get3A_11, %get3A_12, %get3A_13] : memref<2x512x16xf32, #tpu.memory_space<vmem>>, vector<1x512x1xf32>
    %get3A_15 = vector.shape_cast %get3A_14 : vector<1x512x1xf32> to vector<512x1xf32>
    %get3A_16 = arith.constant 1 : index
    %get3A_17 = arith.constant 0 : index
    %get3A_18 = arith.constant 0 : index
    %get3A_19 = vector.load %arg2[%get3A_16, %get3A_17, %get3A_18] : memref<2x512x16xf32, #tpu.memory_space<vmem>>, vector<1x512x1xf32>
    %get3A_20 = vector.shape_cast %get3A_19 : vector<1x512x1xf32> to vector<512x1xf32>
    %add3A_21 = arith.addf %get3A_15, %get3A_20 : vector<512x1xf32>
    %get3A_22 = arith.constant 0 : index
    %get3A_23 = arith.constant 0 : index
    %get3A_24 = arith.constant 1 : index
    %get3A_25 = vector.load %arg2[%get3A_22, %get3A_23, %get3A_24] : memref<2x512x16xf32, #tpu.memory_space<vmem>>, vector<1x512x1xf32>
    %get3A_26 = vector.shape_cast %get3A_25 : vector<1x512x1xf32> to vector<512x1xf32>
    %get3A_27 = arith.constant 1 : index
    %get3A_28 = arith.constant 0 : index
    %get3A_29 = arith.constant 1 : index
    %get3A_30 = vector.load %arg2[%get3A_27, %get3A_28, %get3A_29] : memref<2x512x16xf32, #tpu.memory_space<vmem>>, vector<1x512x1xf32>
    %get3A_31 = vector.shape_cast %get3A_30 : vector<1x512x1xf32> to vector<512x1xf32>
    %add3A_32 = arith.addf %get3A_26, %get3A_31 : vector<512x1xf32>
    %get3A_33 = arith.constant 0 : index
    %get3A_34 = arith.constant 0 : index
    %get3A_35 = arith.constant 2 : index
    %get3A_36 = vector.load %arg2[%get3A_33, %get3A_34, %get3A_35] : memref<2x512x16xf32, #tpu.memory_space<vmem>>, vector<1x512x1xf32>
    %get3A_37 = vector.shape_cast %get3A_36 : vector<1x512x1xf32> to vector<512x1xf32>
    %get3A_38 = arith.constant 1 : index
    %get3A_39 = arith.constant 0 : index
    %get3A_40 = arith.constant 2 : index
    %get3A_41 = vector.load %arg2[%get3A_38, %get3A_39, %get3A_40] : memref<2x512x16xf32, #tpu.memory_space<vmem>>, vector<1x512x1xf32>
    %get3A_42 = vector.shape_cast %get3A_41 : vector<1x512x1xf32> to vector<512x1xf32>
    %add3A_43 = arith.addf %get3A_37, %get3A_42 : vector<512x1xf32>
    %add3A_44 = arith.addf %add3A_43, %exp3A : vector<512x1xf32>
    %div3A = arith.constant 1.000000e+00 : f32
    %div3A_45 = vector.broadcast %div3A : f32 to vector<512x1xf32>
    %div3A_46 = arith.divf %div3A_45, %add3A_44 : vector<512x1xf32>
    %slice3A_47 = vector.extract_strided_slice %get3A_1 {offsets = [0, 0], sizes = [512, 1], strides = [1, 1]} : vector<512x16xf32> to vector<512x1xf32>
    %mul3A_48 = arith.mulf %exp3A, %slice3A_47 : vector<512x1xf32>
    %add3A_49 = arith.addf %add3A_21, %mul3A_48 : vector<512x1xf32>
    %mul3A_50 = arith.mulf %add3A_49, %div3A_46 : vector<512x1xf32>
    %get3A_51 = arith.constant 0 : index
    %get3A_52 = arith.constant 0 : index
    %get3A_53 = vector.load %arg4[%get3A_51, %get3A_52] : memref<1x16xf32, #tpu.memory_space<vmem>>, vector<1x1xf32>
    %add3A_54 = vector.broadcast %get3A_53 : vector<1x1xf32> to vector<512x1xf32>
    %add3A_55 = arith.addf %mul3A_50, %add3A_54 : vector<512x1xf32>
    %slice3A_56 = vector.extract_strided_slice %get3A_1 {offsets = [0, 1], sizes = [512, 1], strides = [1, 1]} : vector<512x16xf32> to vector<512x1xf32>
    %mul3A_57 = arith.mulf %exp3A, %slice3A_56 : vector<512x1xf32>
    %add3A_58 = arith.addf %add3A_32, %mul3A_57 : vector<512x1xf32>
    %mul3A_59 = arith.mulf %add3A_58, %div3A_46 : vector<512x1xf32>
    %get3A_60 = arith.constant 0 : index
    %get3A_61 = arith.constant 1 : index
    %get3A_62 = vector.load %arg4[%get3A_60, %get3A_61] : memref<1x16xf32, #tpu.memory_space<vmem>>, vector<1x1xf32>
    %add3A_63 = vector.broadcast %get3A_62 : vector<1x1xf32> to vector<512x1xf32>
    %add3A_64 = arith.addf %mul3A_59, %add3A_63 : vector<512x1xf32>
    %mul3A_65 = arith.mulf %exp3A, %div3A_46 : vector<512x1xf32>
    %iota3A = tpu.iota {dimensions = array<i32: 1>} : vector<1x16xi32>
    %eq3A = arith.constant 0 : i32
    %eq3A_66 = vector.broadcast %eq3A : i32 to vector<1x16xi32>
    %eq3A_67 = arith.cmpi eq, %iota3A, %eq3A_66 : vector<1x16xi32>
    %eq3A_68 = arith.constant 1 : i32
    %eq3A_69 = vector.broadcast %eq3A_68 : i32 to vector<1x16xi32>
    %eq3A_70 = arith.cmpi eq, %iota3A, %eq3A_69 : vector<1x16xi32>
    %eq3A_71 = arith.constant 2 : i32
    %eq3A_72 = vector.broadcast %eq3A_71 : i32 to vector<1x16xi32>
    %eq3A_73 = arith.cmpi eq, %iota3A, %eq3A_72 : vector<1x16xi32>
    %jit3A = arith.constant 0.000000e+00 : f32
    %broadcast_in_dim3A = vector.shape_cast %eq3A_73 : vector<1x16xi1> to vector<1x16xi1>
    %broadcast_in_dim3A_74 = vector.broadcast %broadcast_in_dim3A : vector<1x16xi1> to vector<512x16xi1>
    %broadcast_in_dim3A_75 = vector.shape_cast %mul3A_65 : vector<512x1xf32> to vector<512x1xf32>
    %broadcast_in_dim3A_76 = vector.broadcast %broadcast_in_dim3A_75 : vector<512x1xf32> to vector<512x16xf32>
    %broadcast_in_dim3A_77 = vector.broadcast %jit3A : f32 to vector<512x16xf32>
    %select_n3A_78 = arith.select %broadcast_in_dim3A_74, %broadcast_in_dim3A_76, %broadcast_in_dim3A_77 : vector<512x16xi1>, vector<512x16xf32>
    %broadcast_in_dim3A_79 = vector.shape_cast %eq3A_70 : vector<1x16xi1> to vector<1x16xi1>
    %broadcast_in_dim3A_80 = vector.broadcast %broadcast_in_dim3A_79 : vector<1x16xi1> to vector<512x16xi1>
    %broadcast_in_dim3A_81 = vector.shape_cast %add3A_64 : vector<512x1xf32> to vector<512x1xf32>
    %broadcast_in_dim3A_82 = vector.broadcast %broadcast_in_dim3A_81 : vector<512x1xf32> to vector<512x16xf32>
    %select_n3A_83 = arith.select %broadcast_in_dim3A_80, %broadcast_in_dim3A_82, %select_n3A_78 : vector<512x16xi1>, vector<512x16xf32>
    %broadcast_in_dim3A_84 = vector.shape_cast %eq3A_67 : vector<1x16xi1> to vector<1x16xi1>
    %broadcast_in_dim3A_85 = vector.broadcast %broadcast_in_dim3A_84 : vector<1x16xi1> to vector<512x16xi1>
    %broadcast_in_dim3A_86 = vector.shape_cast %add3A_55 : vector<512x1xf32> to vector<512x1xf32>
    %broadcast_in_dim3A_87 = vector.broadcast %broadcast_in_dim3A_86 : vector<512x1xf32> to vector<512x16xf32>
    %select_n3A_88 = arith.select %broadcast_in_dim3A_85, %broadcast_in_dim3A_87, %select_n3A_83 : vector<512x16xi1>, vector<512x16xf32>
    %swap3A = arith.constant 0 : index
    %swap3A_89 = arith.constant 0 : index
    %swap3A_90 = vector.load %arg5[%swap3A, %swap3A_89] : memref<512x16xf32, #tpu.memory_space<vmem>>, vector<512x16xf32>
    tpu.vector_store %arg5[%swap3A, %swap3A_89], %select_n3A_88 {strides = array<i32>} : memref<512x16xf32, #tpu.memory_space<vmem>>, vector<512x16xf32>,
    %broadcast_in_dim3A_91 = vector.shape_cast %add3A_44 : vector<512x1xf32> to vector<512x1xf32>
    %broadcast_in_dim3A_92 = vector.broadcast %broadcast_in_dim3A_91 : vector<512x1xf32> to vector<512x128xf32>
    %swap3A_93 = arith.constant 0 : index
    %swap3A_94 = arith.constant 0 : index
    %swap3A_95 = vector.load %arg6[%swap3A_93, %swap3A_94] : memref<512x128xf32, #tpu.memory_space<vmem>>, vector<512x128xf32>
    tpu.vector_store %arg6[%swap3A_93, %swap3A_94], %broadcast_in_dim3A_92 {strides = array<i32>} : memref<512x128xf32, #tpu.memory_space<vmem>>, vector<512x128xf32>,
    return
  }
  func.func @transform_0(%arg0: i32) -> (i32, i32) {
    %c0_i32 = arith.constant 0 : i32
    %c0_i32_0 = arith.constant 0 : i32
    return %arg0, %c0_i32 : i32, i32
  }
  func.func @transform_1(%arg0: i32) -> (i32, i32, i32) {
    %c0_i32 = arith.constant 0 : i32
    %c0_i32_0 = arith.constant 0 : i32
    %c0_i32_1 = arith.constant 0 : i32
    return %c0_i32, %arg0, %c0_i32_0 : i32, i32, i32
  }
  func.func @transform_2(%arg0: i32) -> (i32, i32) {
    %c0_i32 = arith.constant 0 : i32
    %c0_i32_0 = arith.constant 0 : i32
    %c0_i32_1 = arith.constant 0 : i32
    return %c0_i32, %c0_i32_0 : i32, i32
  }
  func.func @transform_3(%arg0: i32) -> (i32, i32) {
    %c0_i32 = arith.constant 0 : i32
    %c0_i32_0 = arith.constant 0 : i32
    %c0_i32_1 = arith.constant 0 : i32
    return %c0_i32, %c0_i32_0 : i32, i32
  }
  func.func @transform_4(%arg0: i32) -> (i32, i32) {
    %c0_i32 = arith.constant 0 : i32
    %c0_i32_0 = arith.constant 0 : i32
    return %arg0, %c0_i32 : i32, i32
  }
  func.func @transform_5(%arg0: i32) -> (i32, i32) {
    %c0_i32 = arith.constant 0 : i32
    %c0_i32_0 = arith.constant 0 : i32
    return %arg0, %c0_i32 : i32, i32
  }
}

</mosaic_0001>

<sc_bundles>
// kernel: kernel.12.cloned.1.call-start
scs
__scs_entry_jumppad:
0x0: {  	(pc) =	sbr.rel $0x88, $3  }
0x1: {  	(tag) =	ssettag $0x0;
	lr =	simm.s32 $0x1  }
0x2: {  	[smem:$0x3F8D] =	sst lr;
	_ =	strace $0xD0000000  }
0x3: {  	_ = 	snop  }
0x4: {  	_ = 	snop  }
0x5: {  	_ = 	snop  }
0x6: {  	_ = 	snop  }
0x7: {  	_ = 	snop  }
__scs_overlays_trampoline_lowered:
0x8: {  	[smem:$0x3F9C] =	sst s0  }
0x9: {  	[smem:$0x3F9D] =	sst s1  }
0xa: {  	[smem:$0x3F9E] =	sst s2  }
0xb: {  	[smem:$0x3F9F] =	sst s3  }
0xc: {  	[smem:$0x3FA0] =	sst s4  }
0xd: {  	[smem:$0x3FA1] =	sst s5  }
0xe: {  	[smem:$0x3FA2] =	sst s6  }
0xf: {  	[smem:$0x3FA3] =	sst s7  }
0x10: {  	[smem:$0x3FA4] =	sst s8  }
0x11: {  	[smem:$0x3FA5] =	sst s9;
	s0 =	simm.s32 @!p0 $0x0  }
0x12: {  	s1 =	sld [smem:$0x3F8B];
	s0 =	simm.s32 @p0 $0x1  }
0x13: {  	[smem:$0x3FA6] =	sst s0;
	s0 =	simm.s32 @!p1 $0x0  }
0x14: {  	s2 =	sld [smem:$0x3F8A];
	s0 =	simm.s32 @p1 $0x1  }
0x15: {  	[smem:$0x3FA7] =	sst s0;
	s0 =	simm.s32 @!p2 $0x0  }
0x16: {  	s3 =	sld [smem:$0x3FDB];
	s0 =	simm.s32 @p2 $0x1  }
0x17: {  	s4 =	simm.s32 $0x1BF5;
	[smem:$0x3FA9] =	sst s0  }
0x18: {  	s0 =	sld [smem:$0x3F8C];
	_ =	swait.ge [sflag:s4], $0x0  }
0x19: {  	s7 =	sld [smem:$0x3F8D]  }
0x1a: {  	s8 =	sadd.s32 $0xFFFFE003, lr  }
0x1b: {  	s9 =	sadd.s32 $0xFFFFFEF7, lr;
	s5 =	simm.s32 $0xFFFFFFFF;
	p2 =	slt.u32 s8, $0xFFFFF086  }
0x1c: {  	p1 =	slt.u32 s9, $0xF7A;
	s5 =	simm.s32 @!p2 $0x0  }
0x1d: {  	s5 =	simm.s32 @p1 $0x1;
	p0 =	seq.s32 s7, s2  }
0x1e: {  	s7 =	smul.u32 @!p0 $0xF7A, s2;
	p2 =	seq.s32 @!p0 s5, $0x0  }
0x1f: {  	s9 =	smul.u32 $0xF7A, s1;
	s8 =	simm.s32 @!p0 $0x1BF5;
	p2 =	por !p2, p0  }
0x20: {  	[sflag:s8] =	ssyncset.s32 @!p0 $0xFFFFF086;
	s6 =	sadd.s32 @!p0 s3, s7;
	s7 =	simm.s32 @!p0 $0x108  }
0x21: {  	s3 =	sadd.s32 s3, s9;
	s6 =	sadd.s32 @!p0 $0x88, s6;
	s7 =	simm.s32 @p2 $0x1082  }
0x22: {  	[simem:s7], [sflag:s8] =	dma.local @!p0 [hbm:s6], $0xF7A  }
0x23: {  	s9 =	sor.u32 $0xD0000000, s2;
	s6 =	simm.s32 $0x108;
	_ =	swait.ge @!p0 [sflag:s8], $0x0  }
0x24: {  	s3 =	sadd.s32 $0x88, s3;
	s6 =	simm.s32 @!p1 $0x1082;
	[sflag:s4] =	ssyncset.s32 $0xFFFFF086  }
0x25: {  	[simem:s6], [sflag:s4] =	dma.local [hbm:s3], $0xF7A  }
0x26: {  	[smem:$0x3F8D] =	sst s1;
	(tag) =	ssettag s2;
	_ =	strace s9  }
0x27: {  	s1 =	sld [smem:$0x3F9D]  }
0x28: {  	s2 =	sld [smem:$0x3F9E]  }
0x29: {  	s4 =	sld [smem:$0x3FA0]  }
0x2a: {  	p0 =	seq.s32 s5, $0x0;
	s5 =	sld [smem:$0x3FA1]  }
0x2b: {  	s6 =	sld [smem:$0x3FA2]  }
0x2c: {  	s7 =	sld [smem:$0x3FA3]  }
0x2d: {  	s3 =	simm.s32 $0x108;
	s8 =	sld [smem:$0x3FA4]  }
0x2e: {  	s3 =	simm.s32 @!p0 $0x1082;
	s9 =	sld [smem:$0x3FA5]  }
0x2f: {  	lr =	sadd.s32 s0, s3;
	s0 =	sld [smem:$0x3F9C]  }
0x30: {  	s3 =	sld [smem:$0x3F9F]  }
0x31: {  	[smem:$0x3FA8] =	sst s10  }
0x32: {  	s10 =	sld [smem:$0x3FA6];
	_ =	sdelay $0x3  }
0x33: {  	p0 =	seq.s32 s10, $0x1;
	s10 =	sld [smem:$0x3FA8];
	_ =	sdelay $0x3  }
0x34: {  	[smem:$0x3FA8] =	sst s10  }
0x35: {  	s10 =	sld [smem:$0x3FA7];
	_ =	sdelay $0x3  }
0x36: {  	p1 =	seq.s32 s10, $0x1;
	s10 =	sld [smem:$0x3FA8];
	_ =	sdelay $0x3  }
0x37: {  	[smem:$0x3FA8] =	sst s10  }
0x38: {  	s10 =	sld [smem:$0x3FA9]  }
0x39: {  	_ = 	snop;
	(pc) =	sbr.ind lr, $3  }
0x3a: {  	_ = 	snop  }
0x3b: {  	_ = 	snop  }
0x3c: {  	p2 =	seq.s32 s10, $0x1;
	s10 =	sld [smem:$0x3FA8]  }
0x3d: {  	_ =	shalt  }
0x3e: {  	_ =	shalt  }
0x3f: {  	_ =	shalt  }
0x40: {  	_ =	shalt  }
0x41: {  	_ =	shalt  }
0x42: {  	_ =	shalt  }
0x43: {  	_ =	shalt  }
0x44: {  	_ =	shalt  }
0x45: {  	_ =	shalt  }
0x46: {  	_ =	shalt  }
0x47: {  	_ =	shalt  }
0x48: {  	_ =	shalt  }
0x49: {  	_ =	shalt  }
0x4a: {  	_ =	shalt  }
0x4b: {  	_ =	shalt  }
0x4c: {  	_ =	shalt  }
0x4d: {  	_ =	shalt  }
0x4e: {  	_ =	shalt  }
0x4f: {  	_ =	shalt  }
0x50: {  	_ =	shalt  }
0x51: {  	_ =	shalt  }
0x52: {  	_ =	shalt  }
0x53: {  	_ =	shalt  }
0x54: {  	_ =	shalt  }
0x55: {  	_ =	shalt  }
0x56: {  	_ =	shalt  }
0x57: {  	_ =	shalt  }
0x58: {  	_ =	shalt  }
0x59: {  	_ =	shalt  }
0x5a: {  	_ =	shalt  }
0x5b: {  	_ =	shalt  }
0x5c: {  	_ =	shalt  }
0x5d: {  	_ =	shalt  }
0x5e: {  	_ =	shalt  }
0x5f: {  	_ =	shalt  }
0x60: {  	_ =	shalt  }
0x61: {  	_ =	shalt  }
0x62: {  	_ =	shalt  }
0x63: {  	_ =	shalt  }
0x64: {  	_ =	shalt  }
0x65: {  	_ =	shalt  }
0x66: {  	_ =	shalt  }
0x67: {  	_ =	shalt  }
0x68: {  	_ =	shalt  }
0x69: {  	_ =	shalt  }
0x6a: {  	_ =	shalt  }
0x6b: {  	_ =	shalt  }
0x6c: {  	_ =	shalt  }
0x6d: {  	_ =	shalt  }
0x6e: {  	_ =	shalt  }
0x6f: {  	_ =	shalt  }
0x70: {  	_ =	shalt  }
0x71: {  	_ =	shalt  }
0x72: {  	_ =	shalt  }
0x73: {  	_ =	shalt  }
0x74: {  	_ =	shalt  }
0x75: {  	_ =	shalt  }
0x76: {  	_ =	shalt  }
0x77: {  	_ =	shalt  }
0x78: {  	_ =	shalt  }
0x79: {  	_ =	shalt  }
0x7a: {  	_ =	shalt  }
0x7b: {  	_ =	shalt  }
0x7c: {  	_ =	shalt  }
0x7d: {  	_ =	shalt  }
0x7e: {  	_ =	shalt  }
0x7f: {  	_ =	shalt  }
0x80: {  	_ =	shalt  }
0x81: {  	_ =	shalt  }
0x82: {  	_ =	shalt  }
0x83: {  	_ =	shalt  }
0x84: {  	_ =	shalt  }
0x85: {  	_ =	shalt  }
0x86: {  	_ =	shalt  }
0x87: {  	_ =	shalt  }
.Lfunc_end0:
.L_simem_size_0:
called_computation.1_lowered:
.L_overlay_start_0:
0x88: {  	s2 =	sld [smem:$0x3FD9]  }
0x89: {  	s3 =	sld [smem:$0x3FFE];
	_ =	sdelay $0x1  }
0x8a: {  	s1 =	srdreg.scid  }
0x8b: {  	s0 =	sand.u32 $0x1, s1  }
0x8c: {  	s14 =	sshll.u32 s0, $0xA;
	s2 =	sadd.s32 s3, s2  }
0x8d: {  	s2 =	sadd.s32 s2, s14  }
0x8e: {  	[smem:$0x3FB4] =	sst s2  }
0x8f: {  	_ = 	snop  }
0x90: {  	s2 =	sld [smem:$0x3FD0];
	_ =	sdelay $0x2  }
0x91: {  	s15 =	simm.s32 $0xA;
	s4 =	simm.s32 $0x10  }
0x92: {  	[smem:s4], [sflag:s15] =	dma.local [hbm:s2], $0x1  }
0x93: {  	_ =	swait.eq [sflag:s15], $0x1  }
0x94: {  	[sflag:s15] =	ssyncset.done $0x0  }
0x95: {  	[sflag:s15] =	ssyncadd.s32 $0xFFFFFFFF  }
0x96: {  	s16 =	sld [smem:$0x11];
	(tm) =	ssettm $0x1  }
0x97: {  	s17 =	sld [smem:$0x3FFB];
	_ =	sdelay $0x3  }
0x98: {  	_ =	strace s17  }
0x99: {  	s3 =	sld [smem:$0x3FFC];
	_ =	sdelay $0x3  }
0x9a: {  	_ =	strace s3  }
0x9b: {  	s3 =	sld [smem:$0x3FFD];
	_ =	sdelay $0x3  }
0x9c: {  	_ =	strace s3  }
0x9d: {  	_ =	strace $0x8FFFFFFF  }
0x9e: {  	s18 =	sld [smem:$0x3FDB];
	_ =	sdelay $0x1  }
0x9f: {  	s19 =	simm.s32 $_scs_section_size  }
0xa0: {  	s5 =	simm.s32 $_size__tile_overlayer_lowered;
	s6 =	simm.s32 $_tile_overlayer_lowered  }
0xa1: {  	s22 =	simm.s32 $0x1BFF;
	s21 =	sshll.u32 s6, $0x1;
	s3 =	sadd.s32 s19, s18  }
0xa2: {  	s7 =	simm.s32 $0x0;
	s20 =	sshll.u32 s5, $0x1;
	s5 =	sadd.s32 s21, s3  }
0xa3: {  	[timem:s7], [sflag:s22] =	dma.local [hbm:s5], s20  }
0xa4: {  	_ =	swait.ge [sflag:s22], s20  }
0xa5: {  	s4 =	ssub.s32 $0x0, s20;
	[sflag:s22] =	ssyncset.done $0x0  }
0xa6: {  	[sflag:s22] =	ssyncadd.s32 s4;
	_ =	sdelay $0x1  }
0xa7: {  	s23 =	simm.s32 $0x1B8B  }
0xa8: {  	_ =	swait.ge [sflag:s23], $0x1  }
0xa9: {  	[sflag:s23] =	ssyncset.done $0x0  }
0xaa: {  	s25 =	simm.s32 $0x1B8E;
	s24 =	sld [smem:$0x3FFE];
	[sflag:s23] =	ssyncadd.s32 $0xFFFFFFFF  }
0xab: {  	s26 =	simm.s32 $execute0_lowered;
	[smem:$0x3FD2] =	sst s25  }
0xac: {  	s5 =	sshll.u32 s26, $0x1;
	_ =	strace $0x80000049;
	[dreg:$0x1] =	wrdreg $0xFFFFFFFF  }
0xad: {  	s28 =	simm.s32 $_size_execute0_lowered;
	s3 =	sadd.s32 s3, s5;
	[dreg:$0x0] =	wrdreg $0x0  }
0xae: {  	s5 =	sshll.u32 s28, $0x1;
	[dreg:$0x2] =	wrdreg s3  }
0xaf: {  	[dreg:$0x3] =	wrdreg s5  }
0xb0: {  	[dreg:$0x4] =	wrdreg $0xC0  }
0xb1: {  	_ =	task [dreg:s7], $0x5FFFF  }
0xb2: {  	[dreg:$0x1] =	wrdreg $0xFFFFFFFF  }
0xb3: {  	[dreg:$0x0] =	wrdreg $0x60  }
0xb4: {  	[dreg:$0x2] =	wrdreg s24  }
0xb5: {  	[dreg:$0x3] =	wrdreg s16  }
0xb6: {  	[dreg:$0x4] =	wrdreg $0x49000  }
0xb7: {  	[dreg:$0x5] =	wrdreg $0x9  }
0xb8: {  	_ =	task.clear_ibuf [dreg:s7], $0x6FFFF;
	_ =	strace $0x90000049  }
0xb9: {  	s29 =	simm.s32 $0x9;
	_ =	strace $0x8000004B  }
0xba: {  	_ =	swait.ge [sflag:s29], $0x1  }
0xbb: {  	[sflag:s29] =	ssyncadd.s32 $0xFFFFFFFF  }
0xbc: {  	_ =	strace $0x9000004B  }
0xbd: {  	_ =	sfence  }
0xbe: {  	s30 =	sld [smem:$0x0];
	_ =	sdelay $0x2  }
0xbf: {  	s31 =	sshll.u32 s1, $0xD;
	s1 =	sshrl.u32 s1, $0x2  }
0xc0: {  	s3 =	sand.u32 $0x4000, s31;
	s1 =	sadd.s32 s1, s30  }
0xc1: {  	s0 =	sor.u32 s3, s0;
	s1 =	sshll.u32 s1, $0x11  }
0xc2: {  	s0 =	sor.u32 s1, s0  }
0xc3: {  	s0 =	sadd.s32 $0x8F2B, s0  }
0xc4: {  	[sflag:s0] =	ssyncadd.remote.s32 $0x1  }
0xc5: {  	_ =	sfence.sel $0xFFFF  }
0xc6: {  	[dreg:$0x0] =	wrdreg $0xFFFFFFFF;
	(pc) =	sbr.abs _section_cstart, $3  }
0xc7: {  	[dreg:$0x1] =	wrdreg $0xFFFFFFFF  }
0xc8: {  	_ =	task.clear_ibuf [dreg:s7], $0x2FFFF;
	_ =	strace $0x9FFFFFFF  }
0xc9: {  	(tm) =	ssettm $0x7FFFFFFF  }
tec
execute0_lowered:
.L_overlay_start_1:
0x0: {  	(tag) =	ssettag $0x1  }
0x1: {  	s9 =	rddreg [dreg:$0x0]  }
0x2: {  	s1 =	rddreg [dreg:$0x1]  }
0x3: {  	s2 =	rddreg [dreg:$0x2]  }
0x4: {  	s0 =	rddreg [dreg:$0x3];
	s3 =	simm.s32 $0x0;
	s7 =	srdreg.scid  }
0x5: {  	s4 =	stileid.u32;
	s15 =	simm.s32 $0x1;
	s17 =	simm.s32 $0x2  }
0x6: {  	s18 =	simm.s32 $0x80;
	s19 =	simm.s32 $0x4100;
	s20 =	simm.s32 $0x100  }
0x7: {  	[smem:$0x7FF] =	sst s3;
	s5 =	sadd.s32 $0x3C00, s9;
	s6 =	sadd.s32 $0x53AE00, s9  }
0x8: {  	s11 =	sand.u32 $0x1, s7;
	s7 =	sadd.s32 $0x8C00, s9;
	s12 =	smul.u32 $0x50000, s4  }
0x9: {  	s8 =	sadd.s32 $0x2B0E00, s9;
	s9 =	sadd.s32 $0x58AE00, s9;
	s10 =	ssub.s32 $0x2, s11  }
0xa: {  	s31 =	sshll.u32 s4, $0x6;
	_ =	strace $0x8000004A;
	s13 =	sshrl.u32 s10, $0x1  }
0xb: {  	s11 =	sshll.u32 s11, $0x3;
	s12 =	sshrl.u32 s12, $0x2;
	s14 =	ssub.s32 s10, s13  }
0xc: {  	s10 =	smul.u32 $0x2800, s4;
	s16 =	sadd.s32 s12, s2;
	s12 =	sor.u32 $0x1C02, s31  }
0xd: {  	s13 =	smul.u32 $0x14000, s4;
	s14 =	smax.u32 s14, $0x1;
	s16 =	sshrl.u32 s16, $0x3  }
.LBB2_1:
0xe: {  	s21 =	simm.s32 $0x0  }
.LBB2_2:
0xf: {  	s22 =	sadd.s32 s11, s21;
	s23 =	sand.u32 $0x1, s21  }
0x10: {  	[spmem:s16], [sflag:s12] =	dma.local [hbm:s8], $0x2800  }
0x11: {  	p0 =	seq.s32 s22, $0x0;
	p1 =	seq.s32 s23, $0x1  }
0x12: {  	p0 =	por !p0, !p1  }
0x13: {  	s23 =	simm.s32 $0x1;
	p0 =	por !p0, !p0  }
0x14: {  	s24 =	sshrl.u32 s22, $0x1;
	s23 =	simm.s32 @!p0 $0x0  }
0x15: {  	_ =	swait.ge [sflag:s17], $0x2800;
	s23 =	ssub.s32 s24, s23  }
0x16: {  	s31 =	smul.u32 $0x2800, s22;
	[sflag:s17] =	ssyncset.done $0x0;
	v0 =	vmov s23  }
0x17: {  	[sflag:s17] =	ssyncadd.s32 $0xFFFFD800;
	v1 =	vand.u32 $0xF, v0  }
0x18: {  	[bflag:$0x0] =	sbarrier.arrive $0xFFFF;
	s24 =	simm.s32 $0x0;
	s23 =	simm.s32 $0x0;
	v0 =	vmov s31;
	v1 =	vbroadcast v1, $0x0  }
.LBB2_3:
0x19: {  	s25 =	sshll.u32 s24, $0x7  }
0x1a: {  	s25 =	sadd.s32 s10, s25  }
0x1b: {  	s26 =	sshrl.u32 s25, $0x3  }
0x1c: {  	s28 =	sadd.s32 s5, s26  }
0x1d: {  	[tilespmem:s23], [sflag:$0x2] =	stream.linear.gather [hbm4b:s28+s23], $0x80, $0x38;
	[tilespmem:$0x18900] =	vst v63  }
0x1e: {  	_ =	swait.ge [sflag:s17], $0x80  }
0x1f: {  	[sflag:s17] =	ssyncset.done $0x0  }
0x20: {  	s26 =	sadd.s32 s1, s26;
	[sflag:s17] =	ssyncadd.s32 $0xFFFFFF80  }
0x21: {  	[tilespmem:s18], [sflag:$0x2] =	stream.linear.gather [hbm4b:s26+s23], $0x80, $0x38;
	[tilespmem:$0x18900] =	vst v63  }
0x22: {  	_ =	swait.ge [sflag:s17], $0x80  }
0x23: {  	s25 =	sshll.u32 s25, $0x1;
	[sflag:s17] =	ssyncset.done $0x0  }
0x24: {  	s25 =	sadd.s32 s6, s25;
	[sflag:s17] =	ssyncadd.s32 $0xFFFFFF80  }
0x25: {  	[tilespmem:s19], [sflag:$0x2] =	stream.linear.gather [hbm4b:s25+s23], $0x800, $0x38;
	[tilespmem:$0x18900] =	vst v63  }
0x26: {  	_ =	swait.ge [sflag:s17], $0x800  }
0x27: {  	[sflag:s17] =	ssyncset.done $0x0  }
0x28: {  	[sflag:s17] =	ssyncadd.s32 $0xFFFFF800  }
0x29: {  	v2 =	vld [tilespmem:$0x0]  }
0x2a: {  	v3 =	vld [tilespmem:$0x10]  }
0x2b: {  	v4 =	vld [tilespmem:$0x20]  }
0x2c: {  	v5 =	vld [tilespmem:$0x30]  }
0x2d: {  	v6 =	vld [tilespmem:$0x40]  }
0x2e: {  	v7 =	vld [tilespmem:$0x50];
	v2 =	vadd.s32 v0, v2  }
0x2f: {  	[tilespmem:$0x0] =	vst v2;
	v2 =	vadd.s32 v0, v3;
	v3 =	vld [tilespmem:$0x60]  }
0x30: {  	[tilespmem:$0x10] =	vst v2;
	v2 =	vadd.s32 v0, v4;
	v4 =	vld [tilespmem:$0x70]  }
0x31: {  	[tilespmem:$0x20] =	vst v2;
	v2 =	vadd.s32 v0, v5  }
0x32: {  	[tilespmem:$0x30] =	vst v2;
	v2 =	vadd.s32 v0, v6  }
0x33: {  	[tilespmem:$0x40] =	vst v2;
	v2 =	vadd.s32 v0, v7  }
0x34: {  	[tilespmem:$0x50] =	vst v2;
	v2 =	vadd.s32 v0, v3  }
0x35: {  	[tilespmem:$0x60] =	vst v2;
	v2 =	vadd.s32 v0, v4  }
0x36: {  	[tilespmem:$0x70] =	vst v2  }
0x37: {  	[tilespmem:s20], [sflag:$0x1] =	stream.indirect.gather [hbm4b:s7+s18], $0x80, s23, s18, $0xb8;
	[tilespmem:$0x18900] =	vst v63  }
0x38: {  	s31 =	sand.u32 $0x780, s23;
	_ =	swait.ge [sflag:s15], $0x4000  }
0x39: {  	s28 =	sand.u32 $0x60, s23;
	s26 =	sadd.s32 $0x4100, s31;
	[sflag:s15] =	ssyncset.done $0x0  }
0x3a: {  	s28 =	sor.u32 s28, s26;
	[sflag:s15] =	ssyncadd.s32 $0xFFFFC000  }
0x3b: {  	v4 =	vld [tilespmem:s28+$0x0]  }
0x3c: {  	s25 =	simm.s32 $0x180  }
0x3d: {  	v6 =	vld [tilespmem:s25+$0xFFFFFFF0]  }
0x3e: {  	v7 =	vld [tilespmem:s25+$0xFFFFFF80]  }
0x3f: {  	v8 =	vld [tilespmem:s25+$0xFFFFFFA0]  }
0x40: {  	v5 =	vld [tilespmem:s25+$0xFFFFFFD0];
	v4 =	vperm.xlane v4, v1  }
0x41: {  	v9 =	vld [tilespmem:s25+$0xFFFFFFB0]  }
0x42: {  	v11 =	vld [tilespmem:s25+$0xFFFFFF90];
	v6 =	vmul.f32 v6, v4  }
0x43: {  	v10 =	vld [tilespmem:s25+$0xFFFFFFE0];
	v7 =	vmul.f32 v7, v4  }
0x44: {  	v12 =	vld [tilespmem:s25+$0xFFFFFFC0];
	v8 =	vmul.f32 v8, v4;
	[tilespmem:s25+$0xFFFFFFF0] =	vst v6  }
0x45: {  	v5 =	vmul.f32 v5, v4;
	[tilespmem:s25+$0xFFFFFF80] =	vst v7  }
0x46: {  	v6 =	vmul.f32 v9, v4;
	[tilespmem:s25+$0xFFFFFFA0] =	vst v8  }
0x47: {  	v7 =	vmul.f32 v11, v4;
	[tilespmem:s25+$0xFFFFFFD0] =	vst v5  }
0x48: {  	[tilespmem:s25+$0xFFFFFFB0] =	vst v6;
	v6 =	vmul.f32 v10, v4  }
0x49: {  	v2 =	vld [tilespmem:s25+$0x0];
	s28 =	simm.s32 $0x10;
	v4 =	vmul.f32 v12, v4;
	[tilespmem:s25+$0xFFFFFF90] =	vst v7  }
0x4a: {  	v3 =	vld [tilespmem:s25+$0x10];
	s28 =	sand.u32 $0x70, s28;
	[tilespmem:s25+$0xFFFFFFE0] =	vst v6  }
0x4b: {  	s26 =	sor.u32 s28, s26;
	v5 =	vld [tilespmem:s25+$0x20];
	[tilespmem:s25+$0xFFFFFFC0] =	vst v4  }
0x4c: {  	v6 =	vld [tilespmem:s26+$0x0]  }
0x4d: {  	s29 =	simm.s32 $0x180;
	s28 =	simm.s32 $0x0;
	v4 =	vld [tilespmem:s25+$0x50];
	s26 =	simm.s32 $0x0  }
.LBB2_4:
0x4e: {  	s26 =	sadd.s32 $0x2, s26;
	v7 =	vld [tilespmem:s25+$0x70];
	s28 =	sadd.s32 $0x20, s28;
	s29 =	sadd.s32 $0x100, s29  }
0x4f: {  	p0 =	slt.u32 s26, $0x7E;
	v8 =	vld [tilespmem:s25+$0x30]  }
0x50: {  	v9 =	vld [tilespmem:s25+$0x40]  }
0x51: {  	v6 =	vperm.xlane v6, v1;
	v10 =	vld [tilespmem:s25+$0x60];
	_ =	sdelay $0x1  }
0x52: {  	v2 =	vmul.f32 v2, v6;
	v3 =	vmul.f32 v3, v6  }
0x53: {  	v5 =	vmul.f32 v5, v6;
	v8 =	vmul.f32 v8, v6  }
0x54: {  	v4 =	vmul.f32 v4, v6;
	[tilespmem:s25+$0x0] =	vst v2;
	v9 =	vmul.f32 v9, v6  }
0x55: {  	v2 =	vld [tilespmem:s29+$0x0];
	[tilespmem:s25+$0x20] =	vst v5;
	v5 =	vmul.f32 v10, v6;
	v6 =	vmul.f32 v7, v6  }
0x56: {  	[tilespmem:s25+$0x10] =	vst v3  }
0x57: {  	v3 =	vld [tilespmem:s29+$0x10];
	[tilespmem:s25+$0x50] =	vst v4  }
0x58: {  	[tilespmem:s25+$0x70] =	vst v6  }
0x59: {  	s30 =	sand.u32 $0x780, s28;
	v4 =	vld [tilespmem:s29+$0xFFFFFFD0];
	[tilespmem:s25+$0x30] =	vst v8  }
0x5a: {  	s31 =	sand.u32 $0x60, s28;
	s30 =	sadd.s32 $0x4100, s30;
	v6 =	vld [tilespmem:s29+$0xFFFFFFB0];
	[tilespmem:s25+$0x60] =	vst v5  }
0x5b: {  	s31 =	sor.u32 s31, s30;
	v5 =	vld [tilespmem:s29+$0xFFFFFFE0];
	[tilespmem:s25+$0x40] =	vst v9;
	s25 =	smov.u32 s29  }
0x5c: {  	v7 =	vld [tilespmem:s31+$0x0]  }
0x5d: {  	v8 =	vld [tilespmem:s29+$0xFFFFFFF0]  }
0x5e: {  	v9 =	vld [tilespmem:s29+$0xFFFFFF80]  }
0x5f: {  	v10 =	vld [tilespmem:s29+$0xFFFFFFA0]  }
0x60: {  	v11 =	vld [tilespmem:s29+$0xFFFFFF90]  }
0x61: {  	v7 =	vperm.xlane v7, v1;
	v12 =	vld [tilespmem:s29+$0xFFFFFFC0];
	_ =	sdelay $0x1  }
0x62: {  	v9 =	vmul.f32 v9, v7;
	v8 =	vmul.f32 v8, v7  }
0x63: {  	v5 =	vmul.f32 v5, v7;
	v10 =	vmul.f32 v10, v7  }
0x64: {  	v6 =	vmul.f32 v6, v7;
	v11 =	vmul.f32 v11, v7;
	[tilespmem:s29+$0xFFFFFFF0] =	vst v8  }
0x65: {  	v4 =	vmul.f32 v4, v7;
	[tilespmem:s29+$0xFFFFFF80] =	vst v9;
	v8 =	vmul.f32 v12, v7  }
0x66: {  	[tilespmem:s29+$0xFFFFFFA0] =	vst v10  }
0x67: {  	[tilespmem:s29+$0xFFFFFFB0] =	vst v6  }
0x68: {  	[tilespmem:s29+$0xFFFFFFD0] =	vst v4  }
.Ltmp0:
0x69: {  	s31 =	sadd.s32 $0x10, s28;
	[tilespmem:s29+$0xFFFFFF90] =	vst v11;
	(pc) =	sbr.rel @p0 .LBB2_4-.Ltmp0, $4  }
0x6a: {  	s31 =	sand.u32 $0x70, s31;
	[tilespmem:s29+$0xFFFFFFE0] =	vst v5  }
0x6b: {  	s30 =	sor.u32 s31, s30;
	[tilespmem:s29+$0xFFFFFFC0] =	vst v8;
	v5 =	vld [tilespmem:s29+$0x20]  }
0x6c: {  	v6 =	vld [tilespmem:s30+$0x0]  }
0x6d: {  	v4 =	vld [tilespmem:s29+$0x50]  }
0x6e: {  	_ =	sdelay $0x2  }
0x6f: {  	v7 =	vld [tilespmem:s25+$0x70];
	v6 =	vperm.xlane v6, v1  }
0x70: {  	v10 =	vld [tilespmem:s25+$0x40]  }
0x71: {  	v2 =	vmul.f32 v2, v6  }
0x72: {  	v8 =	vld [tilespmem:s25+$0x30];
	v5 =	vmul.f32 v5, v6  }
0x73: {  	v9 =	vld [tilespmem:s25+$0x60];
	v3 =	vmul.f32 v3, v6;
	[tilespmem:s25+$0x0] =	vst v2  }
0x74: {  	v62 =	vmul.f32 v7, v6;
	[tilespmem:s25+$0x20] =	vst v5  }
0x75: {  	v63 =	vmul.f32 v10, v6;
	[tilespmem:s25+$0x10] =	vst v3  }
0x76: {  	v2 =	vmul.f32 v4, v6;
	[tilespmem:s25+$0x70] =	vst v62  }
0x77: {  	v3 =	vmul.f32 v8, v6;
	[tilespmem:s25+$0x40] =	vst v63  }
0x78: {  	s24 =	sadd.s32 $0x1, s24;
	[tilespmem:s25+$0x50] =	vst v2;
	v2 =	vmul.f32 v9, v6  }
0x79: {  	p0 =	sne.s32 s24, $0x50;
	[tilespmem:s25+$0x30] =	vst v3  }
.Ltmp1:
0x7a: {  	[tilespmem:s25+$0x60] =	vst v2;
	(pc) =	sbr.rel @p0 .LBB2_3-.Ltmp1, $4  }
0x7b: {  	[spmem:s2] =	stream.indirect.scatter.add.f32 [tilespmem:s20], [sflag:$0x2], $0x80, s18, s18, $0xb8;
	[tilespmem:$0x18900] =	vst v63  }
0x7c: {  	_ =	swait.ge [sflag:s17], $0x4000  }
0x7d: {  	[sflag:s17] =	ssyncset.done $0x0  }
0x7e: {  	[sflag:s17] =	ssyncadd.s32 $0xFFFFC000  }
0x7f: {  	s22 =	smul.u32 $0x140000, s22;
	_ =	sdelay $0x1  }
0x80: {  	s22 =	sadd.s32 s13, s22  }
0x81: {  	s21 =	sadd.s32 $0x1, s21;
	s22 =	sshrl.u32 s22, $0x3  }
0x82: {  	[bflag:$0x0] =	sbarrier.arrive $0xFFFF;
	p0 =	sne.s32 s21, $0x8;
	s22 =	sadd.s32 s9, s22  }
0x83: {  	[hbm:s22], [sflag:s12] =	dma.local [spmem:s16], $0x2800  }
.Ltmp2:
0x84: {  	_ =	swait.ge [sflag:s17], $0x2800;
	(pc) =	sbr.rel @p0 .LBB2_2-.Ltmp2, $3  }
0x85: {  	[sflag:s17] =	ssyncset.done $0x0  }
0x86: {  	[sflag:s17] =	ssyncadd.s32 $0xFFFFD800  }
0x87: {  	[bflag:$0x0] =	sbarrier.arrive $0xFFFF;
	_ =	sdelay $0x1  }
0x88: {  	s3 =	sadd.s32 $0x1, s3  }
0x89: {  	p0 =	sne.s32 s3, s14  }
.Ltmp3:
0x8a: {  	_ = 	snop;
	(pc) =	sbr.rel @p0 .LBB2_1-.Ltmp3, $1  }
0x8b: {  	_ =	sdelay $0x3  }
0x8c: {  	_ =	sfence.sel $0x180000  }
0x8d: {  	[bflag:$0x0] =	sbarrier.arrive $0xFFFF  }
0x8e: {  	p0 =	sne.s32 s4, $0x0;
	_ =	strace $0x9000004A  }
0x8f: {  	s0 =	sadd.s32 @!p0 $0x100000, s0;
	[bflag:$0x2] =	sbarrier.arrive $0xFFFF  }
0x90: {  	[sflag:s0] =	ssyncadd.tile.s32 @!p0 $0x1;
	_ =	shalt  }
.Lfunc_end2:
_tile_overlayer_lowered:
.L_overlay_start_2:
0x91: {  	(tag) =	ssettag $0x2  }
0x92: {  	s0 =	rddreg [dreg:$0x0];
	s2 =	stileid.u32  }
0x93: {  	s1 =	rddreg [dreg:$0x1];
	p0 =	sne.s32 s2, $0x0  }
0x94: {  	s3 =	rddreg [dreg:$0x2];
	[bflag:$0x3] =	sbarrier.arrive $0xFFFF;
	s2 =	simm.s32 @!p0 $0x1C02  }
0x95: {  	[timem:s3], [sflag:s2] =	dma.local @!p0 [hbm:s0], s1  }
0x96: {  	s0 =	simm.s32 @!p0 $0x2  }
0x97: {  	_ =	swait.ge @!p0 [sflag:s0], s1  }
0x98: {  	s1 =	ssub.s32 @!p0 $0x0, s1;
	[sflag:s0] =	ssyncset.done @!p0 $0x0  }
0x99: {  	[sflag:s0] =	ssyncadd.s32 @!p0 s1  }
0x9a: {  	[bflag:$0x3] =	sbarrier.arrive $0xFFFF  }
0x9b: {  	_ =	shalt  }

// kernel: kernel.15.cloned.1.call-start
scs
__scs_entry_jumppad:
0x0: {  	(pc) =	sbr.rel $0x88, $3  }
0x1: {  	(tag) =	ssettag $0x0;
	lr =	simm.s32 $0x1  }
0x2: {  	[smem:$0x3F8D] =	sst lr;
	_ =	strace $0xD0000000  }
0x3: {  	_ = 	snop  }
0x4: {  	_ = 	snop  }
0x5: {  	_ = 	snop  }
0x6: {  	_ = 	snop  }
0x7: {  	_ = 	snop  }
__scs_overlays_trampoline_lowered:
0x8: {  	[smem:$0x3F9C] =	sst s0  }
0x9: {  	[smem:$0x3F9D] =	sst s1  }
0xa: {  	[smem:$0x3F9E] =	sst s2  }
0xb: {  	[smem:$0x3F9F] =	sst s3  }
0xc: {  	[smem:$0x3FA0] =	sst s4  }
0xd: {  	[smem:$0x3FA1] =	sst s5  }
0xe: {  	[smem:$0x3FA2] =	sst s6  }
0xf: {  	[smem:$0x3FA3] =	sst s7  }
0x10: {  	[smem:$0x3FA4] =	sst s8  }
0x11: {  	[smem:$0x3FA5] =	sst s9;
	s0 =	simm.s32 @!p0 $0x0  }
0x12: {  	s1 =	sld [smem:$0x3F8B];
	s0 =	simm.s32 @p0 $0x1  }
0x13: {  	[smem:$0x3FA6] =	sst s0;
	s0 =	simm.s32 @!p1 $0x0  }
0x14: {  	s2 =	sld [smem:$0x3F8A];
	s0 =	simm.s32 @p1 $0x1  }
0x15: {  	[smem:$0x3FA7] =	sst s0;
	s0 =	simm.s32 @!p2 $0x0  }
0x16: {  	s3 =	sld [smem:$0x3FDB];
	s0 =	simm.s32 @p2 $0x1  }
0x17: {  	s4 =	simm.s32 $0x1BF5;
	[smem:$0x3FA9] =	sst s0  }
0x18: {  	s0 =	sld [smem:$0x3F8C];
	_ =	swait.ge [sflag:s4], $0x0  }
0x19: {  	s7 =	sld [smem:$0x3F8D]  }
0x1a: {  	s8 =	sadd.s32 $0xFFFFE003, lr  }
0x1b: {  	s9 =	sadd.s32 $0xFFFFFEF7, lr;
	s5 =	simm.s32 $0xFFFFFFFF;
	p2 =	slt.u32 s8, $0xFFFFF086  }
0x1c: {  	p1 =	slt.u32 s9, $0xF7A;
	s5 =	simm.s32 @!p2 $0x0  }
0x1d: {  	s5 =	simm.s32 @p1 $0x1;
	p0 =	seq.s32 s7, s2  }
0x1e: {  	s7 =	smul.u32 @!p0 $0xF7A, s2;
	p2 =	seq.s32 @!p0 s5, $0x0  }
0x1f: {  	s9 =	smul.u32 $0xF7A, s1;
	s8 =	simm.s32 @!p0 $0x1BF5;
	p2 =	por !p2, p0  }
0x20: {  	[sflag:s8] =	ssyncset.s32 @!p0 $0xFFFFF086;
	s6 =	sadd.s32 @!p0 s3, s7;
	s7 =	simm.s32 @!p0 $0x108  }
0x21: {  	s3 =	sadd.s32 s3, s9;
	s6 =	sadd.s32 @!p0 $0x88, s6;
	s7 =	simm.s32 @p2 $0x1082  }
0x22: {  	[simem:s7], [sflag:s8] =	dma.local @!p0 [hbm:s6], $0xF7A  }
0x23: {  	s9 =	sor.u32 $0xD0000000, s2;
	s6 =	simm.s32 $0x108;
	_ =	swait.ge @!p0 [sflag:s8], $0x0  }
0x24: {  	s3 =	sadd.s32 $0x88, s3;
	s6 =	simm.s32 @!p1 $0x1082;
	[sflag:s4] =	ssyncset.s32 $0xFFFFF086  }
0x25: {  	[simem:s6], [sflag:s4] =	dma.local [hbm:s3], $0xF7A  }
0x26: {  	[smem:$0x3F8D] =	sst s1;
	(tag) =	ssettag s2;
	_ =	strace s9  }
0x27: {  	s1 =	sld [smem:$0x3F9D]  }
0x28: {  	s2 =	sld [smem:$0x3F9E]  }
0x29: {  	s4 =	sld [smem:$0x3FA0]  }
0x2a: {  	p0 =	seq.s32 s5, $0x0;
	s5 =	sld [smem:$0x3FA1]  }
0x2b: {  	s6 =	sld [smem:$0x3FA2]  }
0x2c: {  	s7 =	sld [smem:$0x3FA3]  }
0x2d: {  	s3 =	simm.s32 $0x108;
	s8 =	sld [smem:$0x3FA4]  }
0x2e: {  	s3 =	simm.s32 @!p0 $0x1082;
	s9 =	sld [smem:$0x3FA5]  }
0x2f: {  	lr =	sadd.s32 s0, s3;
	s0 =	sld [smem:$0x3F9C]  }
0x30: {  	s3 =	sld [smem:$0x3F9F]  }
0x31: {  	[smem:$0x3FA8] =	sst s10  }
0x32: {  	s10 =	sld [smem:$0x3FA6];
	_ =	sdelay $0x3  }
0x33: {  	p0 =	seq.s32 s10, $0x1;
	s10 =	sld [smem:$0x3FA8];
	_ =	sdelay $0x3  }
0x34: {  	[smem:$0x3FA8] =	sst s10  }
0x35: {  	s10 =	sld [smem:$0x3FA7];
	_ =	sdelay $0x3  }
0x36: {  	p1 =	seq.s32 s10, $0x1;
	s10 =	sld [smem:$0x3FA8];
	_ =	sdelay $0x3  }
0x37: {  	[smem:$0x3FA8] =	sst s10  }
0x38: {  	s10 =	sld [smem:$0x3FA9]  }
0x39: {  	_ = 	snop;
	(pc) =	sbr.ind lr, $3  }
0x3a: {  	_ = 	snop  }
0x3b: {  	_ = 	snop  }
0x3c: {  	p2 =	seq.s32 s10, $0x1;
	s10 =	sld [smem:$0x3FA8]  }
0x3d: {  	_ =	shalt  }
0x3e: {  	_ =	shalt  }
0x3f: {  	_ =	shalt  }
0x40: {  	_ =	shalt  }
0x41: {  	_ =	shalt  }
0x42: {  	_ =	shalt  }
0x43: {  	_ =	shalt  }
0x44: {  	_ =	shalt  }
0x45: {  	_ =	shalt  }
0x46: {  	_ =	shalt  }
0x47: {  	_ =	shalt  }
0x48: {  	_ =	shalt  }
0x49: {  	_ =	shalt  }
0x4a: {  	_ =	shalt  }
0x4b: {  	_ =	shalt  }
0x4c: {  	_ =	shalt  }
0x4d: {  	_ =	shalt  }
0x4e: {  	_ =	shalt  }
0x4f: {  	_ =	shalt  }
0x50: {  	_ =	shalt  }
0x51: {  	_ =	shalt  }
0x52: {  	_ =	shalt  }
0x53: {  	_ =	shalt  }
0x54: {  	_ =	shalt  }
0x55: {  	_ =	shalt  }
0x56: {  	_ =	shalt  }
0x57: {  	_ =	shalt  }
0x58: {  	_ =	shalt  }
0x59: {  	_ =	shalt  }
0x5a: {  	_ =	shalt  }
0x5b: {  	_ =	shalt  }
0x5c: {  	_ =	shalt  }
0x5d: {  	_ =	shalt  }
0x5e: {  	_ =	shalt  }
0x5f: {  	_ =	shalt  }
0x60: {  	_ =	shalt  }
0x61: {  	_ =	shalt  }
0x62: {  	_ =	shalt  }
0x63: {  	_ =	shalt  }
0x64: {  	_ =	shalt  }
0x65: {  	_ =	shalt  }
0x66: {  	_ =	shalt  }
0x67: {  	_ =	shalt  }
0x68: {  	_ =	shalt  }
0x69: {  	_ =	shalt  }
0x6a: {  	_ =	shalt  }
0x6b: {  	_ =	shalt  }
0x6c: {  	_ =	shalt  }
0x6d: {  	_ =	shalt  }
0x6e: {  	_ =	shalt  }
0x6f: {  	_ =	shalt  }
0x70: {  	_ =	shalt  }
0x71: {  	_ =	shalt  }
0x72: {  	_ =	shalt  }
0x73: {  	_ =	shalt  }
0x74: {  	_ =	shalt  }
0x75: {  	_ =	shalt  }
0x76: {  	_ =	shalt  }
0x77: {  	_ =	shalt  }
0x78: {  	_ =	shalt  }
0x79: {  	_ =	shalt  }
0x7a: {  	_ =	shalt  }
0x7b: {  	_ =	shalt  }
0x7c: {  	_ =	shalt  }
0x7d: {  	_ =	shalt  }
0x7e: {  	_ =	shalt  }
0x7f: {  	_ =	shalt  }
0x80: {  	_ =	shalt  }
0x81: {  	_ =	shalt  }
0x82: {  	_ =	shalt  }
0x83: {  	_ =	shalt  }
0x84: {  	_ =	shalt  }
0x85: {  	_ =	shalt  }
0x86: {  	_ =	shalt  }
0x87: {  	_ =	shalt  }
.Lfunc_end0:
.L_simem_size_0:
called_computation.2_lowered:
.L_overlay_start_0:
0x88: {  	s2 =	sld [smem:$0x3FD9]  }
0x89: {  	s3 =	sld [smem:$0x3FFE];
	_ =	sdelay $0x1  }
0x8a: {  	s1 =	srdreg.scid  }
0x8b: {  	s0 =	sand.u32 $0x1, s1  }
0x8c: {  	s14 =	sshll.u32 s0, $0xA;
	s2 =	sadd.s32 s3, s2  }
0x8d: {  	s2 =	sadd.s32 s2, s14  }
0x8e: {  	[smem:$0x3FB4] =	sst s2  }
0x8f: {  	_ = 	snop  }
0x90: {  	s2 =	sld [smem:$0x3FD0];
	_ =	sdelay $0x2  }
0x91: {  	s15 =	simm.s32 $0xA;
	s4 =	simm.s32 $0x10  }
0x92: {  	[smem:s4], [sflag:s15] =	dma.local [hbm:s2], $0x1  }
0x93: {  	_ =	swait.eq [sflag:s15], $0x1  }
0x94: {  	[sflag:s15] =	ssyncset.done $0x0  }
0x95: {  	s16 =	sld [smem:$0x10];
	[sflag:s15] =	ssyncadd.s32 $0xFFFFFFFF  }
0x96: {  	s17 =	sld [smem:$0x11];
	(tm) =	ssettm $0x1  }
0x97: {  	s18 =	sld [smem:$0x3FFB];
	_ =	sdelay $0x3  }
0x98: {  	_ =	strace s18  }
0x99: {  	s4 =	sld [smem:$0x3FFC];
	_ =	sdelay $0x3  }
0x9a: {  	_ =	strace s4  }
0x9b: {  	s4 =	sld [smem:$0x3FFD];
	_ =	sdelay $0x3  }
0x9c: {  	_ =	strace s4  }
0x9d: {  	_ =	strace $0x8FFFFFFF  }
0x9e: {  	s19 =	sld [smem:$0x3FDB];
	_ =	sdelay $0x1  }
0x9f: {  	s5 =	simm.s32 $_scs_section_size  }
0xa0: {  	s6 =	simm.s32 $_size__tile_overlayer_lowered;
	s7 =	simm.s32 $_tile_overlayer_lowered  }
0xa1: {  	s22 =	simm.s32 $0x1BFF;
	s21 =	sshll.u32 s7, $0x1;
	s4 =	sadd.s32 s5, s19  }
0xa2: {  	s8 =	simm.s32 $0x0;
	s20 =	sshll.u32 s6, $0x1;
	s6 =	sadd.s32 s21, s4  }
0xa3: {  	[timem:s8], [sflag:s22] =	dma.local [hbm:s6], s20  }
0xa4: {  	_ =	swait.ge [sflag:s22], s20  }
0xa5: {  	s5 =	ssub.s32 $0x0, s20;
	[sflag:s22] =	ssyncset.done $0x0  }
0xa6: {  	[sflag:s22] =	ssyncadd.s32 s5;
	_ =	sdelay $0x1  }
0xa7: {  	s23 =	simm.s32 $0x1B8B  }
0xa8: {  	_ =	swait.ge [sflag:s23], $0x1  }
0xa9: {  	[sflag:s23] =	ssyncset.done $0x0  }
0xaa: {  	s25 =	simm.s32 $0x1B8E;
	s24 =	sld [smem:$0x3FFE];
	[sflag:s23] =	ssyncadd.s32 $0xFFFFFFFF  }
0xab: {  	s26 =	simm.s32 $execute0_lowered;
	[smem:$0x3FD2] =	sst s25  }
0xac: {  	s6 =	sshll.u32 s26, $0x1;
	_ =	strace $0x8000004C;
	[dreg:$0x1] =	wrdreg $0xFFFFFFFF  }
0xad: {  	s28 =	simm.s32 $_size_execute0_lowered;
	s4 =	sadd.s32 s4, s6;
	[dreg:$0x0] =	wrdreg $0x0  }
0xae: {  	s6 =	sshll.u32 s28, $0x1;
	[dreg:$0x2] =	wrdreg s4  }
0xaf: {  	[dreg:$0x3] =	wrdreg s6  }
0xb0: {  	[dreg:$0x4] =	wrdreg $0xC0  }
0xb1: {  	_ =	task [dreg:s8], $0x5FFFF  }
0xb2: {  	[dreg:$0x1] =	wrdreg $0xFFFFFFFF  }
0xb3: {  	[dreg:$0x0] =	wrdreg $0x60  }
0xb4: {  	[dreg:$0x2] =	wrdreg s24  }
0xb5: {  	[dreg:$0x3] =	wrdreg s17  }
0xb6: {  	[dreg:$0x4] =	wrdreg s16  }
0xb7: {  	[dreg:$0x5] =	wrdreg $0x106800  }
0xb8: {  	[dreg:$0x6] =	wrdreg $0x9  }
0xb9: {  	_ =	task.clear_ibuf [dreg:s8], $0x7FFFF;
	_ =	strace $0x9000004C  }
0xba: {  	s29 =	simm.s32 $0x9;
	_ =	strace $0x8000004E  }
0xbb: {  	_ =	swait.ge [sflag:s29], $0x1  }
0xbc: {  	[sflag:s29] =	ssyncadd.s32 $0xFFFFFFFF  }
0xbd: {  	_ =	strace $0x9000004E  }
0xbe: {  	_ =	sfence  }
0xbf: {  	s30 =	sld [smem:$0x0];
	_ =	sdelay $0x2  }
0xc0: {  	s31 =	sshll.u32 s1, $0xD;
	s1 =	sshrl.u32 s1, $0x2  }
0xc1: {  	s3 =	sand.u32 $0x4000, s31;
	s1 =	sadd.s32 s1, s30  }
0xc2: {  	s0 =	sor.u32 s3, s0;
	s1 =	sshll.u32 s1, $0x11  }
0xc3: {  	s0 =	sor.u32 s1, s0  }
0xc4: {  	s0 =	sadd.s32 $0x8F2B, s0  }
0xc5: {  	[sflag:s0] =	ssyncadd.remote.s32 $0x1  }
0xc6: {  	_ =	sfence.sel $0xFFFF  }
0xc7: {  	[dreg:$0x0] =	wrdreg $0xFFFFFFFF;
	(pc) =	sbr.abs _section_cstart, $3  }
0xc8: {  	[dreg:$0x1] =	wrdreg $0xFFFFFFFF  }
0xc9: {  	_ =	task.clear_ibuf [dreg:s8], $0x2FFFF;
	_ =	strace $0x9FFFFFFF  }
0xca: {  	(tm) =	ssettm $0x7FFFFFFF  }
0xcb: {  	_ =	shalt  }
tec
execute0_lowered:
.L_overlay_start_1:
0x0: {  	(tag) =	ssettag $0x1  }
0x1: {  	s0 =	rddreg [dreg:$0x0]  }
0x2: {  	s1 =	rddreg [dreg:$0x1]  }
0x3: {  	s3 =	rddreg [dreg:$0x3]  }
0x4: {  	s5 =	simm.s32 $0x0;
	s2 =	srdreg.scid;
	s13 =	stileid.u32  }
0x5: {  	s17 =	simm.s32 $0x2;
	s20 =	simm.s32 $0x80;
	s28 =	simm.s32 $0x0  }
0x6: {  	[smem:$0x7FF] =	sst s5;
	s2 =	sand.u32 $0x1, s2;
	s6 =	sadd.s32 $0x3C00, s0  }
0x7: {  	s9 =	smul.u32 $0x2800, s13;
	s7 =	sadd.s32 $0x8C00, s0;
	s8 =	sadd.s32 $0x30C00, s0  }
0x8: {  	s10 =	sadd.s32 $0x58C00, s0;
	s21 =	sadd.s32 $0x2B3600, s0;
	s12 =	smul.u32 $0xA000, s13  }
0x9: {  	s11 =	sadd.s32 $0x2B3800, s0;
	s25 =	sshll.u32 s13, $0x1;
	s29 =	sshll.u32 s13, $0x6  }
0xa: {  	s4 =	smul.u32 $0x28000, s2;
	_ =	strace $0x8000004D;
	[dreg:$0x5] =	wrdreg s10  }
0xb: {  	[dreg:$0x6] =	wrdreg s21;
	s22 =	ssub.s32 $0x2, s2;
	s2 =	sor.u32 s2, s25  }
0xc: {  	s10 =	sor.u32 $0x1C02, s29;
	s21 =	simm.s32 $0x580;
	s25 =	simm.s32 $0x100  }
0xd: {  	s23 =	sshrl.u32 s22, $0x1;
	s26 =	sshrl.u32 s12, $0x2;
	s13 =	smul.u32 $0x1400, s2  }
0xe: {  	s4 =	sadd.s32 s9, s4;
	s24 =	ssub.s32 s22, s23;
	s30 =	sadd.s32 s26, s3  }
0xf: {  	s22 =	simm.s32 $0x1;
	s4 =	sshrl.u32 s4, $0x3;
	s31 =	smax.u32 s24, $0x1  }
0x10: {  	s2 =	sshrl.u32 s30, $0x3;
	s0 =	sadd.s32 s4, s0;
	[dreg:$0x8] =	wrdreg s31  }
0x11: {  	s23 =	simm.s32 $0x4580;
	[dreg:$0x9] =	wrdreg s2;
	s0 =	sadd.s32 $0x58E00, s0  }
0x12: {  	v0 =	vimm.s32 $0x2;
	s26 =	simm.s32 $0xC580;
	s24 =	simm.s32 $0x8580;
	[dreg:$0x7] =	wrdreg s0  }
.LBB2_1:
0x13: {  	s0 =	rddreg [dreg:$0x2]  }
0x14: {  	[spmem:s2], [sflag:s10] =	dma.local [hbm:s0], $0x500  }
0x15: {  	_ =	swait.ge [sflag:s17], $0x500  }
0x16: {  	[sflag:s17] =	ssyncset.done $0x0  }
0x17: {  	s19 =	simm.s32 $0x10580;
	s18 =	rddreg [dreg:$0x5];
	[sflag:s17] =	ssyncadd.s32 $0xFFFFFB00  }
0x18: {  	[tilespmem:s19], [sflag:$0x2] =	stream.linear.gather [hbm4b:s18+s5], $0x80, $0x38;
	[tilespmem:$0x12E80] =	vst v63  }
0x19: {  	_ =	swait.ge [sflag:s17], $0x80  }
0x1a: {  	[sflag:s17] =	ssyncset.done $0x0  }
0x1b: {  	s31 =	simm.s32 $0x10600;
	s30 =	rddreg [dreg:$0x6];
	[sflag:s17] =	ssyncadd.s32 $0xFFFFFF80  }
0x1c: {  	[tilespmem:s31], [sflag:$0x2] =	stream.linear.gather [hbm4b:s30+s5], $0x80, $0x38;
	[tilespmem:$0x12E80] =	vst v63  }
0x1d: {  	_ =	swait.ge [sflag:s17], $0x80  }
0x1e: {  	[sflag:s17] =	ssyncset.done $0x0  }
0x1f: {  	[sflag:s17] =	ssyncadd.s32 $0xFFFFFF80  }
0x20: {  	[bflag:$0x0] =	sbarrier.arrive $0xFFFF  }
0x21: {  	v1 =	vld [tilespmem:$0x10580]  }
0x22: {  	v2 =	vld [tilespmem:$0x10600]  }
0x23: {  	s16 =	smov.u32 s10;
	s29 =	simm.s32 $0x0;
	v3 =	vld [tilespmem:$0x10610]  }
.LBB2_2:
0x24: {  	s0 =	sshll.u32 s29, $0x7  }
0x25: {  	s30 =	sadd.s32 s13, s0  }
0x26: {  	s0 =	sshrl.u32 s30, $0x3  }
0x27: {  	s2 =	simm.s32 $0x0;
	s4 =	sadd.s32 s6, s0  }
0x28: {  	[tilespmem:s2], [sflag:$0x2] =	stream.linear.gather [hbm4b:s4+s2], $0x80, $0x38;
	[tilespmem:$0x12E80] =	vst v63  }
0x29: {  	_ =	swait.ge [sflag:s17], $0x80  }
0x2a: {  	[sflag:s17] =	ssyncset.done $0x0  }
0x2b: {  	s0 =	sadd.s32 s1, s0;
	[sflag:s17] =	ssyncadd.s32 $0xFFFFFF80  }
0x2c: {  	[tilespmem:s20], [sflag:$0x2] =	stream.linear.gather [hbm4b:s0+s2], $0x80, $0x38;
	[tilespmem:$0x12E80] =	vst v63  }
0x2d: {  	_ =	swait.ge [sflag:s17], $0x80  }
0x2e: {  	[sflag:s17] =	ssyncset.done $0x0  }
0x2f: {  	[sflag:s17] =	ssyncadd.s32 $0xFFFFFF80  }
0x30: {  	[tilespmem:s21], [sflag:$0x1] =	stream.indirect.gather [hbm4b:s7+s20], $0x80, s2, s20, $0xb8;
	[tilespmem:$0x12E80] =	vst v63  }
0x31: {  	_ =	swait.ge [sflag:s22], $0x4000  }
0x32: {  	[sflag:s22] =	ssyncset.done $0x0  }
0x33: {  	[sflag:s22] =	ssyncadd.s32 $0xFFFFC000  }
0x34: {  	[tilespmem:s23], [sflag:$0x1] =	stream.indirect.gather [hbm4b:s8+s20], $0x80, s20, s20, $0xb8;
	[tilespmem:$0x12E80] =	vst v63  }
0x35: {  	_ =	swait.ge [sflag:s22], $0x4000  }
0x36: {  	[sflag:s22] =	ssyncset.done $0x0  }
0x37: {  	[sflag:s22] =	ssyncadd.s32 $0xFFFFC000  }
0x38: {  	v4 =	vld [tilespmem:$0x80]  }
0x39: {  	v5 =	vld [tilespmem:$0x90]  }
0x3a: {  	v6 =	vld [tilespmem:$0xA0];
	_ =	sdelay $0x3  }
0x3b: {  	v8 =	vld [tilespmem:$0xB0];
	v7 =	vand.u32 $0x7, v4;
	v9 =	vand.u32 $0x7, v5;
	v4 =	vshrl.u32 v4, $0x3  }
0x3c: {  	v57 =	vld [tilespmem:$0xC0];
	v5 =	vshrl.u32 v5, $0x3;
	v7 =	vcvt.s32.f32 v7;
	[tilespmem:$0x100] =	vst v4;
	v4 =	vand.u32 $0x7, v6  }
0x3d: {  	[tilespmem:$0x110] =	vst v5;
	v4 =	vcvt.s32.f32 v4  }
0x3e: {  	[tilespmem:$0x180] =	vst v7;
	v7 =	vcvt.s32.f32 v9  }
0x3f: {  	[tilespmem:$0x280] =	vst v4  }
0x40: {  	v5 =	vand.u32 $0x7, v8;
	v4 =	vshrl.u32 v6, $0x3;
	v6 =	vld [tilespmem:$0xE0];
	[tilespmem:$0x200] =	vst v7  }
0x41: {  	v5 =	vcvt.s32.f32 v5;
	v7 =	vld [tilespmem:$0xD0];
	[tilespmem:$0x120] =	vst v4;
	v4 =	vand.u32 $0x7, v57  }
0x42: {  	v4 =	vcvt.s32.f32 v4  }
0x43: {  	[tilespmem:$0x300] =	vst v5  }
0x44: {  	[tilespmem:$0x380] =	vst v4;
	v4 =	vshrl.u32 v57, $0x3  }
0x45: {  	v58 =	vld [tilespmem:$0xF0];
	v5 =	vshrl.u32 v8, $0x3;
	[tilespmem:$0x140] =	vst v4;
	v4 =	vand.u32 $0x7, v6  }
0x46: {  	[tilespmem:$0x130] =	vst v5;
	v5 =	vand.u32 $0x7, v7;
	v4 =	vcvt.s32.f32 v4  }
0x47: {  	v5 =	vcvt.s32.f32 v5  }
0x48: {  	[tilespmem:$0x480] =	vst v4  }
0x49: {  	[tilespmem:$0x400] =	vst v5;
	v5 =	vshrl.u32 v7, $0x3  }
0x4a: {  	v4 =	vshrl.u32 v6, $0x3;
	[tilespmem:$0x150] =	vst v5;
	v5 =	vand.u32 $0x7, v58  }
0x4b: {  	[tilespmem:$0x160] =	vst v4;
	v4 =	vshrl.u32 v58, $0x3;
	v5 =	vcvt.s32.f32 v5  }
0x4c: {  	[tilespmem:$0x170] =	vst v4  }
0x4d: {  	s0 =	simm.s32 $0x600;
	[tilespmem:$0x500] =	vst v5  }
0x4e: {  	s4 =	simm.s32 $0x4600;
	v4 =	vld [tilespmem:s0+$0xFFFFFF80]  }
0x4f: {  	v5 =	vld [tilespmem:s4+$0xFFFFFF80];
	_ =	sdelay $0x4  }
0x50: {  	v5 =	vadd.f32 v5, v4;
	_ =	sdelay $0x1  }
0x51: {  	v6 =	vmul.f32 $2.000000030e-01, v5  }
0x52: {  	vm0 =	vgt.f32 v5, $0.0e+00  }
0x53: {  	v5 =	vsel vm0, v5, v6  }
0x54: {  	v5 =	vsub.f32 v5, v1;
	_ =	sdelay $0x1  }
0x55: {  	v5 =	vmul.f32 $1.442695020e+00, v5;
	_ =	sdelay $0x1  }
0x56: {  	(erf) = vpow2.f32 v5;
	_ =	sdelay $0x7  }
0x57: {  	v4 =	vmul.f32 v4, v2  }
0x58: {  	v5 =	vpop (erf)  }
0x59: {  	v4 =	vadd.f32 v4, v3;
	v5 =	vperm.xlane v5, v0;
	_ =	sdelay $0x1  }
0x5a: {  	v4 =	vmul.f32 v4, v5  }
0x5b: {  	s9 =	simm.s32 $0x8600  }
0x5c: {  	s10 =	sand.u32 $0x380, s2;
	[tilespmem:s9+$0xFFFFFF80] =	vst v4  }
0x5d: {  	v5 =	vld [tilespmem:s10+$0x180];
	_ =	sdelay $0x1  }
0x5e: {  	s2 =	simm.s32 $0x0  }
0x5f: {  	s14 =	sand.u32 $0xE, s2  }
0x60: {  	v6 =	vmov s14  }
0x61: {  	v5 =	vperm.xlane v5, v6;
	_ =	sdelay $0x1  }
0x62: {  	v6 =	vadd.f32 $-3.000000000e+00, v5  }
0x63: {  	v7 =	vmul.f32 v5, v5;
	v59 =	vadd.f32 $-1.000000000e+00, v5;
	v60 =	vadd.f32 $-5.000000000e+00, v5  }
0x64: {  	v10 =	vadd.f32 $-4.000000000e+00, v5;
	v11 =	vadd.f32 $-7.000000000e+00, v5;
	v6 =	vmul.f32 v6, v6  }
0x65: {  	v12 =	vadd.f32 $-6.000000000e+00, v5;
	v5 =	vadd.f32 $-2.000000000e+00, v5;
	v9 =	vmul.f32 v60, v60  }
0x66: {  	v8 =	vmul.f32 v59, v59;
	v11 =	vmul.f32 v11, v11;
	v6 =	vsub.f32 $1.000000000e+00, v6  }
0x67: {  	v7 =	vsub.f32 $1.000000000e+00, v7;
	v12 =	vmul.f32 v12, v12;
	v9 =	vsub.f32 $1.000000000e+00, v9  }
0x68: {  	v5 =	vmul.f32 v5, v5;
	v11 =	vsub.f32 $1.000000000e+00, v11;
	v6 =	vmax.f32 v6, $0.0e+00  }
0x69: {  	v8 =	vsub.f32 $1.000000000e+00, v8;
	v9 =	vmax.f32 v9, $0.0e+00;
	v6 =	vmul.f32 v6, v4  }
0x6a: {  	s31 =	simm.s32 $0xC600;
	v10 =	vmul.f32 v10, v10;
	v11 =	vmax.f32 v11, $0.0e+00;
	v9 =	vmul.f32 v9, v4  }
0x6b: {  	v5 =	vsub.f32 $1.000000000e+00, v5;
	v8 =	vmax.f32 v8, $0.0e+00;
	v11 =	vmul.f32 v11, v4;
	[tilespmem:s31+$0xFFFFFFB0] =	vst v6  }
0x6c: {  	v61 =	vsub.f32 $1.000000000e+00, v10;
	v6 =	vmax.f32 v7, $0.0e+00;
	v7 =	vmul.f32 v8, v4;
	[tilespmem:s31+$0xFFFFFFD0] =	vst v9  }
0x6d: {  	v62 =	vsub.f32 $1.000000000e+00, v12;
	v5 =	vmax.f32 v5, $0.0e+00;
	[tilespmem:s31+$0xFFFFFFF0] =	vst v11;
	v6 =	vmul.f32 v6, v4  }
0x6e: {  	v5 =	vmul.f32 v5, v4;
	[tilespmem:s31+$0xFFFFFF90] =	vst v7;
	v7 =	vmax.f32 v61, $0.0e+00  }
0x6f: {  	v63 =	vmax.f32 v62, $0.0e+00;
	[tilespmem:s31+$0xFFFFFF80] =	vst v6;
	v6 =	vmul.f32 v7, v4  }
0x70: {  	[tilespmem:s31+$0xFFFFFFA0] =	vst v5;
	v4 =	vmul.f32 v63, v4  }
0x71: {  	[tilespmem:s31+$0xFFFFFFC0] =	vst v6  }
0x72: {  	[tilespmem:s31+$0xFFFFFFE0] =	vst v4  }
0x73: {  	v4 =	vld [tilespmem:s0+$0x0]  }
0x74: {  	v5 =	vld [tilespmem:s4+$0x0];
	_ =	sdelay $0x4  }
0x75: {  	v5 =	vadd.f32 v5, v4;
	_ =	sdelay $0x1  }
0x76: {  	v6 =	vmul.f32 $2.000000030e-01, v5  }
0x77: {  	vm15 =	vgt.f32 v5, $0.0e+00  }
0x78: {  	v5 =	vsel vm15, v5, v6  }
0x79: {  	v5 =	vsub.f32 v5, v1;
	_ =	sdelay $0x1  }
0x7a: {  	v5 =	vmul.f32 $1.442695020e+00, v5;
	_ =	sdelay $0x1  }
0x7b: {  	(erf) = vpow2.f32 v5;
	_ =	sdelay $0x7  }
0x7c: {  	v4 =	vmul.f32 v4, v2  }
0x7d: {  	v5 =	vpop (erf)  }
0x7e: {  	v4 =	vadd.f32 v4, v3;
	v5 =	vperm.xlane v5, v0;
	_ =	sdelay $0x1  }
0x7f: {  	v4 =	vmul.f32 v4, v5;
	_ =	sdelay $0x1  }
0x80: {  	s18 =	simm.s32 $0xFFFFFFFE;
	[tilespmem:s9+$0x0] =	vst v4  }
0x81: {  	s19 =	simm.s32 $0x8700;
	s9 =	simm.s32 $0x10;
	v5 =	vld [tilespmem:s10+$0x180];
	s10 =	simm.s32 $0xC700  }
.LBB2_3:
0x82: {  	s0 =	sadd.s32 $0x100, s0  }
0x83: {  	s4 =	sadd.s32 $0x100, s4;
	s15 =	smov.u32 s2;
	s2 =	sadd.s32 $0x2, s2  }
0x84: {  	s14 =	sand.u32 $0xE, s2;
	p0 =	slt.u32 s2, $0x7E  }
0x85: {  	s12 =	sadd.s32 $0x3, s18;
	s18 =	smov.u32 s15  }
0x86: {  	v6 =	vmov s12  }
0x87: {  	v5 =	vperm.xlane v5, v6;
	_ =	sdelay $0x1  }
0x88: {  	v6 =	vmul.f32 v5, v5;
	v7 =	vadd.f32 $-1.000000000e+00, v5;
	v8 =	vadd.f32 $-6.000000000e+00, v5  }
0x89: {  	v9 =	vadd.f32 $-3.000000000e+00, v5;
	v10 =	vadd.f32 $-4.000000000e+00, v5  }
0x8a: {  	v11 =	vadd.f32 $-5.000000000e+00, v5;
	v6 =	vsub.f32 $1.000000000e+00, v6;
	v7 =	vmul.f32 v7, v7  }
0x8b: {  	v12 =	vadd.f32 $-7.000000000e+00, v5;
	v9 =	vmul.f32 v9, v9;
	v10 =	vmul.f32 v10, v10  }
0x8c: {  	v11 =	vmul.f32 v11, v11;
	v8 =	vmul.f32 v8, v8;
	v6 =	vmax.f32 v6, $0.0e+00  }
0x8d: {  	v9 =	vsub.f32 $1.000000000e+00, v9;
	v10 =	vsub.f32 $1.000000000e+00, v10;
	v6 =	vmul.f32 v6, v4  }
0x8e: {  	v12 =	vmul.f32 v12, v12;
	v11 =	vsub.f32 $1.000000000e+00, v11;
	v8 =	vsub.f32 $1.000000000e+00, v8  }
0x8f: {  	v5 =	vadd.f32 $-2.000000000e+00, v5;
	[tilespmem:s31+$0x0] =	vst v6;
	v6 =	vmax.f32 v9, $0.0e+00;
	v9 =	vmax.f32 v10, $0.0e+00  }
0x90: {  	v10 =	vmax.f32 v11, $0.0e+00;
	v6 =	vmul.f32 v6, v4;
	v9 =	vmul.f32 v9, v4  }
0x91: {  	v5 =	vmul.f32 v5, v5;
	v11 =	vsub.f32 $1.000000000e+00, v12;
	v10 =	vmul.f32 v10, v4  }
0x92: {  	v7 =	vsub.f32 $1.000000000e+00, v7;
	v8 =	vmax.f32 v8, $0.0e+00;
	[tilespmem:s31+$0x40] =	vst v9  }
0x93: {  	v5 =	vsub.f32 $1.000000000e+00, v5;
	v8 =	vmul.f32 v8, v4;
	v9 =	vmax.f32 v11, $0.0e+00;
	[tilespmem:s31+$0x50] =	vst v10  }
0x94: {  	v7 =	vmax.f32 v7, $0.0e+00;
	[tilespmem:s31+$0x30] =	vst v6;
	v6 =	vmul.f32 v9, v4  }
0x95: {  	v5 =	vmax.f32 v5, $0.0e+00;
	v7 =	vmul.f32 v7, v4;
	[tilespmem:s31+$0x60] =	vst v8  }
0x96: {  	v4 =	vmul.f32 v5, v4;
	[tilespmem:s31+$0x70] =	vst v6  }
0x97: {  	[tilespmem:s31+$0x10] =	vst v7  }
0x98: {  	[tilespmem:s31+$0x20] =	vst v4;
	s31 =	smov.u32 s10  }
0x99: {  	v4 =	vld [tilespmem:s0+$0xFFFFFF80]  }
0x9a: {  	v5 =	vld [tilespmem:s4+$0xFFFFFF80];
	_ =	sdelay $0x3  }
0x9b: {  	v6 =	vmul.f32 v4, v2  }
0x9c: {  	v4 =	vadd.f32 v5, v4;
	_ =	sdelay $0x1  }
0x9d: {  	v5 =	vmul.f32 $2.000000030e-01, v4  }
0x9e: {  	vm0 =	vgt.f32 v4, $0.0e+00  }
0x9f: {  	v4 =	vsel vm0, v4, v5  }
0xa0: {  	v4 =	vsub.f32 v4, v1;
	_ =	sdelay $0x1  }
0xa1: {  	v4 =	vmul.f32 $1.442695020e+00, v4;
	_ =	sdelay $0x1  }
0xa2: {  	(erf) = vpow2.f32 v4;
	_ =	sdelay $0x8  }
0xa3: {  	v4 =	vpop (erf)  }
0xa4: {  	v5 =	vadd.f32 v6, v3;
	v4 =	vperm.xlane v4, v0;
	_ =	sdelay $0x1  }
0xa5: {  	v4 =	vmul.f32 v5, v4;
	_ =	sdelay $0x1  }
0xa6: {  	s15 =	sand.u32 $0x380, s9;
	[tilespmem:s19+$0xFFFFFF80] =	vst v4  }
0xa7: {  	v5 =	vld [tilespmem:s15+$0x180];
	_ =	sdelay $0x3  }
0xa8: {  	v6 =	vmov s14  }
0xa9: {  	v5 =	vperm.xlane v5, v6;
	_ =	sdelay $0x1  }
0xaa: {  	v6 =	vmul.f32 v5, v5;
	v7 =	vadd.f32 $-1.000000000e+00, v5;
	v8 =	vadd.f32 $-4.000000000e+00, v5  }
0xab: {  	v9 =	vadd.f32 $-3.000000000e+00, v5;
	v10 =	vadd.f32 $-7.000000000e+00, v5  }
0xac: {  	v11 =	vadd.f32 $-5.000000000e+00, v5;
	v12 =	vadd.f32 $-6.000000000e+00, v5;
	v7 =	vmul.f32 v7, v7  }
0xad: {  	v6 =	vsub.f32 $1.000000000e+00, v6;
	v9 =	vmul.f32 v9, v9;
	v10 =	vmul.f32 v10, v10  }
0xae: {  	v5 =	vadd.f32 $-2.000000000e+00, v5;
	v11 =	vmul.f32 v11, v11;
	v12 =	vmul.f32 v12, v12  }
0xaf: {  	v8 =	vmul.f32 v8, v8;
	v9 =	vsub.f32 $1.000000000e+00, v9;
	v10 =	vsub.f32 $1.000000000e+00, v10  }
0xb0: {  	v5 =	vmul.f32 v5, v5;
	v7 =	vsub.f32 $1.000000000e+00, v7;
	v11 =	vsub.f32 $1.000000000e+00, v11  }
0xb1: {  	v12 =	vsub.f32 $1.000000000e+00, v12;
	v9 =	vmax.f32 v9, $0.0e+00;
	v10 =	vmax.f32 v10, $0.0e+00  }
0xb2: {  	v6 =	vmax.f32 v6, $0.0e+00;
	v11 =	vmax.f32 v11, $0.0e+00;
	v9 =	vmul.f32 v9, v4  }
0xb3: {  	v12 =	vmax.f32 v12, $0.0e+00;
	v11 =	vmul.f32 v11, v4;
	v10 =	vmul.f32 v10, v4  }
0xb4: {  	v5 =	vsub.f32 $1.000000000e+00, v5;
	v7 =	vmax.f32 v7, $0.0e+00;
	[tilespmem:s10+$0xFFFFFFB0] =	vst v9;
	v9 =	vmul.f32 v12, v4  }
0xb5: {  	v8 =	vsub.f32 $1.000000000e+00, v8;
	v6 =	vmul.f32 v6, v4;
	v7 =	vmul.f32 v7, v4;
	[tilespmem:s10+$0xFFFFFFD0] =	vst v11  }
0xb6: {  	v5 =	vmax.f32 v5, $0.0e+00;
	[tilespmem:s10+$0xFFFFFFF0] =	vst v10  }
0xb7: {  	v5 =	vmul.f32 v5, v4;
	[tilespmem:s10+$0xFFFFFF90] =	vst v7;
	v7 =	vmax.f32 v8, $0.0e+00  }
0xb8: {  	[tilespmem:s10+$0xFFFFFF80] =	vst v6;
	v4 =	vmul.f32 v7, v4  }
0xb9: {  	[tilespmem:s10+$0xFFFFFFA0] =	vst v5  }
0xba: {  	[tilespmem:s10+$0xFFFFFFC0] =	vst v4  }
0xbb: {  	[tilespmem:s10+$0xFFFFFFE0] =	vst v9  }
0xbc: {  	v4 =	vld [tilespmem:s0+$0x0]  }
0xbd: {  	v5 =	vld [tilespmem:s4+$0x0];
	_ =	sdelay $0x3  }
0xbe: {  	v6 =	vmul.f32 v4, v2  }
0xbf: {  	v4 =	vadd.f32 v5, v4;
	_ =	sdelay $0x1  }
0xc0: {  	v5 =	vmul.f32 $2.000000030e-01, v4  }
0xc1: {  	vm0 =	vgt.f32 v4, $0.0e+00  }
0xc2: {  	v4 =	vsel vm0, v4, v5  }
0xc3: {  	v4 =	vsub.f32 v4, v1;
	_ =	sdelay $0x1  }
0xc4: {  	v4 =	vmul.f32 $1.442695020e+00, v4;
	_ =	sdelay $0x1  }
0xc5: {  	(erf) = vpow2.f32 v4;
	_ =	sdelay $0x8  }
0xc6: {  	v4 =	vpop (erf)  }
0xc7: {  	v5 =	vadd.f32 v6, v3;
	v4 =	vperm.xlane v4, v0  }
.Ltmp0:
0xc8: {  	(pc) =	sbr.rel @p0 .LBB2_3-.Ltmp0, $3  }
0xc9: {  	v4 =	vmul.f32 v5, v4;
	_ =	sdelay $0x1  }
0xca: {  	[tilespmem:s19+$0x0] =	vst v4  }
0xcb: {  	s9 =	sadd.s32 $0x10, s9;
	s10 =	sadd.s32 $0x100, s10;
	s19 =	sadd.s32 $0x100, s19;
	v5 =	vld [tilespmem:s15+$0x180]  }
0xcc: {  	_ =	sdelay $0x1  }
0xcd: {  	s0 =	sadd.s32 $0x3, s18  }
0xce: {  	v6 =	vmov s0  }
0xcf: {  	v5 =	vperm.xlane v5, v6;
	_ =	sdelay $0x1  }
0xd0: {  	v6 =	vadd.f32 $-1.000000000e+00, v5;
	v8 =	vadd.f32 $-3.000000000e+00, v5  }
0xd1: {  	v9 =	vadd.f32 $-4.000000000e+00, v5;
	v10 =	vadd.f32 $-6.000000000e+00, v5  }
0xd2: {  	v7 =	vmul.f32 v5, v5;
	v11 =	vadd.f32 $-5.000000000e+00, v5;
	v12 =	vadd.f32 $-7.000000000e+00, v5  }
0xd3: {  	v5 =	vadd.f32 $-2.000000000e+00, v5;
	v6 =	vmul.f32 v6, v6;
	v9 =	vmul.f32 v9, v9  }
0xd4: {  	v7 =	vsub.f32 $1.000000000e+00, v7;
	v8 =	vmul.f32 v8, v8;
	v11 =	vmul.f32 v11, v11  }
0xd5: {  	v10 =	vmul.f32 v10, v10;
	v12 =	vmul.f32 v12, v12;
	v9 =	vsub.f32 $1.000000000e+00, v9  }
0xd6: {  	v5 =	vmul.f32 v5, v5;
	v7 =	vmax.f32 v7, $0.0e+00;
	v11 =	vsub.f32 $1.000000000e+00, v11  }
0xd7: {  	v8 =	vsub.f32 $1.000000000e+00, v8;
	v7 =	vmul.f32 v7, v4;
	v9 =	vmax.f32 v9, $0.0e+00  }
0xd8: {  	v10 =	vsub.f32 $1.000000000e+00, v10;
	v11 =	vmax.f32 v11, $0.0e+00;
	v9 =	vmul.f32 v9, v4  }
0xd9: {  	v59 =	vsub.f32 $1.000000000e+00, v12;
	v8 =	vmax.f32 v8, $0.0e+00;
	[tilespmem:s31+$0x0] =	vst v7;
	v58 =	vmul.f32 v11, v4  }
0xda: {  	v6 =	vsub.f32 $1.000000000e+00, v6;
	v60 =	vmax.f32 v10, $0.0e+00;
	v8 =	vmul.f32 v8, v4;
	[tilespmem:s31+$0x40] =	vst v9  }
0xdb: {  	v5 =	vsub.f32 $1.000000000e+00, v5;
	v62 =	vmax.f32 v59, $0.0e+00;
	v61 =	vmul.f32 v60, v4;
	[tilespmem:s31+$0x50] =	vst v58  }
0xdc: {  	v6 =	vmax.f32 v6, $0.0e+00;
	v63 =	vmul.f32 v62, v4;
	[tilespmem:s31+$0x30] =	vst v8  }
0xdd: {  	v5 =	vmax.f32 v5, $0.0e+00;
	v6 =	vmul.f32 v6, v4;
	[tilespmem:s31+$0x60] =	vst v61  }
0xde: {  	v4 =	vmul.f32 v5, v4;
	[tilespmem:s31+$0x70] =	vst v63  }
0xdf: {  	s30 =	sshll.u32 s30, $0x4;
	[tilespmem:s31+$0x10] =	vst v6  }
0xe0: {  	s0 =	sadd.s32 s11, s30;
	[tilespmem:s31+$0x20] =	vst v4  }
0xe1: {  	[hbm4b:s0+s5] =	stream.linear.scatter [tilespmem:s24], [sflag:$0x2], $0x4000, $0x38;
	[tilespmem:$0x12E80] =	vst v63  }
0xe2: {  	s29 =	sadd.s32 $0x1, s29;
	_ =	swait.ge [sflag:s17], $0x4000  }
0xe3: {  	p0 =	sne.s32 s29, $0x28;
	[sflag:s17] =	ssyncset.done $0x0  }
.Ltmp1:
0xe4: {  	[sflag:s17] =	ssyncadd.s32 $0xFFFFC000;
	(pc) =	sbr.rel @p0 .LBB2_2-.Ltmp1, $4  }
0xe5: {  	[spmem:s3] =	stream.indirect.scatter.add.f32 [tilespmem:s26], [sflag:$0x2], $0x80, s25, s20, $0xb8;
	[tilespmem:$0x12E80] =	vst v63  }
0xe6: {  	_ =	swait.ge [sflag:s17], $0x4000  }
0xe7: {  	[sflag:s17] =	ssyncset.done $0x0  }
0xe8: {  	[sflag:s17] =	ssyncadd.s32 $0xFFFFC000  }
0xe9: {  	[bflag:$0x0] =	sbarrier.arrive $0xFFFF  }
0xea: {  	s0 =	rddreg [dreg:$0x7]  }
0xeb: {  	s2 =	rddreg [dreg:$0x9]  }
0xec: {  	[hbm:s0], [sflag:s16] =	dma.local [spmem:s2], $0x500  }
0xed: {  	_ =	swait.ge [sflag:s17], $0x500  }
0xee: {  	s28 =	sadd.s32 $0x1, s28;
	s31 =	rddreg [dreg:$0x8]  }
0xef: {  	p0 =	sne.s32 s28, s31  }
.Ltmp2:
0xf0: {  	_ = 	snop;
	(pc) =	sbr.rel @p0 .LBB2_1-.Ltmp2, $3  }
0xf1: {  	_ =	sdelay $0x1  }
0xf2: {  	[sflag:s17] =	ssyncset.done $0x0  }
0xf3: {  	s10 =	smov.u32 s16;
	[sflag:s17] =	ssyncadd.s32 $0xFFFFFB00  }
0xf4: {  	_ =	sfence.sel $0x180000  }
0xf5: {  	[bflag:$0x0] =	sbarrier.arrive $0xFFFF  }
0xf6: {  	_ =	strace $0x9000004D  }
0xf7: {  	s0 =	stileid.u32;
	[bflag:$0x2] =	sbarrier.arrive $0xFFFF  }
0xf8: {  	p0 =	sne.s32 s0, $0x0;
	s0 =	rddreg [dreg:$0x4]  }
0xf9: {  	s0 =	sadd.s32 @!p0 $0x100000, s0  }
0xfa: {  	[sflag:s0] =	ssyncadd.tile.s32 @!p0 $0x1;
	_ =	shalt  }
.Lfunc_end2:
_tile_overlayer_lowered:
.L_overlay_start_2:
0xfb: {  	(tag) =	ssettag $0x2  }
0xfc: {  	s0 =	rddreg [dreg:$0x0];
	s2 =	stileid.u32  }
0xfd: {  	s1 =	rddreg [dreg:$0x1];
	p0 =	sne.s32 s2, $0x0  }
0xfe: {  	s3 =	rddreg [dreg:$0x2];
	[bflag:$0x3] =	sbarrier.arrive $0xFFFF;
	s2 =	simm.s32 @!p0 $0x1C02  }
0xff: {  	[timem:s3], [sflag:s2] =	dma.local @!p0 [hbm:s0], s1  }
0x100: {  	s0 =	simm.s32 @!p0 $0x2  }
0x101: {  	_ =	swait.ge @!p0 [sflag:s0], s1  }
0x102: {  	s1 =	ssub.s32 @!p0 $0x0, s1;
	[sflag:s0] =	ssyncset.done @!p0 $0x0  }
0x103: {  	[sflag:s0] =	ssyncadd.s32 @!p0 s1  }
0x104: {  	[bflag:$0x3] =	sbarrier.arrive $0xFFFF  }
0x105: {  	_ =	shalt  }

// kernel: kernel.18.cloned.1.call-start
scs
__scs_entry_jumppad:
0x0: {  	(pc) =	sbr.rel $0x88, $3  }
0x1: {  	(tag) =	ssettag $0x0;
	lr =	simm.s32 $0x1  }
0x2: {  	[smem:$0x3F8D] =	sst lr;
	_ =	strace $0xD0000000  }
0x3: {  	_ = 	snop  }
0x4: {  	_ = 	snop  }
0x5: {  	_ = 	snop  }
0x6: {  	_ = 	snop  }
0x7: {  	_ = 	snop  }
__scs_overlays_trampoline_lowered:
0x8: {  	[smem:$0x3F9C] =	sst s0  }
0x9: {  	[smem:$0x3F9D] =	sst s1  }
0xa: {  	[smem:$0x3F9E] =	sst s2  }
0xb: {  	[smem:$0x3F9F] =	sst s3  }
0xc: {  	[smem:$0x3FA0] =	sst s4  }
0xd: {  	[smem:$0x3FA1] =	sst s5  }
0xe: {  	[smem:$0x3FA2] =	sst s6  }
0xf: {  	[smem:$0x3FA3] =	sst s7  }
0x10: {  	[smem:$0x3FA4] =	sst s8  }
0x11: {  	[smem:$0x3FA5] =	sst s9;
	s0 =	simm.s32 @!p0 $0x0  }
0x12: {  	s1 =	sld [smem:$0x3F8B];
	s0 =	simm.s32 @p0 $0x1  }
0x13: {  	[smem:$0x3FA6] =	sst s0;
	s0 =	simm.s32 @!p1 $0x0  }
0x14: {  	s2 =	sld [smem:$0x3F8A];
	s0 =	simm.s32 @p1 $0x1  }
0x15: {  	[smem:$0x3FA7] =	sst s0;
	s0 =	simm.s32 @!p2 $0x0  }
0x16: {  	s3 =	sld [smem:$0x3FDB];
	s0 =	simm.s32 @p2 $0x1  }
0x17: {  	s4 =	simm.s32 $0x1BF5;
	[smem:$0x3FA9] =	sst s0  }
0x18: {  	s0 =	sld [smem:$0x3F8C];
	_ =	swait.ge [sflag:s4], $0x0  }
0x19: {  	s7 =	sld [smem:$0x3F8D]  }
0x1a: {  	s8 =	sadd.s32 $0xFFFFE003, lr  }
0x1b: {  	s9 =	sadd.s32 $0xFFFFFEF7, lr;
	s5 =	simm.s32 $0xFFFFFFFF;
	p2 =	slt.u32 s8, $0xFFFFF086  }
0x1c: {  	p1 =	slt.u32 s9, $0xF7A;
	s5 =	simm.s32 @!p2 $0x0  }
0x1d: {  	s5 =	simm.s32 @p1 $0x1;
	p0 =	seq.s32 s7, s2  }
0x1e: {  	s7 =	smul.u32 @!p0 $0xF7A, s2;
	p2 =	seq.s32 @!p0 s5, $0x0  }
0x1f: {  	s9 =	smul.u32 $0xF7A, s1;
	s8 =	simm.s32 @!p0 $0x1BF5;
	p2 =	por !p2, p0  }
0x20: {  	[sflag:s8] =	ssyncset.s32 @!p0 $0xFFFFF086;
	s6 =	sadd.s32 @!p0 s3, s7;
	s7 =	simm.s32 @!p0 $0x108  }
0x21: {  	s3 =	sadd.s32 s3, s9;
	s6 =	sadd.s32 @!p0 $0x88, s6;
	s7 =	simm.s32 @p2 $0x1082  }
0x22: {  	[simem:s7], [sflag:s8] =	dma.local @!p0 [hbm:s6], $0xF7A  }
0x23: {  	s9 =	sor.u32 $0xD0000000, s2;
	s6 =	simm.s32 $0x108;
	_ =	swait.ge @!p0 [sflag:s8], $0x0  }
0x24: {  	s3 =	sadd.s32 $0x88, s3;
	s6 =	simm.s32 @!p1 $0x1082;
	[sflag:s4] =	ssyncset.s32 $0xFFFFF086  }
0x25: {  	[simem:s6], [sflag:s4] =	dma.local [hbm:s3], $0xF7A  }
0x26: {  	[smem:$0x3F8D] =	sst s1;
	(tag) =	ssettag s2;
	_ =	strace s9  }
0x27: {  	s1 =	sld [smem:$0x3F9D]  }
0x28: {  	s2 =	sld [smem:$0x3F9E]  }
0x29: {  	s4 =	sld [smem:$0x3FA0]  }
0x2a: {  	p0 =	seq.s32 s5, $0x0;
	s5 =	sld [smem:$0x3FA1]  }
0x2b: {  	s6 =	sld [smem:$0x3FA2]  }
0x2c: {  	s7 =	sld [smem:$0x3FA3]  }
0x2d: {  	s3 =	simm.s32 $0x108;
	s8 =	sld [smem:$0x3FA4]  }
0x2e: {  	s3 =	simm.s32 @!p0 $0x1082;
	s9 =	sld [smem:$0x3FA5]  }
0x2f: {  	lr =	sadd.s32 s0, s3;
	s0 =	sld [smem:$0x3F9C]  }
0x30: {  	s3 =	sld [smem:$0x3F9F]  }
0x31: {  	[smem:$0x3FA8] =	sst s10  }
0x32: {  	s10 =	sld [smem:$0x3FA6];
	_ =	sdelay $0x3  }
0x33: {  	p0 =	seq.s32 s10, $0x1;
	s10 =	sld [smem:$0x3FA8];
	_ =	sdelay $0x3  }
0x34: {  	[smem:$0x3FA8] =	sst s10  }
0x35: {  	s10 =	sld [smem:$0x3FA7];
	_ =	sdelay $0x3  }
0x36: {  	p1 =	seq.s32 s10, $0x1;
	s10 =	sld [smem:$0x3FA8];
	_ =	sdelay $0x3  }
0x37: {  	[smem:$0x3FA8] =	sst s10  }
0x38: {  	s10 =	sld [smem:$0x3FA9]  }
0x39: {  	_ = 	snop;
	(pc) =	sbr.ind lr, $3  }
0x3a: {  	_ = 	snop  }
0x3b: {  	_ = 	snop  }
0x3c: {  	p2 =	seq.s32 s10, $0x1;
	s10 =	sld [smem:$0x3FA8]  }
0x3d: {  	_ =	shalt  }
0x3e: {  	_ =	shalt  }
0x3f: {  	_ =	shalt  }
0x40: {  	_ =	shalt  }
0x41: {  	_ =	shalt  }
0x42: {  	_ =	shalt  }
0x43: {  	_ =	shalt  }
0x44: {  	_ =	shalt  }
0x45: {  	_ =	shalt  }
0x46: {  	_ =	shalt  }
0x47: {  	_ =	shalt  }
0x48: {  	_ =	shalt  }
0x49: {  	_ =	shalt  }
0x4a: {  	_ =	shalt  }
0x4b: {  	_ =	shalt  }
0x4c: {  	_ =	shalt  }
0x4d: {  	_ =	shalt  }
0x4e: {  	_ =	shalt  }
0x4f: {  	_ =	shalt  }
0x50: {  	_ =	shalt  }
0x51: {  	_ =	shalt  }
0x52: {  	_ =	shalt  }
0x53: {  	_ =	shalt  }
0x54: {  	_ =	shalt  }
0x55: {  	_ =	shalt  }
0x56: {  	_ =	shalt  }
0x57: {  	_ =	shalt  }
0x58: {  	_ =	shalt  }
0x59: {  	_ =	shalt  }
0x5a: {  	_ =	shalt  }
0x5b: {  	_ =	shalt  }
0x5c: {  	_ =	shalt  }
0x5d: {  	_ =	shalt  }
0x5e: {  	_ =	shalt  }
0x5f: {  	_ =	shalt  }
0x60: {  	_ =	shalt  }
0x61: {  	_ =	shalt  }
0x62: {  	_ =	shalt  }
0x63: {  	_ =	shalt  }
0x64: {  	_ =	shalt  }
0x65: {  	_ =	shalt  }
0x66: {  	_ =	shalt  }
0x67: {  	_ =	shalt  }
0x68: {  	_ =	shalt  }
0x69: {  	_ =	shalt  }
0x6a: {  	_ =	shalt  }
0x6b: {  	_ =	shalt  }
0x6c: {  	_ =	shalt  }
0x6d: {  	_ =	shalt  }
0x6e: {  	_ =	shalt  }
0x6f: {  	_ =	shalt  }
0x70: {  	_ =	shalt  }
0x71: {  	_ =	shalt  }
0x72: {  	_ =	shalt  }
0x73: {  	_ =	shalt  }
0x74: {  	_ =	shalt  }
0x75: {  	_ =	shalt  }
0x76: {  	_ =	shalt  }
0x77: {  	_ =	shalt  }
0x78: {  	_ =	shalt  }
0x79: {  	_ =	shalt  }
0x7a: {  	_ =	shalt  }
0x7b: {  	_ =	shalt  }
0x7c: {  	_ =	shalt  }
0x7d: {  	_ =	shalt  }
0x7e: {  	_ =	shalt  }
0x7f: {  	_ =	shalt  }
0x80: {  	_ =	shalt  }
0x81: {  	_ =	shalt  }
0x82: {  	_ =	shalt  }
0x83: {  	_ =	shalt  }
0x84: {  	_ =	shalt  }
0x85: {  	_ =	shalt  }
0x86: {  	_ =	shalt  }
0x87: {  	_ =	shalt  }
.Lfunc_end0:
.L_simem_size_0:
called_computation.3_lowered:
.L_overlay_start_0:
0x88: {  	s2 =	sld [smem:$0x3FD9]  }
0x89: {  	s3 =	sld [smem:$0x3FFE];
	_ =	sdelay $0x1  }
0x8a: {  	s1 =	srdreg.scid  }
0x8b: {  	s0 =	sand.u32 $0x1, s1  }
0x8c: {  	s14 =	sshll.u32 s0, $0xA;
	s2 =	sadd.s32 s3, s2  }
0x8d: {  	s2 =	sadd.s32 s2, s14  }
0x8e: {  	[smem:$0x3FB4] =	sst s2  }
0x8f: {  	_ = 	snop  }
0x90: {  	s2 =	sld [smem:$0x3FD0];
	_ =	sdelay $0x2  }
0x91: {  	s15 =	simm.s32 $0xA;
	s4 =	simm.s32 $0x10  }
0x92: {  	[smem:s4], [sflag:s15] =	dma.local [hbm:s2], $0x1  }
0x93: {  	_ =	swait.eq [sflag:s15], $0x1  }
0x94: {  	[sflag:s15] =	ssyncset.done $0x0  }
0x95: {  	[sflag:s15] =	ssyncadd.s32 $0xFFFFFFFF  }
0x96: {  	s16 =	sld [smem:$0x11];
	(tm) =	ssettm $0x1  }
0x97: {  	s17 =	sld [smem:$0x3FFB];
	_ =	sdelay $0x3  }
0x98: {  	_ =	strace s17  }
0x99: {  	s3 =	sld [smem:$0x3FFC];
	_ =	sdelay $0x3  }
0x9a: {  	_ =	strace s3  }
0x9b: {  	s3 =	sld [smem:$0x3FFD];
	_ =	sdelay $0x3  }
0x9c: {  	_ =	strace s3  }
0x9d: {  	_ =	strace $0x8FFFFFFF  }
0x9e: {  	s18 =	sld [smem:$0x3FDB];
	_ =	sdelay $0x1  }
0x9f: {  	s19 =	simm.s32 $_scs_section_size  }
0xa0: {  	s5 =	simm.s32 $_size__tile_overlayer_lowered;
	s6 =	simm.s32 $_tile_overlayer_lowered  }
0xa1: {  	s22 =	simm.s32 $0x1BFF;
	s21 =	sshll.u32 s6, $0x1;
	s3 =	sadd.s32 s19, s18  }
0xa2: {  	s7 =	simm.s32 $0x0;
	s20 =	sshll.u32 s5, $0x1;
	s5 =	sadd.s32 s21, s3  }
0xa3: {  	[timem:s7], [sflag:s22] =	dma.local [hbm:s5], s20  }
0xa4: {  	_ =	swait.ge [sflag:s22], s20  }
0xa5: {  	s4 =	ssub.s32 $0x0, s20;
	[sflag:s22] =	ssyncset.done $0x0  }
0xa6: {  	[sflag:s22] =	ssyncadd.s32 s4;
	_ =	sdelay $0x1  }
0xa7: {  	s23 =	simm.s32 $0x1B8B  }
0xa8: {  	_ =	swait.ge [sflag:s23], $0x1  }
0xa9: {  	[sflag:s23] =	ssyncset.done $0x0  }
0xaa: {  	s25 =	simm.s32 $0x1B8E;
	s24 =	sld [smem:$0x3FFE];
	[sflag:s23] =	ssyncadd.s32 $0xFFFFFFFF  }
0xab: {  	s26 =	simm.s32 $execute0_lowered;
	[smem:$0x3FD2] =	sst s25  }
0xac: {  	s5 =	sshll.u32 s26, $0x1;
	_ =	strace $0x8000004F;
	[dreg:$0x1] =	wrdreg $0xFFFFFFFF  }
0xad: {  	s28 =	simm.s32 $_size_execute0_lowered;
	s3 =	sadd.s32 s3, s5;
	[dreg:$0x0] =	wrdreg $0x0  }
0xae: {  	s5 =	sshll.u32 s28, $0x1;
	[dreg:$0x2] =	wrdreg s3  }
0xaf: {  	[dreg:$0x3] =	wrdreg s5  }
0xb0: {  	[dreg:$0x4] =	wrdreg $0xC0  }
0xb1: {  	_ =	task [dreg:s7], $0x5FFFF  }
0xb2: {  	[dreg:$0x1] =	wrdreg $0xFFFFFFFF  }
0xb3: {  	[dreg:$0x0] =	wrdreg $0x60  }
0xb4: {  	[dreg:$0x2] =	wrdreg s16  }
0xb5: {  	[dreg:$0x3] =	wrdreg s24  }
0xb6: {  	[dreg:$0x4] =	wrdreg $0x9  }
0xb7: {  	_ =	task.clear_ibuf [dreg:s7], $0x5FFFF;
	_ =	strace $0x9000004F  }
0xb8: {  	s29 =	simm.s32 $0x9;
	_ =	strace $0x80000051  }
0xb9: {  	_ =	swait.ge [sflag:s29], $0x1  }
0xba: {  	[sflag:s29] =	ssyncadd.s32 $0xFFFFFFFF  }
0xbb: {  	_ =	strace $0x90000051  }
0xbc: {  	_ =	sfence  }
0xbd: {  	s30 =	sld [smem:$0x0];
	_ =	sdelay $0x2  }
0xbe: {  	s31 =	sshll.u32 s1, $0xD;
	s1 =	sshrl.u32 s1, $0x2  }
0xbf: {  	s3 =	sand.u32 $0x4000, s31;
	s1 =	sadd.s32 s1, s30  }
0xc0: {  	s0 =	sor.u32 s3, s0;
	s1 =	sshll.u32 s1, $0x11  }
0xc1: {  	s0 =	sor.u32 s1, s0  }
0xc2: {  	s0 =	sadd.s32 $0x8F2B, s0  }
0xc3: {  	[sflag:s0] =	ssyncadd.remote.s32 $0x1  }
0xc4: {  	_ =	sfence.sel $0xFFFF  }
0xc5: {  	[dreg:$0x0] =	wrdreg $0xFFFFFFFF;
	(pc) =	sbr.abs _section_cstart, $3  }
0xc6: {  	[dreg:$0x1] =	wrdreg $0xFFFFFFFF  }
0xc7: {  	_ =	task.clear_ibuf [dreg:s7], $0x2FFFF;
	_ =	strace $0x9FFFFFFF  }
0xc8: {  	(tm) =	ssettm $0x7FFFFFFF  }
0xc9: {  	_ =	shalt  }
tec
execute0_lowered:
.L_overlay_start_1:
0x0: {  	(tag) =	ssettag $0x1  }
0x1: {  	s1 =	rddreg [dreg:$0x0]  }
0x2: {  	s6 =	rddreg [dreg:$0x1]  }
0x3: {  	s0 =	rddreg [dreg:$0x2]  }
0x4: {  	s3 =	simm.s32 $0x0;
	s4 =	srdreg.scid;
	s2 =	stileid.u32  }
0x5: {  	s11 =	simm.s32 $0x4080;
	s12 =	simm.s32 $0x1;
	s13 =	simm.s32 $0x0  }
0x6: {  	[smem:$0x7FF] =	sst s3;
	s7 =	sand.u32 $0x1, s4;
	s4 =	sadd.s32 $0x2B3800, s6  }
0x7: {  	s9 =	sshll.u32 s2, $0x1;
	s5 =	sadd.s32 $0x3C00, s6;
	s8 =	ssub.s32 $0x2, s7  }
0x8: {  	s6 =	sadd.s32 $0x533800, s6;
	_ =	strace $0x80000050;
	s10 =	sshrl.u32 s8, $0x1  }
0x9: {  	s7 =	sor.u32 s7, s9;
	s9 =	simm.s32 $0x2;
	s8 =	ssub.s32 s8, s10  }
0xa: {  	s7 =	smul.u32 $0x1400, s7;
	s10 =	simm.s32 $0x80;
	s8 =	smax.u32 s8, $0x1  }
.LBB2_1:
0xb: {  	s14 =	simm.s32 $0x0  }
.LBB2_2:
0xc: {  	s15 =	sshll.u32 s14, $0x7  }
0xd: {  	s15 =	sadd.s32 s7, s15  }
0xe: {  	s16 =	sshrl.u32 s15, $0x3  }
0xf: {  	s16 =	sadd.s32 s1, s16  }
0x10: {  	[tilespmem:s3], [sflag:$0x2] =	stream.linear.gather [hbm4b:s16+s3], $0x80, $0x38;
	[tilespmem:$0x8080] =	vst v63  }
0x11: {  	_ =	swait.ge [sflag:s9], $0x80  }
0x12: {  	s15 =	sshll.u32 s15, $0x4;
	[sflag:s9] =	ssyncset.done $0x0  }
0x13: {  	s31 =	sadd.s32 s4, s15;
	[sflag:s9] =	ssyncadd.s32 $0xFFFFFF80  }
0x14: {  	[tilespmem:s10], [sflag:$0x2] =	stream.linear.gather [hbm4b:s31+s3], $0x4000, $0x38;
	[tilespmem:$0x8080] =	vst v63  }
0x15: {  	_ =	swait.ge [sflag:s9], $0x4000  }
0x16: {  	[sflag:s9] =	ssyncset.done $0x0  }
0x17: {  	[sflag:s9] =	ssyncadd.s32 $0xFFFFC000  }
0x18: {  	[tilespmem:s11], [sflag:$0x1] =	stream.indirect.gather [hbm4b:s5+s10], $0x80, s3, s10, $0xb8;
	[tilespmem:$0x8080] =	vst v63  }
0x19: {  	_ =	swait.ge [sflag:s12], $0x4000  }
0x1a: {  	[sflag:s12] =	ssyncset.done $0x0  }
0x1b: {  	s17 =	simm.s32 $0x4180;
	[sflag:s12] =	ssyncadd.s32 $0xFFFFC000  }
0x1c: {  	v0 =	vld [tilespmem:s17+$0xFFFFFF00];
	_ =	sdelay $0x4  }
0x1d: {  	(erf) = vrcp.f32 v0;
	_ =	sdelay $0x3  }
0x1e: {  	s16 =	simm.s32 $0x180  }
0x1f: {  	v57 =	vld [tilespmem:s16+$0xFFFFFF00];
	_ =	sdelay $0x3  }
0x20: {  	v1 =	vpop (erf)  }
0x21: {  	v0 =	vmul.f32 v1, v57;
	_ =	sdelay $0x1  }
0x22: {  	[tilespmem:s16+$0xFFFFFF00] =	vst v0  }
0x23: {  	v0 =	vld [tilespmem:s17+$0xFFFFFF80];
	_ =	sdelay $0x4  }
0x24: {  	(erf) = vrcp.f32 v0;
	_ =	sdelay $0x4  }
0x25: {  	v58 =	vld [tilespmem:s16+$0xFFFFFF80];
	_ =	sdelay $0x3  }
0x26: {  	v59 =	vpop (erf)  }
0x27: {  	v0 =	vmul.f32 v59, v58;
	_ =	sdelay $0x1  }
0x28: {  	[tilespmem:s16+$0xFFFFFF80] =	vst v0  }
0x29: {  	v0 =	vld [tilespmem:s17+$0x0];
	_ =	sdelay $0x4  }
0x2a: {  	(erf) = vrcp.f32 v0;
	_ =	sdelay $0x4  }
0x2b: {  	v60 =	vld [tilespmem:s16+$0x0];
	_ =	sdelay $0x3  }
0x2c: {  	v61 =	vpop (erf)  }
0x2d: {  	v0 =	vmul.f32 v61, v60;
	_ =	sdelay $0x1  }
0x2e: {  	[tilespmem:s16+$0x0] =	vst v0  }
0x2f: {  	v0 =	vld [tilespmem:s17+$0x80];
	_ =	sdelay $0x4  }
0x30: {  	(erf) = vrcp.f32 v0;
	_ =	sdelay $0x4  }
0x31: {  	v62 =	vld [tilespmem:s16+$0x80];
	_ =	sdelay $0x3  }
0x32: {  	v63 =	vpop (erf)  }
0x33: {  	v0 =	vmul.f32 v63, v62;
	_ =	sdelay $0x1  }
0x34: {  	s18 =	simm.s32 $0x4380;
	s17 =	simm.s32 $0x0;
	[tilespmem:s16+$0x80] =	vst v0  }
.LBB2_3:
0x35: {  	v0 =	vld [tilespmem:s18+$0xFFFFFF00];
	s17 =	sadd.s32 $0x4, s17  }
0x36: {  	p0 =	slt.u32 s17, $0x7C;
	_ =	sdelay $0x3  }
0x37: {  	(erf) = vrcp.f32 v0;
	_ =	sdelay $0x3  }
0x38: {  	s16 =	sadd.s32 $0x200, s16  }
0x39: {  	v0 =	vld [tilespmem:s16+$0xFFFFFF00];
	_ =	sdelay $0x3  }
0x3a: {  	v1 =	vpop (erf)  }
0x3b: {  	v0 =	vmul.f32 v1, v0;
	_ =	sdelay $0x1  }
0x3c: {  	[tilespmem:s16+$0xFFFFFF00] =	vst v0  }
0x3d: {  	v0 =	vld [tilespmem:s18+$0xFFFFFF80];
	_ =	sdelay $0x4  }
0x3e: {  	(erf) = vrcp.f32 v0;
	_ =	sdelay $0x4  }
0x3f: {  	v0 =	vld [tilespmem:s16+$0xFFFFFF80];
	_ =	sdelay $0x3  }
0x40: {  	v1 =	vpop (erf)  }
0x41: {  	v0 =	vmul.f32 v1, v0;
	_ =	sdelay $0x1  }
0x42: {  	[tilespmem:s16+$0xFFFFFF80] =	vst v0  }
0x43: {  	v0 =	vld [tilespmem:s18+$0x0];
	_ =	sdelay $0x4  }
0x44: {  	(erf) = vrcp.f32 v0;
	_ =	sdelay $0x4  }
0x45: {  	v0 =	vld [tilespmem:s16+$0x0];
	_ =	sdelay $0x3  }
0x46: {  	v1 =	vpop (erf)  }
0x47: {  	v0 =	vmul.f32 v1, v0;
	_ =	sdelay $0x1  }
0x48: {  	[tilespmem:s16+$0x0] =	vst v0  }
0x49: {  	v0 =	vld [tilespmem:s18+$0x80];
	_ =	sdelay $0x4  }
0x4a: {  	(erf) = vrcp.f32 v0;
	_ =	sdelay $0x4  }
0x4b: {  	v0 =	vld [tilespmem:s16+$0x80];
	_ =	sdelay $0x2  }
.Ltmp0:
0x4c: {  	(pc) =	sbr.rel @p0 .LBB2_3-.Ltmp0, $3  }
0x4d: {  	v1 =	vpop (erf)  }
0x4e: {  	v0 =	vmul.f32 v1, v0;
	_ =	sdelay $0x1  }
0x4f: {  	s18 =	sadd.s32 $0x200, s18;
	[tilespmem:s16+$0x80] =	vst v0  }
0x50: {  	s14 =	sadd.s32 $0x1, s14  }
0x51: {  	p0 =	sne.s32 s14, $0x28  }
.Ltmp1:
0x52: {  	s15 =	sadd.s32 s6, s15;
	(pc) =	sbr.rel @p0 .LBB2_2-.Ltmp1, $4  }
0x53: {  	[hbm4b:s15+s3] =	stream.linear.scatter [tilespmem:s10], [sflag:$0x2], $0x4000, $0x38;
	[tilespmem:$0x8080] =	vst v63  }
0x54: {  	_ =	swait.ge [sflag:s9], $0x4000  }
0x55: {  	[sflag:s9] =	ssyncset.done $0x0  }
0x56: {  	[sflag:s9] =	ssyncadd.s32 $0xFFFFC000  }
0x57: {  	s13 =	sadd.s32 $0x1, s13  }
0x58: {  	p0 =	sne.s32 s13, s8  }
.Ltmp2:
0x59: {  	_ = 	snop;
	(pc) =	sbr.rel @p0 .LBB2_1-.Ltmp2, $1  }
0x5a: {  	_ =	sdelay $0x3  }
0x5b: {  	_ =	sfence.sel $0x180000  }
0x5c: {  	[bflag:$0x0] =	sbarrier.arrive $0xFFFF  }
0x5d: {  	p0 =	sne.s32 s2, $0x0;
	_ =	strace $0x90000050  }
0x5e: {  	s0 =	sadd.s32 @!p0 $0x100000, s0;
	[bflag:$0x2] =	sbarrier.arrive $0xFFFF  }
0x5f: {  	[sflag:s0] =	ssyncadd.tile.s32 @!p0 $0x1;
	_ =	shalt  }
.Lfunc_end2:
_tile_overlayer_lowered:
.L_overlay_start_2:
0x60: {  	(tag) =	ssettag $0x2  }
0x61: {  	s0 =	rddreg [dreg:$0x0];
	s2 =	stileid.u32  }
0x62: {  	s1 =	rddreg [dreg:$0x1];
	p0 =	sne.s32 s2, $0x0  }
0x63: {  	s3 =	rddreg [dreg:$0x2];
	[bflag:$0x3] =	sbarrier.arrive $0xFFFF;
	s2 =	simm.s32 @!p0 $0x1C02  }
0x64: {  	[timem:s3], [sflag:s2] =	dma.local @!p0 [hbm:s0], s1  }
0x65: {  	s0 =	simm.s32 @!p0 $0x2  }
0x66: {  	_ =	swait.ge @!p0 [sflag:s0], s1  }
0x67: {  	s1 =	ssub.s32 @!p0 $0x0, s1;
	[sflag:s0] =	ssyncset.done @!p0 $0x0  }
0x68: {  	[sflag:s0] =	ssyncadd.s32 @!p0 s1  }
0x69: {  	[bflag:$0x3] =	sbarrier.arrive $0xFFFF  }
0x6a: {  	_ =	shalt  }

// kernel: kernel.9.cloned.1.call-start
scs
__scs_entry_jumppad:
0x0: {  	(pc) =	sbr.rel $0x88, $3  }
0x1: {  	(tag) =	ssettag $0x0;
	lr =	simm.s32 $0x1  }
0x2: {  	[smem:$0x3F8D] =	sst lr;
	_ =	strace $0xD0000000  }
0x3: {  	_ = 	snop  }
0x4: {  	_ = 	snop  }
0x5: {  	_ = 	snop  }
0x6: {  	_ = 	snop  }
0x7: {  	_ = 	snop  }
__scs_overlays_trampoline_lowered:
0x8: {  	[smem:$0x3F9C] =	sst s0  }
0x9: {  	[smem:$0x3F9D] =	sst s1  }
0xa: {  	[smem:$0x3F9E] =	sst s2  }
0xb: {  	[smem:$0x3F9F] =	sst s3  }
0xc: {  	[smem:$0x3FA0] =	sst s4  }
0xd: {  	[smem:$0x3FA1] =	sst s5  }
0xe: {  	[smem:$0x3FA2] =	sst s6  }
0xf: {  	[smem:$0x3FA3] =	sst s7  }
0x10: {  	[smem:$0x3FA4] =	sst s8  }
0x11: {  	[smem:$0x3FA5] =	sst s9;
	s0 =	simm.s32 @!p0 $0x0  }
0x12: {  	s1 =	sld [smem:$0x3F8B];
	s0 =	simm.s32 @p0 $0x1  }
0x13: {  	[smem:$0x3FA6] =	sst s0;
	s0 =	simm.s32 @!p1 $0x0  }
0x14: {  	s2 =	sld [smem:$0x3F8A];
	s0 =	simm.s32 @p1 $0x1  }
0x15: {  	[smem:$0x3FA7] =	sst s0;
	s0 =	simm.s32 @!p2 $0x0  }
0x16: {  	s3 =	sld [smem:$0x3FDB];
	s0 =	simm.s32 @p2 $0x1  }
0x17: {  	s4 =	simm.s32 $0x1BF5;
	[smem:$0x3FA9] =	sst s0  }
0x18: {  	s0 =	sld [smem:$0x3F8C];
	_ =	swait.ge [sflag:s4], $0x0  }
0x19: {  	s7 =	sld [smem:$0x3F8D]  }
0x1a: {  	s8 =	sadd.s32 $0xFFFFE003, lr  }
0x1b: {  	s9 =	sadd.s32 $0xFFFFFEF7, lr;
	s5 =	simm.s32 $0xFFFFFFFF;
	p2 =	slt.u32 s8, $0xFFFFF086  }
0x1c: {  	p1 =	slt.u32 s9, $0xF7A;
	s5 =	simm.s32 @!p2 $0x0  }
0x1d: {  	s5 =	simm.s32 @p1 $0x1;
	p0 =	seq.s32 s7, s2  }
0x1e: {  	s7 =	smul.u32 @!p0 $0xF7A, s2;
	p2 =	seq.s32 @!p0 s5, $0x0  }
0x1f: {  	s9 =	smul.u32 $0xF7A, s1;
	s8 =	simm.s32 @!p0 $0x1BF5;
	p2 =	por !p2, p0  }
0x20: {  	[sflag:s8] =	ssyncset.s32 @!p0 $0xFFFFF086;
	s6 =	sadd.s32 @!p0 s3, s7;
	s7 =	simm.s32 @!p0 $0x108  }
0x21: {  	s3 =	sadd.s32 s3, s9;
	s6 =	sadd.s32 @!p0 $0x88, s6;
	s7 =	simm.s32 @p2 $0x1082  }
0x22: {  	[simem:s7], [sflag:s8] =	dma.local @!p0 [hbm:s6], $0xF7A  }
0x23: {  	s9 =	sor.u32 $0xD0000000, s2;
	s6 =	simm.s32 $0x108;
	_ =	swait.ge @!p0 [sflag:s8], $0x0  }
0x24: {  	s3 =	sadd.s32 $0x88, s3;
	s6 =	simm.s32 @!p1 $0x1082;
	[sflag:s4] =	ssyncset.s32 $0xFFFFF086  }
0x25: {  	[simem:s6], [sflag:s4] =	dma.local [hbm:s3], $0xF7A  }
0x26: {  	[smem:$0x3F8D] =	sst s1;
	(tag) =	ssettag s2;
	_ =	strace s9  }
0x27: {  	s1 =	sld [smem:$0x3F9D]  }
0x28: {  	s2 =	sld [smem:$0x3F9E]  }
0x29: {  	s4 =	sld [smem:$0x3FA0]  }
0x2a: {  	p0 =	seq.s32 s5, $0x0;
	s5 =	sld [smem:$0x3FA1]  }
0x2b: {  	s6 =	sld [smem:$0x3FA2]  }
0x2c: {  	s7 =	sld [smem:$0x3FA3]  }
0x2d: {  	s3 =	simm.s32 $0x108;
	s8 =	sld [smem:$0x3FA4]  }
0x2e: {  	s3 =	simm.s32 @!p0 $0x1082;
	s9 =	sld [smem:$0x3FA5]  }
0x2f: {  	lr =	sadd.s32 s0, s3;
	s0 =	sld [smem:$0x3F9C]  }
0x30: {  	s3 =	sld [smem:$0x3F9F]  }
0x31: {  	[smem:$0x3FA8] =	sst s10  }
0x32: {  	s10 =	sld [smem:$0x3FA6];
	_ =	sdelay $0x3  }
0x33: {  	p0 =	seq.s32 s10, $0x1;
	s10 =	sld [smem:$0x3FA8];
	_ =	sdelay $0x3  }
0x34: {  	[smem:$0x3FA8] =	sst s10  }
0x35: {  	s10 =	sld [smem:$0x3FA7];
	_ =	sdelay $0x3  }
0x36: {  	p1 =	seq.s32 s10, $0x1;
	s10 =	sld [smem:$0x3FA8];
	_ =	sdelay $0x3  }
0x37: {  	[smem:$0x3FA8] =	sst s10  }
0x38: {  	s10 =	sld [smem:$0x3FA9]  }
0x39: {  	_ = 	snop;
	(pc) =	sbr.ind lr, $3  }
0x3a: {  	_ = 	snop  }
0x3b: {  	_ = 	snop  }
0x3c: {  	p2 =	seq.s32 s10, $0x1;
	s10 =	sld [smem:$0x3FA8]  }
0x3d: {  	_ =	shalt  }
0x3e: {  	_ =	shalt  }
0x3f: {  	_ =	shalt  }
0x40: {  	_ =	shalt  }
0x41: {  	_ =	shalt  }
0x42: {  	_ =	shalt  }
0x43: {  	_ =	shalt  }
0x44: {  	_ =	shalt  }
0x45: {  	_ =	shalt  }
0x46: {  	_ =	shalt  }
0x47: {  	_ =	shalt  }
0x48: {  	_ =	shalt  }
0x49: {  	_ =	shalt  }
0x4a: {  	_ =	shalt  }
0x4b: {  	_ =	shalt  }
0x4c: {  	_ =	shalt  }
0x4d: {  	_ =	shalt  }
0x4e: {  	_ =	shalt  }
0x4f: {  	_ =	shalt  }
0x50: {  	_ =	shalt  }
0x51: {  	_ =	shalt  }
0x52: {  	_ =	shalt  }
0x53: {  	_ =	shalt  }
0x54: {  	_ =	shalt  }
0x55: {  	_ =	shalt  }
0x56: {  	_ =	shalt  }
0x57: {  	_ =	shalt  }
0x58: {  	_ =	shalt  }
0x59: {  	_ =	shalt  }
0x5a: {  	_ =	shalt  }
0x5b: {  	_ =	shalt  }
0x5c: {  	_ =	shalt  }
0x5d: {  	_ =	shalt  }
0x5e: {  	_ =	shalt  }
0x5f: {  	_ =	shalt  }
0x60: {  	_ =	shalt  }
0x61: {  	_ =	shalt  }
0x62: {  	_ =	shalt  }
0x63: {  	_ =	shalt  }
0x64: {  	_ =	shalt  }
0x65: {  	_ =	shalt  }
0x66: {  	_ =	shalt  }
0x67: {  	_ =	shalt  }
0x68: {  	_ =	shalt  }
0x69: {  	_ =	shalt  }
0x6a: {  	_ =	shalt  }
0x6b: {  	_ =	shalt  }
0x6c: {  	_ =	shalt  }
0x6d: {  	_ =	shalt  }
0x6e: {  	_ =	shalt  }
0x6f: {  	_ =	shalt  }
0x70: {  	_ =	shalt  }
0x71: {  	_ =	shalt  }
0x72: {  	_ =	shalt  }
0x73: {  	_ =	shalt  }
0x74: {  	_ =	shalt  }
0x75: {  	_ =	shalt  }
0x76: {  	_ =	shalt  }
0x77: {  	_ =	shalt  }
0x78: {  	_ =	shalt  }
0x79: {  	_ =	shalt  }
0x7a: {  	_ =	shalt  }
0x7b: {  	_ =	shalt  }
0x7c: {  	_ =	shalt  }
0x7d: {  	_ =	shalt  }
0x7e: {  	_ =	shalt  }
0x7f: {  	_ =	shalt  }
0x80: {  	_ =	shalt  }
0x81: {  	_ =	shalt  }
0x82: {  	_ =	shalt  }
0x83: {  	_ =	shalt  }
0x84: {  	_ =	shalt  }
0x85: {  	_ =	shalt  }
0x86: {  	_ =	shalt  }
0x87: {  	_ =	shalt  }
.Lfunc_end0:
.L_simem_size_0:
called_computation_lowered:
.L_overlay_start_0:
0x88: {  	s2 =	sld [smem:$0x3FD9]  }
0x89: {  	s3 =	sld [smem:$0x3FFE];
	_ =	sdelay $0x1  }
0x8a: {  	s1 =	srdreg.scid  }
0x8b: {  	s0 =	sand.u32 $0x1, s1  }
0x8c: {  	s14 =	sshll.u32 s0, $0xA;
	s2 =	sadd.s32 s3, s2  }
0x8d: {  	s2 =	sadd.s32 s2, s14  }
0x8e: {  	[smem:$0x3FB4] =	sst s2  }
0x8f: {  	_ = 	snop  }
0x90: {  	s2 =	sld [smem:$0x3FD0];
	_ =	sdelay $0x2  }
0x91: {  	s15 =	simm.s32 $0xA;
	s4 =	simm.s32 $0x10  }
0x92: {  	[smem:s4], [sflag:s15] =	dma.local [hbm:s2], $0x1  }
0x93: {  	_ =	swait.eq [sflag:s15], $0x1  }
0x94: {  	[sflag:s15] =	ssyncset.done $0x0  }
0x95: {  	s16 =	sld [smem:$0x10];
	[sflag:s15] =	ssyncadd.s32 $0xFFFFFFFF  }
0x96: {  	s17 =	sld [smem:$0x11];
	(tm) =	ssettm $0x1  }
0x97: {  	s18 =	sld [smem:$0x3FFB];
	_ =	sdelay $0x3  }
0x98: {  	_ =	strace s18  }
0x99: {  	s4 =	sld [smem:$0x3FFC];
	_ =	sdelay $0x3  }
0x9a: {  	_ =	strace s4  }
0x9b: {  	s4 =	sld [smem:$0x3FFD];
	_ =	sdelay $0x3  }
0x9c: {  	_ =	strace s4  }
0x9d: {  	_ =	strace $0x8FFFFFFF  }
0x9e: {  	s19 =	sld [smem:$0x3FDB];
	_ =	sdelay $0x1  }
0x9f: {  	s5 =	simm.s32 $_scs_section_size  }
0xa0: {  	s6 =	simm.s32 $_size__tile_overlayer_lowered;
	s7 =	simm.s32 $_tile_overlayer_lowered  }
0xa1: {  	s22 =	simm.s32 $0x1BFF;
	s21 =	sshll.u32 s7, $0x1;
	s4 =	sadd.s32 s5, s19  }
0xa2: {  	s8 =	simm.s32 $0x0;
	s20 =	sshll.u32 s6, $0x1;
	s6 =	sadd.s32 s21, s4  }
0xa3: {  	[timem:s8], [sflag:s22] =	dma.local [hbm:s6], s20  }
0xa4: {  	_ =	swait.ge [sflag:s22], s20  }
0xa5: {  	s5 =	ssub.s32 $0x0, s20;
	[sflag:s22] =	ssyncset.done $0x0  }
0xa6: {  	[sflag:s22] =	ssyncadd.s32 s5;
	_ =	sdelay $0x1  }
0xa7: {  	s23 =	simm.s32 $0x1B8B  }
0xa8: {  	_ =	swait.ge [sflag:s23], $0x1  }
0xa9: {  	[sflag:s23] =	ssyncset.done $0x0  }
0xaa: {  	s25 =	simm.s32 $0x1B8E;
	s24 =	sld [smem:$0x3FFE];
	[sflag:s23] =	ssyncadd.s32 $0xFFFFFFFF  }
0xab: {  	s26 =	simm.s32 $execute0_lowered;
	[smem:$0x3FD2] =	sst s25  }
0xac: {  	s6 =	sshll.u32 s26, $0x1;
	_ =	strace $0x80000046;
	[dreg:$0x1] =	wrdreg $0xFFFFFFFF  }
0xad: {  	s28 =	simm.s32 $_size_execute0_lowered;
	s4 =	sadd.s32 s4, s6;
	[dreg:$0x0] =	wrdreg $0x0  }
0xae: {  	s6 =	sshll.u32 s28, $0x1;
	[dreg:$0x2] =	wrdreg s4  }
0xaf: {  	[dreg:$0x3] =	wrdreg s6  }
0xb0: {  	[dreg:$0x4] =	wrdreg $0xC0  }
0xb1: {  	_ =	task [dreg:s8], $0x5FFFF  }
0xb2: {  	[dreg:$0x1] =	wrdreg $0xFFFFFFFF  }
0xb3: {  	[dreg:$0x0] =	wrdreg $0x60  }
0xb4: {  	[dreg:$0x2] =	wrdreg s24  }
0xb5: {  	[dreg:$0x3] =	wrdreg s17  }
0xb6: {  	[dreg:$0x4] =	wrdreg s16  }
0xb7: {  	[dreg:$0x5] =	wrdreg $0x106000  }
0xb8: {  	[dreg:$0x6] =	wrdreg $0x9  }
0xb9: {  	_ =	task.clear_ibuf [dreg:s8], $0x7FFFF;
	_ =	strace $0x90000046  }
0xba: {  	s29 =	simm.s32 $0x9;
	_ =	strace $0x80000048  }
0xbb: {  	_ =	swait.ge [sflag:s29], $0x1  }
0xbc: {  	[sflag:s29] =	ssyncadd.s32 $0xFFFFFFFF  }
0xbd: {  	_ =	strace $0x90000048  }
0xbe: {  	_ =	sfence  }
0xbf: {  	s30 =	sld [smem:$0x0];
	_ =	sdelay $0x2  }
0xc0: {  	s31 =	sshll.u32 s1, $0xD;
	s1 =	sshrl.u32 s1, $0x2  }
0xc1: {  	s3 =	sand.u32 $0x4000, s31;
	s1 =	sadd.s32 s1, s30  }
0xc2: {  	s0 =	sor.u32 s3, s0;
	s1 =	sshll.u32 s1, $0x11  }
0xc3: {  	s0 =	sor.u32 s1, s0  }
0xc4: {  	s0 =	sadd.s32 $0x8F2B, s0  }
0xc5: {  	[sflag:s0] =	ssyncadd.remote.s32 $0x1  }
0xc6: {  	_ =	sfence.sel $0xFFFF  }
0xc7: {  	[dreg:$0x0] =	wrdreg $0xFFFFFFFF;
	(pc) =	sbr.abs _section_cstart, $3  }
0xc8: {  	[dreg:$0x1] =	wrdreg $0xFFFFFFFF  }
0xc9: {  	_ =	task.clear_ibuf [dreg:s8], $0x2FFFF;
	_ =	strace $0x9FFFFFFF  }
0xca: {  	(tm) =	ssettm $0x7FFFFFFF  }
0xcb: {  	_ =	shalt  }
tec
execute0_lowered:
.L_overlay_start_1:
0x0: {  	(tag) =	ssettag $0x1  }
0x1: {  	s0 =	rddreg [dreg:$0x0]  }
0x2: {  	s1 =	rddreg [dreg:$0x1]  }
0x3: {  	s3 =	rddreg [dreg:$0x3];
	s2 =	srdreg.scid  }
0x4: {  	s5 =	simm.s32 $0x0;
	s11 =	stileid.u32;
	s15 =	simm.s32 $0x2  }
0x5: {  	s17 =	simm.s32 $0x80;
	s18 =	simm.s32 $0x580;
	s19 =	simm.s32 $0x1  }
0x6: {  	s20 =	simm.s32 $0x4580;
	s21 =	simm.s32 $0x8580;
	s22 =	simm.s32 $0x100  }
0x7: {  	s23 =	simm.s32 $0xC580;
	s24 =	simm.s32 $0x0;
	s2 =	sand.u32 $0x1, s2  }
0x8: {  	[smem:$0x7FF] =	sst s5;
	s8 =	smul.u32 $0x2800, s11;
	s7 =	sadd.s32 $0x288C00, s0  }
0x9: {  	s6 =	sadd.s32 $0x3C00, s0;
	s9 =	sadd.s32 $0x2B0C00, s0;
	s10 =	smul.u32 $0xA000, s11  }
0xa: {  	s29 =	sshll.u32 s11, $0x1;
	s31 =	sshll.u32 s11, $0x6;
	s4 =	smul.u32 $0x28000, s2  }
0xb: {  	_ =	strace $0x80000047;
	[dreg:$0x5] =	wrdreg s9;
	s26 =	ssub.s32 $0x2, s2  }
0xc: {  	s9 =	sadd.s32 $0x2B0E00, s0;
	s2 =	sor.u32 s2, s29;
	s4 =	sadd.s32 s8, s4  }
0xd: {  	s28 =	sshrl.u32 s26, $0x1;
	s10 =	sshrl.u32 s10, $0x2;
	s4 =	sshrl.u32 s4, $0x3  }
0xe: {  	s11 =	smul.u32 $0x1400, s2;
	s30 =	sadd.s32 s10, s3;
	s0 =	sadd.s32 s4, s0  }
0xf: {  	s10 =	sor.u32 $0x1C02, s31;
	s4 =	ssub.s32 s26, s28;
	s0 =	sadd.s32 $0x530E00, s0  }
0x10: {  	s14 =	sshrl.u32 s30, $0x3;
	s13 =	smax.u32 s4, $0x1;
	[dreg:$0x6] =	wrdreg s0  }
.LBB2_1:
0x11: {  	s0 =	rddreg [dreg:$0x2]  }
0x12: {  	[spmem:s14], [sflag:s10] =	dma.local [hbm:s0], $0x500  }
0x13: {  	_ =	swait.ge [sflag:s15], $0x500  }
0x14: {  	[sflag:s15] =	ssyncset.done $0x0  }
0x15: {  	s2 =	simm.s32 $0x10580;
	s31 =	rddreg [dreg:$0x5];
	[sflag:s15] =	ssyncadd.s32 $0xFFFFFB00  }
0x16: {  	[tilespmem:s2], [sflag:$0x2] =	stream.linear.gather [hbm4b:s31+s5], $0x80, $0x38;
	[tilespmem:$0x12E00] =	vst v63  }
0x17: {  	_ =	swait.ge [sflag:s15], $0x80  }
0x18: {  	[sflag:s15] =	ssyncset.done $0x0  }
0x19: {  	[sflag:s15] =	ssyncadd.s32 $0xFFFFFF80  }
0x1a: {  	[bflag:$0x0] =	sbarrier.arrive $0xFFFF  }
0x1b: {  	s25 =	simm.s32 $0x0;
	v0 =	vld [tilespmem:$0x10580]  }
.LBB2_2:
0x1c: {  	s0 =	sshll.u32 s25, $0x7  }
0x1d: {  	s26 =	sadd.s32 s11, s0  }
0x1e: {  	s0 =	sshrl.u32 s26, $0x3  }
0x1f: {  	s28 =	simm.s32 $0x0;
	s2 =	sadd.s32 s6, s0  }
0x20: {  	[tilespmem:s28], [sflag:$0x2] =	stream.linear.gather [hbm4b:s2+s28], $0x80, $0x38;
	[tilespmem:$0x12E00] =	vst v63  }
0x21: {  	_ =	swait.ge [sflag:s15], $0x80  }
0x22: {  	[sflag:s15] =	ssyncset.done $0x0  }
0x23: {  	s0 =	sadd.s32 s1, s0;
	[sflag:s15] =	ssyncadd.s32 $0xFFFFFF80  }
0x24: {  	[tilespmem:s17], [sflag:$0x2] =	stream.linear.gather [hbm4b:s0+s28], $0x80, $0x38;
	[tilespmem:$0x12E00] =	vst v63  }
0x25: {  	_ =	swait.ge [sflag:s15], $0x80  }
0x26: {  	[sflag:s15] =	ssyncset.done $0x0  }
0x27: {  	[sflag:s15] =	ssyncadd.s32 $0xFFFFFF80  }
0x28: {  	[tilespmem:s18], [sflag:$0x1] =	stream.indirect.gather [hbm4b:s7+s17], $0x80, s28, s17, $0xb8;
	[tilespmem:$0x12E00] =	vst v63  }
0x29: {  	_ =	swait.ge [sflag:s19], $0x4000  }
0x2a: {  	[sflag:s19] =	ssyncset.done $0x0  }
0x2b: {  	[sflag:s19] =	ssyncadd.s32 $0xFFFFC000  }
0x2c: {  	[tilespmem:s20], [sflag:$0x1] =	stream.indirect.gather [hbm4b:s7+s17], $0x80, s17, s17, $0xb8;
	[tilespmem:$0x12E00] =	vst v63  }
0x2d: {  	_ =	swait.ge [sflag:s19], $0x4000  }
0x2e: {  	[sflag:s19] =	ssyncset.done $0x0  }
0x2f: {  	[sflag:s19] =	ssyncadd.s32 $0xFFFFC000  }
0x30: {  	v1 =	vld [tilespmem:$0x80];
	_ =	sdelay $0x1  }
0x31: {  	v2 =	vld [tilespmem:$0x90];
	_ =	sdelay $0x1  }
0x32: {  	v3 =	vld [tilespmem:$0xA0]  }
0x33: {  	v4 =	vand.u32 $0x7, v1  }
0x34: {  	v5 =	vld [tilespmem:$0xB0];
	v4 =	vcvt.s32.f32 v4  }
0x35: {  	v6 =	vand.u32 $0x7, v2  }
0x36: {  	v1 =	vshrl.u32 v1, $0x3;
	[tilespmem:$0x180] =	vst v4;
	v4 =	vcvt.s32.f32 v6;
	v6 =	vld [tilespmem:$0xC0]  }
0x37: {  	[tilespmem:$0x100] =	vst v1;
	v1 =	vand.u32 $0x7, v3  }
0x38: {  	v2 =	vshrl.u32 v2, $0x3;
	v1 =	vcvt.s32.f32 v1;
	[tilespmem:$0x200] =	vst v4;
	v4 =	vld [tilespmem:$0xD0]  }
0x39: {  	[tilespmem:$0x110] =	vst v2;
	v2 =	vand.u32 $0x7, v5  }
0x3a: {  	v2 =	vcvt.s32.f32 v2;
	[tilespmem:$0x280] =	vst v1;
	v1 =	vshrl.u32 v3, $0x3;
	v3 =	vld [tilespmem:$0xE0]  }
0x3b: {  	[tilespmem:$0x120] =	vst v1;
	v1 =	vand.u32 $0x7, v6  }
0x3c: {  	[tilespmem:$0x300] =	vst v2;
	v2 =	vshrl.u32 v5, $0x3;
	v5 =	vld [tilespmem:$0xF0];
	v1 =	vcvt.s32.f32 v1  }
0x3d: {  	[tilespmem:$0x130] =	vst v2;
	v2 =	vand.u32 $0x7, v4  }
0x3e: {  	[tilespmem:$0x380] =	vst v1;
	v1 =	vshrl.u32 v6, $0x3;
	v2 =	vcvt.s32.f32 v2  }
0x3f: {  	[tilespmem:$0x140] =	vst v1;
	v1 =	vand.u32 $0x7, v3  }
0x40: {  	[tilespmem:$0x400] =	vst v2;
	v2 =	vshrl.u32 v4, $0x3;
	v1 =	vcvt.s32.f32 v1  }
0x41: {  	[tilespmem:$0x150] =	vst v2;
	v2 =	vand.u32 $0x7, v5  }
0x42: {  	[tilespmem:$0x480] =	vst v1;
	v1 =	vshrl.u32 v3, $0x3;
	v2 =	vcvt.s32.f32 v2  }
0x43: {  	[tilespmem:$0x160] =	vst v1  }
0x44: {  	v1 =	vshrl.u32 v5, $0x3;
	[tilespmem:$0x500] =	vst v2  }
0x45: {  	s30 =	simm.s32 $0x4610;
	[tilespmem:$0x170] =	vst v1  }
0x46: {  	s0 =	simm.s32 $0x600;
	v1 =	vld [tilespmem:s30+$0xFFFFFF80]  }
0x47: {  	v2 =	vld [tilespmem:s0+$0xFFFFFF80];
	_ =	sdelay $0x4  }
0x48: {  	v1 =	vadd.f32 v1, v2;
	_ =	sdelay $0x1  }
0x49: {  	v2 =	vmul.f32 $2.000000030e-01, v1  }
0x4a: {  	vm0 =	vgt.f32 v1, $0.0e+00  }
0x4b: {  	v1 =	vsel vm0, v1, v2  }
0x4c: {  	v1 =	vsub.f32 v1, v0;
	_ =	sdelay $0x1  }
0x4d: {  	v1 =	vmul.f32 $1.442695020e+00, v1;
	_ =	sdelay $0x1  }
0x4e: {  	(erf) = vpow2.f32 v1;
	_ =	sdelay $0x8  }
0x4f: {  	s12 =	simm.s32 $0x8600;
	v1 =	vpop (erf)  }
0x50: {  	s4 =	sand.u32 $0x380, s28;
	[tilespmem:s12+$0xFFFFFF80] =	vst v1  }
0x51: {  	v2 =	vld [tilespmem:s4+$0x180];
	_ =	sdelay $0x1  }
0x52: {  	s31 =	simm.s32 $0x0  }
0x53: {  	s8 =	sand.u32 $0xE, s31  }
0x54: {  	v3 =	vmov s8  }
0x55: {  	v2 =	vperm.xlane v2, v3;
	_ =	sdelay $0x1  }
0x56: {  	v3 =	vadd.f32 $-1.000000000e+00, v2;
	v5 =	vadd.f32 $-7.000000000e+00, v2  }
0x57: {  	v6 =	vadd.f32 $-2.000000000e+00, v2;
	v7 =	vadd.f32 $-3.000000000e+00, v2  }
0x58: {  	v4 =	vmul.f32 v2, v2;
	v8 =	vadd.f32 $-6.000000000e+00, v2;
	v9 =	vadd.f32 $-4.000000000e+00, v2  }
0x59: {  	v2 =	vadd.f32 $-5.000000000e+00, v2;
	v3 =	vmul.f32 v3, v3;
	v5 =	vmul.f32 v5, v5  }
0x5a: {  	v6 =	vmul.f32 v6, v6;
	v7 =	vmul.f32 v7, v7;
	v4 =	vsub.f32 $1.000000000e+00, v4  }
0x5b: {  	v8 =	vmul.f32 v8, v8;
	v9 =	vmul.f32 v9, v9;
	v3 =	vsub.f32 $1.000000000e+00, v3  }
0x5c: {  	v2 =	vmul.f32 v2, v2;
	v6 =	vsub.f32 $1.000000000e+00, v6;
	v4 =	vmax.f32 v4, $0.0e+00  }
0x5d: {  	v7 =	vsub.f32 $1.000000000e+00, v7;
	v4 =	vmul.f32 v4, v1;
	v3 =	vmax.f32 v3, $0.0e+00  }
0x5e: {  	s29 =	simm.s32 $0xC600;
	v5 =	vsub.f32 $1.000000000e+00, v5;
	v6 =	vmax.f32 v6, $0.0e+00;
	v3 =	vmul.f32 v3, v1  }
0x5f: {  	v9 =	vsub.f32 $1.000000000e+00, v9;
	v7 =	vmax.f32 v7, $0.0e+00;
	v6 =	vmul.f32 v6, v1;
	[tilespmem:s29+$0xFFFFFF80] =	vst v4  }
0x60: {  	v8 =	vsub.f32 $1.000000000e+00, v8;
	v5 =	vmax.f32 v5, $0.0e+00;
	[tilespmem:s29+$0xFFFFFF90] =	vst v3;
	v3 =	vmul.f32 v7, v1  }
0x61: {  	v2 =	vsub.f32 $1.000000000e+00, v2;
	v5 =	vmul.f32 v5, v1;
	[tilespmem:s29+$0xFFFFFFA0] =	vst v6;
	v6 =	vmax.f32 v9, $0.0e+00  }
0x62: {  	v7 =	vmax.f32 v8, $0.0e+00;
	[tilespmem:s29+$0xFFFFFFB0] =	vst v3;
	v3 =	vmul.f32 v6, v1  }
0x63: {  	v2 =	vmax.f32 v2, $0.0e+00;
	[tilespmem:s29+$0xFFFFFFF0] =	vst v5;
	v6 =	vmul.f32 v7, v1  }
0x64: {  	v1 =	vmul.f32 v2, v1;
	[tilespmem:s29+$0xFFFFFFC0] =	vst v3  }
0x65: {  	[tilespmem:s29+$0xFFFFFFE0] =	vst v6  }
0x66: {  	[tilespmem:s29+$0xFFFFFFD0] =	vst v1  }
0x67: {  	v1 =	vld [tilespmem:s0+$0x0]  }
0x68: {  	v2 =	vld [tilespmem:s30+$0x0];
	_ =	sdelay $0x4  }
0x69: {  	v1 =	vadd.f32 v2, v1;
	_ =	sdelay $0x1  }
0x6a: {  	v2 =	vmul.f32 $2.000000030e-01, v1  }
0x6b: {  	vm15 =	vgt.f32 v1, $0.0e+00  }
0x6c: {  	v1 =	vsel vm15, v1, v2  }
0x6d: {  	v1 =	vsub.f32 v1, v0;
	_ =	sdelay $0x1  }
0x6e: {  	v1 =	vmul.f32 $1.442695020e+00, v1;
	_ =	sdelay $0x1  }
0x6f: {  	(erf) = vpow2.f32 v1;
	_ =	sdelay $0x8  }
0x70: {  	v1 =	vpop (erf)  }
0x71: {  	[tilespmem:s12+$0x0] =	vst v1  }
0x72: {  	v2 =	vld [tilespmem:s4+$0x180];
	_ =	sdelay $0x2  }
0x73: {  	s16 =	simm.s32 $0x1  }
0x74: {  	v3 =	vmov s16  }
0x75: {  	v3 =	vperm.xlane v2, v3;
	_ =	sdelay $0x1  }
0x76: {  	s2 =	simm.s32 $0xC700;
	s0 =	simm.s32 $0x700;
	s4 =	simm.s32 $0x8700;
	v4 =	vmul.f32 v3, v3;
	v5 =	vadd.f32 $-1.000000000e+00, v3;
	v2 =	vadd.f32 $-7.000000000e+00, v3  }
.LBB2_3:
0x77: {  	s30 =	sadd.s32 $0x100, s30  }
0x78: {  	v6 =	vadd.f32 $-2.000000000e+00, v3;
	v7 =	vadd.f32 $-3.000000000e+00, v3;
	s28 =	sadd.s32 $0x10, s28;
	s16 =	smov.u32 s31;
	s31 =	sadd.s32 $0x2, s31  }
0x79: {  	v8 =	vadd.f32 $-4.000000000e+00, v3;
	v9 =	vadd.f32 $-5.000000000e+00, v3;
	s12 =	sand.u32 $0xE, s31;
	p0 =	slt.u32 s31, $0x7E;
	v5 =	vmul.f32 v5, v5  }
0x7a: {  	v3 =	vadd.f32 $-6.000000000e+00, v3;
	v4 =	vsub.f32 $1.000000000e+00, v4;
	v7 =	vmul.f32 v7, v7  }
0x7b: {  	v8 =	vmul.f32 v8, v8;
	v9 =	vmul.f32 v9, v9;
	v5 =	vsub.f32 $1.000000000e+00, v5  }
0x7c: {  	v2 =	vmul.f32 v2, v2;
	v4 =	vmax.f32 v4, $0.0e+00;
	v7 =	vsub.f32 $1.000000000e+00, v7  }
0x7d: {  	v6 =	vmul.f32 v6, v6;
	v4 =	vmul.f32 v4, v1;
	v9 =	vsub.f32 $1.000000000e+00, v9  }
0x7e: {  	v3 =	vmul.f32 v3, v3;
	v2 =	vsub.f32 $1.000000000e+00, v2;
	v7 =	vmax.f32 v7, $0.0e+00  }
0x7f: {  	[tilespmem:s29+$0x0] =	vst v4;
	v4 =	vsub.f32 $1.000000000e+00, v8;
	v8 =	vmax.f32 v9, $0.0e+00  }
0x80: {  	v6 =	vsub.f32 $1.000000000e+00, v6;
	v3 =	vsub.f32 $1.000000000e+00, v3;
	v8 =	vmul.f32 v8, v1  }
0x81: {  	v5 =	vmax.f32 v5, $0.0e+00;
	v2 =	vmax.f32 v2, $0.0e+00;
	v7 =	vmul.f32 v7, v1  }
0x82: {  	v5 =	vmul.f32 v5, v1;
	v6 =	vmax.f32 v6, $0.0e+00;
	v2 =	vmul.f32 v2, v1;
	[tilespmem:s29+$0x50] =	vst v8  }
0x83: {  	v3 =	vmax.f32 v3, $0.0e+00;
	v6 =	vmul.f32 v6, v1;
	v4 =	vmax.f32 v4, $0.0e+00;
	[tilespmem:s29+$0x30] =	vst v7  }
0x84: {  	v4 =	vmul.f32 v4, v1;
	v1 =	vmul.f32 v3, v1;
	[tilespmem:s29+$0x10] =	vst v5  }
0x85: {  	[tilespmem:s29+$0x20] =	vst v6  }
0x86: {  	[tilespmem:s29+$0x60] =	vst v1  }
0x87: {  	[tilespmem:s29+$0x70] =	vst v2  }
0x88: {  	[tilespmem:s29+$0x40] =	vst v4;
	s29 =	smov.u32 s2  }
0x89: {  	v1 =	vld [tilespmem:s30+$0xFFFFFF80]  }
0x8a: {  	v2 =	vld [tilespmem:s0+$0xFFFFFF80];
	_ =	sdelay $0x4  }
0x8b: {  	v1 =	vadd.f32 v1, v2;
	_ =	sdelay $0x1  }
0x8c: {  	v2 =	vmul.f32 $2.000000030e-01, v1  }
0x8d: {  	vm0 =	vgt.f32 v1, $0.0e+00  }
0x8e: {  	v1 =	vsel vm0, v1, v2  }
0x8f: {  	v1 =	vsub.f32 v1, v0;
	_ =	sdelay $0x1  }
0x90: {  	v1 =	vmul.f32 $1.442695020e+00, v1;
	_ =	sdelay $0x1  }
0x91: {  	(erf) = vpow2.f32 v1;
	_ =	sdelay $0x8  }
0x92: {  	v1 =	vpop (erf)  }
0x93: {  	s8 =	sand.u32 $0x380, s28;
	[tilespmem:s4+$0xFFFFFF80] =	vst v1  }
0x94: {  	v2 =	vld [tilespmem:s8+$0x180];
	_ =	sdelay $0x3  }
0x95: {  	v3 =	vmov s12  }
0x96: {  	v2 =	vperm.xlane v2, v3;
	_ =	sdelay $0x1  }
0x97: {  	v3 =	vmul.f32 v2, v2;
	v4 =	vadd.f32 $-1.000000000e+00, v2;
	v5 =	vadd.f32 $-7.000000000e+00, v2  }
0x98: {  	v6 =	vadd.f32 $-2.000000000e+00, v2;
	v7 =	vadd.f32 $-3.000000000e+00, v2  }
0x99: {  	v8 =	vadd.f32 $-6.000000000e+00, v2;
	v4 =	vmul.f32 v4, v4;
	v5 =	vmul.f32 v5, v5  }
0x9a: {  	v9 =	vadd.f32 $-4.000000000e+00, v2;
	v6 =	vmul.f32 v6, v6;
	v7 =	vmul.f32 v7, v7  }
0x9b: {  	v8 =	vmul.f32 v8, v8;
	v4 =	vsub.f32 $1.000000000e+00, v4;
	v5 =	vsub.f32 $1.000000000e+00, v5  }
0x9c: {  	v2 =	vadd.f32 $-5.000000000e+00, v2;
	v9 =	vmul.f32 v9, v9;
	v6 =	vsub.f32 $1.000000000e+00, v6  }
0x9d: {  	v7 =	vsub.f32 $1.000000000e+00, v7;
	v4 =	vmax.f32 v4, $0.0e+00;
	v5 =	vmax.f32 v5, $0.0e+00  }
0x9e: {  	v9 =	vsub.f32 $1.000000000e+00, v9;
	v6 =	vmax.f32 v6, $0.0e+00;
	v4 =	vmul.f32 v4, v1  }
0x9f: {  	v8 =	vsub.f32 $1.000000000e+00, v8;
	v7 =	vmax.f32 v7, $0.0e+00;
	v6 =	vmul.f32 v6, v1  }
0xa0: {  	v3 =	vsub.f32 $1.000000000e+00, v3;
	v2 =	vmul.f32 v2, v2;
	[tilespmem:s2+$0xFFFFFF90] =	vst v4;
	v4 =	vmul.f32 v7, v1  }
0xa1: {  	v5 =	vmul.f32 v5, v1;
	v7 =	vmax.f32 v8, $0.0e+00;
	[tilespmem:s2+$0xFFFFFFA0] =	vst v6;
	v6 =	vmax.f32 v9, $0.0e+00  }
0xa2: {  	v2 =	vsub.f32 $1.000000000e+00, v2;
	[tilespmem:s2+$0xFFFFFFB0] =	vst v4;
	v4 =	vmul.f32 v6, v1;
	v6 =	vmul.f32 v7, v1  }
0xa3: {  	v3 =	vmax.f32 v3, $0.0e+00;
	[tilespmem:s2+$0xFFFFFFF0] =	vst v5  }
0xa4: {  	v3 =	vmul.f32 v3, v1;
	v2 =	vmax.f32 v2, $0.0e+00;
	[tilespmem:s2+$0xFFFFFFC0] =	vst v4  }
0xa5: {  	v1 =	vmul.f32 v2, v1;
	[tilespmem:s2+$0xFFFFFFE0] =	vst v6  }
0xa6: {  	[tilespmem:s2+$0xFFFFFF80] =	vst v3  }
0xa7: {  	[tilespmem:s2+$0xFFFFFFD0] =	vst v1  }
0xa8: {  	v1 =	vld [tilespmem:s0+$0x0]  }
0xa9: {  	v2 =	vld [tilespmem:s30+$0x0];
	_ =	sdelay $0x4  }
0xaa: {  	v1 =	vadd.f32 v2, v1;
	_ =	sdelay $0x1  }
0xab: {  	v2 =	vmul.f32 $2.000000030e-01, v1  }
0xac: {  	vm0 =	vgt.f32 v1, $0.0e+00  }
0xad: {  	v1 =	vsel vm0, v1, v2  }
0xae: {  	v1 =	vsub.f32 v1, v0;
	_ =	sdelay $0x1  }
0xaf: {  	v1 =	vmul.f32 $1.442695020e+00, v1;
	_ =	sdelay $0x1  }
0xb0: {  	(erf) = vpow2.f32 v1;
	_ =	sdelay $0x8  }
0xb1: {  	v1 =	vpop (erf)  }
0xb2: {  	[tilespmem:s4+$0x0] =	vst v1  }
0xb3: {  	v2 =	vld [tilespmem:s8+$0x180];
	_ =	sdelay $0x2  }
.Ltmp0:
0xb4: {  	s8 =	sadd.s32 $0x3, s16;
	(pc) =	sbr.rel @p0 .LBB2_3-.Ltmp0, $3  }
0xb5: {  	v3 =	vmov s8  }
0xb6: {  	v3 =	vperm.xlane v2, v3;
	_ =	sdelay $0x1  }
0xb7: {  	s2 =	sadd.s32 $0x100, s2;
	s0 =	sadd.s32 $0x100, s0;
	s4 =	sadd.s32 $0x100, s4;
	v4 =	vmul.f32 v3, v3;
	v5 =	vadd.f32 $-1.000000000e+00, v3;
	v2 =	vadd.f32 $-7.000000000e+00, v3  }
0xb8: {  	v6 =	vadd.f32 $-5.000000000e+00, v3;
	v7 =	vadd.f32 $-2.000000000e+00, v3  }
0xb9: {  	v8 =	vadd.f32 $-3.000000000e+00, v3;
	v9 =	vadd.f32 $-4.000000000e+00, v3  }
0xba: {  	v5 =	vmul.f32 v5, v5;
	v4 =	vsub.f32 $1.000000000e+00, v4;
	v2 =	vmul.f32 v2, v2  }
0xbb: {  	v3 =	vadd.f32 $-6.000000000e+00, v3;
	v6 =	vmul.f32 v6, v6;
	v8 =	vmul.f32 v8, v8  }
0xbc: {  	v9 =	vmul.f32 v9, v9;
	v5 =	vsub.f32 $1.000000000e+00, v5;
	v4 =	vmax.f32 v4, $0.0e+00  }
0xbd: {  	v7 =	vmul.f32 v7, v7;
	v2 =	vsub.f32 $1.000000000e+00, v2;
	v4 =	vmul.f32 v4, v1  }
0xbe: {  	v3 =	vmul.f32 v3, v3;
	v6 =	vsub.f32 $1.000000000e+00, v6;
	v60 =	vmax.f32 v5, $0.0e+00  }
0xbf: {  	v8 =	vsub.f32 $1.000000000e+00, v8;
	v2 =	vmax.f32 v2, $0.0e+00;
	[tilespmem:s29+$0x0] =	vst v4;
	v4 =	vmul.f32 v60, v1  }
0xc0: {  	v7 =	vsub.f32 $1.000000000e+00, v7;
	v6 =	vmax.f32 v6, $0.0e+00;
	v2 =	vmul.f32 v2, v1  }
0xc1: {  	v3 =	vsub.f32 $1.000000000e+00, v3;
	v8 =	vmax.f32 v8, $0.0e+00;
	v6 =	vmul.f32 v6, v1;
	[tilespmem:s29+$0x10] =	vst v4  }
0xc2: {  	v62 =	vsub.f32 $1.000000000e+00, v9;
	v7 =	vmax.f32 v7, $0.0e+00;
	v61 =	vmul.f32 v8, v1;
	[tilespmem:s29+$0x70] =	vst v2  }
0xc3: {  	v3 =	vmax.f32 v3, $0.0e+00;
	v7 =	vmul.f32 v7, v1;
	[tilespmem:s29+$0x50] =	vst v6  }
0xc4: {  	v63 =	vmax.f32 v62, $0.0e+00;
	v3 =	vmul.f32 v3, v1;
	[tilespmem:s29+$0x30] =	vst v61  }
0xc5: {  	v1 =	vmul.f32 v63, v1;
	[tilespmem:s29+$0x20] =	vst v7  }
0xc6: {  	s0 =	sshll.u32 s26, $0x4;
	[tilespmem:s29+$0x60] =	vst v3  }
0xc7: {  	s0 =	sadd.s32 s9, s0;
	[tilespmem:s29+$0x40] =	vst v1  }
0xc8: {  	[hbm4b:s0+s5] =	stream.linear.scatter [tilespmem:s21], [sflag:$0x2], $0x4000, $0x38;
	[tilespmem:$0x12E00] =	vst v63  }
0xc9: {  	s25 =	sadd.s32 $0x1, s25;
	_ =	swait.ge [sflag:s15], $0x4000  }
0xca: {  	p0 =	sne.s32 s25, $0x28;
	[sflag:s15] =	ssyncset.done $0x0  }
.Ltmp1:
0xcb: {  	[sflag:s15] =	ssyncadd.s32 $0xFFFFC000;
	(pc) =	sbr.rel @p0 .LBB2_2-.Ltmp1, $4  }
0xcc: {  	[spmem:s3] =	stream.indirect.scatter.add.f32 [tilespmem:s23], [sflag:$0x2], $0x80, s22, s17, $0xb8;
	[tilespmem:$0x12E00] =	vst v63  }
0xcd: {  	_ =	swait.ge [sflag:s15], $0x4000  }
0xce: {  	[sflag:s15] =	ssyncset.done $0x0  }
0xcf: {  	[sflag:s15] =	ssyncadd.s32 $0xFFFFC000  }
0xd0: {  	s24 =	sadd.s32 $0x1, s24  }
0xd1: {  	[bflag:$0x0] =	sbarrier.arrive $0xFFFF;
	p0 =	sne.s32 s24, s13  }
.Ltmp2:
0xd2: {  	s0 =	rddreg [dreg:$0x6];
	(pc) =	sbr.rel @p0 .LBB2_1-.Ltmp2, $4  }
0xd3: {  	[hbm:s0], [sflag:s10] =	dma.local [spmem:s14], $0x500  }
0xd4: {  	_ =	swait.ge [sflag:s15], $0x500  }
0xd5: {  	[sflag:s15] =	ssyncset.done $0x0  }
0xd6: {  	[sflag:s15] =	ssyncadd.s32 $0xFFFFFB00  }
0xd7: {  	_ =	sfence.sel $0x180000  }
0xd8: {  	[bflag:$0x0] =	sbarrier.arrive $0xFFFF  }
0xd9: {  	_ =	strace $0x90000047  }
0xda: {  	s0 =	stileid.u32;
	[bflag:$0x2] =	sbarrier.arrive $0xFFFF  }
0xdb: {  	p0 =	sne.s32 s0, $0x0;
	s0 =	rddreg [dreg:$0x4]  }
0xdc: {  	s0 =	sadd.s32 @!p0 $0x100000, s0  }
0xdd: {  	[sflag:s0] =	ssyncadd.tile.s32 @!p0 $0x1;
	_ =	shalt  }
.Lfunc_end2:
_tile_overlayer_lowered:
.L_overlay_start_2:
0xde: {  	(tag) =	ssettag $0x2  }
0xdf: {  	s0 =	rddreg [dreg:$0x0];
	s2 =	stileid.u32  }
0xe0: {  	s1 =	rddreg [dreg:$0x1];
	p0 =	sne.s32 s2, $0x0  }
0xe1: {  	s3 =	rddreg [dreg:$0x2];
	[bflag:$0x3] =	sbarrier.arrive $0xFFFF;
	s2 =	simm.s32 @!p0 $0x1C02  }
0xe2: {  	[timem:s3], [sflag:s2] =	dma.local @!p0 [hbm:s0], s1  }
0xe3: {  	s0 =	simm.s32 @!p0 $0x2  }
0xe4: {  	_ =	swait.ge @!p0 [sflag:s0], s1  }
0xe5: {  	s1 =	ssub.s32 @!p0 $0x0, s1;
	[sflag:s0] =	ssyncset.done @!p0 $0x0  }
0xe6: {  	[sflag:s0] =	ssyncadd.s32 @!p0 s1  }
0xe7: {  	[bflag:$0x3] =	sbarrier.arrive $0xFFFF  }
0xe8: {  	_ =	shalt  }

</sc_bundles>
